<compile_context>
chip_gen: v7x
topology: tpu7x:2x2x1
jax: 0.10.2.dev20260603
libtpu: 0.0.44.dev20260713+nightly
codegen_flags: <defaults>
</compile_context>

<pallas_src>
import functools

import jax
import jax.numpy as jnp
from jax import lax
from jax.experimental import pallas as pl
from jax.experimental.pallas import tpu as pltpu
from jax.experimental.pallas import tpu_sc as plsc

_BATCH = 16384
_DIM = 8
_TW = 128
_NC = 2
_NS = 16
_L = 16
_NW = _NC * _NS
_BPW = _BATCH // _NW
_G = _BPW // _L

_mesh = plsc.VectorSubcoreMesh(
    core_axis_name="c", subcore_axis_name="s", num_cores=_NC, num_subcores=_NS
)


@functools.partial(
    pl.kernel,
    out_type=jax.ShapeDtypeStruct((_BATCH,), jnp.float32),
    mesh=_mesh,
    compiler_params=pltpu.CompilerParams(needs_layout_passes=False),
    scratch_types=[
        pltpu.VMEM((2, _BPW), jnp.int32),
        pltpu.VMEM((2 * _L, _DIM, _TW), jnp.float32),
        pltpu.VMEM((2 * _L, _DIM, _TW), jnp.float32),
        pltpu.VMEM((_BPW,), jnp.float32),
        pltpu.SemaphoreType.DMA,
        pltpu.SemaphoreType.DMA,
        pltpu.SemaphoreType.DMA,
        pltpu.SemaphoreType.DMA,
    ],
)
def _mf_dot(xt_hbm, ut_hbm, vt_hbm, out_hbm,
            x_v, u_t, v_t, o_v, sem_u0, sem_v0, sem_u1, sem_v1):
    wid = lax.axis_index("s") * _NC + lax.axis_index("c")
    base = pl.multiple_of(wid * _BPW, _TW)

    pltpu.sync_copy(xt_hbm.at[:, pl.ds(base, _BPW)], x_v)

    lanes = lax.iota(jnp.int32, _L)
    c127 = jnp.full((_L,), _TW - 1, jnp.int32)

    def fire(g, slot, sem_u, sem_v):
        uvec = x_v[0, pl.ds(g * _L, _L)]
        vvec = x_v[1, pl.ds(g * _L, _L)]
        for l in range(_L):
            cu = pl.multiple_of(
                lax.shift_left(lax.shift_right_logical(uvec[l], 7), 7), _TW)
            cv = pl.multiple_of(
                lax.shift_left(lax.shift_right_logical(vvec[l], 7), 7), _TW)
            pltpu.async_copy(
                ut_hbm.at[:, pl.ds(cu, _TW)], u_t.at[slot + l], sem_u)
            pltpu.async_copy(
                vt_hbm.at[:, pl.ds(cv, _TW)], v_t.at[slot + l], sem_v)

    def drain(sem_u, sem_v):
        for l in range(_L):
            pltpu.make_async_copy(
                ut_hbm.at[:, pl.ds(0, _TW)], u_t.at[l], sem_u).wait()
            pltpu.make_async_copy(
                vt_hbm.at[:, pl.ds(0, _TW)], v_t.at[l], sem_v).wait()

    def compute(g, slot):
        uvec = x_v[0, pl.ds(g * _L, _L)]
        vvec = x_v[1, pl.ds(g * _L, _L)]
        ucol = lax.bitwise_and(uvec, c127)
        vcol = lax.bitwise_and(vvec, c127)
        tid = slot + lanes
        acc = jnp.zeros((_L,), jnp.float32)
        for d in range(_DIM):
            dd = jnp.full((_L,), d, jnp.int32)
            ud = plsc.load_gather(u_t, [tid, dd, ucol])
            vd = plsc.load_gather(v_t, [tid, dd, vcol])
            acc = acc + ud * vd
        o_v[pl.ds(g * _L, _L)] = acc

    fire(0, 0, sem_u0, sem_v0)

    def body(h, carry):
        g0 = h * 2
        fire(g0 + 1, _L, sem_u1, sem_v1)
        drain(sem_u0, sem_v0)
        compute(g0, 0)

        @pl.when(g0 + 2 < _G)
        def _():
            fire(g0 + 2, 0, sem_u0, sem_v0)

        drain(sem_u1, sem_v1)
        compute(g0 + 1, _L)
        return carry

    lax.fori_loop(0, _G // 2, body, 0, unroll=False)

    pltpu.sync_copy(o_v, out_hbm.at[pl.ds(base, _BPW)])


def kernel(x, U, V):
    return _mf_dot(x.T, U.T, V.T)

# --- scband reference (transcript-rebuilt; emitter-appended) ---
"""Pipeline reference for scband-mflinear-28028956573856 (READ-ONLY COPY).

The authoritative reference and input builder live on the scoring server;
editing this copy changes nothing except your own understanding.
"""

import jax, jax.numpy as jnp
import numpy as np

BATCH = 16384
VOCAB_U = 1000000
VOCAB_V = 1000000
DIM = 8  # module hardcodes 8 in LearnedFeatures regardless of dim kwarg
SCALE = 1.0

def setup_inputs(seed: int = 0) -> dict:
    key = jax.random.key(seed)
    k_x, k_u, k_v = jax.random.split(key, 3)
    x = jax.random.randint(k_x, (BATCH, 2), 0, VOCAB_U, dtype=jnp.int64 if jax.config.jax_enable_x64 else jnp.int32)
    U = jax.random.normal(k_u, (VOCAB_U, DIM), dtype=jnp.float32) * SCALE
    V = jax.random.normal(k_v, (VOCAB_V, DIM), dtype=jnp.float32) * SCALE
    return {"x": x, "U": U, "V": V}

def reference(x, U, V):
    # ui = self.U(x[:, 0]); vj = self.V(x[:, 1])  (embedding lookups)
    ui = jnp.take(U, x[:, 0], axis=0)
    vj = jnp.take(V, x[:, 1], axis=0)
    # y_ij = <u_i, v_j>
    return jnp.sum(ui * vj, axis=1)

if __name__ == "__main__":
    import jax
    _d = setup_inputs()
    print(jax.jit(kernel)(*tuple(_d.values())))

</pallas_src>

<mosaic_0001>
#map = affine_map<(d0, d1) -> (0, 0)>
#map1 = affine_map<(d0, d1) -> (0)>
module attributes {stable_mosaic.version = 14 : i64} {
  func.func @_mf_dot(%arg0: i32, %arg1: i32, %arg2: memref<2x16384xi32, #tpu.memory_space<hbm>>, %arg3: memref<8x1000000xf32, #tpu.memory_space<hbm>>, %arg4: memref<8x1000000xf32, #tpu.memory_space<hbm>>, %arg5: memref<16384xf32, #tpu.memory_space<hbm>>, %arg6: memref<2x512xi32, #tpu.memory_space<vmem>>, %arg7: memref<32x8x128xf32, #tpu.memory_space<vmem>>, %arg8: memref<32x8x128xf32, #tpu.memory_space<vmem>>, %arg9: memref<512xf32, #tpu.memory_space<vmem>>, %arg10: memref<!tpu.dma_semaphore, #tpu.memory_space<semaphore_mem>>, %arg11: memref<!tpu.dma_semaphore, #tpu.memory_space<semaphore_mem>>, %arg12: memref<!tpu.dma_semaphore, #tpu.memory_space<semaphore_mem>>, %arg13: memref<!tpu.dma_semaphore, #tpu.memory_space<semaphore_mem>>) attributes {dimension_semantics = [#tpu.dimension_semantics<core_parallel>, #tpu.dimension_semantics<subcore_parallel>], iteration_bounds = array<i64: 2, 16>, scalar_prefetch = 0 : i64, scratch_operands = 8 : i64, tpu.core_type = #tpu.core_type<sc_vector_subcore>, window_params = [{transform_indices = #map}, {transform_indices = #map}, {transform_indices = #map}, {transform_indices = #map1}]} {
    %mul3A = arith.constant 2 : i32
    %mul3A_0 = arith.muli %arg1, %mul3A : i32
    %add3A = arith.addi %mul3A_0, %arg0 : i32
    %mul3A_1 = arith.constant 512 : i32
    %mul3A_2 = arith.muli %add3A, %mul3A_1 : i32
    %multiple_of3A = tpu.assume_multiple %mul3A_2, 128 : i32
    "tpu.region"() ({
      %run_scoped3A = tpu.sem_alloc : memref<!tpu.dma_semaphore, #tpu.memory_space<semaphore_mem>>
      %dma_start3A_651 = arith.constant 0 : i32
      %dma_start3A_652 = tpu.memref_slice %arg2[%dma_start3A_651, %multiple_of3A] : memref<2x16384xi32, #tpu.memory_space<hbm>> -> memref<2x512xi32, #tpu.memory_space<hbm>>
      %dma_start3A_653 = arith.constant 0 : i32
      %dma_start3A_654 = tpu.memref_slice %arg2[%dma_start3A_653, %multiple_of3A] : memref<2x16384xi32, #tpu.memory_space<hbm>> -> memref<2x512xi32, #tpu.memory_space<hbm>>
      tpu.enqueue_dma source(%dma_start3A_654 : memref<2x512xi32, #tpu.memory_space<hbm>>) target(%arg6 : memref<2x512xi32, #tpu.memory_space<vmem>>) target_semaphore(%run_scoped3A : memref<!tpu.dma_semaphore, #tpu.memory_space<semaphore_mem>>)
      %dma_wait3A = arith.constant 0 : i32
      %dma_wait3A_655 = tpu.memref_slice %arg2[%dma_wait3A, %multiple_of3A] : memref<2x16384xi32, #tpu.memory_space<hbm>> -> memref<2x512xi32, #tpu.memory_space<hbm>>
      %dma_wait3A_656 = arith.constant 0 : i32
      %dma_wait3A_657 = tpu.memref_slice %arg2[%dma_wait3A_656, %multiple_of3A] : memref<2x16384xi32, #tpu.memory_space<hbm>> -> memref<2x512xi32, #tpu.memory_space<hbm>>
      tpu.wait_dma2 semaphore(%run_scoped3A : memref<!tpu.dma_semaphore, #tpu.memory_space<semaphore_mem>>) src(%dma_wait3A_657 : memref<2x512xi32, #tpu.memory_space<hbm>>) dst(%arg6 : memref<2x512xi32, #tpu.memory_space<vmem>>)
      tpu.yield
    }) : () -> ()
    %iota3A = tpu.iota {dimensions = array<i32: 0>} : vector<16xi32>
    %broadcast_in_dim3A = arith.constant 127 : i32
    %broadcast_in_dim3A_3 = vector.broadcast %broadcast_in_dim3A : i32 to vector<16xi32>
    %get3A = arith.constant 0 : i32
    %get3A_4 = arith.index_cast %get3A : i32 to index
    %get3A_5 = arith.constant 0 : index
    %get3A_6 = tpu.vector_load %arg6[%get3A_4, %get3A_5] {strides = array<i32>} : memref<2x512xi32, #tpu.memory_space<vmem>>, vector<16xi32>,
    %get3A_7 = arith.constant 1 : i32
    %get3A_8 = arith.index_cast %get3A_7 : i32 to index
    %get3A_9 = arith.constant 0 : index
    %get3A_10 = tpu.vector_load %arg6[%get3A_8, %get3A_9] {strides = array<i32>} : memref<2x512xi32, #tpu.memory_space<vmem>>, vector<16xi32>,
    %slice3A = vector.extract_strided_slice %get3A_6 {offsets = [0], sizes = [1], strides = [1]} : vector<16xi32> to vector<1xi32>
    %squeeze3A = vector.extract %slice3A[0] : i32 from vector<1xi32>
    %shift_right_logical3A = arith.constant 7 : i32
    %shift_right_logical3A_11 = arith.shrui %squeeze3A, %shift_right_logical3A : i32
    %shift_left3A = arith.constant 7 : i32
    %shift_left3A_12 = arith.shli %shift_right_logical3A_11, %shift_left3A : i32
    %multiple_of3A_13 = tpu.assume_multiple %shift_left3A_12, 128 : i32
    %slice3A_14 = vector.extract_strided_slice %get3A_10 {offsets = [0], sizes = [1], strides = [1]} : vector<16xi32> to vector<1xi32>
    %squeeze3A_15 = vector.extract %slice3A_14[0] : i32 from vector<1xi32>
    %shift_right_logical3A_16 = arith.constant 7 : i32
    %shift_right_logical3A_17 = arith.shrui %squeeze3A_15, %shift_right_logical3A_16 : i32
    %shift_left3A_18 = arith.constant 7 : i32
    %shift_left3A_19 = arith.shli %shift_right_logical3A_17, %shift_left3A_18 : i32
    %multiple_of3A_20 = tpu.assume_multiple %shift_left3A_19, 128 : i32
    %dma_start3A = arith.constant 0 : i32
    %dma_start3A_21 = arith.constant 0 : i32
    %dma_start3A_22 = arith.constant 0 : i32
    %dma_start3A_23 = tpu.memref_slice %arg7[%dma_start3A, %dma_start3A_21, %dma_start3A_22] : memref<32x8x128xf32, #tpu.memory_space<vmem>> -> memref<1x8x128xf32, #tpu.memory_space<vmem>>
    %dma_start3A_24 = tpu.memref_squeeze %dma_start3A_23 : memref<1x8x128xf32, #tpu.memory_space<vmem>> -> memref<8x128xf32, #tpu.memory_space<vmem>>
    %dma_start3A_25 = arith.constant 0 : i32
    %dma_start3A_26 = tpu.memref_slice %arg3[%dma_start3A_25, %multiple_of3A_13] : memref<8x1000000xf32, #tpu.memory_space<hbm>> -> memref<8x128xf32, #tpu.memory_space<hbm>>
    %dma_start3A_27 = arith.constant 0 : i32
    %dma_start3A_28 = arith.constant 0 : i32
    %dma_start3A_29 = tpu.memref_slice %arg7[%dma_start3A, %dma_start3A_27, %dma_start3A_28] : memref<32x8x128xf32, #tpu.memory_space<vmem>> -> memref<1x8x128xf32, #tpu.memory_space<vmem>>
    %dma_start3A_30 = tpu.memref_squeeze %dma_start3A_29 : memref<1x8x128xf32, #tpu.memory_space<vmem>> -> memref<8x128xf32, #tpu.memory_space<vmem>>
    %dma_start3A_31 = arith.constant 0 : i32
    %dma_start3A_32 = tpu.memref_slice %arg3[%dma_start3A_31, %multiple_of3A_13] : memref<8x1000000xf32, #tpu.memory_space<hbm>> -> memref<8x128xf32, #tpu.memory_space<hbm>>
    tpu.enqueue_dma source(%dma_start3A_32 : memref<8x128xf32, #tpu.memory_space<hbm>>) target(%dma_start3A_30 : memref<8x128xf32, #tpu.memory_space<vmem>>) target_semaphore(%arg10 : memref<!tpu.dma_semaphore, #tpu.memory_space<semaphore_mem>>)
    %dma_start3A_33 = arith.constant 0 : i32
    %dma_start3A_34 = arith.constant 0 : i32
    %dma_start3A_35 = arith.constant 0 : i32
    %dma_start3A_36 = tpu.memref_slice %arg8[%dma_start3A_33, %dma_start3A_34, %dma_start3A_35] : memref<32x8x128xf32, #tpu.memory_space<vmem>> -> memref<1x8x128xf32, #tpu.memory_space<vmem>>
    %dma_start3A_37 = tpu.memref_squeeze %dma_start3A_36 : memref<1x8x128xf32, #tpu.memory_space<vmem>> -> memref<8x128xf32, #tpu.memory_space<vmem>>
    %dma_start3A_38 = arith.constant 0 : i32
    %dma_start3A_39 = tpu.memref_slice %arg4[%dma_start3A_38, %multiple_of3A_20] : memref<8x1000000xf32, #tpu.memory_space<hbm>> -> memref<8x128xf32, #tpu.memory_space<hbm>>
    %dma_start3A_40 = arith.constant 0 : i32
    %dma_start3A_41 = arith.constant 0 : i32
    %dma_start3A_42 = tpu.memref_slice %arg8[%dma_start3A_33, %dma_start3A_40, %dma_start3A_41] : memref<32x8x128xf32, #tpu.memory_space<vmem>> -> memref<1x8x128xf32, #tpu.memory_space<vmem>>
    %dma_start3A_43 = tpu.memref_squeeze %dma_start3A_42 : memref<1x8x128xf32, #tpu.memory_space<vmem>> -> memref<8x128xf32, #tpu.memory_space<vmem>>
    %dma_start3A_44 = arith.constant 0 : i32
    %dma_start3A_45 = tpu.memref_slice %arg4[%dma_start3A_44, %multiple_of3A_20] : memref<8x1000000xf32, #tpu.memory_space<hbm>> -> memref<8x128xf32, #tpu.memory_space<hbm>>
    tpu.enqueue_dma source(%dma_start3A_45 : memref<8x128xf32, #tpu.memory_space<hbm>>) target(%dma_start3A_43 : memref<8x128xf32, #tpu.memory_space<vmem>>) target_semaphore(%arg11 : memref<!tpu.dma_semaphore, #tpu.memory_space<semaphore_mem>>)
    %slice3A_46 = vector.extract_strided_slice %get3A_6 {offsets = [1], sizes = [1], strides = [1]} : vector<16xi32> to vector<1xi32>
    %squeeze3A_47 = vector.extract %slice3A_46[0] : i32 from vector<1xi32>
    %shift_right_logical3A_48 = arith.constant 7 : i32
    %shift_right_logical3A_49 = arith.shrui %squeeze3A_47, %shift_right_logical3A_48 : i32
    %shift_left3A_50 = arith.constant 7 : i32
    %shift_left3A_51 = arith.shli %shift_right_logical3A_49, %shift_left3A_50 : i32
    %multiple_of3A_52 = tpu.assume_multiple %shift_left3A_51, 128 : i32
    %slice3A_53 = vector.extract_strided_slice %get3A_10 {offsets = [1], sizes = [1], strides = [1]} : vector<16xi32> to vector<1xi32>
    %squeeze3A_54 = vector.extract %slice3A_53[0] : i32 from vector<1xi32>
    %shift_right_logical3A_55 = arith.constant 7 : i32
    %shift_right_logical3A_56 = arith.shrui %squeeze3A_54, %shift_right_logical3A_55 : i32
    %shift_left3A_57 = arith.constant 7 : i32
    %shift_left3A_58 = arith.shli %shift_right_logical3A_56, %shift_left3A_57 : i32
    %multiple_of3A_59 = tpu.assume_multiple %shift_left3A_58, 128 : i32
    %dma_start3A_60 = arith.constant 1 : i32
    %dma_start3A_61 = arith.constant 0 : i32
    %dma_start3A_62 = arith.constant 0 : i32
    %dma_start3A_63 = tpu.memref_slice %arg7[%dma_start3A_60, %dma_start3A_61, %dma_start3A_62] : memref<32x8x128xf32, #tpu.memory_space<vmem>> -> memref<1x8x128xf32, #tpu.memory_space<vmem>>
    %dma_start3A_64 = tpu.memref_squeeze %dma_start3A_63 : memref<1x8x128xf32, #tpu.memory_space<vmem>> -> memref<8x128xf32, #tpu.memory_space<vmem>>
    %dma_start3A_65 = arith.constant 0 : i32
    %dma_start3A_66 = tpu.memref_slice %arg3[%dma_start3A_65, %multiple_of3A_52] : memref<8x1000000xf32, #tpu.memory_space<hbm>> -> memref<8x128xf32, #tpu.memory_space<hbm>>
    %dma_start3A_67 = arith.constant 0 : i32
    %dma_start3A_68 = arith.constant 0 : i32
    %dma_start3A_69 = tpu.memref_slice %arg7[%dma_start3A_60, %dma_start3A_67, %dma_start3A_68] : memref<32x8x128xf32, #tpu.memory_space<vmem>> -> memref<1x8x128xf32, #tpu.memory_space<vmem>>
    %dma_start3A_70 = tpu.memref_squeeze %dma_start3A_69 : memref<1x8x128xf32, #tpu.memory_space<vmem>> -> memref<8x128xf32, #tpu.memory_space<vmem>>
    %dma_start3A_71 = arith.constant 0 : i32
    %dma_start3A_72 = tpu.memref_slice %arg3[%dma_start3A_71, %multiple_of3A_52] : memref<8x1000000xf32, #tpu.memory_space<hbm>> -> memref<8x128xf32, #tpu.memory_space<hbm>>
    tpu.enqueue_dma source(%dma_start3A_72 : memref<8x128xf32, #tpu.memory_space<hbm>>) target(%dma_start3A_70 : memref<8x128xf32, #tpu.memory_space<vmem>>) target_semaphore(%arg10 : memref<!tpu.dma_semaphore, #tpu.memory_space<semaphore_mem>>)
    %dma_start3A_73 = arith.constant 1 : i32
    %dma_start3A_74 = arith.constant 0 : i32
    %dma_start3A_75 = arith.constant 0 : i32
    %dma_start3A_76 = tpu.memref_slice %arg8[%dma_start3A_73, %dma_start3A_74, %dma_start3A_75] : memref<32x8x128xf32, #tpu.memory_space<vmem>> -> memref<1x8x128xf32, #tpu.memory_space<vmem>>
    %dma_start3A_77 = tpu.memref_squeeze %dma_start3A_76 : memref<1x8x128xf32, #tpu.memory_space<vmem>> -> memref<8x128xf32, #tpu.memory_space<vmem>>
    %dma_start3A_78 = arith.constant 0 : i32
    %dma_start3A_79 = tpu.memref_slice %arg4[%dma_start3A_78, %multiple_of3A_59] : memref<8x1000000xf32, #tpu.memory_space<hbm>> -> memref<8x128xf32, #tpu.memory_space<hbm>>
    %dma_start3A_80 = arith.constant 0 : i32
    %dma_start3A_81 = arith.constant 0 : i32
    %dma_start3A_82 = tpu.memref_slice %arg8[%dma_start3A_73, %dma_start3A_80, %dma_start3A_81] : memref<32x8x128xf32, #tpu.memory_space<vmem>> -> memref<1x8x128xf32, #tpu.memory_space<vmem>>
    %dma_start3A_83 = tpu.memref_squeeze %dma_start3A_82 : memref<1x8x128xf32, #tpu.memory_space<vmem>> -> memref<8x128xf32, #tpu.memory_space<vmem>>
    %dma_start3A_84 = arith.constant 0 : i32
    %dma_start3A_85 = tpu.memref_slice %arg4[%dma_start3A_84, %multiple_of3A_59] : memref<8x1000000xf32, #tpu.memory_space<hbm>> -> memref<8x128xf32, #tpu.memory_space<hbm>>
    tpu.enqueue_dma source(%dma_start3A_85 : memref<8x128xf32, #tpu.memory_space<hbm>>) target(%dma_start3A_83 : memref<8x128xf32, #tpu.memory_space<vmem>>) target_semaphore(%arg11 : memref<!tpu.dma_semaphore, #tpu.memory_space<semaphore_mem>>)
    %slice3A_86 = vector.extract_strided_slice %get3A_6 {offsets = [2], sizes = [1], strides = [1]} : vector<16xi32> to vector<1xi32>
    %squeeze3A_87 = vector.extract %slice3A_86[0] : i32 from vector<1xi32>
    %shift_right_logical3A_88 = arith.constant 7 : i32
    %shift_right_logical3A_89 = arith.shrui %squeeze3A_87, %shift_right_logical3A_88 : i32
    %shift_left3A_90 = arith.constant 7 : i32
    %shift_left3A_91 = arith.shli %shift_right_logical3A_89, %shift_left3A_90 : i32
    %multiple_of3A_92 = tpu.assume_multiple %shift_left3A_91, 128 : i32
    %slice3A_93 = vector.extract_strided_slice %get3A_10 {offsets = [2], sizes = [1], strides = [1]} : vector<16xi32> to vector<1xi32>
    %squeeze3A_94 = vector.extract %slice3A_93[0] : i32 from vector<1xi32>
    %shift_right_logical3A_95 = arith.constant 7 : i32
    %shift_right_logical3A_96 = arith.shrui %squeeze3A_94, %shift_right_logical3A_95 : i32
    %shift_left3A_97 = arith.constant 7 : i32
    %shift_left3A_98 = arith.shli %shift_right_logical3A_96, %shift_left3A_97 : i32
    %multiple_of3A_99 = tpu.assume_multiple %shift_left3A_98, 128 : i32
    %dma_start3A_100 = arith.constant 2 : i32
    %dma_start3A_101 = arith.constant 0 : i32
    %dma_start3A_102 = arith.constant 0 : i32
    %dma_start3A_103 = tpu.memref_slice %arg7[%dma_start3A_100, %dma_start3A_101, %dma_start3A_102] : memref<32x8x128xf32, #tpu.memory_space<vmem>> -> memref<1x8x128xf32, #tpu.memory_space<vmem>>
    %dma_start3A_104 = tpu.memref_squeeze %dma_start3A_103 : memref<1x8x128xf32, #tpu.memory_space<vmem>> -> memref<8x128xf32, #tpu.memory_space<vmem>>
    %dma_start3A_105 = arith.constant 0 : i32
    %dma_start3A_106 = tpu.memref_slice %arg3[%dma_start3A_105, %multiple_of3A_92] : memref<8x1000000xf32, #tpu.memory_space<hbm>> -> memref<8x128xf32, #tpu.memory_space<hbm>>
    %dma_start3A_107 = arith.constant 0 : i32
    %dma_start3A_108 = arith.constant 0 : i32
    %dma_start3A_109 = tpu.memref_slice %arg7[%dma_start3A_100, %dma_start3A_107, %dma_start3A_108] : memref<32x8x128xf32, #tpu.memory_space<vmem>> -> memref<1x8x128xf32, #tpu.memory_space<vmem>>
    %dma_start3A_110 = tpu.memref_squeeze %dma_start3A_109 : memref<1x8x128xf32, #tpu.memory_space<vmem>> -> memref<8x128xf32, #tpu.memory_space<vmem>>
    %dma_start3A_111 = arith.constant 0 : i32
    %dma_start3A_112 = tpu.memref_slice %arg3[%dma_start3A_111, %multiple_of3A_92] : memref<8x1000000xf32, #tpu.memory_space<hbm>> -> memref<8x128xf32, #tpu.memory_space<hbm>>
    tpu.enqueue_dma source(%dma_start3A_112 : memref<8x128xf32, #tpu.memory_space<hbm>>) target(%dma_start3A_110 : memref<8x128xf32, #tpu.memory_space<vmem>>) target_semaphore(%arg10 : memref<!tpu.dma_semaphore, #tpu.memory_space<semaphore_mem>>)
    %dma_start3A_113 = arith.constant 2 : i32
    %dma_start3A_114 = arith.constant 0 : i32
    %dma_start3A_115 = arith.constant 0 : i32
    %dma_start3A_116 = tpu.memref_slice %arg8[%dma_start3A_113, %dma_start3A_114, %dma_start3A_115] : memref<32x8x128xf32, #tpu.memory_space<vmem>> -> memref<1x8x128xf32, #tpu.memory_space<vmem>>
    %dma_start3A_117 = tpu.memref_squeeze %dma_start3A_116 : memref<1x8x128xf32, #tpu.memory_space<vmem>> -> memref<8x128xf32, #tpu.memory_space<vmem>>
    %dma_start3A_118 = arith.constant 0 : i32
    %dma_start3A_119 = tpu.memref_slice %arg4[%dma_start3A_118, %multiple_of3A_99] : memref<8x1000000xf32, #tpu.memory_space<hbm>> -> memref<8x128xf32, #tpu.memory_space<hbm>>
    %dma_start3A_120 = arith.constant 0 : i32
    %dma_start3A_121 = arith.constant 0 : i32
    %dma_start3A_122 = tpu.memref_slice %arg8[%dma_start3A_113, %dma_start3A_120, %dma_start3A_121] : memref<32x8x128xf32, #tpu.memory_space<vmem>> -> memref<1x8x128xf32, #tpu.memory_space<vmem>>
    %dma_start3A_123 = tpu.memref_squeeze %dma_start3A_122 : memref<1x8x128xf32, #tpu.memory_space<vmem>> -> memref<8x128xf32, #tpu.memory_space<vmem>>
    %dma_start3A_124 = arith.constant 0 : i32
    %dma_start3A_125 = tpu.memref_slice %arg4[%dma_start3A_124, %multiple_of3A_99] : memref<8x1000000xf32, #tpu.memory_space<hbm>> -> memref<8x128xf32, #tpu.memory_space<hbm>>
    tpu.enqueue_dma source(%dma_start3A_125 : memref<8x128xf32, #tpu.memory_space<hbm>>) target(%dma_start3A_123 : memref<8x128xf32, #tpu.memory_space<vmem>>) target_semaphore(%arg11 : memref<!tpu.dma_semaphore, #tpu.memory_space<semaphore_mem>>)
    %slice3A_126 = vector.extract_strided_slice %get3A_6 {offsets = [3], sizes = [1], strides = [1]} : vector<16xi32> to vector<1xi32>
    %squeeze3A_127 = vector.extract %slice3A_126[0] : i32 from vector<1xi32>
    %shift_right_logical3A_128 = arith.constant 7 : i32
    %shift_right_logical3A_129 = arith.shrui %squeeze3A_127, %shift_right_logical3A_128 : i32
    %shift_left3A_130 = arith.constant 7 : i32
    %shift_left3A_131 = arith.shli %shift_right_logical3A_129, %shift_left3A_130 : i32
    %multiple_of3A_132 = tpu.assume_multiple %shift_left3A_131, 128 : i32
    %slice3A_133 = vector.extract_strided_slice %get3A_10 {offsets = [3], sizes = [1], strides = [1]} : vector<16xi32> to vector<1xi32>
    %squeeze3A_134 = vector.extract %slice3A_133[0] : i32 from vector<1xi32>
    %shift_right_logical3A_135 = arith.constant 7 : i32
    %shift_right_logical3A_136 = arith.shrui %squeeze3A_134, %shift_right_logical3A_135 : i32
    %shift_left3A_137 = arith.constant 7 : i32
    %shift_left3A_138 = arith.shli %shift_right_logical3A_136, %shift_left3A_137 : i32
    %multiple_of3A_139 = tpu.assume_multiple %shift_left3A_138, 128 : i32
    %dma_start3A_140 = arith.constant 3 : i32
    %dma_start3A_141 = arith.constant 0 : i32
    %dma_start3A_142 = arith.constant 0 : i32
    %dma_start3A_143 = tpu.memref_slice %arg7[%dma_start3A_140, %dma_start3A_141, %dma_start3A_142] : memref<32x8x128xf32, #tpu.memory_space<vmem>> -> memref<1x8x128xf32, #tpu.memory_space<vmem>>
    %dma_start3A_144 = tpu.memref_squeeze %dma_start3A_143 : memref<1x8x128xf32, #tpu.memory_space<vmem>> -> memref<8x128xf32, #tpu.memory_space<vmem>>
    %dma_start3A_145 = arith.constant 0 : i32
    %dma_start3A_146 = tpu.memref_slice %arg3[%dma_start3A_145, %multiple_of3A_132] : memref<8x1000000xf32, #tpu.memory_space<hbm>> -> memref<8x128xf32, #tpu.memory_space<hbm>>
    %dma_start3A_147 = arith.constant 0 : i32
    %dma_start3A_148 = arith.constant 0 : i32
    %dma_start3A_149 = tpu.memref_slice %arg7[%dma_start3A_140, %dma_start3A_147, %dma_start3A_148] : memref<32x8x128xf32, #tpu.memory_space<vmem>> -> memref<1x8x128xf32, #tpu.memory_space<vmem>>
    %dma_start3A_150 = tpu.memref_squeeze %dma_start3A_149 : memref<1x8x128xf32, #tpu.memory_space<vmem>> -> memref<8x128xf32, #tpu.memory_space<vmem>>
    %dma_start3A_151 = arith.constant 0 : i32
    %dma_start3A_152 = tpu.memref_slice %arg3[%dma_start3A_151, %multiple_of3A_132] : memref<8x1000000xf32, #tpu.memory_space<hbm>> -> memref<8x128xf32, #tpu.memory_space<hbm>>
    tpu.enqueue_dma source(%dma_start3A_152 : memref<8x128xf32, #tpu.memory_space<hbm>>) target(%dma_start3A_150 : memref<8x128xf32, #tpu.memory_space<vmem>>) target_semaphore(%arg10 : memref<!tpu.dma_semaphore, #tpu.memory_space<semaphore_mem>>)
    %dma_start3A_153 = arith.constant 3 : i32
    %dma_start3A_154 = arith.constant 0 : i32
    %dma_start3A_155 = arith.constant 0 : i32
    %dma_start3A_156 = tpu.memref_slice %arg8[%dma_start3A_153, %dma_start3A_154, %dma_start3A_155] : memref<32x8x128xf32, #tpu.memory_space<vmem>> -> memref<1x8x128xf32, #tpu.memory_space<vmem>>
    %dma_start3A_157 = tpu.memref_squeeze %dma_start3A_156 : memref<1x8x128xf32, #tpu.memory_space<vmem>> -> memref<8x128xf32, #tpu.memory_space<vmem>>
    %dma_start3A_158 = arith.constant 0 : i32
    %dma_start3A_159 = tpu.memref_slice %arg4[%dma_start3A_158, %multiple_of3A_139] : memref<8x1000000xf32, #tpu.memory_space<hbm>> -> memref<8x128xf32, #tpu.memory_space<hbm>>
    %dma_start3A_160 = arith.constant 0 : i32
    %dma_start3A_161 = arith.constant 0 : i32
    %dma_start3A_162 = tpu.memref_slice %arg8[%dma_start3A_153, %dma_start3A_160, %dma_start3A_161] : memref<32x8x128xf32, #tpu.memory_space<vmem>> -> memref<1x8x128xf32, #tpu.memory_space<vmem>>
    %dma_start3A_163 = tpu.memref_squeeze %dma_start3A_162 : memref<1x8x128xf32, #tpu.memory_space<vmem>> -> memref<8x128xf32, #tpu.memory_space<vmem>>
    %dma_start3A_164 = arith.constant 0 : i32
    %dma_start3A_165 = tpu.memref_slice %arg4[%dma_start3A_164, %multiple_of3A_139] : memref<8x1000000xf32, #tpu.memory_space<hbm>> -> memref<8x128xf32, #tpu.memory_space<hbm>>
    tpu.enqueue_dma source(%dma_start3A_165 : memref<8x128xf32, #tpu.memory_space<hbm>>) target(%dma_start3A_163 : memref<8x128xf32, #tpu.memory_space<vmem>>) target_semaphore(%arg11 : memref<!tpu.dma_semaphore, #tpu.memory_space<semaphore_mem>>)
    %slice3A_166 = vector.extract_strided_slice %get3A_6 {offsets = [4], sizes = [1], strides = [1]} : vector<16xi32> to vector<1xi32>
    %squeeze3A_167 = vector.extract %slice3A_166[0] : i32 from vector<1xi32>
    %shift_right_logical3A_168 = arith.constant 7 : i32
    %shift_right_logical3A_169 = arith.shrui %squeeze3A_167, %shift_right_logical3A_168 : i32
    %shift_left3A_170 = arith.constant 7 : i32
    %shift_left3A_171 = arith.shli %shift_right_logical3A_169, %shift_left3A_170 : i32
    %multiple_of3A_172 = tpu.assume_multiple %shift_left3A_171, 128 : i32
    %slice3A_173 = vector.extract_strided_slice %get3A_10 {offsets = [4], sizes = [1], strides = [1]} : vector<16xi32> to vector<1xi32>
    %squeeze3A_174 = vector.extract %slice3A_173[0] : i32 from vector<1xi32>
    %shift_right_logical3A_175 = arith.constant 7 : i32
    %shift_right_logical3A_176 = arith.shrui %squeeze3A_174, %shift_right_logical3A_175 : i32
    %shift_left3A_177 = arith.constant 7 : i32
    %shift_left3A_178 = arith.shli %shift_right_logical3A_176, %shift_left3A_177 : i32
    %multiple_of3A_179 = tpu.assume_multiple %shift_left3A_178, 128 : i32
    %dma_start3A_180 = arith.constant 4 : i32
    %dma_start3A_181 = arith.constant 0 : i32
    %dma_start3A_182 = arith.constant 0 : i32
    %dma_start3A_183 = tpu.memref_slice %arg7[%dma_start3A_180, %dma_start3A_181, %dma_start3A_182] : memref<32x8x128xf32, #tpu.memory_space<vmem>> -> memref<1x8x128xf32, #tpu.memory_space<vmem>>
    %dma_start3A_184 = tpu.memref_squeeze %dma_start3A_183 : memref<1x8x128xf32, #tpu.memory_space<vmem>> -> memref<8x128xf32, #tpu.memory_space<vmem>>
    %dma_start3A_185 = arith.constant 0 : i32
    %dma_start3A_186 = tpu.memref_slice %arg3[%dma_start3A_185, %multiple_of3A_172] : memref<8x1000000xf32, #tpu.memory_space<hbm>> -> memref<8x128xf32, #tpu.memory_space<hbm>>
    %dma_start3A_187 = arith.constant 0 : i32
    %dma_start3A_188 = arith.constant 0 : i32
    %dma_start3A_189 = tpu.memref_slice %arg7[%dma_start3A_180, %dma_start3A_187, %dma_start3A_188] : memref<32x8x128xf32, #tpu.memory_space<vmem>> -> memref<1x8x128xf32, #tpu.memory_space<vmem>>
    %dma_start3A_190 = tpu.memref_squeeze %dma_start3A_189 : memref<1x8x128xf32, #tpu.memory_space<vmem>> -> memref<8x128xf32, #tpu.memory_space<vmem>>
    %dma_start3A_191 = arith.constant 0 : i32
    %dma_start3A_192 = tpu.memref_slice %arg3[%dma_start3A_191, %multiple_of3A_172] : memref<8x1000000xf32, #tpu.memory_space<hbm>> -> memref<8x128xf32, #tpu.memory_space<hbm>>
    tpu.enqueue_dma source(%dma_start3A_192 : memref<8x128xf32, #tpu.memory_space<hbm>>) target(%dma_start3A_190 : memref<8x128xf32, #tpu.memory_space<vmem>>) target_semaphore(%arg10 : memref<!tpu.dma_semaphore, #tpu.memory_space<semaphore_mem>>)
    %dma_start3A_193 = arith.constant 4 : i32
    %dma_start3A_194 = arith.constant 0 : i32
    %dma_start3A_195 = arith.constant 0 : i32
    %dma_start3A_196 = tpu.memref_slice %arg8[%dma_start3A_193, %dma_start3A_194, %dma_start3A_195] : memref<32x8x128xf32, #tpu.memory_space<vmem>> -> memref<1x8x128xf32, #tpu.memory_space<vmem>>
    %dma_start3A_197 = tpu.memref_squeeze %dma_start3A_196 : memref<1x8x128xf32, #tpu.memory_space<vmem>> -> memref<8x128xf32, #tpu.memory_space<vmem>>
    %dma_start3A_198 = arith.constant 0 : i32
    %dma_start3A_199 = tpu.memref_slice %arg4[%dma_start3A_198, %multiple_of3A_179] : memref<8x1000000xf32, #tpu.memory_space<hbm>> -> memref<8x128xf32, #tpu.memory_space<hbm>>
    %dma_start3A_200 = arith.constant 0 : i32
    %dma_start3A_201 = arith.constant 0 : i32
    %dma_start3A_202 = tpu.memref_slice %arg8[%dma_start3A_193, %dma_start3A_200, %dma_start3A_201] : memref<32x8x128xf32, #tpu.memory_space<vmem>> -> memref<1x8x128xf32, #tpu.memory_space<vmem>>
    %dma_start3A_203 = tpu.memref_squeeze %dma_start3A_202 : memref<1x8x128xf32, #tpu.memory_space<vmem>> -> memref<8x128xf32, #tpu.memory_space<vmem>>
    %dma_start3A_204 = arith.constant 0 : i32
    %dma_start3A_205 = tpu.memref_slice %arg4[%dma_start3A_204, %multiple_of3A_179] : memref<8x1000000xf32, #tpu.memory_space<hbm>> -> memref<8x128xf32, #tpu.memory_space<hbm>>
    tpu.enqueue_dma source(%dma_start3A_205 : memref<8x128xf32, #tpu.memory_space<hbm>>) target(%dma_start3A_203 : memref<8x128xf32, #tpu.memory_space<vmem>>) target_semaphore(%arg11 : memref<!tpu.dma_semaphore, #tpu.memory_space<semaphore_mem>>)
    %slice3A_206 = vector.extract_strided_slice %get3A_6 {offsets = [5], sizes = [1], strides = [1]} : vector<16xi32> to vector<1xi32>
    %squeeze3A_207 = vector.extract %slice3A_206[0] : i32 from vector<1xi32>
    %shift_right_logical3A_208 = arith.constant 7 : i32
    %shift_right_logical3A_209 = arith.shrui %squeeze3A_207, %shift_right_logical3A_208 : i32
    %shift_left3A_210 = arith.constant 7 : i32
    %shift_left3A_211 = arith.shli %shift_right_logical3A_209, %shift_left3A_210 : i32
    %multiple_of3A_212 = tpu.assume_multiple %shift_left3A_211, 128 : i32
    %slice3A_213 = vector.extract_strided_slice %get3A_10 {offsets = [5], sizes = [1], strides = [1]} : vector<16xi32> to vector<1xi32>
    %squeeze3A_214 = vector.extract %slice3A_213[0] : i32 from vector<1xi32>
    %shift_right_logical3A_215 = arith.constant 7 : i32
    %shift_right_logical3A_216 = arith.shrui %squeeze3A_214, %shift_right_logical3A_215 : i32
    %shift_left3A_217 = arith.constant 7 : i32
    %shift_left3A_218 = arith.shli %shift_right_logical3A_216, %shift_left3A_217 : i32
    %multiple_of3A_219 = tpu.assume_multiple %shift_left3A_218, 128 : i32
    %dma_start3A_220 = arith.constant 5 : i32
    %dma_start3A_221 = arith.constant 0 : i32
    %dma_start3A_222 = arith.constant 0 : i32
    %dma_start3A_223 = tpu.memref_slice %arg7[%dma_start3A_220, %dma_start3A_221, %dma_start3A_222] : memref<32x8x128xf32, #tpu.memory_space<vmem>> -> memref<1x8x128xf32, #tpu.memory_space<vmem>>
    %dma_start3A_224 = tpu.memref_squeeze %dma_start3A_223 : memref<1x8x128xf32, #tpu.memory_space<vmem>> -> memref<8x128xf32, #tpu.memory_space<vmem>>
    %dma_start3A_225 = arith.constant 0 : i32
    %dma_start3A_226 = tpu.memref_slice %arg3[%dma_start3A_225, %multiple_of3A_212] : memref<8x1000000xf32, #tpu.memory_space<hbm>> -> memref<8x128xf32, #tpu.memory_space<hbm>>
    %dma_start3A_227 = arith.constant 0 : i32
    %dma_start3A_228 = arith.constant 0 : i32
    %dma_start3A_229 = tpu.memref_slice %arg7[%dma_start3A_220, %dma_start3A_227, %dma_start3A_228] : memref<32x8x128xf32, #tpu.memory_space<vmem>> -> memref<1x8x128xf32, #tpu.memory_space<vmem>>
    %dma_start3A_230 = tpu.memref_squeeze %dma_start3A_229 : memref<1x8x128xf32, #tpu.memory_space<vmem>> -> memref<8x128xf32, #tpu.memory_space<vmem>>
    %dma_start3A_231 = arith.constant 0 : i32
    %dma_start3A_232 = tpu.memref_slice %arg3[%dma_start3A_231, %multiple_of3A_212] : memref<8x1000000xf32, #tpu.memory_space<hbm>> -> memref<8x128xf32, #tpu.memory_space<hbm>>
    tpu.enqueue_dma source(%dma_start3A_232 : memref<8x128xf32, #tpu.memory_space<hbm>>) target(%dma_start3A_230 : memref<8x128xf32, #tpu.memory_space<vmem>>) target_semaphore(%arg10 : memref<!tpu.dma_semaphore, #tpu.memory_space<semaphore_mem>>)
    %dma_start3A_233 = arith.constant 5 : i32
    %dma_start3A_234 = arith.constant 0 : i32
    %dma_start3A_235 = arith.constant 0 : i32
    %dma_start3A_236 = tpu.memref_slice %arg8[%dma_start3A_233, %dma_start3A_234, %dma_start3A_235] : memref<32x8x128xf32, #tpu.memory_space<vmem>> -> memref<1x8x128xf32, #tpu.memory_space<vmem>>
    %dma_start3A_237 = tpu.memref_squeeze %dma_start3A_236 : memref<1x8x128xf32, #tpu.memory_space<vmem>> -> memref<8x128xf32, #tpu.memory_space<vmem>>
    %dma_start3A_238 = arith.constant 0 : i32
    %dma_start3A_239 = tpu.memref_slice %arg4[%dma_start3A_238, %multiple_of3A_219] : memref<8x1000000xf32, #tpu.memory_space<hbm>> -> memref<8x128xf32, #tpu.memory_space<hbm>>
    %dma_start3A_240 = arith.constant 0 : i32
    %dma_start3A_241 = arith.constant 0 : i32
    %dma_start3A_242 = tpu.memref_slice %arg8[%dma_start3A_233, %dma_start3A_240, %dma_start3A_241] : memref<32x8x128xf32, #tpu.memory_space<vmem>> -> memref<1x8x128xf32, #tpu.memory_space<vmem>>
    %dma_start3A_243 = tpu.memref_squeeze %dma_start3A_242 : memref<1x8x128xf32, #tpu.memory_space<vmem>> -> memref<8x128xf32, #tpu.memory_space<vmem>>
    %dma_start3A_244 = arith.constant 0 : i32
    %dma_start3A_245 = tpu.memref_slice %arg4[%dma_start3A_244, %multiple_of3A_219] : memref<8x1000000xf32, #tpu.memory_space<hbm>> -> memref<8x128xf32, #tpu.memory_space<hbm>>
    tpu.enqueue_dma source(%dma_start3A_245 : memref<8x128xf32, #tpu.memory_space<hbm>>) target(%dma_start3A_243 : memref<8x128xf32, #tpu.memory_space<vmem>>) target_semaphore(%arg11 : memref<!tpu.dma_semaphore, #tpu.memory_space<semaphore_mem>>)
    %slice3A_246 = vector.extract_strided_slice %get3A_6 {offsets = [6], sizes = [1], strides = [1]} : vector<16xi32> to vector<1xi32>
    %squeeze3A_247 = vector.extract %slice3A_246[0] : i32 from vector<1xi32>
    %shift_right_logical3A_248 = arith.constant 7 : i32
    %shift_right_logical3A_249 = arith.shrui %squeeze3A_247, %shift_right_logical3A_248 : i32
    %shift_left3A_250 = arith.constant 7 : i32
    %shift_left3A_251 = arith.shli %shift_right_logical3A_249, %shift_left3A_250 : i32
    %multiple_of3A_252 = tpu.assume_multiple %shift_left3A_251, 128 : i32
    %slice3A_253 = vector.extract_strided_slice %get3A_10 {offsets = [6], sizes = [1], strides = [1]} : vector<16xi32> to vector<1xi32>
    %squeeze3A_254 = vector.extract %slice3A_253[0] : i32 from vector<1xi32>
    %shift_right_logical3A_255 = arith.constant 7 : i32
    %shift_right_logical3A_256 = arith.shrui %squeeze3A_254, %shift_right_logical3A_255 : i32
    %shift_left3A_257 = arith.constant 7 : i32
    %shift_left3A_258 = arith.shli %shift_right_logical3A_256, %shift_left3A_257 : i32
    %multiple_of3A_259 = tpu.assume_multiple %shift_left3A_258, 128 : i32
    %dma_start3A_260 = arith.constant 6 : i32
    %dma_start3A_261 = arith.constant 0 : i32
    %dma_start3A_262 = arith.constant 0 : i32
    %dma_start3A_263 = tpu.memref_slice %arg7[%dma_start3A_260, %dma_start3A_261, %dma_start3A_262] : memref<32x8x128xf32, #tpu.memory_space<vmem>> -> memref<1x8x128xf32, #tpu.memory_space<vmem>>
    %dma_start3A_264 = tpu.memref_squeeze %dma_start3A_263 : memref<1x8x128xf32, #tpu.memory_space<vmem>> -> memref<8x128xf32, #tpu.memory_space<vmem>>
    %dma_start3A_265 = arith.constant 0 : i32
    %dma_start3A_266 = tpu.memref_slice %arg3[%dma_start3A_265, %multiple_of3A_252] : memref<8x1000000xf32, #tpu.memory_space<hbm>> -> memref<8x128xf32, #tpu.memory_space<hbm>>
    %dma_start3A_267 = arith.constant 0 : i32
    %dma_start3A_268 = arith.constant 0 : i32
    %dma_start3A_269 = tpu.memref_slice %arg7[%dma_start3A_260, %dma_start3A_267, %dma_start3A_268] : memref<32x8x128xf32, #tpu.memory_space<vmem>> -> memref<1x8x128xf32, #tpu.memory_space<vmem>>
    %dma_start3A_270 = tpu.memref_squeeze %dma_start3A_269 : memref<1x8x128xf32, #tpu.memory_space<vmem>> -> memref<8x128xf32, #tpu.memory_space<vmem>>
    %dma_start3A_271 = arith.constant 0 : i32
    %dma_start3A_272 = tpu.memref_slice %arg3[%dma_start3A_271, %multiple_of3A_252] : memref<8x1000000xf32, #tpu.memory_space<hbm>> -> memref<8x128xf32, #tpu.memory_space<hbm>>
    tpu.enqueue_dma source(%dma_start3A_272 : memref<8x128xf32, #tpu.memory_space<hbm>>) target(%dma_start3A_270 : memref<8x128xf32, #tpu.memory_space<vmem>>) target_semaphore(%arg10 : memref<!tpu.dma_semaphore, #tpu.memory_space<semaphore_mem>>)
    %dma_start3A_273 = arith.constant 6 : i32
    %dma_start3A_274 = arith.constant 0 : i32
    %dma_start3A_275 = arith.constant 0 : i32
    %dma_start3A_276 = tpu.memref_slice %arg8[%dma_start3A_273, %dma_start3A_274, %dma_start3A_275] : memref<32x8x128xf32, #tpu.memory_space<vmem>> -> memref<1x8x128xf32, #tpu.memory_space<vmem>>
    %dma_start3A_277 = tpu.memref_squeeze %dma_start3A_276 : memref<1x8x128xf32, #tpu.memory_space<vmem>> -> memref<8x128xf32, #tpu.memory_space<vmem>>
    %dma_start3A_278 = arith.constant 0 : i32
    %dma_start3A_279 = tpu.memref_slice %arg4[%dma_start3A_278, %multiple_of3A_259] : memref<8x1000000xf32, #tpu.memory_space<hbm>> -> memref<8x128xf32, #tpu.memory_space<hbm>>
    %dma_start3A_280 = arith.constant 0 : i32
    %dma_start3A_281 = arith.constant 0 : i32
    %dma_start3A_282 = tpu.memref_slice %arg8[%dma_start3A_273, %dma_start3A_280, %dma_start3A_281] : memref<32x8x128xf32, #tpu.memory_space<vmem>> -> memref<1x8x128xf32, #tpu.memory_space<vmem>>
    %dma_start3A_283 = tpu.memref_squeeze %dma_start3A_282 : memref<1x8x128xf32, #tpu.memory_space<vmem>> -> memref<8x128xf32, #tpu.memory_space<vmem>>
    %dma_start3A_284 = arith.constant 0 : i32
    %dma_start3A_285 = tpu.memref_slice %arg4[%dma_start3A_284, %multiple_of3A_259] : memref<8x1000000xf32, #tpu.memory_space<hbm>> -> memref<8x128xf32, #tpu.memory_space<hbm>>
    tpu.enqueue_dma source(%dma_start3A_285 : memref<8x128xf32, #tpu.memory_space<hbm>>) target(%dma_start3A_283 : memref<8x128xf32, #tpu.memory_space<vmem>>) target_semaphore(%arg11 : memref<!tpu.dma_semaphore, #tpu.memory_space<semaphore_mem>>)
    %slice3A_286 = vector.extract_strided_slice %get3A_6 {offsets = [7], sizes = [1], strides = [1]} : vector<16xi32> to vector<1xi32>
    %squeeze3A_287 = vector.extract %slice3A_286[0] : i32 from vector<1xi32>
    %shift_right_logical3A_288 = arith.constant 7 : i32
    %shift_right_logical3A_289 = arith.shrui %squeeze3A_287, %shift_right_logical3A_288 : i32
    %shift_left3A_290 = arith.constant 7 : i32
    %shift_left3A_291 = arith.shli %shift_right_logical3A_289, %shift_left3A_290 : i32
    %multiple_of3A_292 = tpu.assume_multiple %shift_left3A_291, 128 : i32
    %slice3A_293 = vector.extract_strided_slice %get3A_10 {offsets = [7], sizes = [1], strides = [1]} : vector<16xi32> to vector<1xi32>
    %squeeze3A_294 = vector.extract %slice3A_293[0] : i32 from vector<1xi32>
    %shift_right_logical3A_295 = arith.constant 7 : i32
    %shift_right_logical3A_296 = arith.shrui %squeeze3A_294, %shift_right_logical3A_295 : i32
    %shift_left3A_297 = arith.constant 7 : i32
    %shift_left3A_298 = arith.shli %shift_right_logical3A_296, %shift_left3A_297 : i32
    %multiple_of3A_299 = tpu.assume_multiple %shift_left3A_298, 128 : i32
    %dma_start3A_300 = arith.constant 7 : i32
    %dma_start3A_301 = arith.constant 0 : i32
    %dma_start3A_302 = arith.constant 0 : i32
    %dma_start3A_303 = tpu.memref_slice %arg7[%dma_start3A_300, %dma_start3A_301, %dma_start3A_302] : memref<32x8x128xf32, #tpu.memory_space<vmem>> -> memref<1x8x128xf32, #tpu.memory_space<vmem>>
    %dma_start3A_304 = tpu.memref_squeeze %dma_start3A_303 : memref<1x8x128xf32, #tpu.memory_space<vmem>> -> memref<8x128xf32, #tpu.memory_space<vmem>>
    %dma_start3A_305 = arith.constant 0 : i32
    %dma_start3A_306 = tpu.memref_slice %arg3[%dma_start3A_305, %multiple_of3A_292] : memref<8x1000000xf32, #tpu.memory_space<hbm>> -> memref<8x128xf32, #tpu.memory_space<hbm>>
    %dma_start3A_307 = arith.constant 0 : i32
    %dma_start3A_308 = arith.constant 0 : i32
    %dma_start3A_309 = tpu.memref_slice %arg7[%dma_start3A_300, %dma_start3A_307, %dma_start3A_308] : memref<32x8x128xf32, #tpu.memory_space<vmem>> -> memref<1x8x128xf32, #tpu.memory_space<vmem>>
    %dma_start3A_310 = tpu.memref_squeeze %dma_start3A_309 : memref<1x8x128xf32, #tpu.memory_space<vmem>> -> memref<8x128xf32, #tpu.memory_space<vmem>>
    %dma_start3A_311 = arith.constant 0 : i32
    %dma_start3A_312 = tpu.memref_slice %arg3[%dma_start3A_311, %multiple_of3A_292] : memref<8x1000000xf32, #tpu.memory_space<hbm>> -> memref<8x128xf32, #tpu.memory_space<hbm>>
    tpu.enqueue_dma source(%dma_start3A_312 : memref<8x128xf32, #tpu.memory_space<hbm>>) target(%dma_start3A_310 : memref<8x128xf32, #tpu.memory_space<vmem>>) target_semaphore(%arg10 : memref<!tpu.dma_semaphore, #tpu.memory_space<semaphore_mem>>)
    %dma_start3A_313 = arith.constant 7 : i32
    %dma_start3A_314 = arith.constant 0 : i32
    %dma_start3A_315 = arith.constant 0 : i32
    %dma_start3A_316 = tpu.memref_slice %arg8[%dma_start3A_313, %dma_start3A_314, %dma_start3A_315] : memref<32x8x128xf32, #tpu.memory_space<vmem>> -> memref<1x8x128xf32, #tpu.memory_space<vmem>>
    %dma_start3A_317 = tpu.memref_squeeze %dma_start3A_316 : memref<1x8x128xf32, #tpu.memory_space<vmem>> -> memref<8x128xf32, #tpu.memory_space<vmem>>
    %dma_start3A_318 = arith.constant 0 : i32
    %dma_start3A_319 = tpu.memref_slice %arg4[%dma_start3A_318, %multiple_of3A_299] : memref<8x1000000xf32, #tpu.memory_space<hbm>> -> memref<8x128xf32, #tpu.memory_space<hbm>>
    %dma_start3A_320 = arith.constant 0 : i32
    %dma_start3A_321 = arith.constant 0 : i32
    %dma_start3A_322 = tpu.memref_slice %arg8[%dma_start3A_313, %dma_start3A_320, %dma_start3A_321] : memref<32x8x128xf32, #tpu.memory_space<vmem>> -> memref<1x8x128xf32, #tpu.memory_space<vmem>>
    %dma_start3A_323 = tpu.memref_squeeze %dma_start3A_322 : memref<1x8x128xf32, #tpu.memory_space<vmem>> -> memref<8x128xf32, #tpu.memory_space<vmem>>
    %dma_start3A_324 = arith.constant 0 : i32
    %dma_start3A_325 = tpu.memref_slice %arg4[%dma_start3A_324, %multiple_of3A_299] : memref<8x1000000xf32, #tpu.memory_space<hbm>> -> memref<8x128xf32, #tpu.memory_space<hbm>>
    tpu.enqueue_dma source(%dma_start3A_325 : memref<8x128xf32, #tpu.memory_space<hbm>>) target(%dma_start3A_323 : memref<8x128xf32, #tpu.memory_space<vmem>>) target_semaphore(%arg11 : memref<!tpu.dma_semaphore, #tpu.memory_space<semaphore_mem>>)
    %slice3A_326 = vector.extract_strided_slice %get3A_6 {offsets = [8], sizes = [1], strides = [1]} : vector<16xi32> to vector<1xi32>
    %squeeze3A_327 = vector.extract %slice3A_326[0] : i32 from vector<1xi32>
    %shift_right_logical3A_328 = arith.constant 7 : i32
    %shift_right_logical3A_329 = arith.shrui %squeeze3A_327, %shift_right_logical3A_328 : i32
    %shift_left3A_330 = arith.constant 7 : i32
    %shift_left3A_331 = arith.shli %shift_right_logical3A_329, %shift_left3A_330 : i32
    %multiple_of3A_332 = tpu.assume_multiple %shift_left3A_331, 128 : i32
    %slice3A_333 = vector.extract_strided_slice %get3A_10 {offsets = [8], sizes = [1], strides = [1]} : vector<16xi32> to vector<1xi32>
    %squeeze3A_334 = vector.extract %slice3A_333[0] : i32 from vector<1xi32>
    %shift_right_logical3A_335 = arith.constant 7 : i32
    %shift_right_logical3A_336 = arith.shrui %squeeze3A_334, %shift_right_logical3A_335 : i32
    %shift_left3A_337 = arith.constant 7 : i32
    %shift_left3A_338 = arith.shli %shift_right_logical3A_336, %shift_left3A_337 : i32
    %multiple_of3A_339 = tpu.assume_multiple %shift_left3A_338, 128 : i32
    %dma_start3A_340 = arith.constant 8 : i32
    %dma_start3A_341 = arith.constant 0 : i32
    %dma_start3A_342 = arith.constant 0 : i32
    %dma_start3A_343 = tpu.memref_slice %arg7[%dma_start3A_340, %dma_start3A_341, %dma_start3A_342] : memref<32x8x128xf32, #tpu.memory_space<vmem>> -> memref<1x8x128xf32, #tpu.memory_space<vmem>>
    %dma_start3A_344 = tpu.memref_squeeze %dma_start3A_343 : memref<1x8x128xf32, #tpu.memory_space<vmem>> -> memref<8x128xf32, #tpu.memory_space<vmem>>
    %dma_start3A_345 = arith.constant 0 : i32
    %dma_start3A_346 = tpu.memref_slice %arg3[%dma_start3A_345, %multiple_of3A_332] : memref<8x1000000xf32, #tpu.memory_space<hbm>> -> memref<8x128xf32, #tpu.memory_space<hbm>>
    %dma_start3A_347 = arith.constant 0 : i32
    %dma_start3A_348 = arith.constant 0 : i32
    %dma_start3A_349 = tpu.memref_slice %arg7[%dma_start3A_340, %dma_start3A_347, %dma_start3A_348] : memref<32x8x128xf32, #tpu.memory_space<vmem>> -> memref<1x8x128xf32, #tpu.memory_space<vmem>>
    %dma_start3A_350 = tpu.memref_squeeze %dma_start3A_349 : memref<1x8x128xf32, #tpu.memory_space<vmem>> -> memref<8x128xf32, #tpu.memory_space<vmem>>
    %dma_start3A_351 = arith.constant 0 : i32
    %dma_start3A_352 = tpu.memref_slice %arg3[%dma_start3A_351, %multiple_of3A_332] : memref<8x1000000xf32, #tpu.memory_space<hbm>> -> memref<8x128xf32, #tpu.memory_space<hbm>>
    tpu.enqueue_dma source(%dma_start3A_352 : memref<8x128xf32, #tpu.memory_space<hbm>>) target(%dma_start3A_350 : memref<8x128xf32, #tpu.memory_space<vmem>>) target_semaphore(%arg10 : memref<!tpu.dma_semaphore, #tpu.memory_space<semaphore_mem>>)
    %dma_start3A_353 = arith.constant 8 : i32
    %dma_start3A_354 = arith.constant 0 : i32
    %dma_start3A_355 = arith.constant 0 : i32
    %dma_start3A_356 = tpu.memref_slice %arg8[%dma_start3A_353, %dma_start3A_354, %dma_start3A_355] : memref<32x8x128xf32, #tpu.memory_space<vmem>> -> memref<1x8x128xf32, #tpu.memory_space<vmem>>
    %dma_start3A_357 = tpu.memref_squeeze %dma_start3A_356 : memref<1x8x128xf32, #tpu.memory_space<vmem>> -> memref<8x128xf32, #tpu.memory_space<vmem>>
    %dma_start3A_358 = arith.constant 0 : i32
    %dma_start3A_359 = tpu.memref_slice %arg4[%dma_start3A_358, %multiple_of3A_339] : memref<8x1000000xf32, #tpu.memory_space<hbm>> -> memref<8x128xf32, #tpu.memory_space<hbm>>
    %dma_start3A_360 = arith.constant 0 : i32
    %dma_start3A_361 = arith.constant 0 : i32
    %dma_start3A_362 = tpu.memref_slice %arg8[%dma_start3A_353, %dma_start3A_360, %dma_start3A_361] : memref<32x8x128xf32, #tpu.memory_space<vmem>> -> memref<1x8x128xf32, #tpu.memory_space<vmem>>
    %dma_start3A_363 = tpu.memref_squeeze %dma_start3A_362 : memref<1x8x128xf32, #tpu.memory_space<vmem>> -> memref<8x128xf32, #tpu.memory_space<vmem>>
    %dma_start3A_364 = arith.constant 0 : i32
    %dma_start3A_365 = tpu.memref_slice %arg4[%dma_start3A_364, %multiple_of3A_339] : memref<8x1000000xf32, #tpu.memory_space<hbm>> -> memref<8x128xf32, #tpu.memory_space<hbm>>
    tpu.enqueue_dma source(%dma_start3A_365 : memref<8x128xf32, #tpu.memory_space<hbm>>) target(%dma_start3A_363 : memref<8x128xf32, #tpu.memory_space<vmem>>) target_semaphore(%arg11 : memref<!tpu.dma_semaphore, #tpu.memory_space<semaphore_mem>>)
    %slice3A_366 = vector.extract_strided_slice %get3A_6 {offsets = [9], sizes = [1], strides = [1]} : vector<16xi32> to vector<1xi32>
    %squeeze3A_367 = vector.extract %slice3A_366[0] : i32 from vector<1xi32>
    %shift_right_logical3A_368 = arith.constant 7 : i32
    %shift_right_logical3A_369 = arith.shrui %squeeze3A_367, %shift_right_logical3A_368 : i32
    %shift_left3A_370 = arith.constant 7 : i32
    %shift_left3A_371 = arith.shli %shift_right_logical3A_369, %shift_left3A_370 : i32
    %multiple_of3A_372 = tpu.assume_multiple %shift_left3A_371, 128 : i32
    %slice3A_373 = vector.extract_strided_slice %get3A_10 {offsets = [9], sizes = [1], strides = [1]} : vector<16xi32> to vector<1xi32>
    %squeeze3A_374 = vector.extract %slice3A_373[0] : i32 from vector<1xi32>
    %shift_right_logical3A_375 = arith.constant 7 : i32
    %shift_right_logical3A_376 = arith.shrui %squeeze3A_374, %shift_right_logical3A_375 : i32
    %shift_left3A_377 = arith.constant 7 : i32
    %shift_left3A_378 = arith.shli %shift_right_logical3A_376, %shift_left3A_377 : i32
    %multiple_of3A_379 = tpu.assume_multiple %shift_left3A_378, 128 : i32
    %dma_start3A_380 = arith.constant 9 : i32
    %dma_start3A_381 = arith.constant 0 : i32
    %dma_start3A_382 = arith.constant 0 : i32
    %dma_start3A_383 = tpu.memref_slice %arg7[%dma_start3A_380, %dma_start3A_381, %dma_start3A_382] : memref<32x8x128xf32, #tpu.memory_space<vmem>> -> memref<1x8x128xf32, #tpu.memory_space<vmem>>
    %dma_start3A_384 = tpu.memref_squeeze %dma_start3A_383 : memref<1x8x128xf32, #tpu.memory_space<vmem>> -> memref<8x128xf32, #tpu.memory_space<vmem>>
    %dma_start3A_385 = arith.constant 0 : i32
    %dma_start3A_386 = tpu.memref_slice %arg3[%dma_start3A_385, %multiple_of3A_372] : memref<8x1000000xf32, #tpu.memory_space<hbm>> -> memref<8x128xf32, #tpu.memory_space<hbm>>
    %dma_start3A_387 = arith.constant 0 : i32
    %dma_start3A_388 = arith.constant 0 : i32
    %dma_start3A_389 = tpu.memref_slice %arg7[%dma_start3A_380, %dma_start3A_387, %dma_start3A_388] : memref<32x8x128xf32, #tpu.memory_space<vmem>> -> memref<1x8x128xf32, #tpu.memory_space<vmem>>
    %dma_start3A_390 = tpu.memref_squeeze %dma_start3A_389 : memref<1x8x128xf32, #tpu.memory_space<vmem>> -> memref<8x128xf32, #tpu.memory_space<vmem>>
    %dma_start3A_391 = arith.constant 0 : i32
    %dma_start3A_392 = tpu.memref_slice %arg3[%dma_start3A_391, %multiple_of3A_372] : memref<8x1000000xf32, #tpu.memory_space<hbm>> -> memref<8x128xf32, #tpu.memory_space<hbm>>
    tpu.enqueue_dma source(%dma_start3A_392 : memref<8x128xf32, #tpu.memory_space<hbm>>) target(%dma_start3A_390 : memref<8x128xf32, #tpu.memory_space<vmem>>) target_semaphore(%arg10 : memref<!tpu.dma_semaphore, #tpu.memory_space<semaphore_mem>>)
    %dma_start3A_393 = arith.constant 9 : i32
    %dma_start3A_394 = arith.constant 0 : i32
    %dma_start3A_395 = arith.constant 0 : i32
    %dma_start3A_396 = tpu.memref_slice %arg8[%dma_start3A_393, %dma_start3A_394, %dma_start3A_395] : memref<32x8x128xf32, #tpu.memory_space<vmem>> -> memref<1x8x128xf32, #tpu.memory_space<vmem>>
    %dma_start3A_397 = tpu.memref_squeeze %dma_start3A_396 : memref<1x8x128xf32, #tpu.memory_space<vmem>> -> memref<8x128xf32, #tpu.memory_space<vmem>>
    %dma_start3A_398 = arith.constant 0 : i32
    %dma_start3A_399 = tpu.memref_slice %arg4[%dma_start3A_398, %multiple_of3A_379] : memref<8x1000000xf32, #tpu.memory_space<hbm>> -> memref<8x128xf32, #tpu.memory_space<hbm>>
    %dma_start3A_400 = arith.constant 0 : i32
    %dma_start3A_401 = arith.constant 0 : i32
    %dma_start3A_402 = tpu.memref_slice %arg8[%dma_start3A_393, %dma_start3A_400, %dma_start3A_401] : memref<32x8x128xf32, #tpu.memory_space<vmem>> -> memref<1x8x128xf32, #tpu.memory_space<vmem>>
    %dma_start3A_403 = tpu.memref_squeeze %dma_start3A_402 : memref<1x8x128xf32, #tpu.memory_space<vmem>> -> memref<8x128xf32, #tpu.memory_space<vmem>>
    %dma_start3A_404 = arith.constant 0 : i32
    %dma_start3A_405 = tpu.memref_slice %arg4[%dma_start3A_404, %multiple_of3A_379] : memref<8x1000000xf32, #tpu.memory_space<hbm>> -> memref<8x128xf32, #tpu.memory_space<hbm>>
    tpu.enqueue_dma source(%dma_start3A_405 : memref<8x128xf32, #tpu.memory_space<hbm>>) target(%dma_start3A_403 : memref<8x128xf32, #tpu.memory_space<vmem>>) target_semaphore(%arg11 : memref<!tpu.dma_semaphore, #tpu.memory_space<semaphore_mem>>)
    %slice3A_406 = vector.extract_strided_slice %get3A_6 {offsets = [10], sizes = [1], strides = [1]} : vector<16xi32> to vector<1xi32>
    %squeeze3A_407 = vector.extract %slice3A_406[0] : i32 from vector<1xi32>
    %shift_right_logical3A_408 = arith.constant 7 : i32
    %shift_right_logical3A_409 = arith.shrui %squeeze3A_407, %shift_right_logical3A_408 : i32
    %shift_left3A_410 = arith.constant 7 : i32
    %shift_left3A_411 = arith.shli %shift_right_logical3A_409, %shift_left3A_410 : i32
    %multiple_of3A_412 = tpu.assume_multiple %shift_left3A_411, 128 : i32
    %slice3A_413 = vector.extract_strided_slice %get3A_10 {offsets = [10], sizes = [1], strides = [1]} : vector<16xi32> to vector<1xi32>
    %squeeze3A_414 = vector.extract %slice3A_413[0] : i32 from vector<1xi32>
    %shift_right_logical3A_415 = arith.constant 7 : i32
    %shift_right_logical3A_416 = arith.shrui %squeeze3A_414, %shift_right_logical3A_415 : i32
    %shift_left3A_417 = arith.constant 7 : i32
    %shift_left3A_418 = arith.shli %shift_right_logical3A_416, %shift_left3A_417 : i32
    %multiple_of3A_419 = tpu.assume_multiple %shift_left3A_418, 128 : i32
    %dma_start3A_420 = arith.constant 10 : i32
    %dma_start3A_421 = arith.constant 0 : i32
    %dma_start3A_422 = arith.constant 0 : i32
    %dma_start3A_423 = tpu.memref_slice %arg7[%dma_start3A_420, %dma_start3A_421, %dma_start3A_422] : memref<32x8x128xf32, #tpu.memory_space<vmem>> -> memref<1x8x128xf32, #tpu.memory_space<vmem>>
    %dma_start3A_424 = tpu.memref_squeeze %dma_start3A_423 : memref<1x8x128xf32, #tpu.memory_space<vmem>> -> memref<8x128xf32, #tpu.memory_space<vmem>>
    %dma_start3A_425 = arith.constant 0 : i32
    %dma_start3A_426 = tpu.memref_slice %arg3[%dma_start3A_425, %multiple_of3A_412] : memref<8x1000000xf32, #tpu.memory_space<hbm>> -> memref<8x128xf32, #tpu.memory_space<hbm>>
    %dma_start3A_427 = arith.constant 0 : i32
    %dma_start3A_428 = arith.constant 0 : i32
    %dma_start3A_429 = tpu.memref_slice %arg7[%dma_start3A_420, %dma_start3A_427, %dma_start3A_428] : memref<32x8x128xf32, #tpu.memory_space<vmem>> -> memref<1x8x128xf32, #tpu.memory_space<vmem>>
    %dma_start3A_430 = tpu.memref_squeeze %dma_start3A_429 : memref<1x8x128xf32, #tpu.memory_space<vmem>> -> memref<8x128xf32, #tpu.memory_space<vmem>>
    %dma_start3A_431 = arith.constant 0 : i32
    %dma_start3A_432 = tpu.memref_slice %arg3[%dma_start3A_431, %multiple_of3A_412] : memref<8x1000000xf32, #tpu.memory_space<hbm>> -> memref<8x128xf32, #tpu.memory_space<hbm>>
    tpu.enqueue_dma source(%dma_start3A_432 : memref<8x128xf32, #tpu.memory_space<hbm>>) target(%dma_start3A_430 : memref<8x128xf32, #tpu.memory_space<vmem>>) target_semaphore(%arg10 : memref<!tpu.dma_semaphore, #tpu.memory_space<semaphore_mem>>)
    %dma_start3A_433 = arith.constant 10 : i32
    %dma_start3A_434 = arith.constant 0 : i32
    %dma_start3A_435 = arith.constant 0 : i32
    %dma_start3A_436 = tpu.memref_slice %arg8[%dma_start3A_433, %dma_start3A_434, %dma_start3A_435] : memref<32x8x128xf32, #tpu.memory_space<vmem>> -> memref<1x8x128xf32, #tpu.memory_space<vmem>>
    %dma_start3A_437 = tpu.memref_squeeze %dma_start3A_436 : memref<1x8x128xf32, #tpu.memory_space<vmem>> -> memref<8x128xf32, #tpu.memory_space<vmem>>
    %dma_start3A_438 = arith.constant 0 : i32
    %dma_start3A_439 = tpu.memref_slice %arg4[%dma_start3A_438, %multiple_of3A_419] : memref<8x1000000xf32, #tpu.memory_space<hbm>> -> memref<8x128xf32, #tpu.memory_space<hbm>>
    %dma_start3A_440 = arith.constant 0 : i32
    %dma_start3A_441 = arith.constant 0 : i32
    %dma_start3A_442 = tpu.memref_slice %arg8[%dma_start3A_433, %dma_start3A_440, %dma_start3A_441] : memref<32x8x128xf32, #tpu.memory_space<vmem>> -> memref<1x8x128xf32, #tpu.memory_space<vmem>>
    %dma_start3A_443 = tpu.memref_squeeze %dma_start3A_442 : memref<1x8x128xf32, #tpu.memory_space<vmem>> -> memref<8x128xf32, #tpu.memory_space<vmem>>
    %dma_start3A_444 = arith.constant 0 : i32
    %dma_start3A_445 = tpu.memref_slice %arg4[%dma_start3A_444, %multiple_of3A_419] : memref<8x1000000xf32, #tpu.memory_space<hbm>> -> memref<8x128xf32, #tpu.memory_space<hbm>>
    tpu.enqueue_dma source(%dma_start3A_445 : memref<8x128xf32, #tpu.memory_space<hbm>>) target(%dma_start3A_443 : memref<8x128xf32, #tpu.memory_space<vmem>>) target_semaphore(%arg11 : memref<!tpu.dma_semaphore, #tpu.memory_space<semaphore_mem>>)
    %slice3A_446 = vector.extract_strided_slice %get3A_6 {offsets = [11], sizes = [1], strides = [1]} : vector<16xi32> to vector<1xi32>
    %squeeze3A_447 = vector.extract %slice3A_446[0] : i32 from vector<1xi32>
    %shift_right_logical3A_448 = arith.constant 7 : i32
    %shift_right_logical3A_449 = arith.shrui %squeeze3A_447, %shift_right_logical3A_448 : i32
    %shift_left3A_450 = arith.constant 7 : i32
    %shift_left3A_451 = arith.shli %shift_right_logical3A_449, %shift_left3A_450 : i32
    %multiple_of3A_452 = tpu.assume_multiple %shift_left3A_451, 128 : i32
    %slice3A_453 = vector.extract_strided_slice %get3A_10 {offsets = [11], sizes = [1], strides = [1]} : vector<16xi32> to vector<1xi32>
    %squeeze3A_454 = vector.extract %slice3A_453[0] : i32 from vector<1xi32>
    %shift_right_logical3A_455 = arith.constant 7 : i32
    %shift_right_logical3A_456 = arith.shrui %squeeze3A_454, %shift_right_logical3A_455 : i32
    %shift_left3A_457 = arith.constant 7 : i32
    %shift_left3A_458 = arith.shli %shift_right_logical3A_456, %shift_left3A_457 : i32
    %multiple_of3A_459 = tpu.assume_multiple %shift_left3A_458, 128 : i32
    %dma_start3A_460 = arith.constant 11 : i32
    %dma_start3A_461 = arith.constant 0 : i32
    %dma_start3A_462 = arith.constant 0 : i32
    %dma_start3A_463 = tpu.memref_slice %arg7[%dma_start3A_460, %dma_start3A_461, %dma_start3A_462] : memref<32x8x128xf32, #tpu.memory_space<vmem>> -> memref<1x8x128xf32, #tpu.memory_space<vmem>>
    %dma_start3A_464 = tpu.memref_squeeze %dma_start3A_463 : memref<1x8x128xf32, #tpu.memory_space<vmem>> -> memref<8x128xf32, #tpu.memory_space<vmem>>
    %dma_start3A_465 = arith.constant 0 : i32
    %dma_start3A_466 = tpu.memref_slice %arg3[%dma_start3A_465, %multiple_of3A_452] : memref<8x1000000xf32, #tpu.memory_space<hbm>> -> memref<8x128xf32, #tpu.memory_space<hbm>>
    %dma_start3A_467 = arith.constant 0 : i32
    %dma_start3A_468 = arith.constant 0 : i32
    %dma_start3A_469 = tpu.memref_slice %arg7[%dma_start3A_460, %dma_start3A_467, %dma_start3A_468] : memref<32x8x128xf32, #tpu.memory_space<vmem>> -> memref<1x8x128xf32, #tpu.memory_space<vmem>>
    %dma_start3A_470 = tpu.memref_squeeze %dma_start3A_469 : memref<1x8x128xf32, #tpu.memory_space<vmem>> -> memref<8x128xf32, #tpu.memory_space<vmem>>
    %dma_start3A_471 = arith.constant 0 : i32
    %dma_start3A_472 = tpu.memref_slice %arg3[%dma_start3A_471, %multiple_of3A_452] : memref<8x1000000xf32, #tpu.memory_space<hbm>> -> memref<8x128xf32, #tpu.memory_space<hbm>>
    tpu.enqueue_dma source(%dma_start3A_472 : memref<8x128xf32, #tpu.memory_space<hbm>>) target(%dma_start3A_470 : memref<8x128xf32, #tpu.memory_space<vmem>>) target_semaphore(%arg10 : memref<!tpu.dma_semaphore, #tpu.memory_space<semaphore_mem>>)
    %dma_start3A_473 = arith.constant 11 : i32
    %dma_start3A_474 = arith.constant 0 : i32
    %dma_start3A_475 = arith.constant 0 : i32
    %dma_start3A_476 = tpu.memref_slice %arg8[%dma_start3A_473, %dma_start3A_474, %dma_start3A_475] : memref<32x8x128xf32, #tpu.memory_space<vmem>> -> memref<1x8x128xf32, #tpu.memory_space<vmem>>
    %dma_start3A_477 = tpu.memref_squeeze %dma_start3A_476 : memref<1x8x128xf32, #tpu.memory_space<vmem>> -> memref<8x128xf32, #tpu.memory_space<vmem>>
    %dma_start3A_478 = arith.constant 0 : i32
    %dma_start3A_479 = tpu.memref_slice %arg4[%dma_start3A_478, %multiple_of3A_459] : memref<8x1000000xf32, #tpu.memory_space<hbm>> -> memref<8x128xf32, #tpu.memory_space<hbm>>
    %dma_start3A_480 = arith.constant 0 : i32
    %dma_start3A_481 = arith.constant 0 : i32
    %dma_start3A_482 = tpu.memref_slice %arg8[%dma_start3A_473, %dma_start3A_480, %dma_start3A_481] : memref<32x8x128xf32, #tpu.memory_space<vmem>> -> memref<1x8x128xf32, #tpu.memory_space<vmem>>
    %dma_start3A_483 = tpu.memref_squeeze %dma_start3A_482 : memref<1x8x128xf32, #tpu.memory_space<vmem>> -> memref<8x128xf32, #tpu.memory_space<vmem>>
    %dma_start3A_484 = arith.constant 0 : i32
    %dma_start3A_485 = tpu.memref_slice %arg4[%dma_start3A_484, %multiple_of3A_459] : memref<8x1000000xf32, #tpu.memory_space<hbm>> -> memref<8x128xf32, #tpu.memory_space<hbm>>
    tpu.enqueue_dma source(%dma_start3A_485 : memref<8x128xf32, #tpu.memory_space<hbm>>) target(%dma_start3A_483 : memref<8x128xf32, #tpu.memory_space<vmem>>) target_semaphore(%arg11 : memref<!tpu.dma_semaphore, #tpu.memory_space<semaphore_mem>>)
    %slice3A_486 = vector.extract_strided_slice %get3A_6 {offsets = [12], sizes = [1], strides = [1]} : vector<16xi32> to vector<1xi32>
    %squeeze3A_487 = vector.extract %slice3A_486[0] : i32 from vector<1xi32>
    %shift_right_logical3A_488 = arith.constant 7 : i32
    %shift_right_logical3A_489 = arith.shrui %squeeze3A_487, %shift_right_logical3A_488 : i32
    %shift_left3A_490 = arith.constant 7 : i32
    %shift_left3A_491 = arith.shli %shift_right_logical3A_489, %shift_left3A_490 : i32
    %multiple_of3A_492 = tpu.assume_multiple %shift_left3A_491, 128 : i32
    %slice3A_493 = vector.extract_strided_slice %get3A_10 {offsets = [12], sizes = [1], strides = [1]} : vector<16xi32> to vector<1xi32>
    %squeeze3A_494 = vector.extract %slice3A_493[0] : i32 from vector<1xi32>
    %shift_right_logical3A_495 = arith.constant 7 : i32
    %shift_right_logical3A_496 = arith.shrui %squeeze3A_494, %shift_right_logical3A_495 : i32
    %shift_left3A_497 = arith.constant 7 : i32
    %shift_left3A_498 = arith.shli %shift_right_logical3A_496, %shift_left3A_497 : i32
    %multiple_of3A_499 = tpu.assume_multiple %shift_left3A_498, 128 : i32
    %dma_start3A_500 = arith.constant 12 : i32
    %dma_start3A_501 = arith.constant 0 : i32
    %dma_start3A_502 = arith.constant 0 : i32
    %dma_start3A_503 = tpu.memref_slice %arg7[%dma_start3A_500, %dma_start3A_501, %dma_start3A_502] : memref<32x8x128xf32, #tpu.memory_space<vmem>> -> memref<1x8x128xf32, #tpu.memory_space<vmem>>
    %dma_start3A_504 = tpu.memref_squeeze %dma_start3A_503 : memref<1x8x128xf32, #tpu.memory_space<vmem>> -> memref<8x128xf32, #tpu.memory_space<vmem>>
    %dma_start3A_505 = arith.constant 0 : i32
    %dma_start3A_506 = tpu.memref_slice %arg3[%dma_start3A_505, %multiple_of3A_492] : memref<8x1000000xf32, #tpu.memory_space<hbm>> -> memref<8x128xf32, #tpu.memory_space<hbm>>
    %dma_start3A_507 = arith.constant 0 : i32
    %dma_start3A_508 = arith.constant 0 : i32
    %dma_start3A_509 = tpu.memref_slice %arg7[%dma_start3A_500, %dma_start3A_507, %dma_start3A_508] : memref<32x8x128xf32, #tpu.memory_space<vmem>> -> memref<1x8x128xf32, #tpu.memory_space<vmem>>
    %dma_start3A_510 = tpu.memref_squeeze %dma_start3A_509 : memref<1x8x128xf32, #tpu.memory_space<vmem>> -> memref<8x128xf32, #tpu.memory_space<vmem>>
    %dma_start3A_511 = arith.constant 0 : i32
    %dma_start3A_512 = tpu.memref_slice %arg3[%dma_start3A_511, %multiple_of3A_492] : memref<8x1000000xf32, #tpu.memory_space<hbm>> -> memref<8x128xf32, #tpu.memory_space<hbm>>
    tpu.enqueue_dma source(%dma_start3A_512 : memref<8x128xf32, #tpu.memory_space<hbm>>) target(%dma_start3A_510 : memref<8x128xf32, #tpu.memory_space<vmem>>) target_semaphore(%arg10 : memref<!tpu.dma_semaphore, #tpu.memory_space<semaphore_mem>>)
    %dma_start3A_513 = arith.constant 12 : i32
    %dma_start3A_514 = arith.constant 0 : i32
    %dma_start3A_515 = arith.constant 0 : i32
    %dma_start3A_516 = tpu.memref_slice %arg8[%dma_start3A_513, %dma_start3A_514, %dma_start3A_515] : memref<32x8x128xf32, #tpu.memory_space<vmem>> -> memref<1x8x128xf32, #tpu.memory_space<vmem>>
    %dma_start3A_517 = tpu.memref_squeeze %dma_start3A_516 : memref<1x8x128xf32, #tpu.memory_space<vmem>> -> memref<8x128xf32, #tpu.memory_space<vmem>>
    %dma_start3A_518 = arith.constant 0 : i32
    %dma_start3A_519 = tpu.memref_slice %arg4[%dma_start3A_518, %multiple_of3A_499] : memref<8x1000000xf32, #tpu.memory_space<hbm>> -> memref<8x128xf32, #tpu.memory_space<hbm>>
    %dma_start3A_520 = arith.constant 0 : i32
    %dma_start3A_521 = arith.constant 0 : i32
    %dma_start3A_522 = tpu.memref_slice %arg8[%dma_start3A_513, %dma_start3A_520, %dma_start3A_521] : memref<32x8x128xf32, #tpu.memory_space<vmem>> -> memref<1x8x128xf32, #tpu.memory_space<vmem>>
    %dma_start3A_523 = tpu.memref_squeeze %dma_start3A_522 : memref<1x8x128xf32, #tpu.memory_space<vmem>> -> memref<8x128xf32, #tpu.memory_space<vmem>>
    %dma_start3A_524 = arith.constant 0 : i32
    %dma_start3A_525 = tpu.memref_slice %arg4[%dma_start3A_524, %multiple_of3A_499] : memref<8x1000000xf32, #tpu.memory_space<hbm>> -> memref<8x128xf32, #tpu.memory_space<hbm>>
    tpu.enqueue_dma source(%dma_start3A_525 : memref<8x128xf32, #tpu.memory_space<hbm>>) target(%dma_start3A_523 : memref<8x128xf32, #tpu.memory_space<vmem>>) target_semaphore(%arg11 : memref<!tpu.dma_semaphore, #tpu.memory_space<semaphore_mem>>)
    %slice3A_526 = vector.extract_strided_slice %get3A_6 {offsets = [13], sizes = [1], strides = [1]} : vector<16xi32> to vector<1xi32>
    %squeeze3A_527 = vector.extract %slice3A_526[0] : i32 from vector<1xi32>
    %shift_right_logical3A_528 = arith.constant 7 : i32
    %shift_right_logical3A_529 = arith.shrui %squeeze3A_527, %shift_right_logical3A_528 : i32
    %shift_left3A_530 = arith.constant 7 : i32
    %shift_left3A_531 = arith.shli %shift_right_logical3A_529, %shift_left3A_530 : i32
    %multiple_of3A_532 = tpu.assume_multiple %shift_left3A_531, 128 : i32
    %slice3A_533 = vector.extract_strided_slice %get3A_10 {offsets = [13], sizes = [1], strides = [1]} : vector<16xi32> to vector<1xi32>
    %squeeze3A_534 = vector.extract %slice3A_533[0] : i32 from vector<1xi32>
    %shift_right_logical3A_535 = arith.constant 7 : i32
    %shift_right_logical3A_536 = arith.shrui %squeeze3A_534, %shift_right_logical3A_535 : i32
    %shift_left3A_537 = arith.constant 7 : i32
    %shift_left3A_538 = arith.shli %shift_right_logical3A_536, %shift_left3A_537 : i32
    %multiple_of3A_539 = tpu.assume_multiple %shift_left3A_538, 128 : i32
    %dma_start3A_540 = arith.constant 13 : i32
    %dma_start3A_541 = arith.constant 0 : i32
    %dma_start3A_542 = arith.constant 0 : i32
    %dma_start3A_543 = tpu.memref_slice %arg7[%dma_start3A_540, %dma_start3A_541, %dma_start3A_542] : memref<32x8x128xf32, #tpu.memory_space<vmem>> -> memref<1x8x128xf32, #tpu.memory_space<vmem>>
    %dma_start3A_544 = tpu.memref_squeeze %dma_start3A_543 : memref<1x8x128xf32, #tpu.memory_space<vmem>> -> memref<8x128xf32, #tpu.memory_space<vmem>>
    %dma_start3A_545 = arith.constant 0 : i32
    %dma_start3A_546 = tpu.memref_slice %arg3[%dma_start3A_545, %multiple_of3A_532] : memref<8x1000000xf32, #tpu.memory_space<hbm>> -> memref<8x128xf32, #tpu.memory_space<hbm>>
    %dma_start3A_547 = arith.constant 0 : i32
    %dma_start3A_548 = arith.constant 0 : i32
    %dma_start3A_549 = tpu.memref_slice %arg7[%dma_start3A_540, %dma_start3A_547, %dma_start3A_548] : memref<32x8x128xf32, #tpu.memory_space<vmem>> -> memref<1x8x128xf32, #tpu.memory_space<vmem>>
    %dma_start3A_550 = tpu.memref_squeeze %dma_start3A_549 : memref<1x8x128xf32, #tpu.memory_space<vmem>> -> memref<8x128xf32, #tpu.memory_space<vmem>>
    %dma_start3A_551 = arith.constant 0 : i32
    %dma_start3A_552 = tpu.memref_slice %arg3[%dma_start3A_551, %multiple_of3A_532] : memref<8x1000000xf32, #tpu.memory_space<hbm>> -> memref<8x128xf32, #tpu.memory_space<hbm>>
    tpu.enqueue_dma source(%dma_start3A_552 : memref<8x128xf32, #tpu.memory_space<hbm>>) target(%dma_start3A_550 : memref<8x128xf32, #tpu.memory_space<vmem>>) target_semaphore(%arg10 : memref<!tpu.dma_semaphore, #tpu.memory_space<semaphore_mem>>)
    %dma_start3A_553 = arith.constant 13 : i32
    %dma_start3A_554 = arith.constant 0 : i32
    %dma_start3A_555 = arith.constant 0 : i32
    %dma_start3A_556 = tpu.memref_slice %arg8[%dma_start3A_553, %dma_start3A_554, %dma_start3A_555] : memref<32x8x128xf32, #tpu.memory_space<vmem>> -> memref<1x8x128xf32, #tpu.memory_space<vmem>>
    %dma_start3A_557 = tpu.memref_squeeze %dma_start3A_556 : memref<1x8x128xf32, #tpu.memory_space<vmem>> -> memref<8x128xf32, #tpu.memory_space<vmem>>
    %dma_start3A_558 = arith.constant 0 : i32
    %dma_start3A_559 = tpu.memref_slice %arg4[%dma_start3A_558, %multiple_of3A_539] : memref<8x1000000xf32, #tpu.memory_space<hbm>> -> memref<8x128xf32, #tpu.memory_space<hbm>>
    %dma_start3A_560 = arith.constant 0 : i32
    %dma_start3A_561 = arith.constant 0 : i32
    %dma_start3A_562 = tpu.memref_slice %arg8[%dma_start3A_553, %dma_start3A_560, %dma_start3A_561] : memref<32x8x128xf32, #tpu.memory_space<vmem>> -> memref<1x8x128xf32, #tpu.memory_space<vmem>>
    %dma_start3A_563 = tpu.memref_squeeze %dma_start3A_562 : memref<1x8x128xf32, #tpu.memory_space<vmem>> -> memref<8x128xf32, #tpu.memory_space<vmem>>
    %dma_start3A_564 = arith.constant 0 : i32
    %dma_start3A_565 = tpu.memref_slice %arg4[%dma_start3A_564, %multiple_of3A_539] : memref<8x1000000xf32, #tpu.memory_space<hbm>> -> memref<8x128xf32, #tpu.memory_space<hbm>>
    tpu.enqueue_dma source(%dma_start3A_565 : memref<8x128xf32, #tpu.memory_space<hbm>>) target(%dma_start3A_563 : memref<8x128xf32, #tpu.memory_space<vmem>>) target_semaphore(%arg11 : memref<!tpu.dma_semaphore, #tpu.memory_space<semaphore_mem>>)
    %slice3A_566 = vector.extract_strided_slice %get3A_6 {offsets = [14], sizes = [1], strides = [1]} : vector<16xi32> to vector<1xi32>
    %squeeze3A_567 = vector.extract %slice3A_566[0] : i32 from vector<1xi32>
    %shift_right_logical3A_568 = arith.constant 7 : i32
    %shift_right_logical3A_569 = arith.shrui %squeeze3A_567, %shift_right_logical3A_568 : i32
    %shift_left3A_570 = arith.constant 7 : i32
    %shift_left3A_571 = arith.shli %shift_right_logical3A_569, %shift_left3A_570 : i32
    %multiple_of3A_572 = tpu.assume_multiple %shift_left3A_571, 128 : i32
    %slice3A_573 = vector.extract_strided_slice %get3A_10 {offsets = [14], sizes = [1], strides = [1]} : vector<16xi32> to vector<1xi32>
    %squeeze3A_574 = vector.extract %slice3A_573[0] : i32 from vector<1xi32>
    %shift_right_logical3A_575 = arith.constant 7 : i32
    %shift_right_logical3A_576 = arith.shrui %squeeze3A_574, %shift_right_logical3A_575 : i32
    %shift_left3A_577 = arith.constant 7 : i32
    %shift_left3A_578 = arith.shli %shift_right_logical3A_576, %shift_left3A_577 : i32
    %multiple_of3A_579 = tpu.assume_multiple %shift_left3A_578, 128 : i32
    %dma_start3A_580 = arith.constant 14 : i32
    %dma_start3A_581 = arith.constant 0 : i32
    %dma_start3A_582 = arith.constant 0 : i32
    %dma_start3A_583 = tpu.memref_slice %arg7[%dma_start3A_580, %dma_start3A_581, %dma_start3A_582] : memref<32x8x128xf32, #tpu.memory_space<vmem>> -> memref<1x8x128xf32, #tpu.memory_space<vmem>>
    %dma_start3A_584 = tpu.memref_squeeze %dma_start3A_583 : memref<1x8x128xf32, #tpu.memory_space<vmem>> -> memref<8x128xf32, #tpu.memory_space<vmem>>
    %dma_start3A_585 = arith.constant 0 : i32
    %dma_start3A_586 = tpu.memref_slice %arg3[%dma_start3A_585, %multiple_of3A_572] : memref<8x1000000xf32, #tpu.memory_space<hbm>> -> memref<8x128xf32, #tpu.memory_space<hbm>>
    %dma_start3A_587 = arith.constant 0 : i32
    %dma_start3A_588 = arith.constant 0 : i32
    %dma_start3A_589 = tpu.memref_slice %arg7[%dma_start3A_580, %dma_start3A_587, %dma_start3A_588] : memref<32x8x128xf32, #tpu.memory_space<vmem>> -> memref<1x8x128xf32, #tpu.memory_space<vmem>>
    %dma_start3A_590 = tpu.memref_squeeze %dma_start3A_589 : memref<1x8x128xf32, #tpu.memory_space<vmem>> -> memref<8x128xf32, #tpu.memory_space<vmem>>
    %dma_start3A_591 = arith.constant 0 : i32
    %dma_start3A_592 = tpu.memref_slice %arg3[%dma_start3A_591, %multiple_of3A_572] : memref<8x1000000xf32, #tpu.memory_space<hbm>> -> memref<8x128xf32, #tpu.memory_space<hbm>>
    tpu.enqueue_dma source(%dma_start3A_592 : memref<8x128xf32, #tpu.memory_space<hbm>>) target(%dma_start3A_590 : memref<8x128xf32, #tpu.memory_space<vmem>>) target_semaphore(%arg10 : memref<!tpu.dma_semaphore, #tpu.memory_space<semaphore_mem>>)
    %dma_start3A_593 = arith.constant 14 : i32
    %dma_start3A_594 = arith.constant 0 : i32
    %dma_start3A_595 = arith.constant 0 : i32
    %dma_start3A_596 = tpu.memref_slice %arg8[%dma_start3A_593, %dma_start3A_594, %dma_start3A_595] : memref<32x8x128xf32, #tpu.memory_space<vmem>> -> memref<1x8x128xf32, #tpu.memory_space<vmem>>
    %dma_start3A_597 = tpu.memref_squeeze %dma_start3A_596 : memref<1x8x128xf32, #tpu.memory_space<vmem>> -> memref<8x128xf32, #tpu.memory_space<vmem>>
    %dma_start3A_598 = arith.constant 0 : i32
    %dma_start3A_599 = tpu.memref_slice %arg4[%dma_start3A_598, %multiple_of3A_579] : memref<8x1000000xf32, #tpu.memory_space<hbm>> -> memref<8x128xf32, #tpu.memory_space<hbm>>
    %dma_start3A_600 = arith.constant 0 : i32
    %dma_start3A_601 = arith.constant 0 : i32
    %dma_start3A_602 = tpu.memref_slice %arg8[%dma_start3A_593, %dma_start3A_600, %dma_start3A_601] : memref<32x8x128xf32, #tpu.memory_space<vmem>> -> memref<1x8x128xf32, #tpu.memory_space<vmem>>
    %dma_start3A_603 = tpu.memref_squeeze %dma_start3A_602 : memref<1x8x128xf32, #tpu.memory_space<vmem>> -> memref<8x128xf32, #tpu.memory_space<vmem>>
    %dma_start3A_604 = arith.constant 0 : i32
    %dma_start3A_605 = tpu.memref_slice %arg4[%dma_start3A_604, %multiple_of3A_579] : memref<8x1000000xf32, #tpu.memory_space<hbm>> -> memref<8x128xf32, #tpu.memory_space<hbm>>
    tpu.enqueue_dma source(%dma_start3A_605 : memref<8x128xf32, #tpu.memory_space<hbm>>) target(%dma_start3A_603 : memref<8x128xf32, #tpu.memory_space<vmem>>) target_semaphore(%arg11 : memref<!tpu.dma_semaphore, #tpu.memory_space<semaphore_mem>>)
    %slice3A_606 = vector.extract_strided_slice %get3A_6 {offsets = [15], sizes = [1], strides = [1]} : vector<16xi32> to vector<1xi32>
    %squeeze3A_607 = vector.extract %slice3A_606[0] : i32 from vector<1xi32>
    %shift_right_logical3A_608 = arith.constant 7 : i32
    %shift_right_logical3A_609 = arith.shrui %squeeze3A_607, %shift_right_logical3A_608 : i32
    %shift_left3A_610 = arith.constant 7 : i32
    %shift_left3A_611 = arith.shli %shift_right_logical3A_609, %shift_left3A_610 : i32
    %multiple_of3A_612 = tpu.assume_multiple %shift_left3A_611, 128 : i32
    %slice3A_613 = vector.extract_strided_slice %get3A_10 {offsets = [15], sizes = [1], strides = [1]} : vector<16xi32> to vector<1xi32>
    %squeeze3A_614 = vector.extract %slice3A_613[0] : i32 from vector<1xi32>
    %shift_right_logical3A_615 = arith.constant 7 : i32
    %shift_right_logical3A_616 = arith.shrui %squeeze3A_614, %shift_right_logical3A_615 : i32
    %shift_left3A_617 = arith.constant 7 : i32
    %shift_left3A_618 = arith.shli %shift_right_logical3A_616, %shift_left3A_617 : i32
    %multiple_of3A_619 = tpu.assume_multiple %shift_left3A_618, 128 : i32
    %dma_start3A_620 = arith.constant 15 : i32
    %dma_start3A_621 = arith.constant 0 : i32
    %dma_start3A_622 = arith.constant 0 : i32
    %dma_start3A_623 = tpu.memref_slice %arg7[%dma_start3A_620, %dma_start3A_621, %dma_start3A_622] : memref<32x8x128xf32, #tpu.memory_space<vmem>> -> memref<1x8x128xf32, #tpu.memory_space<vmem>>
    %dma_start3A_624 = tpu.memref_squeeze %dma_start3A_623 : memref<1x8x128xf32, #tpu.memory_space<vmem>> -> memref<8x128xf32, #tpu.memory_space<vmem>>
    %dma_start3A_625 = arith.constant 0 : i32
    %dma_start3A_626 = tpu.memref_slice %arg3[%dma_start3A_625, %multiple_of3A_612] : memref<8x1000000xf32, #tpu.memory_space<hbm>> -> memref<8x128xf32, #tpu.memory_space<hbm>>
    %dma_start3A_627 = arith.constant 0 : i32
    %dma_start3A_628 = arith.constant 0 : i32
    %dma_start3A_629 = tpu.memref_slice %arg7[%dma_start3A_620, %dma_start3A_627, %dma_start3A_628] : memref<32x8x128xf32, #tpu.memory_space<vmem>> -> memref<1x8x128xf32, #tpu.memory_space<vmem>>
    %dma_start3A_630 = tpu.memref_squeeze %dma_start3A_629 : memref<1x8x128xf32, #tpu.memory_space<vmem>> -> memref<8x128xf32, #tpu.memory_space<vmem>>
    %dma_start3A_631 = arith.constant 0 : i32
    %dma_start3A_632 = tpu.memref_slice %arg3[%dma_start3A_631, %multiple_of3A_612] : memref<8x1000000xf32, #tpu.memory_space<hbm>> -> memref<8x128xf32, #tpu.memory_space<hbm>>
    tpu.enqueue_dma source(%dma_start3A_632 : memref<8x128xf32, #tpu.memory_space<hbm>>) target(%dma_start3A_630 : memref<8x128xf32, #tpu.memory_space<vmem>>) target_semaphore(%arg10 : memref<!tpu.dma_semaphore, #tpu.memory_space<semaphore_mem>>)
    %dma_start3A_633 = arith.constant 15 : i32
    %dma_start3A_634 = arith.constant 0 : i32
    %dma_start3A_635 = arith.constant 0 : i32
    %dma_start3A_636 = tpu.memref_slice %arg8[%dma_start3A_633, %dma_start3A_634, %dma_start3A_635] : memref<32x8x128xf32, #tpu.memory_space<vmem>> -> memref<1x8x128xf32, #tpu.memory_space<vmem>>
    %dma_start3A_637 = tpu.memref_squeeze %dma_start3A_636 : memref<1x8x128xf32, #tpu.memory_space<vmem>> -> memref<8x128xf32, #tpu.memory_space<vmem>>
    %dma_start3A_638 = arith.constant 0 : i32
    %dma_start3A_639 = tpu.memref_slice %arg4[%dma_start3A_638, %multiple_of3A_619] : memref<8x1000000xf32, #tpu.memory_space<hbm>> -> memref<8x128xf32, #tpu.memory_space<hbm>>
    %dma_start3A_640 = arith.constant 0 : i32
    %dma_start3A_641 = arith.constant 0 : i32
    %dma_start3A_642 = tpu.memref_slice %arg8[%dma_start3A_633, %dma_start3A_640, %dma_start3A_641] : memref<32x8x128xf32, #tpu.memory_space<vmem>> -> memref<1x8x128xf32, #tpu.memory_space<vmem>>
    %dma_start3A_643 = tpu.memref_squeeze %dma_start3A_642 : memref<1x8x128xf32, #tpu.memory_space<vmem>> -> memref<8x128xf32, #tpu.memory_space<vmem>>
    %dma_start3A_644 = arith.constant 0 : i32
    %dma_start3A_645 = tpu.memref_slice %arg4[%dma_start3A_644, %multiple_of3A_619] : memref<8x1000000xf32, #tpu.memory_space<hbm>> -> memref<8x128xf32, #tpu.memory_space<hbm>>
    tpu.enqueue_dma source(%dma_start3A_645 : memref<8x128xf32, #tpu.memory_space<hbm>>) target(%dma_start3A_643 : memref<8x128xf32, #tpu.memory_space<vmem>>) target_semaphore(%arg11 : memref<!tpu.dma_semaphore, #tpu.memory_space<semaphore_mem>>)
    %scan3A = arith.constant 0 : i32
    %scan3A_646 = arith.constant 0 : i32
    %scan3A_647 = arith.constant 16 : i32
    %scan3A_648 = arith.addi %scan3A_646, %scan3A_647 : i32
    %scan3A_649 = arith.constant 1 : i32
    scf.for %scan3A_651 = %scan3A_646 to %scan3A_648 step %scan3A_649  : i32 {
      %mul3A_652 = arith.constant 2 : i32
      %mul3A_653 = arith.muli %scan3A_651, %mul3A_652 : i32
      %add3A_654 = arith.constant 1 : i32
      %add3A_655 = arith.addi %mul3A_653, %add3A_654 : i32
      %mul3A_656 = arith.constant 16 : i32
      %mul3A_657 = arith.muli %add3A_655, %mul3A_656 : i32
      %get3A_658 = arith.constant 0 : i32
      %get3A_659 = arith.index_cast %get3A_658 : i32 to index
      %get3A_660 = arith.index_cast %mul3A_657 : i32 to index
      %get3A_661 = tpu.vector_load %arg6[%get3A_659, %get3A_660] {strides = array<i32>} : memref<2x512xi32, #tpu.memory_space<vmem>>, vector<16xi32>,
      %mul3A_662 = arith.constant 16 : i32
      %mul3A_663 = arith.muli %add3A_655, %mul3A_662 : i32
      %get3A_664 = arith.constant 1 : i32
      %get3A_665 = arith.index_cast %get3A_664 : i32 to index
      %get3A_666 = arith.index_cast %mul3A_663 : i32 to index
      %get3A_667 = tpu.vector_load %arg6[%get3A_665, %get3A_666] {strides = array<i32>} : memref<2x512xi32, #tpu.memory_space<vmem>>, vector<16xi32>,
      %slice3A_668 = vector.extract_strided_slice %get3A_661 {offsets = [0], sizes = [1], strides = [1]} : vector<16xi32> to vector<1xi32>
      %squeeze3A_669 = vector.extract %slice3A_668[0] : i32 from vector<1xi32>
      %shift_right_logical3A_670 = arith.constant 7 : i32
      %shift_right_logical3A_671 = arith.shrui %squeeze3A_669, %shift_right_logical3A_670 : i32
      %shift_left3A_672 = arith.constant 7 : i32
      %shift_left3A_673 = arith.shli %shift_right_logical3A_671, %shift_left3A_672 : i32
      %multiple_of3A_674 = tpu.assume_multiple %shift_left3A_673, 128 : i32
      %slice3A_675 = vector.extract_strided_slice %get3A_667 {offsets = [0], sizes = [1], strides = [1]} : vector<16xi32> to vector<1xi32>
      %squeeze3A_676 = vector.extract %slice3A_675[0] : i32 from vector<1xi32>
      %shift_right_logical3A_677 = arith.constant 7 : i32
      %shift_right_logical3A_678 = arith.shrui %squeeze3A_676, %shift_right_logical3A_677 : i32
      %shift_left3A_679 = arith.constant 7 : i32
      %shift_left3A_680 = arith.shli %shift_right_logical3A_678, %shift_left3A_679 : i32
      %multiple_of3A_681 = tpu.assume_multiple %shift_left3A_680, 128 : i32
      %dma_start3A_682 = arith.constant 16 : i32
      %dma_start3A_683 = arith.constant 0 : i32
      %dma_start3A_684 = arith.constant 0 : i32
      %dma_start3A_685 = tpu.memref_slice %arg7[%dma_start3A_682, %dma_start3A_683, %dma_start3A_684] : memref<32x8x128xf32, #tpu.memory_space<vmem>> -> memref<1x8x128xf32, #tpu.memory_space<vmem>>
      %dma_start3A_686 = tpu.memref_squeeze %dma_start3A_685 : memref<1x8x128xf32, #tpu.memory_space<vmem>> -> memref<8x128xf32, #tpu.memory_space<vmem>>
      %dma_start3A_687 = arith.constant 0 : i32
      %dma_start3A_688 = tpu.memref_slice %arg3[%dma_start3A_687, %multiple_of3A_674] : memref<8x1000000xf32, #tpu.memory_space<hbm>> -> memref<8x128xf32, #tpu.memory_space<hbm>>
      %dma_start3A_689 = arith.constant 0 : i32
      %dma_start3A_690 = arith.constant 0 : i32
      %dma_start3A_691 = tpu.memref_slice %arg7[%dma_start3A_682, %dma_start3A_689, %dma_start3A_690] : memref<32x8x128xf32, #tpu.memory_space<vmem>> -> memref<1x8x128xf32, #tpu.memory_space<vmem>>
      %dma_start3A_692 = tpu.memref_squeeze %dma_start3A_691 : memref<1x8x128xf32, #tpu.memory_space<vmem>> -> memref<8x128xf32, #tpu.memory_space<vmem>>
      %dma_start3A_693 = arith.constant 0 : i32
      %dma_start3A_694 = tpu.memref_slice %arg3[%dma_start3A_693, %multiple_of3A_674] : memref<8x1000000xf32, #tpu.memory_space<hbm>> -> memref<8x128xf32, #tpu.memory_space<hbm>>
      tpu.enqueue_dma source(%dma_start3A_694 : memref<8x128xf32, #tpu.memory_space<hbm>>) target(%dma_start3A_692 : memref<8x128xf32, #tpu.memory_space<vmem>>) target_semaphore(%arg12 : memref<!tpu.dma_semaphore, #tpu.memory_space<semaphore_mem>>)
      %dma_start3A_695 = arith.constant 16 : i32
      %dma_start3A_696 = arith.constant 0 : i32
      %dma_start3A_697 = arith.constant 0 : i32
      %dma_start3A_698 = tpu.memref_slice %arg8[%dma_start3A_695, %dma_start3A_696, %dma_start3A_697] : memref<32x8x128xf32, #tpu.memory_space<vmem>> -> memref<1x8x128xf32, #tpu.memory_space<vmem>>
      %dma_start3A_699 = tpu.memref_squeeze %dma_start3A_698 : memref<1x8x128xf32, #tpu.memory_space<vmem>> -> memref<8x128xf32, #tpu.memory_space<vmem>>
      %dma_start3A_700 = arith.constant 0 : i32
      %dma_start3A_701 = tpu.memref_slice %arg4[%dma_start3A_700, %multiple_of3A_681] : memref<8x1000000xf32, #tpu.memory_space<hbm>> -> memref<8x128xf32, #tpu.memory_space<hbm>>
      %dma_start3A_702 = arith.constant 0 : i32
      %dma_start3A_703 = arith.constant 0 : i32
      %dma_start3A_704 = tpu.memref_slice %arg8[%dma_start3A_695, %dma_start3A_702, %dma_start3A_703] : memref<32x8x128xf32, #tpu.memory_space<vmem>> -> memref<1x8x128xf32, #tpu.memory_space<vmem>>
      %dma_start3A_705 = tpu.memref_squeeze %dma_start3A_704 : memref<1x8x128xf32, #tpu.memory_space<vmem>> -> memref<8x128xf32, #tpu.memory_space<vmem>>
      %dma_start3A_706 = arith.constant 0 : i32
      %dma_start3A_707 = tpu.memref_slice %arg4[%dma_start3A_706, %multiple_of3A_681] : memref<8x1000000xf32, #tpu.memory_space<hbm>> -> memref<8x128xf32, #tpu.memory_space<hbm>>
      tpu.enqueue_dma source(%dma_start3A_707 : memref<8x128xf32, #tpu.memory_space<hbm>>) target(%dma_start3A_705 : memref<8x128xf32, #tpu.memory_space<vmem>>) target_semaphore(%arg13 : memref<!tpu.dma_semaphore, #tpu.memory_space<semaphore_mem>>)
      %slice3A_708 = vector.extract_strided_slice %get3A_661 {offsets = [1], sizes = [1], strides = [1]} : vector<16xi32> to vector<1xi32>
      %squeeze3A_709 = vector.extract %slice3A_708[0] : i32 from vector<1xi32>
      %shift_right_logical3A_710 = arith.constant 7 : i32
      %shift_right_logical3A_711 = arith.shrui %squeeze3A_709, %shift_right_logical3A_710 : i32
      %shift_left3A_712 = arith.constant 7 : i32
      %shift_left3A_713 = arith.shli %shift_right_logical3A_711, %shift_left3A_712 : i32
      %multiple_of3A_714 = tpu.assume_multiple %shift_left3A_713, 128 : i32
      %slice3A_715 = vector.extract_strided_slice %get3A_667 {offsets = [1], sizes = [1], strides = [1]} : vector<16xi32> to vector<1xi32>
      %squeeze3A_716 = vector.extract %slice3A_715[0] : i32 from vector<1xi32>
      %shift_right_logical3A_717 = arith.constant 7 : i32
      %shift_right_logical3A_718 = arith.shrui %squeeze3A_716, %shift_right_logical3A_717 : i32
      %shift_left3A_719 = arith.constant 7 : i32
      %shift_left3A_720 = arith.shli %shift_right_logical3A_718, %shift_left3A_719 : i32
      %multiple_of3A_721 = tpu.assume_multiple %shift_left3A_720, 128 : i32
      %dma_start3A_722 = arith.constant 17 : i32
      %dma_start3A_723 = arith.constant 0 : i32
      %dma_start3A_724 = arith.constant 0 : i32
      %dma_start3A_725 = tpu.memref_slice %arg7[%dma_start3A_722, %dma_start3A_723, %dma_start3A_724] : memref<32x8x128xf32, #tpu.memory_space<vmem>> -> memref<1x8x128xf32, #tpu.memory_space<vmem>>
      %dma_start3A_726 = tpu.memref_squeeze %dma_start3A_725 : memref<1x8x128xf32, #tpu.memory_space<vmem>> -> memref<8x128xf32, #tpu.memory_space<vmem>>
      %dma_start3A_727 = arith.constant 0 : i32
      %dma_start3A_728 = tpu.memref_slice %arg3[%dma_start3A_727, %multiple_of3A_714] : memref<8x1000000xf32, #tpu.memory_space<hbm>> -> memref<8x128xf32, #tpu.memory_space<hbm>>
      %dma_start3A_729 = arith.constant 0 : i32
      %dma_start3A_730 = arith.constant 0 : i32
      %dma_start3A_731 = tpu.memref_slice %arg7[%dma_start3A_722, %dma_start3A_729, %dma_start3A_730] : memref<32x8x128xf32, #tpu.memory_space<vmem>> -> memref<1x8x128xf32, #tpu.memory_space<vmem>>
      %dma_start3A_732 = tpu.memref_squeeze %dma_start3A_731 : memref<1x8x128xf32, #tpu.memory_space<vmem>> -> memref<8x128xf32, #tpu.memory_space<vmem>>
      %dma_start3A_733 = arith.constant 0 : i32
      %dma_start3A_734 = tpu.memref_slice %arg3[%dma_start3A_733, %multiple_of3A_714] : memref<8x1000000xf32, #tpu.memory_space<hbm>> -> memref<8x128xf32, #tpu.memory_space<hbm>>
      tpu.enqueue_dma source(%dma_start3A_734 : memref<8x128xf32, #tpu.memory_space<hbm>>) target(%dma_start3A_732 : memref<8x128xf32, #tpu.memory_space<vmem>>) target_semaphore(%arg12 : memref<!tpu.dma_semaphore, #tpu.memory_space<semaphore_mem>>)
      %dma_start3A_735 = arith.constant 17 : i32
      %dma_start3A_736 = arith.constant 0 : i32
      %dma_start3A_737 = arith.constant 0 : i32
      %dma_start3A_738 = tpu.memref_slice %arg8[%dma_start3A_735, %dma_start3A_736, %dma_start3A_737] : memref<32x8x128xf32, #tpu.memory_space<vmem>> -> memref<1x8x128xf32, #tpu.memory_space<vmem>>
      %dma_start3A_739 = tpu.memref_squeeze %dma_start3A_738 : memref<1x8x128xf32, #tpu.memory_space<vmem>> -> memref<8x128xf32, #tpu.memory_space<vmem>>
      %dma_start3A_740 = arith.constant 0 : i32
      %dma_start3A_741 = tpu.memref_slice %arg4[%dma_start3A_740, %multiple_of3A_721] : memref<8x1000000xf32, #tpu.memory_space<hbm>> -> memref<8x128xf32, #tpu.memory_space<hbm>>
      %dma_start3A_742 = arith.constant 0 : i32
      %dma_start3A_743 = arith.constant 0 : i32
      %dma_start3A_744 = tpu.memref_slice %arg8[%dma_start3A_735, %dma_start3A_742, %dma_start3A_743] : memref<32x8x128xf32, #tpu.memory_space<vmem>> -> memref<1x8x128xf32, #tpu.memory_space<vmem>>
      %dma_start3A_745 = tpu.memref_squeeze %dma_start3A_744 : memref<1x8x128xf32, #tpu.memory_space<vmem>> -> memref<8x128xf32, #tpu.memory_space<vmem>>
      %dma_start3A_746 = arith.constant 0 : i32
      %dma_start3A_747 = tpu.memref_slice %arg4[%dma_start3A_746, %multiple_of3A_721] : memref<8x1000000xf32, #tpu.memory_space<hbm>> -> memref<8x128xf32, #tpu.memory_space<hbm>>
      tpu.enqueue_dma source(%dma_start3A_747 : memref<8x128xf32, #tpu.memory_space<hbm>>) target(%dma_start3A_745 : memref<8x128xf32, #tpu.memory_space<vmem>>) target_semaphore(%arg13 : memref<!tpu.dma_semaphore, #tpu.memory_space<semaphore_mem>>)
      %slice3A_748 = vector.extract_strided_slice %get3A_661 {offsets = [2], sizes = [1], strides = [1]} : vector<16xi32> to vector<1xi32>
      %squeeze3A_749 = vector.extract %slice3A_748[0] : i32 from vector<1xi32>
      %shift_right_logical3A_750 = arith.constant 7 : i32
      %shift_right_logical3A_751 = arith.shrui %squeeze3A_749, %shift_right_logical3A_750 : i32
      %shift_left3A_752 = arith.constant 7 : i32
      %shift_left3A_753 = arith.shli %shift_right_logical3A_751, %shift_left3A_752 : i32
      %multiple_of3A_754 = tpu.assume_multiple %shift_left3A_753, 128 : i32
      %slice3A_755 = vector.extract_strided_slice %get3A_667 {offsets = [2], sizes = [1], strides = [1]} : vector<16xi32> to vector<1xi32>
      %squeeze3A_756 = vector.extract %slice3A_755[0] : i32 from vector<1xi32>
      %shift_right_logical3A_757 = arith.constant 7 : i32
      %shift_right_logical3A_758 = arith.shrui %squeeze3A_756, %shift_right_logical3A_757 : i32
      %shift_left3A_759 = arith.constant 7 : i32
      %shift_left3A_760 = arith.shli %shift_right_logical3A_758, %shift_left3A_759 : i32
      %multiple_of3A_761 = tpu.assume_multiple %shift_left3A_760, 128 : i32
      %dma_start3A_762 = arith.constant 18 : i32
      %dma_start3A_763 = arith.constant 0 : i32
      %dma_start3A_764 = arith.constant 0 : i32
      %dma_start3A_765 = tpu.memref_slice %arg7[%dma_start3A_762, %dma_start3A_763, %dma_start3A_764] : memref<32x8x128xf32, #tpu.memory_space<vmem>> -> memref<1x8x128xf32, #tpu.memory_space<vmem>>
      %dma_start3A_766 = tpu.memref_squeeze %dma_start3A_765 : memref<1x8x128xf32, #tpu.memory_space<vmem>> -> memref<8x128xf32, #tpu.memory_space<vmem>>
      %dma_start3A_767 = arith.constant 0 : i32
      %dma_start3A_768 = tpu.memref_slice %arg3[%dma_start3A_767, %multiple_of3A_754] : memref<8x1000000xf32, #tpu.memory_space<hbm>> -> memref<8x128xf32, #tpu.memory_space<hbm>>
      %dma_start3A_769 = arith.constant 0 : i32
      %dma_start3A_770 = arith.constant 0 : i32
      %dma_start3A_771 = tpu.memref_slice %arg7[%dma_start3A_762, %dma_start3A_769, %dma_start3A_770] : memref<32x8x128xf32, #tpu.memory_space<vmem>> -> memref<1x8x128xf32, #tpu.memory_space<vmem>>
      %dma_start3A_772 = tpu.memref_squeeze %dma_start3A_771 : memref<1x8x128xf32, #tpu.memory_space<vmem>> -> memref<8x128xf32, #tpu.memory_space<vmem>>
      %dma_start3A_773 = arith.constant 0 : i32
      %dma_start3A_774 = tpu.memref_slice %arg3[%dma_start3A_773, %multiple_of3A_754] : memref<8x1000000xf32, #tpu.memory_space<hbm>> -> memref<8x128xf32, #tpu.memory_space<hbm>>
      tpu.enqueue_dma source(%dma_start3A_774 : memref<8x128xf32, #tpu.memory_space<hbm>>) target(%dma_start3A_772 : memref<8x128xf32, #tpu.memory_space<vmem>>) target_semaphore(%arg12 : memref<!tpu.dma_semaphore, #tpu.memory_space<semaphore_mem>>)
      %dma_start3A_775 = arith.constant 18 : i32
      %dma_start3A_776 = arith.constant 0 : i32
      %dma_start3A_777 = arith.constant 0 : i32
      %dma_start3A_778 = tpu.memref_slice %arg8[%dma_start3A_775, %dma_start3A_776, %dma_start3A_777] : memref<32x8x128xf32, #tpu.memory_space<vmem>> -> memref<1x8x128xf32, #tpu.memory_space<vmem>>
      %dma_start3A_779 = tpu.memref_squeeze %dma_start3A_778 : memref<1x8x128xf32, #tpu.memory_space<vmem>> -> memref<8x128xf32, #tpu.memory_space<vmem>>
      %dma_start3A_780 = arith.constant 0 : i32
      %dma_start3A_781 = tpu.memref_slice %arg4[%dma_start3A_780, %multiple_of3A_761] : memref<8x1000000xf32, #tpu.memory_space<hbm>> -> memref<8x128xf32, #tpu.memory_space<hbm>>
      %dma_start3A_782 = arith.constant 0 : i32
      %dma_start3A_783 = arith.constant 0 : i32
      %dma_start3A_784 = tpu.memref_slice %arg8[%dma_start3A_775, %dma_start3A_782, %dma_start3A_783] : memref<32x8x128xf32, #tpu.memory_space<vmem>> -> memref<1x8x128xf32, #tpu.memory_space<vmem>>
      %dma_start3A_785 = tpu.memref_squeeze %dma_start3A_784 : memref<1x8x128xf32, #tpu.memory_space<vmem>> -> memref<8x128xf32, #tpu.memory_space<vmem>>
      %dma_start3A_786 = arith.constant 0 : i32
      %dma_start3A_787 = tpu.memref_slice %arg4[%dma_start3A_786, %multiple_of3A_761] : memref<8x1000000xf32, #tpu.memory_space<hbm>> -> memref<8x128xf32, #tpu.memory_space<hbm>>
      tpu.enqueue_dma source(%dma_start3A_787 : memref<8x128xf32, #tpu.memory_space<hbm>>) target(%dma_start3A_785 : memref<8x128xf32, #tpu.memory_space<vmem>>) target_semaphore(%arg13 : memref<!tpu.dma_semaphore, #tpu.memory_space<semaphore_mem>>)
      %slice3A_788 = vector.extract_strided_slice %get3A_661 {offsets = [3], sizes = [1], strides = [1]} : vector<16xi32> to vector<1xi32>
      %squeeze3A_789 = vector.extract %slice3A_788[0] : i32 from vector<1xi32>
      %shift_right_logical3A_790 = arith.constant 7 : i32
      %shift_right_logical3A_791 = arith.shrui %squeeze3A_789, %shift_right_logical3A_790 : i32
      %shift_left3A_792 = arith.constant 7 : i32
      %shift_left3A_793 = arith.shli %shift_right_logical3A_791, %shift_left3A_792 : i32
      %multiple_of3A_794 = tpu.assume_multiple %shift_left3A_793, 128 : i32
      %slice3A_795 = vector.extract_strided_slice %get3A_667 {offsets = [3], sizes = [1], strides = [1]} : vector<16xi32> to vector<1xi32>
      %squeeze3A_796 = vector.extract %slice3A_795[0] : i32 from vector<1xi32>
      %shift_right_logical3A_797 = arith.constant 7 : i32
      %shift_right_logical3A_798 = arith.shrui %squeeze3A_796, %shift_right_logical3A_797 : i32
      %shift_left3A_799 = arith.constant 7 : i32
      %shift_left3A_800 = arith.shli %shift_right_logical3A_798, %shift_left3A_799 : i32
      %multiple_of3A_801 = tpu.assume_multiple %shift_left3A_800, 128 : i32
      %dma_start3A_802 = arith.constant 19 : i32
      %dma_start3A_803 = arith.constant 0 : i32
      %dma_start3A_804 = arith.constant 0 : i32
      %dma_start3A_805 = tpu.memref_slice %arg7[%dma_start3A_802, %dma_start3A_803, %dma_start3A_804] : memref<32x8x128xf32, #tpu.memory_space<vmem>> -> memref<1x8x128xf32, #tpu.memory_space<vmem>>
      %dma_start3A_806 = tpu.memref_squeeze %dma_start3A_805 : memref<1x8x128xf32, #tpu.memory_space<vmem>> -> memref<8x128xf32, #tpu.memory_space<vmem>>
      %dma_start3A_807 = arith.constant 0 : i32
      %dma_start3A_808 = tpu.memref_slice %arg3[%dma_start3A_807, %multiple_of3A_794] : memref<8x1000000xf32, #tpu.memory_space<hbm>> -> memref<8x128xf32, #tpu.memory_space<hbm>>
      %dma_start3A_809 = arith.constant 0 : i32
      %dma_start3A_810 = arith.constant 0 : i32
      %dma_start3A_811 = tpu.memref_slice %arg7[%dma_start3A_802, %dma_start3A_809, %dma_start3A_810] : memref<32x8x128xf32, #tpu.memory_space<vmem>> -> memref<1x8x128xf32, #tpu.memory_space<vmem>>
      %dma_start3A_812 = tpu.memref_squeeze %dma_start3A_811 : memref<1x8x128xf32, #tpu.memory_space<vmem>> -> memref<8x128xf32, #tpu.memory_space<vmem>>
      %dma_start3A_813 = arith.constant 0 : i32
      %dma_start3A_814 = tpu.memref_slice %arg3[%dma_start3A_813, %multiple_of3A_794] : memref<8x1000000xf32, #tpu.memory_space<hbm>> -> memref<8x128xf32, #tpu.memory_space<hbm>>
      tpu.enqueue_dma source(%dma_start3A_814 : memref<8x128xf32, #tpu.memory_space<hbm>>) target(%dma_start3A_812 : memref<8x128xf32, #tpu.memory_space<vmem>>) target_semaphore(%arg12 : memref<!tpu.dma_semaphore, #tpu.memory_space<semaphore_mem>>)
      %dma_start3A_815 = arith.constant 19 : i32
      %dma_start3A_816 = arith.constant 0 : i32
      %dma_start3A_817 = arith.constant 0 : i32
      %dma_start3A_818 = tpu.memref_slice %arg8[%dma_start3A_815, %dma_start3A_816, %dma_start3A_817] : memref<32x8x128xf32, #tpu.memory_space<vmem>> -> memref<1x8x128xf32, #tpu.memory_space<vmem>>
      %dma_start3A_819 = tpu.memref_squeeze %dma_start3A_818 : memref<1x8x128xf32, #tpu.memory_space<vmem>> -> memref<8x128xf32, #tpu.memory_space<vmem>>
      %dma_start3A_820 = arith.constant 0 : i32
      %dma_start3A_821 = tpu.memref_slice %arg4[%dma_start3A_820, %multiple_of3A_801] : memref<8x1000000xf32, #tpu.memory_space<hbm>> -> memref<8x128xf32, #tpu.memory_space<hbm>>
      %dma_start3A_822 = arith.constant 0 : i32
      %dma_start3A_823 = arith.constant 0 : i32
      %dma_start3A_824 = tpu.memref_slice %arg8[%dma_start3A_815, %dma_start3A_822, %dma_start3A_823] : memref<32x8x128xf32, #tpu.memory_space<vmem>> -> memref<1x8x128xf32, #tpu.memory_space<vmem>>
      %dma_start3A_825 = tpu.memref_squeeze %dma_start3A_824 : memref<1x8x128xf32, #tpu.memory_space<vmem>> -> memref<8x128xf32, #tpu.memory_space<vmem>>
      %dma_start3A_826 = arith.constant 0 : i32
      %dma_start3A_827 = tpu.memref_slice %arg4[%dma_start3A_826, %multiple_of3A_801] : memref<8x1000000xf32, #tpu.memory_space<hbm>> -> memref<8x128xf32, #tpu.memory_space<hbm>>
      tpu.enqueue_dma source(%dma_start3A_827 : memref<8x128xf32, #tpu.memory_space<hbm>>) target(%dma_start3A_825 : memref<8x128xf32, #tpu.memory_space<vmem>>) target_semaphore(%arg13 : memref<!tpu.dma_semaphore, #tpu.memory_space<semaphore_mem>>)
      %slice3A_828 = vector.extract_strided_slice %get3A_661 {offsets = [4], sizes = [1], strides = [1]} : vector<16xi32> to vector<1xi32>
      %squeeze3A_829 = vector.extract %slice3A_828[0] : i32 from vector<1xi32>
      %shift_right_logical3A_830 = arith.constant 7 : i32
      %shift_right_logical3A_831 = arith.shrui %squeeze3A_829, %shift_right_logical3A_830 : i32
      %shift_left3A_832 = arith.constant 7 : i32
      %shift_left3A_833 = arith.shli %shift_right_logical3A_831, %shift_left3A_832 : i32
      %multiple_of3A_834 = tpu.assume_multiple %shift_left3A_833, 128 : i32
      %slice3A_835 = vector.extract_strided_slice %get3A_667 {offsets = [4], sizes = [1], strides = [1]} : vector<16xi32> to vector<1xi32>
      %squeeze3A_836 = vector.extract %slice3A_835[0] : i32 from vector<1xi32>
      %shift_right_logical3A_837 = arith.constant 7 : i32
      %shift_right_logical3A_838 = arith.shrui %squeeze3A_836, %shift_right_logical3A_837 : i32
      %shift_left3A_839 = arith.constant 7 : i32
      %shift_left3A_840 = arith.shli %shift_right_logical3A_838, %shift_left3A_839 : i32
      %multiple_of3A_841 = tpu.assume_multiple %shift_left3A_840, 128 : i32
      %dma_start3A_842 = arith.constant 20 : i32
      %dma_start3A_843 = arith.constant 0 : i32
      %dma_start3A_844 = arith.constant 0 : i32
      %dma_start3A_845 = tpu.memref_slice %arg7[%dma_start3A_842, %dma_start3A_843, %dma_start3A_844] : memref<32x8x128xf32, #tpu.memory_space<vmem>> -> memref<1x8x128xf32, #tpu.memory_space<vmem>>
      %dma_start3A_846 = tpu.memref_squeeze %dma_start3A_845 : memref<1x8x128xf32, #tpu.memory_space<vmem>> -> memref<8x128xf32, #tpu.memory_space<vmem>>
      %dma_start3A_847 = arith.constant 0 : i32
      %dma_start3A_848 = tpu.memref_slice %arg3[%dma_start3A_847, %multiple_of3A_834] : memref<8x1000000xf32, #tpu.memory_space<hbm>> -> memref<8x128xf32, #tpu.memory_space<hbm>>
      %dma_start3A_849 = arith.constant 0 : i32
      %dma_start3A_850 = arith.constant 0 : i32
      %dma_start3A_851 = tpu.memref_slice %arg7[%dma_start3A_842, %dma_start3A_849, %dma_start3A_850] : memref<32x8x128xf32, #tpu.memory_space<vmem>> -> memref<1x8x128xf32, #tpu.memory_space<vmem>>
      %dma_start3A_852 = tpu.memref_squeeze %dma_start3A_851 : memref<1x8x128xf32, #tpu.memory_space<vmem>> -> memref<8x128xf32, #tpu.memory_space<vmem>>
      %dma_start3A_853 = arith.constant 0 : i32
      %dma_start3A_854 = tpu.memref_slice %arg3[%dma_start3A_853, %multiple_of3A_834] : memref<8x1000000xf32, #tpu.memory_space<hbm>> -> memref<8x128xf32, #tpu.memory_space<hbm>>
      tpu.enqueue_dma source(%dma_start3A_854 : memref<8x128xf32, #tpu.memory_space<hbm>>) target(%dma_start3A_852 : memref<8x128xf32, #tpu.memory_space<vmem>>) target_semaphore(%arg12 : memref<!tpu.dma_semaphore, #tpu.memory_space<semaphore_mem>>)
      %dma_start3A_855 = arith.constant 20 : i32
      %dma_start3A_856 = arith.constant 0 : i32
      %dma_start3A_857 = arith.constant 0 : i32
      %dma_start3A_858 = tpu.memref_slice %arg8[%dma_start3A_855, %dma_start3A_856, %dma_start3A_857] : memref<32x8x128xf32, #tpu.memory_space<vmem>> -> memref<1x8x128xf32, #tpu.memory_space<vmem>>
      %dma_start3A_859 = tpu.memref_squeeze %dma_start3A_858 : memref<1x8x128xf32, #tpu.memory_space<vmem>> -> memref<8x128xf32, #tpu.memory_space<vmem>>
      %dma_start3A_860 = arith.constant 0 : i32
      %dma_start3A_861 = tpu.memref_slice %arg4[%dma_start3A_860, %multiple_of3A_841] : memref<8x1000000xf32, #tpu.memory_space<hbm>> -> memref<8x128xf32, #tpu.memory_space<hbm>>
      %dma_start3A_862 = arith.constant 0 : i32
      %dma_start3A_863 = arith.constant 0 : i32
      %dma_start3A_864 = tpu.memref_slice %arg8[%dma_start3A_855, %dma_start3A_862, %dma_start3A_863] : memref<32x8x128xf32, #tpu.memory_space<vmem>> -> memref<1x8x128xf32, #tpu.memory_space<vmem>>
      %dma_start3A_865 = tpu.memref_squeeze %dma_start3A_864 : memref<1x8x128xf32, #tpu.memory_space<vmem>> -> memref<8x128xf32, #tpu.memory_space<vmem>>
      %dma_start3A_866 = arith.constant 0 : i32
      %dma_start3A_867 = tpu.memref_slice %arg4[%dma_start3A_866, %multiple_of3A_841] : memref<8x1000000xf32, #tpu.memory_space<hbm>> -> memref<8x128xf32, #tpu.memory_space<hbm>>
      tpu.enqueue_dma source(%dma_start3A_867 : memref<8x128xf32, #tpu.memory_space<hbm>>) target(%dma_start3A_865 : memref<8x128xf32, #tpu.memory_space<vmem>>) target_semaphore(%arg13 : memref<!tpu.dma_semaphore, #tpu.memory_space<semaphore_mem>>)
      %slice3A_868 = vector.extract_strided_slice %get3A_661 {offsets = [5], sizes = [1], strides = [1]} : vector<16xi32> to vector<1xi32>
      %squeeze3A_869 = vector.extract %slice3A_868[0] : i32 from vector<1xi32>
      %shift_right_logical3A_870 = arith.constant 7 : i32
      %shift_right_logical3A_871 = arith.shrui %squeeze3A_869, %shift_right_logical3A_870 : i32
      %shift_left3A_872 = arith.constant 7 : i32
      %shift_left3A_873 = arith.shli %shift_right_logical3A_871, %shift_left3A_872 : i32
      %multiple_of3A_874 = tpu.assume_multiple %shift_left3A_873, 128 : i32
      %slice3A_875 = vector.extract_strided_slice %get3A_667 {offsets = [5], sizes = [1], strides = [1]} : vector<16xi32> to vector<1xi32>
      %squeeze3A_876 = vector.extract %slice3A_875[0] : i32 from vector<1xi32>
      %shift_right_logical3A_877 = arith.constant 7 : i32
      %shift_right_logical3A_878 = arith.shrui %squeeze3A_876, %shift_right_logical3A_877 : i32
      %shift_left3A_879 = arith.constant 7 : i32
      %shift_left3A_880 = arith.shli %shift_right_logical3A_878, %shift_left3A_879 : i32
      %multiple_of3A_881 = tpu.assume_multiple %shift_left3A_880, 128 : i32
      %dma_start3A_882 = arith.constant 21 : i32
      %dma_start3A_883 = arith.constant 0 : i32
      %dma_start3A_884 = arith.constant 0 : i32
      %dma_start3A_885 = tpu.memref_slice %arg7[%dma_start3A_882, %dma_start3A_883, %dma_start3A_884] : memref<32x8x128xf32, #tpu.memory_space<vmem>> -> memref<1x8x128xf32, #tpu.memory_space<vmem>>
      %dma_start3A_886 = tpu.memref_squeeze %dma_start3A_885 : memref<1x8x128xf32, #tpu.memory_space<vmem>> -> memref<8x128xf32, #tpu.memory_space<vmem>>
      %dma_start3A_887 = arith.constant 0 : i32
      %dma_start3A_888 = tpu.memref_slice %arg3[%dma_start3A_887, %multiple_of3A_874] : memref<8x1000000xf32, #tpu.memory_space<hbm>> -> memref<8x128xf32, #tpu.memory_space<hbm>>
      %dma_start3A_889 = arith.constant 0 : i32
      %dma_start3A_890 = arith.constant 0 : i32
      %dma_start3A_891 = tpu.memref_slice %arg7[%dma_start3A_882, %dma_start3A_889, %dma_start3A_890] : memref<32x8x128xf32, #tpu.memory_space<vmem>> -> memref<1x8x128xf32, #tpu.memory_space<vmem>>
      %dma_start3A_892 = tpu.memref_squeeze %dma_start3A_891 : memref<1x8x128xf32, #tpu.memory_space<vmem>> -> memref<8x128xf32, #tpu.memory_space<vmem>>
      %dma_start3A_893 = arith.constant 0 : i32
      %dma_start3A_894 = tpu.memref_slice %arg3[%dma_start3A_893, %multiple_of3A_874] : memref<8x1000000xf32, #tpu.memory_space<hbm>> -> memref<8x128xf32, #tpu.memory_space<hbm>>
      tpu.enqueue_dma source(%dma_start3A_894 : memref<8x128xf32, #tpu.memory_space<hbm>>) target(%dma_start3A_892 : memref<8x128xf32, #tpu.memory_space<vmem>>) target_semaphore(%arg12 : memref<!tpu.dma_semaphore, #tpu.memory_space<semaphore_mem>>)
      %dma_start3A_895 = arith.constant 21 : i32
      %dma_start3A_896 = arith.constant 0 : i32
      %dma_start3A_897 = arith.constant 0 : i32
      %dma_start3A_898 = tpu.memref_slice %arg8[%dma_start3A_895, %dma_start3A_896, %dma_start3A_897] : memref<32x8x128xf32, #tpu.memory_space<vmem>> -> memref<1x8x128xf32, #tpu.memory_space<vmem>>
      %dma_start3A_899 = tpu.memref_squeeze %dma_start3A_898 : memref<1x8x128xf32, #tpu.memory_space<vmem>> -> memref<8x128xf32, #tpu.memory_space<vmem>>
      %dma_start3A_900 = arith.constant 0 : i32
      %dma_start3A_901 = tpu.memref_slice %arg4[%dma_start3A_900, %multiple_of3A_881] : memref<8x1000000xf32, #tpu.memory_space<hbm>> -> memref<8x128xf32, #tpu.memory_space<hbm>>
      %dma_start3A_902 = arith.constant 0 : i32
      %dma_start3A_903 = arith.constant 0 : i32
      %dma_start3A_904 = tpu.memref_slice %arg8[%dma_start3A_895, %dma_start3A_902, %dma_start3A_903] : memref<32x8x128xf32, #tpu.memory_space<vmem>> -> memref<1x8x128xf32, #tpu.memory_space<vmem>>
      %dma_start3A_905 = tpu.memref_squeeze %dma_start3A_904 : memref<1x8x128xf32, #tpu.memory_space<vmem>> -> memref<8x128xf32, #tpu.memory_space<vmem>>
      %dma_start3A_906 = arith.constant 0 : i32
      %dma_start3A_907 = tpu.memref_slice %arg4[%dma_start3A_906, %multiple_of3A_881] : memref<8x1000000xf32, #tpu.memory_space<hbm>> -> memref<8x128xf32, #tpu.memory_space<hbm>>
      tpu.enqueue_dma source(%dma_start3A_907 : memref<8x128xf32, #tpu.memory_space<hbm>>) target(%dma_start3A_905 : memref<8x128xf32, #tpu.memory_space<vmem>>) target_semaphore(%arg13 : memref<!tpu.dma_semaphore, #tpu.memory_space<semaphore_mem>>)
      %slice3A_908 = vector.extract_strided_slice %get3A_661 {offsets = [6], sizes = [1], strides = [1]} : vector<16xi32> to vector<1xi32>
      %squeeze3A_909 = vector.extract %slice3A_908[0] : i32 from vector<1xi32>
      %shift_right_logical3A_910 = arith.constant 7 : i32
      %shift_right_logical3A_911 = arith.shrui %squeeze3A_909, %shift_right_logical3A_910 : i32
      %shift_left3A_912 = arith.constant 7 : i32
      %shift_left3A_913 = arith.shli %shift_right_logical3A_911, %shift_left3A_912 : i32
      %multiple_of3A_914 = tpu.assume_multiple %shift_left3A_913, 128 : i32
      %slice3A_915 = vector.extract_strided_slice %get3A_667 {offsets = [6], sizes = [1], strides = [1]} : vector<16xi32> to vector<1xi32>
      %squeeze3A_916 = vector.extract %slice3A_915[0] : i32 from vector<1xi32>
      %shift_right_logical3A_917 = arith.constant 7 : i32
      %shift_right_logical3A_918 = arith.shrui %squeeze3A_916, %shift_right_logical3A_917 : i32
      %shift_left3A_919 = arith.constant 7 : i32
      %shift_left3A_920 = arith.shli %shift_right_logical3A_918, %shift_left3A_919 : i32
      %multiple_of3A_921 = tpu.assume_multiple %shift_left3A_920, 128 : i32
      %dma_start3A_922 = arith.constant 22 : i32
      %dma_start3A_923 = arith.constant 0 : i32
      %dma_start3A_924 = arith.constant 0 : i32
      %dma_start3A_925 = tpu.memref_slice %arg7[%dma_start3A_922, %dma_start3A_923, %dma_start3A_924] : memref<32x8x128xf32, #tpu.memory_space<vmem>> -> memref<1x8x128xf32, #tpu.memory_space<vmem>>
      %dma_start3A_926 = tpu.memref_squeeze %dma_start3A_925 : memref<1x8x128xf32, #tpu.memory_space<vmem>> -> memref<8x128xf32, #tpu.memory_space<vmem>>
      %dma_start3A_927 = arith.constant 0 : i32
      %dma_start3A_928 = tpu.memref_slice %arg3[%dma_start3A_927, %multiple_of3A_914] : memref<8x1000000xf32, #tpu.memory_space<hbm>> -> memref<8x128xf32, #tpu.memory_space<hbm>>
      %dma_start3A_929 = arith.constant 0 : i32
      %dma_start3A_930 = arith.constant 0 : i32
      %dma_start3A_931 = tpu.memref_slice %arg7[%dma_start3A_922, %dma_start3A_929, %dma_start3A_930] : memref<32x8x128xf32, #tpu.memory_space<vmem>> -> memref<1x8x128xf32, #tpu.memory_space<vmem>>
      %dma_start3A_932 = tpu.memref_squeeze %dma_start3A_931 : memref<1x8x128xf32, #tpu.memory_space<vmem>> -> memref<8x128xf32, #tpu.memory_space<vmem>>
      %dma_start3A_933 = arith.constant 0 : i32
      %dma_start3A_934 = tpu.memref_slice %arg3[%dma_start3A_933, %multiple_of3A_914] : memref<8x1000000xf32, #tpu.memory_space<hbm>> -> memref<8x128xf32, #tpu.memory_space<hbm>>
      tpu.enqueue_dma source(%dma_start3A_934 : memref<8x128xf32, #tpu.memory_space<hbm>>) target(%dma_start3A_932 : memref<8x128xf32, #tpu.memory_space<vmem>>) target_semaphore(%arg12 : memref<!tpu.dma_semaphore, #tpu.memory_space<semaphore_mem>>)
      %dma_start3A_935 = arith.constant 22 : i32
      %dma_start3A_936 = arith.constant 0 : i32
      %dma_start3A_937 = arith.constant 0 : i32
      %dma_start3A_938 = tpu.memref_slice %arg8[%dma_start3A_935, %dma_start3A_936, %dma_start3A_937] : memref<32x8x128xf32, #tpu.memory_space<vmem>> -> memref<1x8x128xf32, #tpu.memory_space<vmem>>
      %dma_start3A_939 = tpu.memref_squeeze %dma_start3A_938 : memref<1x8x128xf32, #tpu.memory_space<vmem>> -> memref<8x128xf32, #tpu.memory_space<vmem>>
      %dma_start3A_940 = arith.constant 0 : i32
      %dma_start3A_941 = tpu.memref_slice %arg4[%dma_start3A_940, %multiple_of3A_921] : memref<8x1000000xf32, #tpu.memory_space<hbm>> -> memref<8x128xf32, #tpu.memory_space<hbm>>
      %dma_start3A_942 = arith.constant 0 : i32
      %dma_start3A_943 = arith.constant 0 : i32
      %dma_start3A_944 = tpu.memref_slice %arg8[%dma_start3A_935, %dma_start3A_942, %dma_start3A_943] : memref<32x8x128xf32, #tpu.memory_space<vmem>> -> memref<1x8x128xf32, #tpu.memory_space<vmem>>
      %dma_start3A_945 = tpu.memref_squeeze %dma_start3A_944 : memref<1x8x128xf32, #tpu.memory_space<vmem>> -> memref<8x128xf32, #tpu.memory_space<vmem>>
      %dma_start3A_946 = arith.constant 0 : i32
      %dma_start3A_947 = tpu.memref_slice %arg4[%dma_start3A_946, %multiple_of3A_921] : memref<8x1000000xf32, #tpu.memory_space<hbm>> -> memref<8x128xf32, #tpu.memory_space<hbm>>
      tpu.enqueue_dma source(%dma_start3A_947 : memref<8x128xf32, #tpu.memory_space<hbm>>) target(%dma_start3A_945 : memref<8x128xf32, #tpu.memory_space<vmem>>) target_semaphore(%arg13 : memref<!tpu.dma_semaphore, #tpu.memory_space<semaphore_mem>>)
      %slice3A_948 = vector.extract_strided_slice %get3A_661 {offsets = [7], sizes = [1], strides = [1]} : vector<16xi32> to vector<1xi32>
      %squeeze3A_949 = vector.extract %slice3A_948[0] : i32 from vector<1xi32>
      %shift_right_logical3A_950 = arith.constant 7 : i32
      %shift_right_logical3A_951 = arith.shrui %squeeze3A_949, %shift_right_logical3A_950 : i32
      %shift_left3A_952 = arith.constant 7 : i32
      %shift_left3A_953 = arith.shli %shift_right_logical3A_951, %shift_left3A_952 : i32
      %multiple_of3A_954 = tpu.assume_multiple %shift_left3A_953, 128 : i32
      %slice3A_955 = vector.extract_strided_slice %get3A_667 {offsets = [7], sizes = [1], strides = [1]} : vector<16xi32> to vector<1xi32>
      %squeeze3A_956 = vector.extract %slice3A_955[0] : i32 from vector<1xi32>
      %shift_right_logical3A_957 = arith.constant 7 : i32
      %shift_right_logical3A_958 = arith.shrui %squeeze3A_956, %shift_right_logical3A_957 : i32
      %shift_left3A_959 = arith.constant 7 : i32
      %shift_left3A_960 = arith.shli %shift_right_logical3A_958, %shift_left3A_959 : i32
      %multiple_of3A_961 = tpu.assume_multiple %shift_left3A_960, 128 : i32
      %dma_start3A_962 = arith.constant 23 : i32
      %dma_start3A_963 = arith.constant 0 : i32
      %dma_start3A_964 = arith.constant 0 : i32
      %dma_start3A_965 = tpu.memref_slice %arg7[%dma_start3A_962, %dma_start3A_963, %dma_start3A_964] : memref<32x8x128xf32, #tpu.memory_space<vmem>> -> memref<1x8x128xf32, #tpu.memory_space<vmem>>
      %dma_start3A_966 = tpu.memref_squeeze %dma_start3A_965 : memref<1x8x128xf32, #tpu.memory_space<vmem>> -> memref<8x128xf32, #tpu.memory_space<vmem>>
      %dma_start3A_967 = arith.constant 0 : i32
      %dma_start3A_968 = tpu.memref_slice %arg3[%dma_start3A_967, %multiple_of3A_954] : memref<8x1000000xf32, #tpu.memory_space<hbm>> -> memref<8x128xf32, #tpu.memory_space<hbm>>
      %dma_start3A_969 = arith.constant 0 : i32
      %dma_start3A_970 = arith.constant 0 : i32
      %dma_start3A_971 = tpu.memref_slice %arg7[%dma_start3A_962, %dma_start3A_969, %dma_start3A_970] : memref<32x8x128xf32, #tpu.memory_space<vmem>> -> memref<1x8x128xf32, #tpu.memory_space<vmem>>
      %dma_start3A_972 = tpu.memref_squeeze %dma_start3A_971 : memref<1x8x128xf32, #tpu.memory_space<vmem>> -> memref<8x128xf32, #tpu.memory_space<vmem>>
      %dma_start3A_973 = arith.constant 0 : i32
      %dma_start3A_974 = tpu.memref_slice %arg3[%dma_start3A_973, %multiple_of3A_954] : memref<8x1000000xf32, #tpu.memory_space<hbm>> -> memref<8x128xf32, #tpu.memory_space<hbm>>
      tpu.enqueue_dma source(%dma_start3A_974 : memref<8x128xf32, #tpu.memory_space<hbm>>) target(%dma_start3A_972 : memref<8x128xf32, #tpu.memory_space<vmem>>) target_semaphore(%arg12 : memref<!tpu.dma_semaphore, #tpu.memory_space<semaphore_mem>>)
      %dma_start3A_975 = arith.constant 23 : i32
      %dma_start3A_976 = arith.constant 0 : i32
      %dma_start3A_977 = arith.constant 0 : i32
      %dma_start3A_978 = tpu.memref_slice %arg8[%dma_start3A_975, %dma_start3A_976, %dma_start3A_977] : memref<32x8x128xf32, #tpu.memory_space<vmem>> -> memref<1x8x128xf32, #tpu.memory_space<vmem>>
      %dma_start3A_979 = tpu.memref_squeeze %dma_start3A_978 : memref<1x8x128xf32, #tpu.memory_space<vmem>> -> memref<8x128xf32, #tpu.memory_space<vmem>>
      %dma_start3A_980 = arith.constant 0 : i32
      %dma_start3A_981 = tpu.memref_slice %arg4[%dma_start3A_980, %multiple_of3A_961] : memref<8x1000000xf32, #tpu.memory_space<hbm>> -> memref<8x128xf32, #tpu.memory_space<hbm>>
      %dma_start3A_982 = arith.constant 0 : i32
      %dma_start3A_983 = arith.constant 0 : i32
      %dma_start3A_984 = tpu.memref_slice %arg8[%dma_start3A_975, %dma_start3A_982, %dma_start3A_983] : memref<32x8x128xf32, #tpu.memory_space<vmem>> -> memref<1x8x128xf32, #tpu.memory_space<vmem>>
      %dma_start3A_985 = tpu.memref_squeeze %dma_start3A_984 : memref<1x8x128xf32, #tpu.memory_space<vmem>> -> memref<8x128xf32, #tpu.memory_space<vmem>>
      %dma_start3A_986 = arith.constant 0 : i32
      %dma_start3A_987 = tpu.memref_slice %arg4[%dma_start3A_986, %multiple_of3A_961] : memref<8x1000000xf32, #tpu.memory_space<hbm>> -> memref<8x128xf32, #tpu.memory_space<hbm>>
      tpu.enqueue_dma source(%dma_start3A_987 : memref<8x128xf32, #tpu.memory_space<hbm>>) target(%dma_start3A_985 : memref<8x128xf32, #tpu.memory_space<vmem>>) target_semaphore(%arg13 : memref<!tpu.dma_semaphore, #tpu.memory_space<semaphore_mem>>)
      %slice3A_988 = vector.extract_strided_slice %get3A_661 {offsets = [8], sizes = [1], strides = [1]} : vector<16xi32> to vector<1xi32>
      %squeeze3A_989 = vector.extract %slice3A_988[0] : i32 from vector<1xi32>
      %shift_right_logical3A_990 = arith.constant 7 : i32
      %shift_right_logical3A_991 = arith.shrui %squeeze3A_989, %shift_right_logical3A_990 : i32
      %shift_left3A_992 = arith.constant 7 : i32
      %shift_left3A_993 = arith.shli %shift_right_logical3A_991, %shift_left3A_992 : i32
      %multiple_of3A_994 = tpu.assume_multiple %shift_left3A_993, 128 : i32
      %slice3A_995 = vector.extract_strided_slice %get3A_667 {offsets = [8], sizes = [1], strides = [1]} : vector<16xi32> to vector<1xi32>
      %squeeze3A_996 = vector.extract %slice3A_995[0] : i32 from vector<1xi32>
      %shift_right_logical3A_997 = arith.constant 7 : i32
      %shift_right_logical3A_998 = arith.shrui %squeeze3A_996, %shift_right_logical3A_997 : i32
      %shift_left3A_999 = arith.constant 7 : i32
      %shift_left3A_1000 = arith.shli %shift_right_logical3A_998, %shift_left3A_999 : i32
      %multiple_of3A_1001 = tpu.assume_multiple %shift_left3A_1000, 128 : i32
      %dma_start3A_1002 = arith.constant 24 : i32
      %dma_start3A_1003 = arith.constant 0 : i32
      %dma_start3A_1004 = arith.constant 0 : i32
      %dma_start3A_1005 = tpu.memref_slice %arg7[%dma_start3A_1002, %dma_start3A_1003, %dma_start3A_1004] : memref<32x8x128xf32, #tpu.memory_space<vmem>> -> memref<1x8x128xf32, #tpu.memory_space<vmem>>
      %dma_start3A_1006 = tpu.memref_squeeze %dma_start3A_1005 : memref<1x8x128xf32, #tpu.memory_space<vmem>> -> memref<8x128xf32, #tpu.memory_space<vmem>>
      %dma_start3A_1007 = arith.constant 0 : i32
      %dma_start3A_1008 = tpu.memref_slice %arg3[%dma_start3A_1007, %multiple_of3A_994] : memref<8x1000000xf32, #tpu.memory_space<hbm>> -> memref<8x128xf32, #tpu.memory_space<hbm>>
      %dma_start3A_1009 = arith.constant 0 : i32
      %dma_start3A_1010 = arith.constant 0 : i32
      %dma_start3A_1011 = tpu.memref_slice %arg7[%dma_start3A_1002, %dma_start3A_1009, %dma_start3A_1010] : memref<32x8x128xf32, #tpu.memory_space<vmem>> -> memref<1x8x128xf32, #tpu.memory_space<vmem>>
      %dma_start3A_1012 = tpu.memref_squeeze %dma_start3A_1011 : memref<1x8x128xf32, #tpu.memory_space<vmem>> -> memref<8x128xf32, #tpu.memory_space<vmem>>
      %dma_start3A_1013 = arith.constant 0 : i32
      %dma_start3A_1014 = tpu.memref_slice %arg3[%dma_start3A_1013, %multiple_of3A_994] : memref<8x1000000xf32, #tpu.memory_space<hbm>> -> memref<8x128xf32, #tpu.memory_space<hbm>>
      tpu.enqueue_dma source(%dma_start3A_1014 : memref<8x128xf32, #tpu.memory_space<hbm>>) target(%dma_start3A_1012 : memref<8x128xf32, #tpu.memory_space<vmem>>) target_semaphore(%arg12 : memref<!tpu.dma_semaphore, #tpu.memory_space<semaphore_mem>>)
      %dma_start3A_1015 = arith.constant 24 : i32
      %dma_start3A_1016 = arith.constant 0 : i32
      %dma_start3A_1017 = arith.constant 0 : i32
      %dma_start3A_1018 = tpu.memref_slice %arg8[%dma_start3A_1015, %dma_start3A_1016, %dma_start3A_1017] : memref<32x8x128xf32, #tpu.memory_space<vmem>> -> memref<1x8x128xf32, #tpu.memory_space<vmem>>
      %dma_start3A_1019 = tpu.memref_squeeze %dma_start3A_1018 : memref<1x8x128xf32, #tpu.memory_space<vmem>> -> memref<8x128xf32, #tpu.memory_space<vmem>>
      %dma_start3A_1020 = arith.constant 0 : i32
      %dma_start3A_1021 = tpu.memref_slice %arg4[%dma_start3A_1020, %multiple_of3A_1001] : memref<8x1000000xf32, #tpu.memory_space<hbm>> -> memref<8x128xf32, #tpu.memory_space<hbm>>
      %dma_start3A_1022 = arith.constant 0 : i32
      %dma_start3A_1023 = arith.constant 0 : i32
      %dma_start3A_1024 = tpu.memref_slice %arg8[%dma_start3A_1015, %dma_start3A_1022, %dma_start3A_1023] : memref<32x8x128xf32, #tpu.memory_space<vmem>> -> memref<1x8x128xf32, #tpu.memory_space<vmem>>
      %dma_start3A_1025 = tpu.memref_squeeze %dma_start3A_1024 : memref<1x8x128xf32, #tpu.memory_space<vmem>> -> memref<8x128xf32, #tpu.memory_space<vmem>>
      %dma_start3A_1026 = arith.constant 0 : i32
      %dma_start3A_1027 = tpu.memref_slice %arg4[%dma_start3A_1026, %multiple_of3A_1001] : memref<8x1000000xf32, #tpu.memory_space<hbm>> -> memref<8x128xf32, #tpu.memory_space<hbm>>
      tpu.enqueue_dma source(%dma_start3A_1027 : memref<8x128xf32, #tpu.memory_space<hbm>>) target(%dma_start3A_1025 : memref<8x128xf32, #tpu.memory_space<vmem>>) target_semaphore(%arg13 : memref<!tpu.dma_semaphore, #tpu.memory_space<semaphore_mem>>)
      %slice3A_1028 = vector.extract_strided_slice %get3A_661 {offsets = [9], sizes = [1], strides = [1]} : vector<16xi32> to vector<1xi32>
      %squeeze3A_1029 = vector.extract %slice3A_1028[0] : i32 from vector<1xi32>
      %shift_right_logical3A_1030 = arith.constant 7 : i32
      %shift_right_logical3A_1031 = arith.shrui %squeeze3A_1029, %shift_right_logical3A_1030 : i32
      %shift_left3A_1032 = arith.constant 7 : i32
      %shift_left3A_1033 = arith.shli %shift_right_logical3A_1031, %shift_left3A_1032 : i32
      %multiple_of3A_1034 = tpu.assume_multiple %shift_left3A_1033, 128 : i32
      %slice3A_1035 = vector.extract_strided_slice %get3A_667 {offsets = [9], sizes = [1], strides = [1]} : vector<16xi32> to vector<1xi32>
      %squeeze3A_1036 = vector.extract %slice3A_1035[0] : i32 from vector<1xi32>
      %shift_right_logical3A_1037 = arith.constant 7 : i32
      %shift_right_logical3A_1038 = arith.shrui %squeeze3A_1036, %shift_right_logical3A_1037 : i32
      %shift_left3A_1039 = arith.constant 7 : i32
      %shift_left3A_1040 = arith.shli %shift_right_logical3A_1038, %shift_left3A_1039 : i32
      %multiple_of3A_1041 = tpu.assume_multiple %shift_left3A_1040, 128 : i32
      %dma_start3A_1042 = arith.constant 25 : i32
      %dma_start3A_1043 = arith.constant 0 : i32
      %dma_start3A_1044 = arith.constant 0 : i32
      %dma_start3A_1045 = tpu.memref_slice %arg7[%dma_start3A_1042, %dma_start3A_1043, %dma_start3A_1044] : memref<32x8x128xf32, #tpu.memory_space<vmem>> -> memref<1x8x128xf32, #tpu.memory_space<vmem>>
      %dma_start3A_1046 = tpu.memref_squeeze %dma_start3A_1045 : memref<1x8x128xf32, #tpu.memory_space<vmem>> -> memref<8x128xf32, #tpu.memory_space<vmem>>
      %dma_start3A_1047 = arith.constant 0 : i32
      %dma_start3A_1048 = tpu.memref_slice %arg3[%dma_start3A_1047, %multiple_of3A_1034] : memref<8x1000000xf32, #tpu.memory_space<hbm>> -> memref<8x128xf32, #tpu.memory_space<hbm>>
      %dma_start3A_1049 = arith.constant 0 : i32
      %dma_start3A_1050 = arith.constant 0 : i32
      %dma_start3A_1051 = tpu.memref_slice %arg7[%dma_start3A_1042, %dma_start3A_1049, %dma_start3A_1050] : memref<32x8x128xf32, #tpu.memory_space<vmem>> -> memref<1x8x128xf32, #tpu.memory_space<vmem>>
      %dma_start3A_1052 = tpu.memref_squeeze %dma_start3A_1051 : memref<1x8x128xf32, #tpu.memory_space<vmem>> -> memref<8x128xf32, #tpu.memory_space<vmem>>
      %dma_start3A_1053 = arith.constant 0 : i32
      %dma_start3A_1054 = tpu.memref_slice %arg3[%dma_start3A_1053, %multiple_of3A_1034] : memref<8x1000000xf32, #tpu.memory_space<hbm>> -> memref<8x128xf32, #tpu.memory_space<hbm>>
      tpu.enqueue_dma source(%dma_start3A_1054 : memref<8x128xf32, #tpu.memory_space<hbm>>) target(%dma_start3A_1052 : memref<8x128xf32, #tpu.memory_space<vmem>>) target_semaphore(%arg12 : memref<!tpu.dma_semaphore, #tpu.memory_space<semaphore_mem>>)
      %dma_start3A_1055 = arith.constant 25 : i32
      %dma_start3A_1056 = arith.constant 0 : i32
      %dma_start3A_1057 = arith.constant 0 : i32
      %dma_start3A_1058 = tpu.memref_slice %arg8[%dma_start3A_1055, %dma_start3A_1056, %dma_start3A_1057] : memref<32x8x128xf32, #tpu.memory_space<vmem>> -> memref<1x8x128xf32, #tpu.memory_space<vmem>>
      %dma_start3A_1059 = tpu.memref_squeeze %dma_start3A_1058 : memref<1x8x128xf32, #tpu.memory_space<vmem>> -> memref<8x128xf32, #tpu.memory_space<vmem>>
      %dma_start3A_1060 = arith.constant 0 : i32
      %dma_start3A_1061 = tpu.memref_slice %arg4[%dma_start3A_1060, %multiple_of3A_1041] : memref<8x1000000xf32, #tpu.memory_space<hbm>> -> memref<8x128xf32, #tpu.memory_space<hbm>>
      %dma_start3A_1062 = arith.constant 0 : i32
      %dma_start3A_1063 = arith.constant 0 : i32
      %dma_start3A_1064 = tpu.memref_slice %arg8[%dma_start3A_1055, %dma_start3A_1062, %dma_start3A_1063] : memref<32x8x128xf32, #tpu.memory_space<vmem>> -> memref<1x8x128xf32, #tpu.memory_space<vmem>>
      %dma_start3A_1065 = tpu.memref_squeeze %dma_start3A_1064 : memref<1x8x128xf32, #tpu.memory_space<vmem>> -> memref<8x128xf32, #tpu.memory_space<vmem>>
      %dma_start3A_1066 = arith.constant 0 : i32
      %dma_start3A_1067 = tpu.memref_slice %arg4[%dma_start3A_1066, %multiple_of3A_1041] : memref<8x1000000xf32, #tpu.memory_space<hbm>> -> memref<8x128xf32, #tpu.memory_space<hbm>>
      tpu.enqueue_dma source(%dma_start3A_1067 : memref<8x128xf32, #tpu.memory_space<hbm>>) target(%dma_start3A_1065 : memref<8x128xf32, #tpu.memory_space<vmem>>) target_semaphore(%arg13 : memref<!tpu.dma_semaphore, #tpu.memory_space<semaphore_mem>>)
      %slice3A_1068 = vector.extract_strided_slice %get3A_661 {offsets = [10], sizes = [1], strides = [1]} : vector<16xi32> to vector<1xi32>
      %squeeze3A_1069 = vector.extract %slice3A_1068[0] : i32 from vector<1xi32>
      %shift_right_logical3A_1070 = arith.constant 7 : i32
      %shift_right_logical3A_1071 = arith.shrui %squeeze3A_1069, %shift_right_logical3A_1070 : i32
      %shift_left3A_1072 = arith.constant 7 : i32
      %shift_left3A_1073 = arith.shli %shift_right_logical3A_1071, %shift_left3A_1072 : i32
      %multiple_of3A_1074 = tpu.assume_multiple %shift_left3A_1073, 128 : i32
      %slice3A_1075 = vector.extract_strided_slice %get3A_667 {offsets = [10], sizes = [1], strides = [1]} : vector<16xi32> to vector<1xi32>
      %squeeze3A_1076 = vector.extract %slice3A_1075[0] : i32 from vector<1xi32>
      %shift_right_logical3A_1077 = arith.constant 7 : i32
      %shift_right_logical3A_1078 = arith.shrui %squeeze3A_1076, %shift_right_logical3A_1077 : i32
      %shift_left3A_1079 = arith.constant 7 : i32
      %shift_left3A_1080 = arith.shli %shift_right_logical3A_1078, %shift_left3A_1079 : i32
      %multiple_of3A_1081 = tpu.assume_multiple %shift_left3A_1080, 128 : i32
      %dma_start3A_1082 = arith.constant 26 : i32
      %dma_start3A_1083 = arith.constant 0 : i32
      %dma_start3A_1084 = arith.constant 0 : i32
      %dma_start3A_1085 = tpu.memref_slice %arg7[%dma_start3A_1082, %dma_start3A_1083, %dma_start3A_1084] : memref<32x8x128xf32, #tpu.memory_space<vmem>> -> memref<1x8x128xf32, #tpu.memory_space<vmem>>
      %dma_start3A_1086 = tpu.memref_squeeze %dma_start3A_1085 : memref<1x8x128xf32, #tpu.memory_space<vmem>> -> memref<8x128xf32, #tpu.memory_space<vmem>>
      %dma_start3A_1087 = arith.constant 0 : i32
      %dma_start3A_1088 = tpu.memref_slice %arg3[%dma_start3A_1087, %multiple_of3A_1074] : memref<8x1000000xf32, #tpu.memory_space<hbm>> -> memref<8x128xf32, #tpu.memory_space<hbm>>
      %dma_start3A_1089 = arith.constant 0 : i32
      %dma_start3A_1090 = arith.constant 0 : i32
      %dma_start3A_1091 = tpu.memref_slice %arg7[%dma_start3A_1082, %dma_start3A_1089, %dma_start3A_1090] : memref<32x8x128xf32, #tpu.memory_space<vmem>> -> memref<1x8x128xf32, #tpu.memory_space<vmem>>
      %dma_start3A_1092 = tpu.memref_squeeze %dma_start3A_1091 : memref<1x8x128xf32, #tpu.memory_space<vmem>> -> memref<8x128xf32, #tpu.memory_space<vmem>>
      %dma_start3A_1093 = arith.constant 0 : i32
      %dma_start3A_1094 = tpu.memref_slice %arg3[%dma_start3A_1093, %multiple_of3A_1074] : memref<8x1000000xf32, #tpu.memory_space<hbm>> -> memref<8x128xf32, #tpu.memory_space<hbm>>
      tpu.enqueue_dma source(%dma_start3A_1094 : memref<8x128xf32, #tpu.memory_space<hbm>>) target(%dma_start3A_1092 : memref<8x128xf32, #tpu.memory_space<vmem>>) target_semaphore(%arg12 : memref<!tpu.dma_semaphore, #tpu.memory_space<semaphore_mem>>)
      %dma_start3A_1095 = arith.constant 26 : i32
      %dma_start3A_1096 = arith.constant 0 : i32
      %dma_start3A_1097 = arith.constant 0 : i32
      %dma_start3A_1098 = tpu.memref_slice %arg8[%dma_start3A_1095, %dma_start3A_1096, %dma_start3A_1097] : memref<32x8x128xf32, #tpu.memory_space<vmem>> -> memref<1x8x128xf32, #tpu.memory_space<vmem>>
      %dma_start3A_1099 = tpu.memref_squeeze %dma_start3A_1098 : memref<1x8x128xf32, #tpu.memory_space<vmem>> -> memref<8x128xf32, #tpu.memory_space<vmem>>
      %dma_start3A_1100 = arith.constant 0 : i32
      %dma_start3A_1101 = tpu.memref_slice %arg4[%dma_start3A_1100, %multiple_of3A_1081] : memref<8x1000000xf32, #tpu.memory_space<hbm>> -> memref<8x128xf32, #tpu.memory_space<hbm>>
      %dma_start3A_1102 = arith.constant 0 : i32
      %dma_start3A_1103 = arith.constant 0 : i32
      %dma_start3A_1104 = tpu.memref_slice %arg8[%dma_start3A_1095, %dma_start3A_1102, %dma_start3A_1103] : memref<32x8x128xf32, #tpu.memory_space<vmem>> -> memref<1x8x128xf32, #tpu.memory_space<vmem>>
      %dma_start3A_1105 = tpu.memref_squeeze %dma_start3A_1104 : memref<1x8x128xf32, #tpu.memory_space<vmem>> -> memref<8x128xf32, #tpu.memory_space<vmem>>
      %dma_start3A_1106 = arith.constant 0 : i32
      %dma_start3A_1107 = tpu.memref_slice %arg4[%dma_start3A_1106, %multiple_of3A_1081] : memref<8x1000000xf32, #tpu.memory_space<hbm>> -> memref<8x128xf32, #tpu.memory_space<hbm>>
      tpu.enqueue_dma source(%dma_start3A_1107 : memref<8x128xf32, #tpu.memory_space<hbm>>) target(%dma_start3A_1105 : memref<8x128xf32, #tpu.memory_space<vmem>>) target_semaphore(%arg13 : memref<!tpu.dma_semaphore, #tpu.memory_space<semaphore_mem>>)
      %slice3A_1108 = vector.extract_strided_slice %get3A_661 {offsets = [11], sizes = [1], strides = [1]} : vector<16xi32> to vector<1xi32>
      %squeeze3A_1109 = vector.extract %slice3A_1108[0] : i32 from vector<1xi32>
      %shift_right_logical3A_1110 = arith.constant 7 : i32
      %shift_right_logical3A_1111 = arith.shrui %squeeze3A_1109, %shift_right_logical3A_1110 : i32
      %shift_left3A_1112 = arith.constant 7 : i32
      %shift_left3A_1113 = arith.shli %shift_right_logical3A_1111, %shift_left3A_1112 : i32
      %multiple_of3A_1114 = tpu.assume_multiple %shift_left3A_1113, 128 : i32
      %slice3A_1115 = vector.extract_strided_slice %get3A_667 {offsets = [11], sizes = [1], strides = [1]} : vector<16xi32> to vector<1xi32>
      %squeeze3A_1116 = vector.extract %slice3A_1115[0] : i32 from vector<1xi32>
      %shift_right_logical3A_1117 = arith.constant 7 : i32
      %shift_right_logical3A_1118 = arith.shrui %squeeze3A_1116, %shift_right_logical3A_1117 : i32
      %shift_left3A_1119 = arith.constant 7 : i32
      %shift_left3A_1120 = arith.shli %shift_right_logical3A_1118, %shift_left3A_1119 : i32
      %multiple_of3A_1121 = tpu.assume_multiple %shift_left3A_1120, 128 : i32
      %dma_start3A_1122 = arith.constant 27 : i32
      %dma_start3A_1123 = arith.constant 0 : i32
      %dma_start3A_1124 = arith.constant 0 : i32
      %dma_start3A_1125 = tpu.memref_slice %arg7[%dma_start3A_1122, %dma_start3A_1123, %dma_start3A_1124] : memref<32x8x128xf32, #tpu.memory_space<vmem>> -> memref<1x8x128xf32, #tpu.memory_space<vmem>>
      %dma_start3A_1126 = tpu.memref_squeeze %dma_start3A_1125 : memref<1x8x128xf32, #tpu.memory_space<vmem>> -> memref<8x128xf32, #tpu.memory_space<vmem>>
      %dma_start3A_1127 = arith.constant 0 : i32
      %dma_start3A_1128 = tpu.memref_slice %arg3[%dma_start3A_1127, %multiple_of3A_1114] : memref<8x1000000xf32, #tpu.memory_space<hbm>> -> memref<8x128xf32, #tpu.memory_space<hbm>>
      %dma_start3A_1129 = arith.constant 0 : i32
      %dma_start3A_1130 = arith.constant 0 : i32
      %dma_start3A_1131 = tpu.memref_slice %arg7[%dma_start3A_1122, %dma_start3A_1129, %dma_start3A_1130] : memref<32x8x128xf32, #tpu.memory_space<vmem>> -> memref<1x8x128xf32, #tpu.memory_space<vmem>>
      %dma_start3A_1132 = tpu.memref_squeeze %dma_start3A_1131 : memref<1x8x128xf32, #tpu.memory_space<vmem>> -> memref<8x128xf32, #tpu.memory_space<vmem>>
      %dma_start3A_1133 = arith.constant 0 : i32
      %dma_start3A_1134 = tpu.memref_slice %arg3[%dma_start3A_1133, %multiple_of3A_1114] : memref<8x1000000xf32, #tpu.memory_space<hbm>> -> memref<8x128xf32, #tpu.memory_space<hbm>>
      tpu.enqueue_dma source(%dma_start3A_1134 : memref<8x128xf32, #tpu.memory_space<hbm>>) target(%dma_start3A_1132 : memref<8x128xf32, #tpu.memory_space<vmem>>) target_semaphore(%arg12 : memref<!tpu.dma_semaphore, #tpu.memory_space<semaphore_mem>>)
      %dma_start3A_1135 = arith.constant 27 : i32
      %dma_start3A_1136 = arith.constant 0 : i32
      %dma_start3A_1137 = arith.constant 0 : i32
      %dma_start3A_1138 = tpu.memref_slice %arg8[%dma_start3A_1135, %dma_start3A_1136, %dma_start3A_1137] : memref<32x8x128xf32, #tpu.memory_space<vmem>> -> memref<1x8x128xf32, #tpu.memory_space<vmem>>
      %dma_start3A_1139 = tpu.memref_squeeze %dma_start3A_1138 : memref<1x8x128xf32, #tpu.memory_space<vmem>> -> memref<8x128xf32, #tpu.memory_space<vmem>>
      %dma_start3A_1140 = arith.constant 0 : i32
      %dma_start3A_1141 = tpu.memref_slice %arg4[%dma_start3A_1140, %multiple_of3A_1121] : memref<8x1000000xf32, #tpu.memory_space<hbm>> -> memref<8x128xf32, #tpu.memory_space<hbm>>
      %dma_start3A_1142 = arith.constant 0 : i32
      %dma_start3A_1143 = arith.constant 0 : i32
      %dma_start3A_1144 = tpu.memref_slice %arg8[%dma_start3A_1135, %dma_start3A_1142, %dma_start3A_1143] : memref<32x8x128xf32, #tpu.memory_space<vmem>> -> memref<1x8x128xf32, #tpu.memory_space<vmem>>
      %dma_start3A_1145 = tpu.memref_squeeze %dma_start3A_1144 : memref<1x8x128xf32, #tpu.memory_space<vmem>> -> memref<8x128xf32, #tpu.memory_space<vmem>>
      %dma_start3A_1146 = arith.constant 0 : i32
      %dma_start3A_1147 = tpu.memref_slice %arg4[%dma_start3A_1146, %multiple_of3A_1121] : memref<8x1000000xf32, #tpu.memory_space<hbm>> -> memref<8x128xf32, #tpu.memory_space<hbm>>
      tpu.enqueue_dma source(%dma_start3A_1147 : memref<8x128xf32, #tpu.memory_space<hbm>>) target(%dma_start3A_1145 : memref<8x128xf32, #tpu.memory_space<vmem>>) target_semaphore(%arg13 : memref<!tpu.dma_semaphore, #tpu.memory_space<semaphore_mem>>)
      %slice3A_1148 = vector.extract_strided_slice %get3A_661 {offsets = [12], sizes = [1], strides = [1]} : vector<16xi32> to vector<1xi32>
      %squeeze3A_1149 = vector.extract %slice3A_1148[0] : i32 from vector<1xi32>
      %shift_right_logical3A_1150 = arith.constant 7 : i32
      %shift_right_logical3A_1151 = arith.shrui %squeeze3A_1149, %shift_right_logical3A_1150 : i32
      %shift_left3A_1152 = arith.constant 7 : i32
      %shift_left3A_1153 = arith.shli %shift_right_logical3A_1151, %shift_left3A_1152 : i32
      %multiple_of3A_1154 = tpu.assume_multiple %shift_left3A_1153, 128 : i32
      %slice3A_1155 = vector.extract_strided_slice %get3A_667 {offsets = [12], sizes = [1], strides = [1]} : vector<16xi32> to vector<1xi32>
      %squeeze3A_1156 = vector.extract %slice3A_1155[0] : i32 from vector<1xi32>
      %shift_right_logical3A_1157 = arith.constant 7 : i32
      %shift_right_logical3A_1158 = arith.shrui %squeeze3A_1156, %shift_right_logical3A_1157 : i32
      %shift_left3A_1159 = arith.constant 7 : i32
      %shift_left3A_1160 = arith.shli %shift_right_logical3A_1158, %shift_left3A_1159 : i32
      %multiple_of3A_1161 = tpu.assume_multiple %shift_left3A_1160, 128 : i32
      %dma_start3A_1162 = arith.constant 28 : i32
      %dma_start3A_1163 = arith.constant 0 : i32
      %dma_start3A_1164 = arith.constant 0 : i32
      %dma_start3A_1165 = tpu.memref_slice %arg7[%dma_start3A_1162, %dma_start3A_1163, %dma_start3A_1164] : memref<32x8x128xf32, #tpu.memory_space<vmem>> -> memref<1x8x128xf32, #tpu.memory_space<vmem>>
      %dma_start3A_1166 = tpu.memref_squeeze %dma_start3A_1165 : memref<1x8x128xf32, #tpu.memory_space<vmem>> -> memref<8x128xf32, #tpu.memory_space<vmem>>
      %dma_start3A_1167 = arith.constant 0 : i32
      %dma_start3A_1168 = tpu.memref_slice %arg3[%dma_start3A_1167, %multiple_of3A_1154] : memref<8x1000000xf32, #tpu.memory_space<hbm>> -> memref<8x128xf32, #tpu.memory_space<hbm>>
      %dma_start3A_1169 = arith.constant 0 : i32
      %dma_start3A_1170 = arith.constant 0 : i32
      %dma_start3A_1171 = tpu.memref_slice %arg7[%dma_start3A_1162, %dma_start3A_1169, %dma_start3A_1170] : memref<32x8x128xf32, #tpu.memory_space<vmem>> -> memref<1x8x128xf32, #tpu.memory_space<vmem>>
      %dma_start3A_1172 = tpu.memref_squeeze %dma_start3A_1171 : memref<1x8x128xf32, #tpu.memory_space<vmem>> -> memref<8x128xf32, #tpu.memory_space<vmem>>
      %dma_start3A_1173 = arith.constant 0 : i32
      %dma_start3A_1174 = tpu.memref_slice %arg3[%dma_start3A_1173, %multiple_of3A_1154] : memref<8x1000000xf32, #tpu.memory_space<hbm>> -> memref<8x128xf32, #tpu.memory_space<hbm>>
      tpu.enqueue_dma source(%dma_start3A_1174 : memref<8x128xf32, #tpu.memory_space<hbm>>) target(%dma_start3A_1172 : memref<8x128xf32, #tpu.memory_space<vmem>>) target_semaphore(%arg12 : memref<!tpu.dma_semaphore, #tpu.memory_space<semaphore_mem>>)
      %dma_start3A_1175 = arith.constant 28 : i32
      %dma_start3A_1176 = arith.constant 0 : i32
      %dma_start3A_1177 = arith.constant 0 : i32
      %dma_start3A_1178 = tpu.memref_slice %arg8[%dma_start3A_1175, %dma_start3A_1176, %dma_start3A_1177] : memref<32x8x128xf32, #tpu.memory_space<vmem>> -> memref<1x8x128xf32, #tpu.memory_space<vmem>>
      %dma_start3A_1179 = tpu.memref_squeeze %dma_start3A_1178 : memref<1x8x128xf32, #tpu.memory_space<vmem>> -> memref<8x128xf32, #tpu.memory_space<vmem>>
      %dma_start3A_1180 = arith.constant 0 : i32
      %dma_start3A_1181 = tpu.memref_slice %arg4[%dma_start3A_1180, %multiple_of3A_1161] : memref<8x1000000xf32, #tpu.memory_space<hbm>> -> memref<8x128xf32, #tpu.memory_space<hbm>>
      %dma_start3A_1182 = arith.constant 0 : i32
      %dma_start3A_1183 = arith.constant 0 : i32
      %dma_start3A_1184 = tpu.memref_slice %arg8[%dma_start3A_1175, %dma_start3A_1182, %dma_start3A_1183] : memref<32x8x128xf32, #tpu.memory_space<vmem>> -> memref<1x8x128xf32, #tpu.memory_space<vmem>>
      %dma_start3A_1185 = tpu.memref_squeeze %dma_start3A_1184 : memref<1x8x128xf32, #tpu.memory_space<vmem>> -> memref<8x128xf32, #tpu.memory_space<vmem>>
      %dma_start3A_1186 = arith.constant 0 : i32
      %dma_start3A_1187 = tpu.memref_slice %arg4[%dma_start3A_1186, %multiple_of3A_1161] : memref<8x1000000xf32, #tpu.memory_space<hbm>> -> memref<8x128xf32, #tpu.memory_space<hbm>>
      tpu.enqueue_dma source(%dma_start3A_1187 : memref<8x128xf32, #tpu.memory_space<hbm>>) target(%dma_start3A_1185 : memref<8x128xf32, #tpu.memory_space<vmem>>) target_semaphore(%arg13 : memref<!tpu.dma_semaphore, #tpu.memory_space<semaphore_mem>>)
      %slice3A_1188 = vector.extract_strided_slice %get3A_661 {offsets = [13], sizes = [1], strides = [1]} : vector<16xi32> to vector<1xi32>
      %squeeze3A_1189 = vector.extract %slice3A_1188[0] : i32 from vector<1xi32>
      %shift_right_logical3A_1190 = arith.constant 7 : i32
      %shift_right_logical3A_1191 = arith.shrui %squeeze3A_1189, %shift_right_logical3A_1190 : i32
      %shift_left3A_1192 = arith.constant 7 : i32
      %shift_left3A_1193 = arith.shli %shift_right_logical3A_1191, %shift_left3A_1192 : i32
      %multiple_of3A_1194 = tpu.assume_multiple %shift_left3A_1193, 128 : i32
      %slice3A_1195 = vector.extract_strided_slice %get3A_667 {offsets = [13], sizes = [1], strides = [1]} : vector<16xi32> to vector<1xi32>
      %squeeze3A_1196 = vector.extract %slice3A_1195[0] : i32 from vector<1xi32>
      %shift_right_logical3A_1197 = arith.constant 7 : i32
      %shift_right_logical3A_1198 = arith.shrui %squeeze3A_1196, %shift_right_logical3A_1197 : i32
      %shift_left3A_1199 = arith.constant 7 : i32
      %shift_left3A_1200 = arith.shli %shift_right_logical3A_1198, %shift_left3A_1199 : i32
      %multiple_of3A_1201 = tpu.assume_multiple %shift_left3A_1200, 128 : i32
      %dma_start3A_1202 = arith.constant 29 : i32
      %dma_start3A_1203 = arith.constant 0 : i32
      %dma_start3A_1204 = arith.constant 0 : i32
      %dma_start3A_1205 = tpu.memref_slice %arg7[%dma_start3A_1202, %dma_start3A_1203, %dma_start3A_1204] : memref<32x8x128xf32, #tpu.memory_space<vmem>> -> memref<1x8x128xf32, #tpu.memory_space<vmem>>
      %dma_start3A_1206 = tpu.memref_squeeze %dma_start3A_1205 : memref<1x8x128xf32, #tpu.memory_space<vmem>> -> memref<8x128xf32, #tpu.memory_space<vmem>>
      %dma_start3A_1207 = arith.constant 0 : i32
      %dma_start3A_1208 = tpu.memref_slice %arg3[%dma_start3A_1207, %multiple_of3A_1194] : memref<8x1000000xf32, #tpu.memory_space<hbm>> -> memref<8x128xf32, #tpu.memory_space<hbm>>
      %dma_start3A_1209 = arith.constant 0 : i32
      %dma_start3A_1210 = arith.constant 0 : i32
      %dma_start3A_1211 = tpu.memref_slice %arg7[%dma_start3A_1202, %dma_start3A_1209, %dma_start3A_1210] : memref<32x8x128xf32, #tpu.memory_space<vmem>> -> memref<1x8x128xf32, #tpu.memory_space<vmem>>
      %dma_start3A_1212 = tpu.memref_squeeze %dma_start3A_1211 : memref<1x8x128xf32, #tpu.memory_space<vmem>> -> memref<8x128xf32, #tpu.memory_space<vmem>>
      %dma_start3A_1213 = arith.constant 0 : i32
      %dma_start3A_1214 = tpu.memref_slice %arg3[%dma_start3A_1213, %multiple_of3A_1194] : memref<8x1000000xf32, #tpu.memory_space<hbm>> -> memref<8x128xf32, #tpu.memory_space<hbm>>
      tpu.enqueue_dma source(%dma_start3A_1214 : memref<8x128xf32, #tpu.memory_space<hbm>>) target(%dma_start3A_1212 : memref<8x128xf32, #tpu.memory_space<vmem>>) target_semaphore(%arg12 : memref<!tpu.dma_semaphore, #tpu.memory_space<semaphore_mem>>)
      %dma_start3A_1215 = arith.constant 29 : i32
      %dma_start3A_1216 = arith.constant 0 : i32
      %dma_start3A_1217 = arith.constant 0 : i32
      %dma_start3A_1218 = tpu.memref_slice %arg8[%dma_start3A_1215, %dma_start3A_1216, %dma_start3A_1217] : memref<32x8x128xf32, #tpu.memory_space<vmem>> -> memref<1x8x128xf32, #tpu.memory_space<vmem>>
      %dma_start3A_1219 = tpu.memref_squeeze %dma_start3A_1218 : memref<1x8x128xf32, #tpu.memory_space<vmem>> -> memref<8x128xf32, #tpu.memory_space<vmem>>
      %dma_start3A_1220 = arith.constant 0 : i32
      %dma_start3A_1221 = tpu.memref_slice %arg4[%dma_start3A_1220, %multiple_of3A_1201] : memref<8x1000000xf32, #tpu.memory_space<hbm>> -> memref<8x128xf32, #tpu.memory_space<hbm>>
      %dma_start3A_1222 = arith.constant 0 : i32
      %dma_start3A_1223 = arith.constant 0 : i32
      %dma_start3A_1224 = tpu.memref_slice %arg8[%dma_start3A_1215, %dma_start3A_1222, %dma_start3A_1223] : memref<32x8x128xf32, #tpu.memory_space<vmem>> -> memref<1x8x128xf32, #tpu.memory_space<vmem>>
      %dma_start3A_1225 = tpu.memref_squeeze %dma_start3A_1224 : memref<1x8x128xf32, #tpu.memory_space<vmem>> -> memref<8x128xf32, #tpu.memory_space<vmem>>
      %dma_start3A_1226 = arith.constant 0 : i32
      %dma_start3A_1227 = tpu.memref_slice %arg4[%dma_start3A_1226, %multiple_of3A_1201] : memref<8x1000000xf32, #tpu.memory_space<hbm>> -> memref<8x128xf32, #tpu.memory_space<hbm>>
      tpu.enqueue_dma source(%dma_start3A_1227 : memref<8x128xf32, #tpu.memory_space<hbm>>) target(%dma_start3A_1225 : memref<8x128xf32, #tpu.memory_space<vmem>>) target_semaphore(%arg13 : memref<!tpu.dma_semaphore, #tpu.memory_space<semaphore_mem>>)
      %slice3A_1228 = vector.extract_strided_slice %get3A_661 {offsets = [14], sizes = [1], strides = [1]} : vector<16xi32> to vector<1xi32>
      %squeeze3A_1229 = vector.extract %slice3A_1228[0] : i32 from vector<1xi32>
      %shift_right_logical3A_1230 = arith.constant 7 : i32
      %shift_right_logical3A_1231 = arith.shrui %squeeze3A_1229, %shift_right_logical3A_1230 : i32
      %shift_left3A_1232 = arith.constant 7 : i32
      %shift_left3A_1233 = arith.shli %shift_right_logical3A_1231, %shift_left3A_1232 : i32
      %multiple_of3A_1234 = tpu.assume_multiple %shift_left3A_1233, 128 : i32
      %slice3A_1235 = vector.extract_strided_slice %get3A_667 {offsets = [14], sizes = [1], strides = [1]} : vector<16xi32> to vector<1xi32>
      %squeeze3A_1236 = vector.extract %slice3A_1235[0] : i32 from vector<1xi32>
      %shift_right_logical3A_1237 = arith.constant 7 : i32
      %shift_right_logical3A_1238 = arith.shrui %squeeze3A_1236, %shift_right_logical3A_1237 : i32
      %shift_left3A_1239 = arith.constant 7 : i32
      %shift_left3A_1240 = arith.shli %shift_right_logical3A_1238, %shift_left3A_1239 : i32
      %multiple_of3A_1241 = tpu.assume_multiple %shift_left3A_1240, 128 : i32
      %dma_start3A_1242 = arith.constant 30 : i32
      %dma_start3A_1243 = arith.constant 0 : i32
      %dma_start3A_1244 = arith.constant 0 : i32
      %dma_start3A_1245 = tpu.memref_slice %arg7[%dma_start3A_1242, %dma_start3A_1243, %dma_start3A_1244] : memref<32x8x128xf32, #tpu.memory_space<vmem>> -> memref<1x8x128xf32, #tpu.memory_space<vmem>>
      %dma_start3A_1246 = tpu.memref_squeeze %dma_start3A_1245 : memref<1x8x128xf32, #tpu.memory_space<vmem>> -> memref<8x128xf32, #tpu.memory_space<vmem>>
      %dma_start3A_1247 = arith.constant 0 : i32
      %dma_start3A_1248 = tpu.memref_slice %arg3[%dma_start3A_1247, %multiple_of3A_1234] : memref<8x1000000xf32, #tpu.memory_space<hbm>> -> memref<8x128xf32, #tpu.memory_space<hbm>>
      %dma_start3A_1249 = arith.constant 0 : i32
      %dma_start3A_1250 = arith.constant 0 : i32
      %dma_start3A_1251 = tpu.memref_slice %arg7[%dma_start3A_1242, %dma_start3A_1249, %dma_start3A_1250] : memref<32x8x128xf32, #tpu.memory_space<vmem>> -> memref<1x8x128xf32, #tpu.memory_space<vmem>>
      %dma_start3A_1252 = tpu.memref_squeeze %dma_start3A_1251 : memref<1x8x128xf32, #tpu.memory_space<vmem>> -> memref<8x128xf32, #tpu.memory_space<vmem>>
      %dma_start3A_1253 = arith.constant 0 : i32
      %dma_start3A_1254 = tpu.memref_slice %arg3[%dma_start3A_1253, %multiple_of3A_1234] : memref<8x1000000xf32, #tpu.memory_space<hbm>> -> memref<8x128xf32, #tpu.memory_space<hbm>>
      tpu.enqueue_dma source(%dma_start3A_1254 : memref<8x128xf32, #tpu.memory_space<hbm>>) target(%dma_start3A_1252 : memref<8x128xf32, #tpu.memory_space<vmem>>) target_semaphore(%arg12 : memref<!tpu.dma_semaphore, #tpu.memory_space<semaphore_mem>>)
      %dma_start3A_1255 = arith.constant 30 : i32
      %dma_start3A_1256 = arith.constant 0 : i32
      %dma_start3A_1257 = arith.constant 0 : i32
      %dma_start3A_1258 = tpu.memref_slice %arg8[%dma_start3A_1255, %dma_start3A_1256, %dma_start3A_1257] : memref<32x8x128xf32, #tpu.memory_space<vmem>> -> memref<1x8x128xf32, #tpu.memory_space<vmem>>
      %dma_start3A_1259 = tpu.memref_squeeze %dma_start3A_1258 : memref<1x8x128xf32, #tpu.memory_space<vmem>> -> memref<8x128xf32, #tpu.memory_space<vmem>>
      %dma_start3A_1260 = arith.constant 0 : i32
      %dma_start3A_1261 = tpu.memref_slice %arg4[%dma_start3A_1260, %multiple_of3A_1241] : memref<8x1000000xf32, #tpu.memory_space<hbm>> -> memref<8x128xf32, #tpu.memory_space<hbm>>
      %dma_start3A_1262 = arith.constant 0 : i32
      %dma_start3A_1263 = arith.constant 0 : i32
      %dma_start3A_1264 = tpu.memref_slice %arg8[%dma_start3A_1255, %dma_start3A_1262, %dma_start3A_1263] : memref<32x8x128xf32, #tpu.memory_space<vmem>> -> memref<1x8x128xf32, #tpu.memory_space<vmem>>
      %dma_start3A_1265 = tpu.memref_squeeze %dma_start3A_1264 : memref<1x8x128xf32, #tpu.memory_space<vmem>> -> memref<8x128xf32, #tpu.memory_space<vmem>>
      %dma_start3A_1266 = arith.constant 0 : i32
      %dma_start3A_1267 = tpu.memref_slice %arg4[%dma_start3A_1266, %multiple_of3A_1241] : memref<8x1000000xf32, #tpu.memory_space<hbm>> -> memref<8x128xf32, #tpu.memory_space<hbm>>
      tpu.enqueue_dma source(%dma_start3A_1267 : memref<8x128xf32, #tpu.memory_space<hbm>>) target(%dma_start3A_1265 : memref<8x128xf32, #tpu.memory_space<vmem>>) target_semaphore(%arg13 : memref<!tpu.dma_semaphore, #tpu.memory_space<semaphore_mem>>)
      %slice3A_1268 = vector.extract_strided_slice %get3A_661 {offsets = [15], sizes = [1], strides = [1]} : vector<16xi32> to vector<1xi32>
      %squeeze3A_1269 = vector.extract %slice3A_1268[0] : i32 from vector<1xi32>
      %shift_right_logical3A_1270 = arith.constant 7 : i32
      %shift_right_logical3A_1271 = arith.shrui %squeeze3A_1269, %shift_right_logical3A_1270 : i32
      %shift_left3A_1272 = arith.constant 7 : i32
      %shift_left3A_1273 = arith.shli %shift_right_logical3A_1271, %shift_left3A_1272 : i32
      %multiple_of3A_1274 = tpu.assume_multiple %shift_left3A_1273, 128 : i32
      %slice3A_1275 = vector.extract_strided_slice %get3A_667 {offsets = [15], sizes = [1], strides = [1]} : vector<16xi32> to vector<1xi32>
      %squeeze3A_1276 = vector.extract %slice3A_1275[0] : i32 from vector<1xi32>
      %shift_right_logical3A_1277 = arith.constant 7 : i32
      %shift_right_logical3A_1278 = arith.shrui %squeeze3A_1276, %shift_right_logical3A_1277 : i32
      %shift_left3A_1279 = arith.constant 7 : i32
      %shift_left3A_1280 = arith.shli %shift_right_logical3A_1278, %shift_left3A_1279 : i32
      %multiple_of3A_1281 = tpu.assume_multiple %shift_left3A_1280, 128 : i32
      %dma_start3A_1282 = arith.constant 31 : i32
      %dma_start3A_1283 = arith.constant 0 : i32
      %dma_start3A_1284 = arith.constant 0 : i32
      %dma_start3A_1285 = tpu.memref_slice %arg7[%dma_start3A_1282, %dma_start3A_1283, %dma_start3A_1284] : memref<32x8x128xf32, #tpu.memory_space<vmem>> -> memref<1x8x128xf32, #tpu.memory_space<vmem>>
      %dma_start3A_1286 = tpu.memref_squeeze %dma_start3A_1285 : memref<1x8x128xf32, #tpu.memory_space<vmem>> -> memref<8x128xf32, #tpu.memory_space<vmem>>
      %dma_start3A_1287 = arith.constant 0 : i32
      %dma_start3A_1288 = tpu.memref_slice %arg3[%dma_start3A_1287, %multiple_of3A_1274] : memref<8x1000000xf32, #tpu.memory_space<hbm>> -> memref<8x128xf32, #tpu.memory_space<hbm>>
      %dma_start3A_1289 = arith.constant 0 : i32
      %dma_start3A_1290 = arith.constant 0 : i32
      %dma_start3A_1291 = tpu.memref_slice %arg7[%dma_start3A_1282, %dma_start3A_1289, %dma_start3A_1290] : memref<32x8x128xf32, #tpu.memory_space<vmem>> -> memref<1x8x128xf32, #tpu.memory_space<vmem>>
      %dma_start3A_1292 = tpu.memref_squeeze %dma_start3A_1291 : memref<1x8x128xf32, #tpu.memory_space<vmem>> -> memref<8x128xf32, #tpu.memory_space<vmem>>
      %dma_start3A_1293 = arith.constant 0 : i32
      %dma_start3A_1294 = tpu.memref_slice %arg3[%dma_start3A_1293, %multiple_of3A_1274] : memref<8x1000000xf32, #tpu.memory_space<hbm>> -> memref<8x128xf32, #tpu.memory_space<hbm>>
      tpu.enqueue_dma source(%dma_start3A_1294 : memref<8x128xf32, #tpu.memory_space<hbm>>) target(%dma_start3A_1292 : memref<8x128xf32, #tpu.memory_space<vmem>>) target_semaphore(%arg12 : memref<!tpu.dma_semaphore, #tpu.memory_space<semaphore_mem>>)
      %dma_start3A_1295 = arith.constant 31 : i32
      %dma_start3A_1296 = arith.constant 0 : i32
      %dma_start3A_1297 = arith.constant 0 : i32
      %dma_start3A_1298 = tpu.memref_slice %arg8[%dma_start3A_1295, %dma_start3A_1296, %dma_start3A_1297] : memref<32x8x128xf32, #tpu.memory_space<vmem>> -> memref<1x8x128xf32, #tpu.memory_space<vmem>>
      %dma_start3A_1299 = tpu.memref_squeeze %dma_start3A_1298 : memref<1x8x128xf32, #tpu.memory_space<vmem>> -> memref<8x128xf32, #tpu.memory_space<vmem>>
      %dma_start3A_1300 = arith.constant 0 : i32
      %dma_start3A_1301 = tpu.memref_slice %arg4[%dma_start3A_1300, %multiple_of3A_1281] : memref<8x1000000xf32, #tpu.memory_space<hbm>> -> memref<8x128xf32, #tpu.memory_space<hbm>>
      %dma_start3A_1302 = arith.constant 0 : i32
      %dma_start3A_1303 = arith.constant 0 : i32
      %dma_start3A_1304 = tpu.memref_slice %arg8[%dma_start3A_1295, %dma_start3A_1302, %dma_start3A_1303] : memref<32x8x128xf32, #tpu.memory_space<vmem>> -> memref<1x8x128xf32, #tpu.memory_space<vmem>>
      %dma_start3A_1305 = tpu.memref_squeeze %dma_start3A_1304 : memref<1x8x128xf32, #tpu.memory_space<vmem>> -> memref<8x128xf32, #tpu.memory_space<vmem>>
      %dma_start3A_1306 = arith.constant 0 : i32
      %dma_start3A_1307 = tpu.memref_slice %arg4[%dma_start3A_1306, %multiple_of3A_1281] : memref<8x1000000xf32, #tpu.memory_space<hbm>> -> memref<8x128xf32, #tpu.memory_space<hbm>>
      tpu.enqueue_dma source(%dma_start3A_1307 : memref<8x128xf32, #tpu.memory_space<hbm>>) target(%dma_start3A_1305 : memref<8x128xf32, #tpu.memory_space<vmem>>) target_semaphore(%arg13 : memref<!tpu.dma_semaphore, #tpu.memory_space<semaphore_mem>>)
      %dma_wait3A = arith.constant 0 : i32
      %dma_wait3A_1308 = arith.constant 0 : i32
      %dma_wait3A_1309 = arith.constant 0 : i32
      %dma_wait3A_1310 = tpu.memref_slice %arg7[%dma_wait3A, %dma_wait3A_1308, %dma_wait3A_1309] : memref<32x8x128xf32, #tpu.memory_space<vmem>> -> memref<1x8x128xf32, #tpu.memory_space<vmem>>
      %dma_wait3A_1311 = tpu.memref_squeeze %dma_wait3A_1310 : memref<1x8x128xf32, #tpu.memory_space<vmem>> -> memref<8x128xf32, #tpu.memory_space<vmem>>
      %dma_wait3A_1312 = arith.constant 0 : i32
      %dma_wait3A_1313 = arith.constant 0 : i32
      %dma_wait3A_1314 = tpu.memref_slice %arg3[%dma_wait3A_1312, %dma_wait3A_1313] : memref<8x1000000xf32, #tpu.memory_space<hbm>> -> memref<8x128xf32, #tpu.memory_space<hbm>>
      %dma_wait3A_1315 = arith.constant 0 : i32
      %dma_wait3A_1316 = arith.constant 0 : i32
      %dma_wait3A_1317 = tpu.memref_slice %arg7[%dma_wait3A, %dma_wait3A_1315, %dma_wait3A_1316] : memref<32x8x128xf32, #tpu.memory_space<vmem>> -> memref<1x8x128xf32, #tpu.memory_space<vmem>>
      %dma_wait3A_1318 = tpu.memref_squeeze %dma_wait3A_1317 : memref<1x8x128xf32, #tpu.memory_space<vmem>> -> memref<8x128xf32, #tpu.memory_space<vmem>>
      %dma_wait3A_1319 = arith.constant 0 : i32
      %dma_wait3A_1320 = arith.constant 0 : i32
      %dma_wait3A_1321 = tpu.memref_slice %arg3[%dma_wait3A_1319, %dma_wait3A_1320] : memref<8x1000000xf32, #tpu.memory_space<hbm>> -> memref<8x128xf32, #tpu.memory_space<hbm>>
      tpu.wait_dma2 semaphore(%arg10 : memref<!tpu.dma_semaphore, #tpu.memory_space<semaphore_mem>>) src(%dma_wait3A_1321 : memref<8x128xf32, #tpu.memory_space<hbm>>) dst(%dma_wait3A_1318 : memref<8x128xf32, #tpu.memory_space<vmem>>)
      %dma_wait3A_1322 = arith.constant 0 : i32
      %dma_wait3A_1323 = arith.constant 0 : i32
      %dma_wait3A_1324 = arith.constant 0 : i32
      %dma_wait3A_1325 = tpu.memref_slice %arg8[%dma_wait3A_1322, %dma_wait3A_1323, %dma_wait3A_1324] : memref<32x8x128xf32, #tpu.memory_space<vmem>> -> memref<1x8x128xf32, #tpu.memory_space<vmem>>
      %dma_wait3A_1326 = tpu.memref_squeeze %dma_wait3A_1325 : memref<1x8x128xf32, #tpu.memory_space<vmem>> -> memref<8x128xf32, #tpu.memory_space<vmem>>
      %dma_wait3A_1327 = arith.constant 0 : i32
      %dma_wait3A_1328 = arith.constant 0 : i32
      %dma_wait3A_1329 = tpu.memref_slice %arg4[%dma_wait3A_1327, %dma_wait3A_1328] : memref<8x1000000xf32, #tpu.memory_space<hbm>> -> memref<8x128xf32, #tpu.memory_space<hbm>>
      %dma_wait3A_1330 = arith.constant 0 : i32
      %dma_wait3A_1331 = arith.constant 0 : i32
      %dma_wait3A_1332 = tpu.memref_slice %arg8[%dma_wait3A_1322, %dma_wait3A_1330, %dma_wait3A_1331] : memref<32x8x128xf32, #tpu.memory_space<vmem>> -> memref<1x8x128xf32, #tpu.memory_space<vmem>>
      %dma_wait3A_1333 = tpu.memref_squeeze %dma_wait3A_1332 : memref<1x8x128xf32, #tpu.memory_space<vmem>> -> memref<8x128xf32, #tpu.memory_space<vmem>>
      %dma_wait3A_1334 = arith.constant 0 : i32
      %dma_wait3A_1335 = arith.constant 0 : i32
      %dma_wait3A_1336 = tpu.memref_slice %arg4[%dma_wait3A_1334, %dma_wait3A_1335] : memref<8x1000000xf32, #tpu.memory_space<hbm>> -> memref<8x128xf32, #tpu.memory_space<hbm>>
      tpu.wait_dma2 semaphore(%arg11 : memref<!tpu.dma_semaphore, #tpu.memory_space<semaphore_mem>>) src(%dma_wait3A_1336 : memref<8x128xf32, #tpu.memory_space<hbm>>) dst(%dma_wait3A_1333 : memref<8x128xf32, #tpu.memory_space<vmem>>)
      %dma_wait3A_1337 = arith.constant 1 : i32
      %dma_wait3A_1338 = arith.constant 0 : i32
      %dma_wait3A_1339 = arith.constant 0 : i32
      %dma_wait3A_1340 = tpu.memref_slice %arg7[%dma_wait3A_1337, %dma_wait3A_1338, %dma_wait3A_1339] : memref<32x8x128xf32, #tpu.memory_space<vmem>> -> memref<1x8x128xf32, #tpu.memory_space<vmem>>
      %dma_wait3A_1341 = tpu.memref_squeeze %dma_wait3A_1340 : memref<1x8x128xf32, #tpu.memory_space<vmem>> -> memref<8x128xf32, #tpu.memory_space<vmem>>
      %dma_wait3A_1342 = arith.constant 0 : i32
      %dma_wait3A_1343 = arith.constant 0 : i32
      %dma_wait3A_1344 = tpu.memref_slice %arg3[%dma_wait3A_1342, %dma_wait3A_1343] : memref<8x1000000xf32, #tpu.memory_space<hbm>> -> memref<8x128xf32, #tpu.memory_space<hbm>>
      %dma_wait3A_1345 = arith.constant 0 : i32
      %dma_wait3A_1346 = arith.constant 0 : i32
      %dma_wait3A_1347 = tpu.memref_slice %arg7[%dma_wait3A_1337, %dma_wait3A_1345, %dma_wait3A_1346] : memref<32x8x128xf32, #tpu.memory_space<vmem>> -> memref<1x8x128xf32, #tpu.memory_space<vmem>>
      %dma_wait3A_1348 = tpu.memref_squeeze %dma_wait3A_1347 : memref<1x8x128xf32, #tpu.memory_space<vmem>> -> memref<8x128xf32, #tpu.memory_space<vmem>>
      %dma_wait3A_1349 = arith.constant 0 : i32
      %dma_wait3A_1350 = arith.constant 0 : i32
      %dma_wait3A_1351 = tpu.memref_slice %arg3[%dma_wait3A_1349, %dma_wait3A_1350] : memref<8x1000000xf32, #tpu.memory_space<hbm>> -> memref<8x128xf32, #tpu.memory_space<hbm>>
      tpu.wait_dma2 semaphore(%arg10 : memref<!tpu.dma_semaphore, #tpu.memory_space<semaphore_mem>>) src(%dma_wait3A_1351 : memref<8x128xf32, #tpu.memory_space<hbm>>) dst(%dma_wait3A_1348 : memref<8x128xf32, #tpu.memory_space<vmem>>)
      %dma_wait3A_1352 = arith.constant 1 : i32
      %dma_wait3A_1353 = arith.constant 0 : i32
      %dma_wait3A_1354 = arith.constant 0 : i32
      %dma_wait3A_1355 = tpu.memref_slice %arg8[%dma_wait3A_1352, %dma_wait3A_1353, %dma_wait3A_1354] : memref<32x8x128xf32, #tpu.memory_space<vmem>> -> memref<1x8x128xf32, #tpu.memory_space<vmem>>
      %dma_wait3A_1356 = tpu.memref_squeeze %dma_wait3A_1355 : memref<1x8x128xf32, #tpu.memory_space<vmem>> -> memref<8x128xf32, #tpu.memory_space<vmem>>
      %dma_wait3A_1357 = arith.constant 0 : i32
      %dma_wait3A_1358 = arith.constant 0 : i32
      %dma_wait3A_1359 = tpu.memref_slice %arg4[%dma_wait3A_1357, %dma_wait3A_1358] : memref<8x1000000xf32, #tpu.memory_space<hbm>> -> memref<8x128xf32, #tpu.memory_space<hbm>>
      %dma_wait3A_1360 = arith.constant 0 : i32
      %dma_wait3A_1361 = arith.constant 0 : i32
      %dma_wait3A_1362 = tpu.memref_slice %arg8[%dma_wait3A_1352, %dma_wait3A_1360, %dma_wait3A_1361] : memref<32x8x128xf32, #tpu.memory_space<vmem>> -> memref<1x8x128xf32, #tpu.memory_space<vmem>>
      %dma_wait3A_1363 = tpu.memref_squeeze %dma_wait3A_1362 : memref<1x8x128xf32, #tpu.memory_space<vmem>> -> memref<8x128xf32, #tpu.memory_space<vmem>>
      %dma_wait3A_1364 = arith.constant 0 : i32
      %dma_wait3A_1365 = arith.constant 0 : i32
      %dma_wait3A_1366 = tpu.memref_slice %arg4[%dma_wait3A_1364, %dma_wait3A_1365] : memref<8x1000000xf32, #tpu.memory_space<hbm>> -> memref<8x128xf32, #tpu.memory_space<hbm>>
      tpu.wait_dma2 semaphore(%arg11 : memref<!tpu.dma_semaphore, #tpu.memory_space<semaphore_mem>>) src(%dma_wait3A_1366 : memref<8x128xf32, #tpu.memory_space<hbm>>) dst(%dma_wait3A_1363 : memref<8x128xf32, #tpu.memory_space<vmem>>)
      %dma_wait3A_1367 = arith.constant 2 : i32
      %dma_wait3A_1368 = arith.constant 0 : i32
      %dma_wait3A_1369 = arith.constant 0 : i32
      %dma_wait3A_1370 = tpu.memref_slice %arg7[%dma_wait3A_1367, %dma_wait3A_1368, %dma_wait3A_1369] : memref<32x8x128xf32, #tpu.memory_space<vmem>> -> memref<1x8x128xf32, #tpu.memory_space<vmem>>
      %dma_wait3A_1371 = tpu.memref_squeeze %dma_wait3A_1370 : memref<1x8x128xf32, #tpu.memory_space<vmem>> -> memref<8x128xf32, #tpu.memory_space<vmem>>
      %dma_wait3A_1372 = arith.constant 0 : i32
      %dma_wait3A_1373 = arith.constant 0 : i32
      %dma_wait3A_1374 = tpu.memref_slice %arg3[%dma_wait3A_1372, %dma_wait3A_1373] : memref<8x1000000xf32, #tpu.memory_space<hbm>> -> memref<8x128xf32, #tpu.memory_space<hbm>>
      %dma_wait3A_1375 = arith.constant 0 : i32
      %dma_wait3A_1376 = arith.constant 0 : i32
      %dma_wait3A_1377 = tpu.memref_slice %arg7[%dma_wait3A_1367, %dma_wait3A_1375, %dma_wait3A_1376] : memref<32x8x128xf32, #tpu.memory_space<vmem>> -> memref<1x8x128xf32, #tpu.memory_space<vmem>>
      %dma_wait3A_1378 = tpu.memref_squeeze %dma_wait3A_1377 : memref<1x8x128xf32, #tpu.memory_space<vmem>> -> memref<8x128xf32, #tpu.memory_space<vmem>>
      %dma_wait3A_1379 = arith.constant 0 : i32
      %dma_wait3A_1380 = arith.constant 0 : i32
      %dma_wait3A_1381 = tpu.memref_slice %arg3[%dma_wait3A_1379, %dma_wait3A_1380] : memref<8x1000000xf32, #tpu.memory_space<hbm>> -> memref<8x128xf32, #tpu.memory_space<hbm>>
      tpu.wait_dma2 semaphore(%arg10 : memref<!tpu.dma_semaphore, #tpu.memory_space<semaphore_mem>>) src(%dma_wait3A_1381 : memref<8x128xf32, #tpu.memory_space<hbm>>) dst(%dma_wait3A_1378 : memref<8x128xf32, #tpu.memory_space<vmem>>)
      %dma_wait3A_1382 = arith.constant 2 : i32
      %dma_wait3A_1383 = arith.constant 0 : i32
      %dma_wait3A_1384 = arith.constant 0 : i32
      %dma_wait3A_1385 = tpu.memref_slice %arg8[%dma_wait3A_1382, %dma_wait3A_1383, %dma_wait3A_1384] : memref<32x8x128xf32, #tpu.memory_space<vmem>> -> memref<1x8x128xf32, #tpu.memory_space<vmem>>
      %dma_wait3A_1386 = tpu.memref_squeeze %dma_wait3A_1385 : memref<1x8x128xf32, #tpu.memory_space<vmem>> -> memref<8x128xf32, #tpu.memory_space<vmem>>
      %dma_wait3A_1387 = arith.constant 0 : i32
      %dma_wait3A_1388 = arith.constant 0 : i32
      %dma_wait3A_1389 = tpu.memref_slice %arg4[%dma_wait3A_1387, %dma_wait3A_1388] : memref<8x1000000xf32, #tpu.memory_space<hbm>> -> memref<8x128xf32, #tpu.memory_space<hbm>>
      %dma_wait3A_1390 = arith.constant 0 : i32
      %dma_wait3A_1391 = arith.constant 0 : i32
      %dma_wait3A_1392 = tpu.memref_slice %arg8[%dma_wait3A_1382, %dma_wait3A_1390, %dma_wait3A_1391] : memref<32x8x128xf32, #tpu.memory_space<vmem>> -> memref<1x8x128xf32, #tpu.memory_space<vmem>>
      %dma_wait3A_1393 = tpu.memref_squeeze %dma_wait3A_1392 : memref<1x8x128xf32, #tpu.memory_space<vmem>> -> memref<8x128xf32, #tpu.memory_space<vmem>>
      %dma_wait3A_1394 = arith.constant 0 : i32
      %dma_wait3A_1395 = arith.constant 0 : i32
      %dma_wait3A_1396 = tpu.memref_slice %arg4[%dma_wait3A_1394, %dma_wait3A_1395] : memref<8x1000000xf32, #tpu.memory_space<hbm>> -> memref<8x128xf32, #tpu.memory_space<hbm>>
      tpu.wait_dma2 semaphore(%arg11 : memref<!tpu.dma_semaphore, #tpu.memory_space<semaphore_mem>>) src(%dma_wait3A_1396 : memref<8x128xf32, #tpu.memory_space<hbm>>) dst(%dma_wait3A_1393 : memref<8x128xf32, #tpu.memory_space<vmem>>)
      %dma_wait3A_1397 = arith.constant 3 : i32
      %dma_wait3A_1398 = arith.constant 0 : i32
      %dma_wait3A_1399 = arith.constant 0 : i32
      %dma_wait3A_1400 = tpu.memref_slice %arg7[%dma_wait3A_1397, %dma_wait3A_1398, %dma_wait3A_1399] : memref<32x8x128xf32, #tpu.memory_space<vmem>> -> memref<1x8x128xf32, #tpu.memory_space<vmem>>
      %dma_wait3A_1401 = tpu.memref_squeeze %dma_wait3A_1400 : memref<1x8x128xf32, #tpu.memory_space<vmem>> -> memref<8x128xf32, #tpu.memory_space<vmem>>
      %dma_wait3A_1402 = arith.constant 0 : i32
      %dma_wait3A_1403 = arith.constant 0 : i32
      %dma_wait3A_1404 = tpu.memref_slice %arg3[%dma_wait3A_1402, %dma_wait3A_1403] : memref<8x1000000xf32, #tpu.memory_space<hbm>> -> memref<8x128xf32, #tpu.memory_space<hbm>>
      %dma_wait3A_1405 = arith.constant 0 : i32
      %dma_wait3A_1406 = arith.constant 0 : i32
      %dma_wait3A_1407 = tpu.memref_slice %arg7[%dma_wait3A_1397, %dma_wait3A_1405, %dma_wait3A_1406] : memref<32x8x128xf32, #tpu.memory_space<vmem>> -> memref<1x8x128xf32, #tpu.memory_space<vmem>>
      %dma_wait3A_1408 = tpu.memref_squeeze %dma_wait3A_1407 : memref<1x8x128xf32, #tpu.memory_space<vmem>> -> memref<8x128xf32, #tpu.memory_space<vmem>>
      %dma_wait3A_1409 = arith.constant 0 : i32
      %dma_wait3A_1410 = arith.constant 0 : i32
      %dma_wait3A_1411 = tpu.memref_slice %arg3[%dma_wait3A_1409, %dma_wait3A_1410] : memref<8x1000000xf32, #tpu.memory_space<hbm>> -> memref<8x128xf32, #tpu.memory_space<hbm>>
      tpu.wait_dma2 semaphore(%arg10 : memref<!tpu.dma_semaphore, #tpu.memory_space<semaphore_mem>>) src(%dma_wait3A_1411 : memref<8x128xf32, #tpu.memory_space<hbm>>) dst(%dma_wait3A_1408 : memref<8x128xf32, #tpu.memory_space<vmem>>)
      %dma_wait3A_1412 = arith.constant 3 : i32
      %dma_wait3A_1413 = arith.constant 0 : i32
      %dma_wait3A_1414 = arith.constant 0 : i32
      %dma_wait3A_1415 = tpu.memref_slice %arg8[%dma_wait3A_1412, %dma_wait3A_1413, %dma_wait3A_1414] : memref<32x8x128xf32, #tpu.memory_space<vmem>> -> memref<1x8x128xf32, #tpu.memory_space<vmem>>
      %dma_wait3A_1416 = tpu.memref_squeeze %dma_wait3A_1415 : memref<1x8x128xf32, #tpu.memory_space<vmem>> -> memref<8x128xf32, #tpu.memory_space<vmem>>
      %dma_wait3A_1417 = arith.constant 0 : i32
      %dma_wait3A_1418 = arith.constant 0 : i32
      %dma_wait3A_1419 = tpu.memref_slice %arg4[%dma_wait3A_1417, %dma_wait3A_1418] : memref<8x1000000xf32, #tpu.memory_space<hbm>> -> memref<8x128xf32, #tpu.memory_space<hbm>>
      %dma_wait3A_1420 = arith.constant 0 : i32
      %dma_wait3A_1421 = arith.constant 0 : i32
      %dma_wait3A_1422 = tpu.memref_slice %arg8[%dma_wait3A_1412, %dma_wait3A_1420, %dma_wait3A_1421] : memref<32x8x128xf32, #tpu.memory_space<vmem>> -> memref<1x8x128xf32, #tpu.memory_space<vmem>>
      %dma_wait3A_1423 = tpu.memref_squeeze %dma_wait3A_1422 : memref<1x8x128xf32, #tpu.memory_space<vmem>> -> memref<8x128xf32, #tpu.memory_space<vmem>>
      %dma_wait3A_1424 = arith.constant 0 : i32
      %dma_wait3A_1425 = arith.constant 0 : i32
      %dma_wait3A_1426 = tpu.memref_slice %arg4[%dma_wait3A_1424, %dma_wait3A_1425] : memref<8x1000000xf32, #tpu.memory_space<hbm>> -> memref<8x128xf32, #tpu.memory_space<hbm>>
      tpu.wait_dma2 semaphore(%arg11 : memref<!tpu.dma_semaphore, #tpu.memory_space<semaphore_mem>>) src(%dma_wait3A_1426 : memref<8x128xf32, #tpu.memory_space<hbm>>) dst(%dma_wait3A_1423 : memref<8x128xf32, #tpu.memory_space<vmem>>)
      %dma_wait3A_1427 = arith.constant 4 : i32
      %dma_wait3A_1428 = arith.constant 0 : i32
      %dma_wait3A_1429 = arith.constant 0 : i32
      %dma_wait3A_1430 = tpu.memref_slice %arg7[%dma_wait3A_1427, %dma_wait3A_1428, %dma_wait3A_1429] : memref<32x8x128xf32, #tpu.memory_space<vmem>> -> memref<1x8x128xf32, #tpu.memory_space<vmem>>
      %dma_wait3A_1431 = tpu.memref_squeeze %dma_wait3A_1430 : memref<1x8x128xf32, #tpu.memory_space<vmem>> -> memref<8x128xf32, #tpu.memory_space<vmem>>
      %dma_wait3A_1432 = arith.constant 0 : i32
      %dma_wait3A_1433 = arith.constant 0 : i32
      %dma_wait3A_1434 = tpu.memref_slice %arg3[%dma_wait3A_1432, %dma_wait3A_1433] : memref<8x1000000xf32, #tpu.memory_space<hbm>> -> memref<8x128xf32, #tpu.memory_space<hbm>>
      %dma_wait3A_1435 = arith.constant 0 : i32
      %dma_wait3A_1436 = arith.constant 0 : i32
      %dma_wait3A_1437 = tpu.memref_slice %arg7[%dma_wait3A_1427, %dma_wait3A_1435, %dma_wait3A_1436] : memref<32x8x128xf32, #tpu.memory_space<vmem>> -> memref<1x8x128xf32, #tpu.memory_space<vmem>>
      %dma_wait3A_1438 = tpu.memref_squeeze %dma_wait3A_1437 : memref<1x8x128xf32, #tpu.memory_space<vmem>> -> memref<8x128xf32, #tpu.memory_space<vmem>>
      %dma_wait3A_1439 = arith.constant 0 : i32
      %dma_wait3A_1440 = arith.constant 0 : i32
      %dma_wait3A_1441 = tpu.memref_slice %arg3[%dma_wait3A_1439, %dma_wait3A_1440] : memref<8x1000000xf32, #tpu.memory_space<hbm>> -> memref<8x128xf32, #tpu.memory_space<hbm>>
      tpu.wait_dma2 semaphore(%arg10 : memref<!tpu.dma_semaphore, #tpu.memory_space<semaphore_mem>>) src(%dma_wait3A_1441 : memref<8x128xf32, #tpu.memory_space<hbm>>) dst(%dma_wait3A_1438 : memref<8x128xf32, #tpu.memory_space<vmem>>)
      %dma_wait3A_1442 = arith.constant 4 : i32
      %dma_wait3A_1443 = arith.constant 0 : i32
      %dma_wait3A_1444 = arith.constant 0 : i32
      %dma_wait3A_1445 = tpu.memref_slice %arg8[%dma_wait3A_1442, %dma_wait3A_1443, %dma_wait3A_1444] : memref<32x8x128xf32, #tpu.memory_space<vmem>> -> memref<1x8x128xf32, #tpu.memory_space<vmem>>
      %dma_wait3A_1446 = tpu.memref_squeeze %dma_wait3A_1445 : memref<1x8x128xf32, #tpu.memory_space<vmem>> -> memref<8x128xf32, #tpu.memory_space<vmem>>
      %dma_wait3A_1447 = arith.constant 0 : i32
      %dma_wait3A_1448 = arith.constant 0 : i32
      %dma_wait3A_1449 = tpu.memref_slice %arg4[%dma_wait3A_1447, %dma_wait3A_1448] : memref<8x1000000xf32, #tpu.memory_space<hbm>> -> memref<8x128xf32, #tpu.memory_space<hbm>>
      %dma_wait3A_1450 = arith.constant 0 : i32
      %dma_wait3A_1451 = arith.constant 0 : i32
      %dma_wait3A_1452 = tpu.memref_slice %arg8[%dma_wait3A_1442, %dma_wait3A_1450, %dma_wait3A_1451] : memref<32x8x128xf32, #tpu.memory_space<vmem>> -> memref<1x8x128xf32, #tpu.memory_space<vmem>>
      %dma_wait3A_1453 = tpu.memref_squeeze %dma_wait3A_1452 : memref<1x8x128xf32, #tpu.memory_space<vmem>> -> memref<8x128xf32, #tpu.memory_space<vmem>>
      %dma_wait3A_1454 = arith.constant 0 : i32
      %dma_wait3A_1455 = arith.constant 0 : i32
      %dma_wait3A_1456 = tpu.memref_slice %arg4[%dma_wait3A_1454, %dma_wait3A_1455] : memref<8x1000000xf32, #tpu.memory_space<hbm>> -> memref<8x128xf32, #tpu.memory_space<hbm>>
      tpu.wait_dma2 semaphore(%arg11 : memref<!tpu.dma_semaphore, #tpu.memory_space<semaphore_mem>>) src(%dma_wait3A_1456 : memref<8x128xf32, #tpu.memory_space<hbm>>) dst(%dma_wait3A_1453 : memref<8x128xf32, #tpu.memory_space<vmem>>)
      %dma_wait3A_1457 = arith.constant 5 : i32
      %dma_wait3A_1458 = arith.constant 0 : i32
      %dma_wait3A_1459 = arith.constant 0 : i32
      %dma_wait3A_1460 = tpu.memref_slice %arg7[%dma_wait3A_1457, %dma_wait3A_1458, %dma_wait3A_1459] : memref<32x8x128xf32, #tpu.memory_space<vmem>> -> memref<1x8x128xf32, #tpu.memory_space<vmem>>
      %dma_wait3A_1461 = tpu.memref_squeeze %dma_wait3A_1460 : memref<1x8x128xf32, #tpu.memory_space<vmem>> -> memref<8x128xf32, #tpu.memory_space<vmem>>
      %dma_wait3A_1462 = arith.constant 0 : i32
      %dma_wait3A_1463 = arith.constant 0 : i32
      %dma_wait3A_1464 = tpu.memref_slice %arg3[%dma_wait3A_1462, %dma_wait3A_1463] : memref<8x1000000xf32, #tpu.memory_space<hbm>> -> memref<8x128xf32, #tpu.memory_space<hbm>>
      %dma_wait3A_1465 = arith.constant 0 : i32
      %dma_wait3A_1466 = arith.constant 0 : i32
      %dma_wait3A_1467 = tpu.memref_slice %arg7[%dma_wait3A_1457, %dma_wait3A_1465, %dma_wait3A_1466] : memref<32x8x128xf32, #tpu.memory_space<vmem>> -> memref<1x8x128xf32, #tpu.memory_space<vmem>>
      %dma_wait3A_1468 = tpu.memref_squeeze %dma_wait3A_1467 : memref<1x8x128xf32, #tpu.memory_space<vmem>> -> memref<8x128xf32, #tpu.memory_space<vmem>>
      %dma_wait3A_1469 = arith.constant 0 : i32
      %dma_wait3A_1470 = arith.constant 0 : i32
      %dma_wait3A_1471 = tpu.memref_slice %arg3[%dma_wait3A_1469, %dma_wait3A_1470] : memref<8x1000000xf32, #tpu.memory_space<hbm>> -> memref<8x128xf32, #tpu.memory_space<hbm>>
      tpu.wait_dma2 semaphore(%arg10 : memref<!tpu.dma_semaphore, #tpu.memory_space<semaphore_mem>>) src(%dma_wait3A_1471 : memref<8x128xf32, #tpu.memory_space<hbm>>) dst(%dma_wait3A_1468 : memref<8x128xf32, #tpu.memory_space<vmem>>)
      %dma_wait3A_1472 = arith.constant 5 : i32
      %dma_wait3A_1473 = arith.constant 0 : i32
      %dma_wait3A_1474 = arith.constant 0 : i32
      %dma_wait3A_1475 = tpu.memref_slice %arg8[%dma_wait3A_1472, %dma_wait3A_1473, %dma_wait3A_1474] : memref<32x8x128xf32, #tpu.memory_space<vmem>> -> memref<1x8x128xf32, #tpu.memory_space<vmem>>
      %dma_wait3A_1476 = tpu.memref_squeeze %dma_wait3A_1475 : memref<1x8x128xf32, #tpu.memory_space<vmem>> -> memref<8x128xf32, #tpu.memory_space<vmem>>
      %dma_wait3A_1477 = arith.constant 0 : i32
      %dma_wait3A_1478 = arith.constant 0 : i32
      %dma_wait3A_1479 = tpu.memref_slice %arg4[%dma_wait3A_1477, %dma_wait3A_1478] : memref<8x1000000xf32, #tpu.memory_space<hbm>> -> memref<8x128xf32, #tpu.memory_space<hbm>>
      %dma_wait3A_1480 = arith.constant 0 : i32
      %dma_wait3A_1481 = arith.constant 0 : i32
      %dma_wait3A_1482 = tpu.memref_slice %arg8[%dma_wait3A_1472, %dma_wait3A_1480, %dma_wait3A_1481] : memref<32x8x128xf32, #tpu.memory_space<vmem>> -> memref<1x8x128xf32, #tpu.memory_space<vmem>>
      %dma_wait3A_1483 = tpu.memref_squeeze %dma_wait3A_1482 : memref<1x8x128xf32, #tpu.memory_space<vmem>> -> memref<8x128xf32, #tpu.memory_space<vmem>>
      %dma_wait3A_1484 = arith.constant 0 : i32
      %dma_wait3A_1485 = arith.constant 0 : i32
      %dma_wait3A_1486 = tpu.memref_slice %arg4[%dma_wait3A_1484, %dma_wait3A_1485] : memref<8x1000000xf32, #tpu.memory_space<hbm>> -> memref<8x128xf32, #tpu.memory_space<hbm>>
      tpu.wait_dma2 semaphore(%arg11 : memref<!tpu.dma_semaphore, #tpu.memory_space<semaphore_mem>>) src(%dma_wait3A_1486 : memref<8x128xf32, #tpu.memory_space<hbm>>) dst(%dma_wait3A_1483 : memref<8x128xf32, #tpu.memory_space<vmem>>)
      %dma_wait3A_1487 = arith.constant 6 : i32
      %dma_wait3A_1488 = arith.constant 0 : i32
      %dma_wait3A_1489 = arith.constant 0 : i32
      %dma_wait3A_1490 = tpu.memref_slice %arg7[%dma_wait3A_1487, %dma_wait3A_1488, %dma_wait3A_1489] : memref<32x8x128xf32, #tpu.memory_space<vmem>> -> memref<1x8x128xf32, #tpu.memory_space<vmem>>
      %dma_wait3A_1491 = tpu.memref_squeeze %dma_wait3A_1490 : memref<1x8x128xf32, #tpu.memory_space<vmem>> -> memref<8x128xf32, #tpu.memory_space<vmem>>
      %dma_wait3A_1492 = arith.constant 0 : i32
      %dma_wait3A_1493 = arith.constant 0 : i32
      %dma_wait3A_1494 = tpu.memref_slice %arg3[%dma_wait3A_1492, %dma_wait3A_1493] : memref<8x1000000xf32, #tpu.memory_space<hbm>> -> memref<8x128xf32, #tpu.memory_space<hbm>>
      %dma_wait3A_1495 = arith.constant 0 : i32
      %dma_wait3A_1496 = arith.constant 0 : i32
      %dma_wait3A_1497 = tpu.memref_slice %arg7[%dma_wait3A_1487, %dma_wait3A_1495, %dma_wait3A_1496] : memref<32x8x128xf32, #tpu.memory_space<vmem>> -> memref<1x8x128xf32, #tpu.memory_space<vmem>>
      %dma_wait3A_1498 = tpu.memref_squeeze %dma_wait3A_1497 : memref<1x8x128xf32, #tpu.memory_space<vmem>> -> memref<8x128xf32, #tpu.memory_space<vmem>>
      %dma_wait3A_1499 = arith.constant 0 : i32
      %dma_wait3A_1500 = arith.constant 0 : i32
      %dma_wait3A_1501 = tpu.memref_slice %arg3[%dma_wait3A_1499, %dma_wait3A_1500] : memref<8x1000000xf32, #tpu.memory_space<hbm>> -> memref<8x128xf32, #tpu.memory_space<hbm>>
      tpu.wait_dma2 semaphore(%arg10 : memref<!tpu.dma_semaphore, #tpu.memory_space<semaphore_mem>>) src(%dma_wait3A_1501 : memref<8x128xf32, #tpu.memory_space<hbm>>) dst(%dma_wait3A_1498 : memref<8x128xf32, #tpu.memory_space<vmem>>)
      %dma_wait3A_1502 = arith.constant 6 : i32
      %dma_wait3A_1503 = arith.constant 0 : i32
      %dma_wait3A_1504 = arith.constant 0 : i32
      %dma_wait3A_1505 = tpu.memref_slice %arg8[%dma_wait3A_1502, %dma_wait3A_1503, %dma_wait3A_1504] : memref<32x8x128xf32, #tpu.memory_space<vmem>> -> memref<1x8x128xf32, #tpu.memory_space<vmem>>
      %dma_wait3A_1506 = tpu.memref_squeeze %dma_wait3A_1505 : memref<1x8x128xf32, #tpu.memory_space<vmem>> -> memref<8x128xf32, #tpu.memory_space<vmem>>
      %dma_wait3A_1507 = arith.constant 0 : i32
      %dma_wait3A_1508 = arith.constant 0 : i32
      %dma_wait3A_1509 = tpu.memref_slice %arg4[%dma_wait3A_1507, %dma_wait3A_1508] : memref<8x1000000xf32, #tpu.memory_space<hbm>> -> memref<8x128xf32, #tpu.memory_space<hbm>>
      %dma_wait3A_1510 = arith.constant 0 : i32
      %dma_wait3A_1511 = arith.constant 0 : i32
      %dma_wait3A_1512 = tpu.memref_slice %arg8[%dma_wait3A_1502, %dma_wait3A_1510, %dma_wait3A_1511] : memref<32x8x128xf32, #tpu.memory_space<vmem>> -> memref<1x8x128xf32, #tpu.memory_space<vmem>>
      %dma_wait3A_1513 = tpu.memref_squeeze %dma_wait3A_1512 : memref<1x8x128xf32, #tpu.memory_space<vmem>> -> memref<8x128xf32, #tpu.memory_space<vmem>>
      %dma_wait3A_1514 = arith.constant 0 : i32
      %dma_wait3A_1515 = arith.constant 0 : i32
      %dma_wait3A_1516 = tpu.memref_slice %arg4[%dma_wait3A_1514, %dma_wait3A_1515] : memref<8x1000000xf32, #tpu.memory_space<hbm>> -> memref<8x128xf32, #tpu.memory_space<hbm>>
      tpu.wait_dma2 semaphore(%arg11 : memref<!tpu.dma_semaphore, #tpu.memory_space<semaphore_mem>>) src(%dma_wait3A_1516 : memref<8x128xf32, #tpu.memory_space<hbm>>) dst(%dma_wait3A_1513 : memref<8x128xf32, #tpu.memory_space<vmem>>)
      %dma_wait3A_1517 = arith.constant 7 : i32
      %dma_wait3A_1518 = arith.constant 0 : i32
      %dma_wait3A_1519 = arith.constant 0 : i32
      %dma_wait3A_1520 = tpu.memref_slice %arg7[%dma_wait3A_1517, %dma_wait3A_1518, %dma_wait3A_1519] : memref<32x8x128xf32, #tpu.memory_space<vmem>> -> memref<1x8x128xf32, #tpu.memory_space<vmem>>
      %dma_wait3A_1521 = tpu.memref_squeeze %dma_wait3A_1520 : memref<1x8x128xf32, #tpu.memory_space<vmem>> -> memref<8x128xf32, #tpu.memory_space<vmem>>
      %dma_wait3A_1522 = arith.constant 0 : i32
      %dma_wait3A_1523 = arith.constant 0 : i32
      %dma_wait3A_1524 = tpu.memref_slice %arg3[%dma_wait3A_1522, %dma_wait3A_1523] : memref<8x1000000xf32, #tpu.memory_space<hbm>> -> memref<8x128xf32, #tpu.memory_space<hbm>>
      %dma_wait3A_1525 = arith.constant 0 : i32
      %dma_wait3A_1526 = arith.constant 0 : i32
      %dma_wait3A_1527 = tpu.memref_slice %arg7[%dma_wait3A_1517, %dma_wait3A_1525, %dma_wait3A_1526] : memref<32x8x128xf32, #tpu.memory_space<vmem>> -> memref<1x8x128xf32, #tpu.memory_space<vmem>>
      %dma_wait3A_1528 = tpu.memref_squeeze %dma_wait3A_1527 : memref<1x8x128xf32, #tpu.memory_space<vmem>> -> memref<8x128xf32, #tpu.memory_space<vmem>>
      %dma_wait3A_1529 = arith.constant 0 : i32
      %dma_wait3A_1530 = arith.constant 0 : i32
      %dma_wait3A_1531 = tpu.memref_slice %arg3[%dma_wait3A_1529, %dma_wait3A_1530] : memref<8x1000000xf32, #tpu.memory_space<hbm>> -> memref<8x128xf32, #tpu.memory_space<hbm>>
      tpu.wait_dma2 semaphore(%arg10 : memref<!tpu.dma_semaphore, #tpu.memory_space<semaphore_mem>>) src(%dma_wait3A_1531 : memref<8x128xf32, #tpu.memory_space<hbm>>) dst(%dma_wait3A_1528 : memref<8x128xf32, #tpu.memory_space<vmem>>)
      %dma_wait3A_1532 = arith.constant 7 : i32
      %dma_wait3A_1533 = arith.constant 0 : i32
      %dma_wait3A_1534 = arith.constant 0 : i32
      %dma_wait3A_1535 = tpu.memref_slice %arg8[%dma_wait3A_1532, %dma_wait3A_1533, %dma_wait3A_1534] : memref<32x8x128xf32, #tpu.memory_space<vmem>> -> memref<1x8x128xf32, #tpu.memory_space<vmem>>
      %dma_wait3A_1536 = tpu.memref_squeeze %dma_wait3A_1535 : memref<1x8x128xf32, #tpu.memory_space<vmem>> -> memref<8x128xf32, #tpu.memory_space<vmem>>
      %dma_wait3A_1537 = arith.constant 0 : i32
      %dma_wait3A_1538 = arith.constant 0 : i32
      %dma_wait3A_1539 = tpu.memref_slice %arg4[%dma_wait3A_1537, %dma_wait3A_1538] : memref<8x1000000xf32, #tpu.memory_space<hbm>> -> memref<8x128xf32, #tpu.memory_space<hbm>>
      %dma_wait3A_1540 = arith.constant 0 : i32
      %dma_wait3A_1541 = arith.constant 0 : i32
      %dma_wait3A_1542 = tpu.memref_slice %arg8[%dma_wait3A_1532, %dma_wait3A_1540, %dma_wait3A_1541] : memref<32x8x128xf32, #tpu.memory_space<vmem>> -> memref<1x8x128xf32, #tpu.memory_space<vmem>>
      %dma_wait3A_1543 = tpu.memref_squeeze %dma_wait3A_1542 : memref<1x8x128xf32, #tpu.memory_space<vmem>> -> memref<8x128xf32, #tpu.memory_space<vmem>>
      %dma_wait3A_1544 = arith.constant 0 : i32
      %dma_wait3A_1545 = arith.constant 0 : i32
      %dma_wait3A_1546 = tpu.memref_slice %arg4[%dma_wait3A_1544, %dma_wait3A_1545] : memref<8x1000000xf32, #tpu.memory_space<hbm>> -> memref<8x128xf32, #tpu.memory_space<hbm>>
      tpu.wait_dma2 semaphore(%arg11 : memref<!tpu.dma_semaphore, #tpu.memory_space<semaphore_mem>>) src(%dma_wait3A_1546 : memref<8x128xf32, #tpu.memory_space<hbm>>) dst(%dma_wait3A_1543 : memref<8x128xf32, #tpu.memory_space<vmem>>)
      %dma_wait3A_1547 = arith.constant 8 : i32
      %dma_wait3A_1548 = arith.constant 0 : i32
      %dma_wait3A_1549 = arith.constant 0 : i32
      %dma_wait3A_1550 = tpu.memref_slice %arg7[%dma_wait3A_1547, %dma_wait3A_1548, %dma_wait3A_1549] : memref<32x8x128xf32, #tpu.memory_space<vmem>> -> memref<1x8x128xf32, #tpu.memory_space<vmem>>
      %dma_wait3A_1551 = tpu.memref_squeeze %dma_wait3A_1550 : memref<1x8x128xf32, #tpu.memory_space<vmem>> -> memref<8x128xf32, #tpu.memory_space<vmem>>
      %dma_wait3A_1552 = arith.constant 0 : i32
      %dma_wait3A_1553 = arith.constant 0 : i32
      %dma_wait3A_1554 = tpu.memref_slice %arg3[%dma_wait3A_1552, %dma_wait3A_1553] : memref<8x1000000xf32, #tpu.memory_space<hbm>> -> memref<8x128xf32, #tpu.memory_space<hbm>>
      %dma_wait3A_1555 = arith.constant 0 : i32
      %dma_wait3A_1556 = arith.constant 0 : i32
      %dma_wait3A_1557 = tpu.memref_slice %arg7[%dma_wait3A_1547, %dma_wait3A_1555, %dma_wait3A_1556] : memref<32x8x128xf32, #tpu.memory_space<vmem>> -> memref<1x8x128xf32, #tpu.memory_space<vmem>>
      %dma_wait3A_1558 = tpu.memref_squeeze %dma_wait3A_1557 : memref<1x8x128xf32, #tpu.memory_space<vmem>> -> memref<8x128xf32, #tpu.memory_space<vmem>>
      %dma_wait3A_1559 = arith.constant 0 : i32
      %dma_wait3A_1560 = arith.constant 0 : i32
      %dma_wait3A_1561 = tpu.memref_slice %arg3[%dma_wait3A_1559, %dma_wait3A_1560] : memref<8x1000000xf32, #tpu.memory_space<hbm>> -> memref<8x128xf32, #tpu.memory_space<hbm>>
      tpu.wait_dma2 semaphore(%arg10 : memref<!tpu.dma_semaphore, #tpu.memory_space<semaphore_mem>>) src(%dma_wait3A_1561 : memref<8x128xf32, #tpu.memory_space<hbm>>) dst(%dma_wait3A_1558 : memref<8x128xf32, #tpu.memory_space<vmem>>)
      %dma_wait3A_1562 = arith.constant 8 : i32
      %dma_wait3A_1563 = arith.constant 0 : i32
      %dma_wait3A_1564 = arith.constant 0 : i32
      %dma_wait3A_1565 = tpu.memref_slice %arg8[%dma_wait3A_1562, %dma_wait3A_1563, %dma_wait3A_1564] : memref<32x8x128xf32, #tpu.memory_space<vmem>> -> memref<1x8x128xf32, #tpu.memory_space<vmem>>
      %dma_wait3A_1566 = tpu.memref_squeeze %dma_wait3A_1565 : memref<1x8x128xf32, #tpu.memory_space<vmem>> -> memref<8x128xf32, #tpu.memory_space<vmem>>
      %dma_wait3A_1567 = arith.constant 0 : i32
      %dma_wait3A_1568 = arith.constant 0 : i32
      %dma_wait3A_1569 = tpu.memref_slice %arg4[%dma_wait3A_1567, %dma_wait3A_1568] : memref<8x1000000xf32, #tpu.memory_space<hbm>> -> memref<8x128xf32, #tpu.memory_space<hbm>>
      %dma_wait3A_1570 = arith.constant 0 : i32
      %dma_wait3A_1571 = arith.constant 0 : i32
      %dma_wait3A_1572 = tpu.memref_slice %arg8[%dma_wait3A_1562, %dma_wait3A_1570, %dma_wait3A_1571] : memref<32x8x128xf32, #tpu.memory_space<vmem>> -> memref<1x8x128xf32, #tpu.memory_space<vmem>>
      %dma_wait3A_1573 = tpu.memref_squeeze %dma_wait3A_1572 : memref<1x8x128xf32, #tpu.memory_space<vmem>> -> memref<8x128xf32, #tpu.memory_space<vmem>>
      %dma_wait3A_1574 = arith.constant 0 : i32
      %dma_wait3A_1575 = arith.constant 0 : i32
      %dma_wait3A_1576 = tpu.memref_slice %arg4[%dma_wait3A_1574, %dma_wait3A_1575] : memref<8x1000000xf32, #tpu.memory_space<hbm>> -> memref<8x128xf32, #tpu.memory_space<hbm>>
      tpu.wait_dma2 semaphore(%arg11 : memref<!tpu.dma_semaphore, #tpu.memory_space<semaphore_mem>>) src(%dma_wait3A_1576 : memref<8x128xf32, #tpu.memory_space<hbm>>) dst(%dma_wait3A_1573 : memref<8x128xf32, #tpu.memory_space<vmem>>)
      %dma_wait3A_1577 = arith.constant 9 : i32
      %dma_wait3A_1578 = arith.constant 0 : i32
      %dma_wait3A_1579 = arith.constant 0 : i32
      %dma_wait3A_1580 = tpu.memref_slice %arg7[%dma_wait3A_1577, %dma_wait3A_1578, %dma_wait3A_1579] : memref<32x8x128xf32, #tpu.memory_space<vmem>> -> memref<1x8x128xf32, #tpu.memory_space<vmem>>
      %dma_wait3A_1581 = tpu.memref_squeeze %dma_wait3A_1580 : memref<1x8x128xf32, #tpu.memory_space<vmem>> -> memref<8x128xf32, #tpu.memory_space<vmem>>
      %dma_wait3A_1582 = arith.constant 0 : i32
      %dma_wait3A_1583 = arith.constant 0 : i32
      %dma_wait3A_1584 = tpu.memref_slice %arg3[%dma_wait3A_1582, %dma_wait3A_1583] : memref<8x1000000xf32, #tpu.memory_space<hbm>> -> memref<8x128xf32, #tpu.memory_space<hbm>>
      %dma_wait3A_1585 = arith.constant 0 : i32
      %dma_wait3A_1586 = arith.constant 0 : i32
      %dma_wait3A_1587 = tpu.memref_slice %arg7[%dma_wait3A_1577, %dma_wait3A_1585, %dma_wait3A_1586] : memref<32x8x128xf32, #tpu.memory_space<vmem>> -> memref<1x8x128xf32, #tpu.memory_space<vmem>>
      %dma_wait3A_1588 = tpu.memref_squeeze %dma_wait3A_1587 : memref<1x8x128xf32, #tpu.memory_space<vmem>> -> memref<8x128xf32, #tpu.memory_space<vmem>>
      %dma_wait3A_1589 = arith.constant 0 : i32
      %dma_wait3A_1590 = arith.constant 0 : i32
      %dma_wait3A_1591 = tpu.memref_slice %arg3[%dma_wait3A_1589, %dma_wait3A_1590] : memref<8x1000000xf32, #tpu.memory_space<hbm>> -> memref<8x128xf32, #tpu.memory_space<hbm>>
      tpu.wait_dma2 semaphore(%arg10 : memref<!tpu.dma_semaphore, #tpu.memory_space<semaphore_mem>>) src(%dma_wait3A_1591 : memref<8x128xf32, #tpu.memory_space<hbm>>) dst(%dma_wait3A_1588 : memref<8x128xf32, #tpu.memory_space<vmem>>)
      %dma_wait3A_1592 = arith.constant 9 : i32
      %dma_wait3A_1593 = arith.constant 0 : i32
      %dma_wait3A_1594 = arith.constant 0 : i32
      %dma_wait3A_1595 = tpu.memref_slice %arg8[%dma_wait3A_1592, %dma_wait3A_1593, %dma_wait3A_1594] : memref<32x8x128xf32, #tpu.memory_space<vmem>> -> memref<1x8x128xf32, #tpu.memory_space<vmem>>
      %dma_wait3A_1596 = tpu.memref_squeeze %dma_wait3A_1595 : memref<1x8x128xf32, #tpu.memory_space<vmem>> -> memref<8x128xf32, #tpu.memory_space<vmem>>
      %dma_wait3A_1597 = arith.constant 0 : i32
      %dma_wait3A_1598 = arith.constant 0 : i32
      %dma_wait3A_1599 = tpu.memref_slice %arg4[%dma_wait3A_1597, %dma_wait3A_1598] : memref<8x1000000xf32, #tpu.memory_space<hbm>> -> memref<8x128xf32, #tpu.memory_space<hbm>>
      %dma_wait3A_1600 = arith.constant 0 : i32
      %dma_wait3A_1601 = arith.constant 0 : i32
      %dma_wait3A_1602 = tpu.memref_slice %arg8[%dma_wait3A_1592, %dma_wait3A_1600, %dma_wait3A_1601] : memref<32x8x128xf32, #tpu.memory_space<vmem>> -> memref<1x8x128xf32, #tpu.memory_space<vmem>>
      %dma_wait3A_1603 = tpu.memref_squeeze %dma_wait3A_1602 : memref<1x8x128xf32, #tpu.memory_space<vmem>> -> memref<8x128xf32, #tpu.memory_space<vmem>>
      %dma_wait3A_1604 = arith.constant 0 : i32
      %dma_wait3A_1605 = arith.constant 0 : i32
      %dma_wait3A_1606 = tpu.memref_slice %arg4[%dma_wait3A_1604, %dma_wait3A_1605] : memref<8x1000000xf32, #tpu.memory_space<hbm>> -> memref<8x128xf32, #tpu.memory_space<hbm>>
      tpu.wait_dma2 semaphore(%arg11 : memref<!tpu.dma_semaphore, #tpu.memory_space<semaphore_mem>>) src(%dma_wait3A_1606 : memref<8x128xf32, #tpu.memory_space<hbm>>) dst(%dma_wait3A_1603 : memref<8x128xf32, #tpu.memory_space<vmem>>)
      %dma_wait3A_1607 = arith.constant 10 : i32
      %dma_wait3A_1608 = arith.constant 0 : i32
      %dma_wait3A_1609 = arith.constant 0 : i32
      %dma_wait3A_1610 = tpu.memref_slice %arg7[%dma_wait3A_1607, %dma_wait3A_1608, %dma_wait3A_1609] : memref<32x8x128xf32, #tpu.memory_space<vmem>> -> memref<1x8x128xf32, #tpu.memory_space<vmem>>
      %dma_wait3A_1611 = tpu.memref_squeeze %dma_wait3A_1610 : memref<1x8x128xf32, #tpu.memory_space<vmem>> -> memref<8x128xf32, #tpu.memory_space<vmem>>
      %dma_wait3A_1612 = arith.constant 0 : i32
      %dma_wait3A_1613 = arith.constant 0 : i32
      %dma_wait3A_1614 = tpu.memref_slice %arg3[%dma_wait3A_1612, %dma_wait3A_1613] : memref<8x1000000xf32, #tpu.memory_space<hbm>> -> memref<8x128xf32, #tpu.memory_space<hbm>>
      %dma_wait3A_1615 = arith.constant 0 : i32
      %dma_wait3A_1616 = arith.constant 0 : i32
      %dma_wait3A_1617 = tpu.memref_slice %arg7[%dma_wait3A_1607, %dma_wait3A_1615, %dma_wait3A_1616] : memref<32x8x128xf32, #tpu.memory_space<vmem>> -> memref<1x8x128xf32, #tpu.memory_space<vmem>>
      %dma_wait3A_1618 = tpu.memref_squeeze %dma_wait3A_1617 : memref<1x8x128xf32, #tpu.memory_space<vmem>> -> memref<8x128xf32, #tpu.memory_space<vmem>>
      %dma_wait3A_1619 = arith.constant 0 : i32
      %dma_wait3A_1620 = arith.constant 0 : i32
      %dma_wait3A_1621 = tpu.memref_slice %arg3[%dma_wait3A_1619, %dma_wait3A_1620] : memref<8x1000000xf32, #tpu.memory_space<hbm>> -> memref<8x128xf32, #tpu.memory_space<hbm>>
      tpu.wait_dma2 semaphore(%arg10 : memref<!tpu.dma_semaphore, #tpu.memory_space<semaphore_mem>>) src(%dma_wait3A_1621 : memref<8x128xf32, #tpu.memory_space<hbm>>) dst(%dma_wait3A_1618 : memref<8x128xf32, #tpu.memory_space<vmem>>)
      %dma_wait3A_1622 = arith.constant 10 : i32
      %dma_wait3A_1623 = arith.constant 0 : i32
      %dma_wait3A_1624 = arith.constant 0 : i32
      %dma_wait3A_1625 = tpu.memref_slice %arg8[%dma_wait3A_1622, %dma_wait3A_1623, %dma_wait3A_1624] : memref<32x8x128xf32, #tpu.memory_space<vmem>> -> memref<1x8x128xf32, #tpu.memory_space<vmem>>
      %dma_wait3A_1626 = tpu.memref_squeeze %dma_wait3A_1625 : memref<1x8x128xf32, #tpu.memory_space<vmem>> -> memref<8x128xf32, #tpu.memory_space<vmem>>
      %dma_wait3A_1627 = arith.constant 0 : i32
      %dma_wait3A_1628 = arith.constant 0 : i32
      %dma_wait3A_1629 = tpu.memref_slice %arg4[%dma_wait3A_1627, %dma_wait3A_1628] : memref<8x1000000xf32, #tpu.memory_space<hbm>> -> memref<8x128xf32, #tpu.memory_space<hbm>>
      %dma_wait3A_1630 = arith.constant 0 : i32
      %dma_wait3A_1631 = arith.constant 0 : i32
      %dma_wait3A_1632 = tpu.memref_slice %arg8[%dma_wait3A_1622, %dma_wait3A_1630, %dma_wait3A_1631] : memref<32x8x128xf32, #tpu.memory_space<vmem>> -> memref<1x8x128xf32, #tpu.memory_space<vmem>>
      %dma_wait3A_1633 = tpu.memref_squeeze %dma_wait3A_1632 : memref<1x8x128xf32, #tpu.memory_space<vmem>> -> memref<8x128xf32, #tpu.memory_space<vmem>>
      %dma_wait3A_1634 = arith.constant 0 : i32
      %dma_wait3A_1635 = arith.constant 0 : i32
      %dma_wait3A_1636 = tpu.memref_slice %arg4[%dma_wait3A_1634, %dma_wait3A_1635] : memref<8x1000000xf32, #tpu.memory_space<hbm>> -> memref<8x128xf32, #tpu.memory_space<hbm>>
      tpu.wait_dma2 semaphore(%arg11 : memref<!tpu.dma_semaphore, #tpu.memory_space<semaphore_mem>>) src(%dma_wait3A_1636 : memref<8x128xf32, #tpu.memory_space<hbm>>) dst(%dma_wait3A_1633 : memref<8x128xf32, #tpu.memory_space<vmem>>)
      %dma_wait3A_1637 = arith.constant 11 : i32
      %dma_wait3A_1638 = arith.constant 0 : i32
      %dma_wait3A_1639 = arith.constant 0 : i32
      %dma_wait3A_1640 = tpu.memref_slice %arg7[%dma_wait3A_1637, %dma_wait3A_1638, %dma_wait3A_1639] : memref<32x8x128xf32, #tpu.memory_space<vmem>> -> memref<1x8x128xf32, #tpu.memory_space<vmem>>
      %dma_wait3A_1641 = tpu.memref_squeeze %dma_wait3A_1640 : memref<1x8x128xf32, #tpu.memory_space<vmem>> -> memref<8x128xf32, #tpu.memory_space<vmem>>
      %dma_wait3A_1642 = arith.constant 0 : i32
      %dma_wait3A_1643 = arith.constant 0 : i32
      %dma_wait3A_1644 = tpu.memref_slice %arg3[%dma_wait3A_1642, %dma_wait3A_1643] : memref<8x1000000xf32, #tpu.memory_space<hbm>> -> memref<8x128xf32, #tpu.memory_space<hbm>>
      %dma_wait3A_1645 = arith.constant 0 : i32
      %dma_wait3A_1646 = arith.constant 0 : i32
      %dma_wait3A_1647 = tpu.memref_slice %arg7[%dma_wait3A_1637, %dma_wait3A_1645, %dma_wait3A_1646] : memref<32x8x128xf32, #tpu.memory_space<vmem>> -> memref<1x8x128xf32, #tpu.memory_space<vmem>>
      %dma_wait3A_1648 = tpu.memref_squeeze %dma_wait3A_1647 : memref<1x8x128xf32, #tpu.memory_space<vmem>> -> memref<8x128xf32, #tpu.memory_space<vmem>>
      %dma_wait3A_1649 = arith.constant 0 : i32
      %dma_wait3A_1650 = arith.constant 0 : i32
      %dma_wait3A_1651 = tpu.memref_slice %arg3[%dma_wait3A_1649, %dma_wait3A_1650] : memref<8x1000000xf32, #tpu.memory_space<hbm>> -> memref<8x128xf32, #tpu.memory_space<hbm>>
      tpu.wait_dma2 semaphore(%arg10 : memref<!tpu.dma_semaphore, #tpu.memory_space<semaphore_mem>>) src(%dma_wait3A_1651 : memref<8x128xf32, #tpu.memory_space<hbm>>) dst(%dma_wait3A_1648 : memref<8x128xf32, #tpu.memory_space<vmem>>)
      %dma_wait3A_1652 = arith.constant 11 : i32
      %dma_wait3A_1653 = arith.constant 0 : i32
      %dma_wait3A_1654 = arith.constant 0 : i32
      %dma_wait3A_1655 = tpu.memref_slice %arg8[%dma_wait3A_1652, %dma_wait3A_1653, %dma_wait3A_1654] : memref<32x8x128xf32, #tpu.memory_space<vmem>> -> memref<1x8x128xf32, #tpu.memory_space<vmem>>
      %dma_wait3A_1656 = tpu.memref_squeeze %dma_wait3A_1655 : memref<1x8x128xf32, #tpu.memory_space<vmem>> -> memref<8x128xf32, #tpu.memory_space<vmem>>
      %dma_wait3A_1657 = arith.constant 0 : i32
      %dma_wait3A_1658 = arith.constant 0 : i32
      %dma_wait3A_1659 = tpu.memref_slice %arg4[%dma_wait3A_1657, %dma_wait3A_1658] : memref<8x1000000xf32, #tpu.memory_space<hbm>> -> memref<8x128xf32, #tpu.memory_space<hbm>>
      %dma_wait3A_1660 = arith.constant 0 : i32
      %dma_wait3A_1661 = arith.constant 0 : i32
      %dma_wait3A_1662 = tpu.memref_slice %arg8[%dma_wait3A_1652, %dma_wait3A_1660, %dma_wait3A_1661] : memref<32x8x128xf32, #tpu.memory_space<vmem>> -> memref<1x8x128xf32, #tpu.memory_space<vmem>>
      %dma_wait3A_1663 = tpu.memref_squeeze %dma_wait3A_1662 : memref<1x8x128xf32, #tpu.memory_space<vmem>> -> memref<8x128xf32, #tpu.memory_space<vmem>>
      %dma_wait3A_1664 = arith.constant 0 : i32
      %dma_wait3A_1665 = arith.constant 0 : i32
      %dma_wait3A_1666 = tpu.memref_slice %arg4[%dma_wait3A_1664, %dma_wait3A_1665] : memref<8x1000000xf32, #tpu.memory_space<hbm>> -> memref<8x128xf32, #tpu.memory_space<hbm>>
      tpu.wait_dma2 semaphore(%arg11 : memref<!tpu.dma_semaphore, #tpu.memory_space<semaphore_mem>>) src(%dma_wait3A_1666 : memref<8x128xf32, #tpu.memory_space<hbm>>) dst(%dma_wait3A_1663 : memref<8x128xf32, #tpu.memory_space<vmem>>)
      %dma_wait3A_1667 = arith.constant 12 : i32
      %dma_wait3A_1668 = arith.constant 0 : i32
      %dma_wait3A_1669 = arith.constant 0 : i32
      %dma_wait3A_1670 = tpu.memref_slice %arg7[%dma_wait3A_1667, %dma_wait3A_1668, %dma_wait3A_1669] : memref<32x8x128xf32, #tpu.memory_space<vmem>> -> memref<1x8x128xf32, #tpu.memory_space<vmem>>
      %dma_wait3A_1671 = tpu.memref_squeeze %dma_wait3A_1670 : memref<1x8x128xf32, #tpu.memory_space<vmem>> -> memref<8x128xf32, #tpu.memory_space<vmem>>
      %dma_wait3A_1672 = arith.constant 0 : i32
      %dma_wait3A_1673 = arith.constant 0 : i32
      %dma_wait3A_1674 = tpu.memref_slice %arg3[%dma_wait3A_1672, %dma_wait3A_1673] : memref<8x1000000xf32, #tpu.memory_space<hbm>> -> memref<8x128xf32, #tpu.memory_space<hbm>>
      %dma_wait3A_1675 = arith.constant 0 : i32
      %dma_wait3A_1676 = arith.constant 0 : i32
      %dma_wait3A_1677 = tpu.memref_slice %arg7[%dma_wait3A_1667, %dma_wait3A_1675, %dma_wait3A_1676] : memref<32x8x128xf32, #tpu.memory_space<vmem>> -> memref<1x8x128xf32, #tpu.memory_space<vmem>>
      %dma_wait3A_1678 = tpu.memref_squeeze %dma_wait3A_1677 : memref<1x8x128xf32, #tpu.memory_space<vmem>> -> memref<8x128xf32, #tpu.memory_space<vmem>>
      %dma_wait3A_1679 = arith.constant 0 : i32
      %dma_wait3A_1680 = arith.constant 0 : i32
      %dma_wait3A_1681 = tpu.memref_slice %arg3[%dma_wait3A_1679, %dma_wait3A_1680] : memref<8x1000000xf32, #tpu.memory_space<hbm>> -> memref<8x128xf32, #tpu.memory_space<hbm>>
      tpu.wait_dma2 semaphore(%arg10 : memref<!tpu.dma_semaphore, #tpu.memory_space<semaphore_mem>>) src(%dma_wait3A_1681 : memref<8x128xf32, #tpu.memory_space<hbm>>) dst(%dma_wait3A_1678 : memref<8x128xf32, #tpu.memory_space<vmem>>)
      %dma_wait3A_1682 = arith.constant 12 : i32
      %dma_wait3A_1683 = arith.constant 0 : i32
      %dma_wait3A_1684 = arith.constant 0 : i32
      %dma_wait3A_1685 = tpu.memref_slice %arg8[%dma_wait3A_1682, %dma_wait3A_1683, %dma_wait3A_1684] : memref<32x8x128xf32, #tpu.memory_space<vmem>> -> memref<1x8x128xf32, #tpu.memory_space<vmem>>
      %dma_wait3A_1686 = tpu.memref_squeeze %dma_wait3A_1685 : memref<1x8x128xf32, #tpu.memory_space<vmem>> -> memref<8x128xf32, #tpu.memory_space<vmem>>
      %dma_wait3A_1687 = arith.constant 0 : i32
      %dma_wait3A_1688 = arith.constant 0 : i32
      %dma_wait3A_1689 = tpu.memref_slice %arg4[%dma_wait3A_1687, %dma_wait3A_1688] : memref<8x1000000xf32, #tpu.memory_space<hbm>> -> memref<8x128xf32, #tpu.memory_space<hbm>>
      %dma_wait3A_1690 = arith.constant 0 : i32
      %dma_wait3A_1691 = arith.constant 0 : i32
      %dma_wait3A_1692 = tpu.memref_slice %arg8[%dma_wait3A_1682, %dma_wait3A_1690, %dma_wait3A_1691] : memref<32x8x128xf32, #tpu.memory_space<vmem>> -> memref<1x8x128xf32, #tpu.memory_space<vmem>>
      %dma_wait3A_1693 = tpu.memref_squeeze %dma_wait3A_1692 : memref<1x8x128xf32, #tpu.memory_space<vmem>> -> memref<8x128xf32, #tpu.memory_space<vmem>>
      %dma_wait3A_1694 = arith.constant 0 : i32
      %dma_wait3A_1695 = arith.constant 0 : i32
      %dma_wait3A_1696 = tpu.memref_slice %arg4[%dma_wait3A_1694, %dma_wait3A_1695] : memref<8x1000000xf32, #tpu.memory_space<hbm>> -> memref<8x128xf32, #tpu.memory_space<hbm>>
      tpu.wait_dma2 semaphore(%arg11 : memref<!tpu.dma_semaphore, #tpu.memory_space<semaphore_mem>>) src(%dma_wait3A_1696 : memref<8x128xf32, #tpu.memory_space<hbm>>) dst(%dma_wait3A_1693 : memref<8x128xf32, #tpu.memory_space<vmem>>)
      %dma_wait3A_1697 = arith.constant 13 : i32
      %dma_wait3A_1698 = arith.constant 0 : i32
      %dma_wait3A_1699 = arith.constant 0 : i32
      %dma_wait3A_1700 = tpu.memref_slice %arg7[%dma_wait3A_1697, %dma_wait3A_1698, %dma_wait3A_1699] : memref<32x8x128xf32, #tpu.memory_space<vmem>> -> memref<1x8x128xf32, #tpu.memory_space<vmem>>
      %dma_wait3A_1701 = tpu.memref_squeeze %dma_wait3A_1700 : memref<1x8x128xf32, #tpu.memory_space<vmem>> -> memref<8x128xf32, #tpu.memory_space<vmem>>
      %dma_wait3A_1702 = arith.constant 0 : i32
      %dma_wait3A_1703 = arith.constant 0 : i32
      %dma_wait3A_1704 = tpu.memref_slice %arg3[%dma_wait3A_1702, %dma_wait3A_1703] : memref<8x1000000xf32, #tpu.memory_space<hbm>> -> memref<8x128xf32, #tpu.memory_space<hbm>>
      %dma_wait3A_1705 = arith.constant 0 : i32
      %dma_wait3A_1706 = arith.constant 0 : i32
      %dma_wait3A_1707 = tpu.memref_slice %arg7[%dma_wait3A_1697, %dma_wait3A_1705, %dma_wait3A_1706] : memref<32x8x128xf32, #tpu.memory_space<vmem>> -> memref<1x8x128xf32, #tpu.memory_space<vmem>>
      %dma_wait3A_1708 = tpu.memref_squeeze %dma_wait3A_1707 : memref<1x8x128xf32, #tpu.memory_space<vmem>> -> memref<8x128xf32, #tpu.memory_space<vmem>>
      %dma_wait3A_1709 = arith.constant 0 : i32
      %dma_wait3A_1710 = arith.constant 0 : i32
      %dma_wait3A_1711 = tpu.memref_slice %arg3[%dma_wait3A_1709, %dma_wait3A_1710] : memref<8x1000000xf32, #tpu.memory_space<hbm>> -> memref<8x128xf32, #tpu.memory_space<hbm>>
      tpu.wait_dma2 semaphore(%arg10 : memref<!tpu.dma_semaphore, #tpu.memory_space<semaphore_mem>>) src(%dma_wait3A_1711 : memref<8x128xf32, #tpu.memory_space<hbm>>) dst(%dma_wait3A_1708 : memref<8x128xf32, #tpu.memory_space<vmem>>)
      %dma_wait3A_1712 = arith.constant 13 : i32
      %dma_wait3A_1713 = arith.constant 0 : i32
      %dma_wait3A_1714 = arith.constant 0 : i32
      %dma_wait3A_1715 = tpu.memref_slice %arg8[%dma_wait3A_1712, %dma_wait3A_1713, %dma_wait3A_1714] : memref<32x8x128xf32, #tpu.memory_space<vmem>> -> memref<1x8x128xf32, #tpu.memory_space<vmem>>
      %dma_wait3A_1716 = tpu.memref_squeeze %dma_wait3A_1715 : memref<1x8x128xf32, #tpu.memory_space<vmem>> -> memref<8x128xf32, #tpu.memory_space<vmem>>
      %dma_wait3A_1717 = arith.constant 0 : i32
      %dma_wait3A_1718 = arith.constant 0 : i32
      %dma_wait3A_1719 = tpu.memref_slice %arg4[%dma_wait3A_1717, %dma_wait3A_1718] : memref<8x1000000xf32, #tpu.memory_space<hbm>> -> memref<8x128xf32, #tpu.memory_space<hbm>>
      %dma_wait3A_1720 = arith.constant 0 : i32
      %dma_wait3A_1721 = arith.constant 0 : i32
      %dma_wait3A_1722 = tpu.memref_slice %arg8[%dma_wait3A_1712, %dma_wait3A_1720, %dma_wait3A_1721] : memref<32x8x128xf32, #tpu.memory_space<vmem>> -> memref<1x8x128xf32, #tpu.memory_space<vmem>>
      %dma_wait3A_1723 = tpu.memref_squeeze %dma_wait3A_1722 : memref<1x8x128xf32, #tpu.memory_space<vmem>> -> memref<8x128xf32, #tpu.memory_space<vmem>>
      %dma_wait3A_1724 = arith.constant 0 : i32
      %dma_wait3A_1725 = arith.constant 0 : i32
      %dma_wait3A_1726 = tpu.memref_slice %arg4[%dma_wait3A_1724, %dma_wait3A_1725] : memref<8x1000000xf32, #tpu.memory_space<hbm>> -> memref<8x128xf32, #tpu.memory_space<hbm>>
      tpu.wait_dma2 semaphore(%arg11 : memref<!tpu.dma_semaphore, #tpu.memory_space<semaphore_mem>>) src(%dma_wait3A_1726 : memref<8x128xf32, #tpu.memory_space<hbm>>) dst(%dma_wait3A_1723 : memref<8x128xf32, #tpu.memory_space<vmem>>)
      %dma_wait3A_1727 = arith.constant 14 : i32
      %dma_wait3A_1728 = arith.constant 0 : i32
      %dma_wait3A_1729 = arith.constant 0 : i32
      %dma_wait3A_1730 = tpu.memref_slice %arg7[%dma_wait3A_1727, %dma_wait3A_1728, %dma_wait3A_1729] : memref<32x8x128xf32, #tpu.memory_space<vmem>> -> memref<1x8x128xf32, #tpu.memory_space<vmem>>
      %dma_wait3A_1731 = tpu.memref_squeeze %dma_wait3A_1730 : memref<1x8x128xf32, #tpu.memory_space<vmem>> -> memref<8x128xf32, #tpu.memory_space<vmem>>
      %dma_wait3A_1732 = arith.constant 0 : i32
      %dma_wait3A_1733 = arith.constant 0 : i32
      %dma_wait3A_1734 = tpu.memref_slice %arg3[%dma_wait3A_1732, %dma_wait3A_1733] : memref<8x1000000xf32, #tpu.memory_space<hbm>> -> memref<8x128xf32, #tpu.memory_space<hbm>>
      %dma_wait3A_1735 = arith.constant 0 : i32
      %dma_wait3A_1736 = arith.constant 0 : i32
      %dma_wait3A_1737 = tpu.memref_slice %arg7[%dma_wait3A_1727, %dma_wait3A_1735, %dma_wait3A_1736] : memref<32x8x128xf32, #tpu.memory_space<vmem>> -> memref<1x8x128xf32, #tpu.memory_space<vmem>>
      %dma_wait3A_1738 = tpu.memref_squeeze %dma_wait3A_1737 : memref<1x8x128xf32, #tpu.memory_space<vmem>> -> memref<8x128xf32, #tpu.memory_space<vmem>>
      %dma_wait3A_1739 = arith.constant 0 : i32
      %dma_wait3A_1740 = arith.constant 0 : i32
      %dma_wait3A_1741 = tpu.memref_slice %arg3[%dma_wait3A_1739, %dma_wait3A_1740] : memref<8x1000000xf32, #tpu.memory_space<hbm>> -> memref<8x128xf32, #tpu.memory_space<hbm>>
      tpu.wait_dma2 semaphore(%arg10 : memref<!tpu.dma_semaphore, #tpu.memory_space<semaphore_mem>>) src(%dma_wait3A_1741 : memref<8x128xf32, #tpu.memory_space<hbm>>) dst(%dma_wait3A_1738 : memref<8x128xf32, #tpu.memory_space<vmem>>)
      %dma_wait3A_1742 = arith.constant 14 : i32
      %dma_wait3A_1743 = arith.constant 0 : i32
      %dma_wait3A_1744 = arith.constant 0 : i32
      %dma_wait3A_1745 = tpu.memref_slice %arg8[%dma_wait3A_1742, %dma_wait3A_1743, %dma_wait3A_1744] : memref<32x8x128xf32, #tpu.memory_space<vmem>> -> memref<1x8x128xf32, #tpu.memory_space<vmem>>
      %dma_wait3A_1746 = tpu.memref_squeeze %dma_wait3A_1745 : memref<1x8x128xf32, #tpu.memory_space<vmem>> -> memref<8x128xf32, #tpu.memory_space<vmem>>
      %dma_wait3A_1747 = arith.constant 0 : i32
      %dma_wait3A_1748 = arith.constant 0 : i32
      %dma_wait3A_1749 = tpu.memref_slice %arg4[%dma_wait3A_1747, %dma_wait3A_1748] : memref<8x1000000xf32, #tpu.memory_space<hbm>> -> memref<8x128xf32, #tpu.memory_space<hbm>>
      %dma_wait3A_1750 = arith.constant 0 : i32
      %dma_wait3A_1751 = arith.constant 0 : i32
      %dma_wait3A_1752 = tpu.memref_slice %arg8[%dma_wait3A_1742, %dma_wait3A_1750, %dma_wait3A_1751] : memref<32x8x128xf32, #tpu.memory_space<vmem>> -> memref<1x8x128xf32, #tpu.memory_space<vmem>>
      %dma_wait3A_1753 = tpu.memref_squeeze %dma_wait3A_1752 : memref<1x8x128xf32, #tpu.memory_space<vmem>> -> memref<8x128xf32, #tpu.memory_space<vmem>>
      %dma_wait3A_1754 = arith.constant 0 : i32
      %dma_wait3A_1755 = arith.constant 0 : i32
      %dma_wait3A_1756 = tpu.memref_slice %arg4[%dma_wait3A_1754, %dma_wait3A_1755] : memref<8x1000000xf32, #tpu.memory_space<hbm>> -> memref<8x128xf32, #tpu.memory_space<hbm>>
      tpu.wait_dma2 semaphore(%arg11 : memref<!tpu.dma_semaphore, #tpu.memory_space<semaphore_mem>>) src(%dma_wait3A_1756 : memref<8x128xf32, #tpu.memory_space<hbm>>) dst(%dma_wait3A_1753 : memref<8x128xf32, #tpu.memory_space<vmem>>)
      %dma_wait3A_1757 = arith.constant 15 : i32
      %dma_wait3A_1758 = arith.constant 0 : i32
      %dma_wait3A_1759 = arith.constant 0 : i32
      %dma_wait3A_1760 = tpu.memref_slice %arg7[%dma_wait3A_1757, %dma_wait3A_1758, %dma_wait3A_1759] : memref<32x8x128xf32, #tpu.memory_space<vmem>> -> memref<1x8x128xf32, #tpu.memory_space<vmem>>
      %dma_wait3A_1761 = tpu.memref_squeeze %dma_wait3A_1760 : memref<1x8x128xf32, #tpu.memory_space<vmem>> -> memref<8x128xf32, #tpu.memory_space<vmem>>
      %dma_wait3A_1762 = arith.constant 0 : i32
      %dma_wait3A_1763 = arith.constant 0 : i32
      %dma_wait3A_1764 = tpu.memref_slice %arg3[%dma_wait3A_1762, %dma_wait3A_1763] : memref<8x1000000xf32, #tpu.memory_space<hbm>> -> memref<8x128xf32, #tpu.memory_space<hbm>>
      %dma_wait3A_1765 = arith.constant 0 : i32
      %dma_wait3A_1766 = arith.constant 0 : i32
      %dma_wait3A_1767 = tpu.memref_slice %arg7[%dma_wait3A_1757, %dma_wait3A_1765, %dma_wait3A_1766] : memref<32x8x128xf32, #tpu.memory_space<vmem>> -> memref<1x8x128xf32, #tpu.memory_space<vmem>>
      %dma_wait3A_1768 = tpu.memref_squeeze %dma_wait3A_1767 : memref<1x8x128xf32, #tpu.memory_space<vmem>> -> memref<8x128xf32, #tpu.memory_space<vmem>>
      %dma_wait3A_1769 = arith.constant 0 : i32
      %dma_wait3A_1770 = arith.constant 0 : i32
      %dma_wait3A_1771 = tpu.memref_slice %arg3[%dma_wait3A_1769, %dma_wait3A_1770] : memref<8x1000000xf32, #tpu.memory_space<hbm>> -> memref<8x128xf32, #tpu.memory_space<hbm>>
      tpu.wait_dma2 semaphore(%arg10 : memref<!tpu.dma_semaphore, #tpu.memory_space<semaphore_mem>>) src(%dma_wait3A_1771 : memref<8x128xf32, #tpu.memory_space<hbm>>) dst(%dma_wait3A_1768 : memref<8x128xf32, #tpu.memory_space<vmem>>)
      %dma_wait3A_1772 = arith.constant 15 : i32
      %dma_wait3A_1773 = arith.constant 0 : i32
      %dma_wait3A_1774 = arith.constant 0 : i32
      %dma_wait3A_1775 = tpu.memref_slice %arg8[%dma_wait3A_1772, %dma_wait3A_1773, %dma_wait3A_1774] : memref<32x8x128xf32, #tpu.memory_space<vmem>> -> memref<1x8x128xf32, #tpu.memory_space<vmem>>
      %dma_wait3A_1776 = tpu.memref_squeeze %dma_wait3A_1775 : memref<1x8x128xf32, #tpu.memory_space<vmem>> -> memref<8x128xf32, #tpu.memory_space<vmem>>
      %dma_wait3A_1777 = arith.constant 0 : i32
      %dma_wait3A_1778 = arith.constant 0 : i32
      %dma_wait3A_1779 = tpu.memref_slice %arg4[%dma_wait3A_1777, %dma_wait3A_1778] : memref<8x1000000xf32, #tpu.memory_space<hbm>> -> memref<8x128xf32, #tpu.memory_space<hbm>>
      %dma_wait3A_1780 = arith.constant 0 : i32
      %dma_wait3A_1781 = arith.constant 0 : i32
      %dma_wait3A_1782 = tpu.memref_slice %arg8[%dma_wait3A_1772, %dma_wait3A_1780, %dma_wait3A_1781] : memref<32x8x128xf32, #tpu.memory_space<vmem>> -> memref<1x8x128xf32, #tpu.memory_space<vmem>>
      %dma_wait3A_1783 = tpu.memref_squeeze %dma_wait3A_1782 : memref<1x8x128xf32, #tpu.memory_space<vmem>> -> memref<8x128xf32, #tpu.memory_space<vmem>>
      %dma_wait3A_1784 = arith.constant 0 : i32
      %dma_wait3A_1785 = arith.constant 0 : i32
      %dma_wait3A_1786 = tpu.memref_slice %arg4[%dma_wait3A_1784, %dma_wait3A_1785] : memref<8x1000000xf32, #tpu.memory_space<hbm>> -> memref<8x128xf32, #tpu.memory_space<hbm>>
      tpu.wait_dma2 semaphore(%arg11 : memref<!tpu.dma_semaphore, #tpu.memory_space<semaphore_mem>>) src(%dma_wait3A_1786 : memref<8x128xf32, #tpu.memory_space<hbm>>) dst(%dma_wait3A_1783 : memref<8x128xf32, #tpu.memory_space<vmem>>)
      %mul3A_1787 = arith.constant 16 : i32
      %mul3A_1788 = arith.muli %mul3A_653, %mul3A_1787 : i32
      %get3A_1789 = arith.constant 0 : i32
      %get3A_1790 = arith.index_cast %get3A_1789 : i32 to index
      %get3A_1791 = arith.index_cast %mul3A_1788 : i32 to index
      %get3A_1792 = tpu.vector_load %arg6[%get3A_1790, %get3A_1791] {strides = array<i32>} : memref<2x512xi32, #tpu.memory_space<vmem>>, vector<16xi32>,
      %mul3A_1793 = arith.constant 16 : i32
      %mul3A_1794 = arith.muli %mul3A_653, %mul3A_1793 : i32
      %get3A_1795 = arith.constant 1 : i32
      %get3A_1796 = arith.index_cast %get3A_1795 : i32 to index
      %get3A_1797 = arith.index_cast %mul3A_1794 : i32 to index
      %get3A_1798 = tpu.vector_load %arg6[%get3A_1796, %get3A_1797] {strides = array<i32>} : memref<2x512xi32, #tpu.memory_space<vmem>>, vector<16xi32>,
      %and3A = arith.andi %get3A_1792, %broadcast_in_dim3A_3 : vector<16xi32>
      %and3A_1799 = arith.andi %get3A_1798, %broadcast_in_dim3A_3 : vector<16xi32>
      %add3A_1800 = arith.constant 0 : i32
      %add3A_1801 = vector.broadcast %add3A_1800 : i32 to vector<16xi32>
      %add3A_1802 = arith.addi %add3A_1801, %iota3A : vector<16xi32>
      %broadcast_in_dim3A_1803 = arith.constant 0.000000e+00 : f32
      %broadcast_in_dim3A_1804 = vector.broadcast %broadcast_in_dim3A_1803 : f32 to vector<16xf32>
      %broadcast_in_dim3A_1805 = arith.constant 0 : i32
      %broadcast_in_dim3A_1806 = vector.broadcast %broadcast_in_dim3A_1805 : i32 to vector<16xi32>
      %gather3A = tpu.vector_load_idx %arg7[%add3A_1802, %broadcast_in_dim3A_1806, %and3A] : memref<32x8x128xf32, #tpu.memory_space<vmem>>[vector<16xi32>, vector<16xi32>, vector<16xi32>], vector<16xf32>,
      %gather3A_1807 = tpu.vector_load_idx %arg8[%add3A_1802, %broadcast_in_dim3A_1806, %and3A_1799] : memref<32x8x128xf32, #tpu.memory_space<vmem>>[vector<16xi32>, vector<16xi32>, vector<16xi32>], vector<16xf32>,
      %mul3A_1808 = arith.mulf %gather3A, %gather3A_1807 : vector<16xf32>
      %add3A_1809 = arith.addf %broadcast_in_dim3A_1804, %mul3A_1808 : vector<16xf32>
      %broadcast_in_dim3A_1810 = arith.constant 1 : i32
      %broadcast_in_dim3A_1811 = vector.broadcast %broadcast_in_dim3A_1810 : i32 to vector<16xi32>
      %gather3A_1812 = tpu.vector_load_idx %arg7[%add3A_1802, %broadcast_in_dim3A_1811, %and3A] : memref<32x8x128xf32, #tpu.memory_space<vmem>>[vector<16xi32>, vector<16xi32>, vector<16xi32>], vector<16xf32>,
      %gather3A_1813 = tpu.vector_load_idx %arg8[%add3A_1802, %broadcast_in_dim3A_1811, %and3A_1799] : memref<32x8x128xf32, #tpu.memory_space<vmem>>[vector<16xi32>, vector<16xi32>, vector<16xi32>], vector<16xf32>,
      %mul3A_1814 = arith.mulf %gather3A_1812, %gather3A_1813 : vector<16xf32>
      %add3A_1815 = arith.addf %add3A_1809, %mul3A_1814 : vector<16xf32>
      %broadcast_in_dim3A_1816 = arith.constant 2 : i32
      %broadcast_in_dim3A_1817 = vector.broadcast %broadcast_in_dim3A_1816 : i32 to vector<16xi32>
      %gather3A_1818 = tpu.vector_load_idx %arg7[%add3A_1802, %broadcast_in_dim3A_1817, %and3A] : memref<32x8x128xf32, #tpu.memory_space<vmem>>[vector<16xi32>, vector<16xi32>, vector<16xi32>], vector<16xf32>,
      %gather3A_1819 = tpu.vector_load_idx %arg8[%add3A_1802, %broadcast_in_dim3A_1817, %and3A_1799] : memref<32x8x128xf32, #tpu.memory_space<vmem>>[vector<16xi32>, vector<16xi32>, vector<16xi32>], vector<16xf32>,
      %mul3A_1820 = arith.mulf %gather3A_1818, %gather3A_1819 : vector<16xf32>
      %add3A_1821 = arith.addf %add3A_1815, %mul3A_1820 : vector<16xf32>
      %broadcast_in_dim3A_1822 = arith.constant 3 : i32
      %broadcast_in_dim3A_1823 = vector.broadcast %broadcast_in_dim3A_1822 : i32 to vector<16xi32>
      %gather3A_1824 = tpu.vector_load_idx %arg7[%add3A_1802, %broadcast_in_dim3A_1823, %and3A] : memref<32x8x128xf32, #tpu.memory_space<vmem>>[vector<16xi32>, vector<16xi32>, vector<16xi32>], vector<16xf32>,
      %gather3A_1825 = tpu.vector_load_idx %arg8[%add3A_1802, %broadcast_in_dim3A_1823, %and3A_1799] : memref<32x8x128xf32, #tpu.memory_space<vmem>>[vector<16xi32>, vector<16xi32>, vector<16xi32>], vector<16xf32>,
      %mul3A_1826 = arith.mulf %gather3A_1824, %gather3A_1825 : vector<16xf32>
      %add3A_1827 = arith.addf %add3A_1821, %mul3A_1826 : vector<16xf32>
      %broadcast_in_dim3A_1828 = arith.constant 4 : i32
      %broadcast_in_dim3A_1829 = vector.broadcast %broadcast_in_dim3A_1828 : i32 to vector<16xi32>
      %gather3A_1830 = tpu.vector_load_idx %arg7[%add3A_1802, %broadcast_in_dim3A_1829, %and3A] : memref<32x8x128xf32, #tpu.memory_space<vmem>>[vector<16xi32>, vector<16xi32>, vector<16xi32>], vector<16xf32>,
      %gather3A_1831 = tpu.vector_load_idx %arg8[%add3A_1802, %broadcast_in_dim3A_1829, %and3A_1799] : memref<32x8x128xf32, #tpu.memory_space<vmem>>[vector<16xi32>, vector<16xi32>, vector<16xi32>], vector<16xf32>,
      %mul3A_1832 = arith.mulf %gather3A_1830, %gather3A_1831 : vector<16xf32>
      %add3A_1833 = arith.addf %add3A_1827, %mul3A_1832 : vector<16xf32>
      %broadcast_in_dim3A_1834 = arith.constant 5 : i32
      %broadcast_in_dim3A_1835 = vector.broadcast %broadcast_in_dim3A_1834 : i32 to vector<16xi32>
      %gather3A_1836 = tpu.vector_load_idx %arg7[%add3A_1802, %broadcast_in_dim3A_1835, %and3A] : memref<32x8x128xf32, #tpu.memory_space<vmem>>[vector<16xi32>, vector<16xi32>, vector<16xi32>], vector<16xf32>,
      %gather3A_1837 = tpu.vector_load_idx %arg8[%add3A_1802, %broadcast_in_dim3A_1835, %and3A_1799] : memref<32x8x128xf32, #tpu.memory_space<vmem>>[vector<16xi32>, vector<16xi32>, vector<16xi32>], vector<16xf32>,
      %mul3A_1838 = arith.mulf %gather3A_1836, %gather3A_1837 : vector<16xf32>
      %add3A_1839 = arith.addf %add3A_1833, %mul3A_1838 : vector<16xf32>
      %broadcast_in_dim3A_1840 = arith.constant 6 : i32
      %broadcast_in_dim3A_1841 = vector.broadcast %broadcast_in_dim3A_1840 : i32 to vector<16xi32>
      %gather3A_1842 = tpu.vector_load_idx %arg7[%add3A_1802, %broadcast_in_dim3A_1841, %and3A] : memref<32x8x128xf32, #tpu.memory_space<vmem>>[vector<16xi32>, vector<16xi32>, vector<16xi32>], vector<16xf32>,
      %gather3A_1843 = tpu.vector_load_idx %arg8[%add3A_1802, %broadcast_in_dim3A_1841, %and3A_1799] : memref<32x8x128xf32, #tpu.memory_space<vmem>>[vector<16xi32>, vector<16xi32>, vector<16xi32>], vector<16xf32>,
      %mul3A_1844 = arith.mulf %gather3A_1842, %gather3A_1843 : vector<16xf32>
      %add3A_1845 = arith.addf %add3A_1839, %mul3A_1844 : vector<16xf32>
      %broadcast_in_dim3A_1846 = arith.constant 7 : i32
      %broadcast_in_dim3A_1847 = vector.broadcast %broadcast_in_dim3A_1846 : i32 to vector<16xi32>
      %gather3A_1848 = tpu.vector_load_idx %arg7[%add3A_1802, %broadcast_in_dim3A_1847, %and3A] : memref<32x8x128xf32, #tpu.memory_space<vmem>>[vector<16xi32>, vector<16xi32>, vector<16xi32>], vector<16xf32>,
      %gather3A_1849 = tpu.vector_load_idx %arg8[%add3A_1802, %broadcast_in_dim3A_1847, %and3A_1799] : memref<32x8x128xf32, #tpu.memory_space<vmem>>[vector<16xi32>, vector<16xi32>, vector<16xi32>], vector<16xf32>,
      %mul3A_1850 = arith.mulf %gather3A_1848, %gather3A_1849 : vector<16xf32>
      %add3A_1851 = arith.addf %add3A_1845, %mul3A_1850 : vector<16xf32>
      %mul3A_1852 = arith.constant 16 : i32
      %mul3A_1853 = arith.muli %mul3A_653, %mul3A_1852 : i32
      %swap3A = arith.index_cast %mul3A_1853 : i32 to index
      %swap3A_1854 = tpu.vector_load %arg9[%swap3A] {strides = array<i32>} : memref<512xf32, #tpu.memory_space<vmem>>, vector<16xf32>,
      tpu.vector_store %arg9[%swap3A], %add3A_1851 {strides = array<i32>} : memref<512xf32, #tpu.memory_space<vmem>>, vector<16xf32>,
      %add3A_1855 = arith.constant 2 : i32
      %add3A_1856 = arith.addi %mul3A_653, %add3A_1855 : i32
      %lt3A = arith.constant 32 : i32
      %lt3A_1857 = arith.cmpi slt, %add3A_1856, %lt3A : i32
      %convert_element_type3A = arith.extui %lt3A_1857 : i1 to i32
      %cond3A = arith.constant 0 : i32
      %cond3A_1858 = arith.cmpi ne, %convert_element_type3A, %cond3A : i32
      scf.if %cond3A_1858 {
        %add3A_2412 = arith.constant 2 : i32
        %add3A_2413 = arith.addi %mul3A_653, %add3A_2412 : i32
        %mul3A_2414 = arith.constant 16 : i32
        %mul3A_2415 = arith.muli %add3A_2413, %mul3A_2414 : i32
        %get3A_2416 = arith.constant 0 : i32
        %get3A_2417 = arith.index_cast %get3A_2416 : i32 to index
        %get3A_2418 = arith.index_cast %mul3A_2415 : i32 to index
        %get3A_2419 = tpu.vector_load %arg6[%get3A_2417, %get3A_2418] {strides = array<i32>} : memref<2x512xi32, #tpu.memory_space<vmem>>, vector<16xi32>,
        %mul3A_2420 = arith.constant 16 : i32
        %mul3A_2421 = arith.muli %add3A_2413, %mul3A_2420 : i32
        %get3A_2422 = arith.constant 1 : i32
        %get3A_2423 = arith.index_cast %get3A_2422 : i32 to index
        %get3A_2424 = arith.index_cast %mul3A_2421 : i32 to index
        %get3A_2425 = tpu.vector_load %arg6[%get3A_2423, %get3A_2424] {strides = array<i32>} : memref<2x512xi32, #tpu.memory_space<vmem>>, vector<16xi32>,
        %slice3A_2426 = vector.extract_strided_slice %get3A_2419 {offsets = [0], sizes = [1], strides = [1]} : vector<16xi32> to vector<1xi32>
        %squeeze3A_2427 = vector.extract %slice3A_2426[0] : i32 from vector<1xi32>
        %shift_right_logical3A_2428 = arith.constant 7 : i32
        %shift_right_logical3A_2429 = arith.shrui %squeeze3A_2427, %shift_right_logical3A_2428 : i32
        %shift_left3A_2430 = arith.constant 7 : i32
        %shift_left3A_2431 = arith.shli %shift_right_logical3A_2429, %shift_left3A_2430 : i32
        %multiple_of3A_2432 = tpu.assume_multiple %shift_left3A_2431, 128 : i32
        %slice3A_2433 = vector.extract_strided_slice %get3A_2425 {offsets = [0], sizes = [1], strides = [1]} : vector<16xi32> to vector<1xi32>
        %squeeze3A_2434 = vector.extract %slice3A_2433[0] : i32 from vector<1xi32>
        %shift_right_logical3A_2435 = arith.constant 7 : i32
        %shift_right_logical3A_2436 = arith.shrui %squeeze3A_2434, %shift_right_logical3A_2435 : i32
        %shift_left3A_2437 = arith.constant 7 : i32
        %shift_left3A_2438 = arith.shli %shift_right_logical3A_2436, %shift_left3A_2437 : i32
        %multiple_of3A_2439 = tpu.assume_multiple %shift_left3A_2438, 128 : i32
        %dma_start3A_2440 = arith.constant 0 : i32
        %dma_start3A_2441 = arith.constant 0 : i32
        %dma_start3A_2442 = arith.constant 0 : i32
        %dma_start3A_2443 = tpu.memref_slice %arg7[%dma_start3A_2440, %dma_start3A_2441, %dma_start3A_2442] : memref<32x8x128xf32, #tpu.memory_space<vmem>> -> memref<1x8x128xf32, #tpu.memory_space<vmem>>
        %dma_start3A_2444 = tpu.memref_squeeze %dma_start3A_2443 : memref<1x8x128xf32, #tpu.memory_space<vmem>> -> memref<8x128xf32, #tpu.memory_space<vmem>>
        %dma_start3A_2445 = arith.constant 0 : i32
        %dma_start3A_2446 = tpu.memref_slice %arg3[%dma_start3A_2445, %multiple_of3A_2432] : memref<8x1000000xf32, #tpu.memory_space<hbm>> -> memref<8x128xf32, #tpu.memory_space<hbm>>
        %dma_start3A_2447 = arith.constant 0 : i32
        %dma_start3A_2448 = arith.constant 0 : i32
        %dma_start3A_2449 = tpu.memref_slice %arg7[%dma_start3A_2440, %dma_start3A_2447, %dma_start3A_2448] : memref<32x8x128xf32, #tpu.memory_space<vmem>> -> memref<1x8x128xf32, #tpu.memory_space<vmem>>
        %dma_start3A_2450 = tpu.memref_squeeze %dma_start3A_2449 : memref<1x8x128xf32, #tpu.memory_space<vmem>> -> memref<8x128xf32, #tpu.memory_space<vmem>>
        %dma_start3A_2451 = arith.constant 0 : i32
        %dma_start3A_2452 = tpu.memref_slice %arg3[%dma_start3A_2451, %multiple_of3A_2432] : memref<8x1000000xf32, #tpu.memory_space<hbm>> -> memref<8x128xf32, #tpu.memory_space<hbm>>
        tpu.enqueue_dma source(%dma_start3A_2452 : memref<8x128xf32, #tpu.memory_space<hbm>>) target(%dma_start3A_2450 : memref<8x128xf32, #tpu.memory_space<vmem>>) target_semaphore(%arg10 : memref<!tpu.dma_semaphore, #tpu.memory_space<semaphore_mem>>)
        %dma_start3A_2453 = arith.constant 0 : i32
        %dma_start3A_2454 = arith.constant 0 : i32
        %dma_start3A_2455 = arith.constant 0 : i32
        %dma_start3A_2456 = tpu.memref_slice %arg8[%dma_start3A_2453, %dma_start3A_2454, %dma_start3A_2455] : memref<32x8x128xf32, #tpu.memory_space<vmem>> -> memref<1x8x128xf32, #tpu.memory_space<vmem>>
        %dma_start3A_2457 = tpu.memref_squeeze %dma_start3A_2456 : memref<1x8x128xf32, #tpu.memory_space<vmem>> -> memref<8x128xf32, #tpu.memory_space<vmem>>
        %dma_start3A_2458 = arith.constant 0 : i32
        %dma_start3A_2459 = tpu.memref_slice %arg4[%dma_start3A_2458, %multiple_of3A_2439] : memref<8x1000000xf32, #tpu.memory_space<hbm>> -> memref<8x128xf32, #tpu.memory_space<hbm>>
        %dma_start3A_2460 = arith.constant 0 : i32
        %dma_start3A_2461 = arith.constant 0 : i32
        %dma_start3A_2462 = tpu.memref_slice %arg8[%dma_start3A_2453, %dma_start3A_2460, %dma_start3A_2461] : memref<32x8x128xf32, #tpu.memory_space<vmem>> -> memref<1x8x128xf32, #tpu.memory_space<vmem>>
        %dma_start3A_2463 = tpu.memref_squeeze %dma_start3A_2462 : memref<1x8x128xf32, #tpu.memory_space<vmem>> -> memref<8x128xf32, #tpu.memory_space<vmem>>
        %dma_start3A_2464 = arith.constant 0 : i32
        %dma_start3A_2465 = tpu.memref_slice %arg4[%dma_start3A_2464, %multiple_of3A_2439] : memref<8x1000000xf32, #tpu.memory_space<hbm>> -> memref<8x128xf32, #tpu.memory_space<hbm>>
        tpu.enqueue_dma source(%dma_start3A_2465 : memref<8x128xf32, #tpu.memory_space<hbm>>) target(%dma_start3A_2463 : memref<8x128xf32, #tpu.memory_space<vmem>>) target_semaphore(%arg11 : memref<!tpu.dma_semaphore, #tpu.memory_space<semaphore_mem>>)
        %slice3A_2466 = vector.extract_strided_slice %get3A_2419 {offsets = [1], sizes = [1], strides = [1]} : vector<16xi32> to vector<1xi32>
        %squeeze3A_2467 = vector.extract %slice3A_2466[0] : i32 from vector<1xi32>
        %shift_right_logical3A_2468 = arith.constant 7 : i32
        %shift_right_logical3A_2469 = arith.shrui %squeeze3A_2467, %shift_right_logical3A_2468 : i32
        %shift_left3A_2470 = arith.constant 7 : i32
        %shift_left3A_2471 = arith.shli %shift_right_logical3A_2469, %shift_left3A_2470 : i32
        %multiple_of3A_2472 = tpu.assume_multiple %shift_left3A_2471, 128 : i32
        %slice3A_2473 = vector.extract_strided_slice %get3A_2425 {offsets = [1], sizes = [1], strides = [1]} : vector<16xi32> to vector<1xi32>
        %squeeze3A_2474 = vector.extract %slice3A_2473[0] : i32 from vector<1xi32>
        %shift_right_logical3A_2475 = arith.constant 7 : i32
        %shift_right_logical3A_2476 = arith.shrui %squeeze3A_2474, %shift_right_logical3A_2475 : i32
        %shift_left3A_2477 = arith.constant 7 : i32
        %shift_left3A_2478 = arith.shli %shift_right_logical3A_2476, %shift_left3A_2477 : i32
        %multiple_of3A_2479 = tpu.assume_multiple %shift_left3A_2478, 128 : i32
        %dma_start3A_2480 = arith.constant 1 : i32
        %dma_start3A_2481 = arith.constant 0 : i32
        %dma_start3A_2482 = arith.constant 0 : i32
        %dma_start3A_2483 = tpu.memref_slice %arg7[%dma_start3A_2480, %dma_start3A_2481, %dma_start3A_2482] : memref<32x8x128xf32, #tpu.memory_space<vmem>> -> memref<1x8x128xf32, #tpu.memory_space<vmem>>
        %dma_start3A_2484 = tpu.memref_squeeze %dma_start3A_2483 : memref<1x8x128xf32, #tpu.memory_space<vmem>> -> memref<8x128xf32, #tpu.memory_space<vmem>>
        %dma_start3A_2485 = arith.constant 0 : i32
        %dma_start3A_2486 = tpu.memref_slice %arg3[%dma_start3A_2485, %multiple_of3A_2472] : memref<8x1000000xf32, #tpu.memory_space<hbm>> -> memref<8x128xf32, #tpu.memory_space<hbm>>
        %dma_start3A_2487 = arith.constant 0 : i32
        %dma_start3A_2488 = arith.constant 0 : i32
        %dma_start3A_2489 = tpu.memref_slice %arg7[%dma_start3A_2480, %dma_start3A_2487, %dma_start3A_2488] : memref<32x8x128xf32, #tpu.memory_space<vmem>> -> memref<1x8x128xf32, #tpu.memory_space<vmem>>
        %dma_start3A_2490 = tpu.memref_squeeze %dma_start3A_2489 : memref<1x8x128xf32, #tpu.memory_space<vmem>> -> memref<8x128xf32, #tpu.memory_space<vmem>>
        %dma_start3A_2491 = arith.constant 0 : i32
        %dma_start3A_2492 = tpu.memref_slice %arg3[%dma_start3A_2491, %multiple_of3A_2472] : memref<8x1000000xf32, #tpu.memory_space<hbm>> -> memref<8x128xf32, #tpu.memory_space<hbm>>
        tpu.enqueue_dma source(%dma_start3A_2492 : memref<8x128xf32, #tpu.memory_space<hbm>>) target(%dma_start3A_2490 : memref<8x128xf32, #tpu.memory_space<vmem>>) target_semaphore(%arg10 : memref<!tpu.dma_semaphore, #tpu.memory_space<semaphore_mem>>)
        %dma_start3A_2493 = arith.constant 1 : i32
        %dma_start3A_2494 = arith.constant 0 : i32
        %dma_start3A_2495 = arith.constant 0 : i32
        %dma_start3A_2496 = tpu.memref_slice %arg8[%dma_start3A_2493, %dma_start3A_2494, %dma_start3A_2495] : memref<32x8x128xf32, #tpu.memory_space<vmem>> -> memref<1x8x128xf32, #tpu.memory_space<vmem>>
        %dma_start3A_2497 = tpu.memref_squeeze %dma_start3A_2496 : memref<1x8x128xf32, #tpu.memory_space<vmem>> -> memref<8x128xf32, #tpu.memory_space<vmem>>
        %dma_start3A_2498 = arith.constant 0 : i32
        %dma_start3A_2499 = tpu.memref_slice %arg4[%dma_start3A_2498, %multiple_of3A_2479] : memref<8x1000000xf32, #tpu.memory_space<hbm>> -> memref<8x128xf32, #tpu.memory_space<hbm>>
        %dma_start3A_2500 = arith.constant 0 : i32
        %dma_start3A_2501 = arith.constant 0 : i32
        %dma_start3A_2502 = tpu.memref_slice %arg8[%dma_start3A_2493, %dma_start3A_2500, %dma_start3A_2501] : memref<32x8x128xf32, #tpu.memory_space<vmem>> -> memref<1x8x128xf32, #tpu.memory_space<vmem>>
        %dma_start3A_2503 = tpu.memref_squeeze %dma_start3A_2502 : memref<1x8x128xf32, #tpu.memory_space<vmem>> -> memref<8x128xf32, #tpu.memory_space<vmem>>
        %dma_start3A_2504 = arith.constant 0 : i32
        %dma_start3A_2505 = tpu.memref_slice %arg4[%dma_start3A_2504, %multiple_of3A_2479] : memref<8x1000000xf32, #tpu.memory_space<hbm>> -> memref<8x128xf32, #tpu.memory_space<hbm>>
        tpu.enqueue_dma source(%dma_start3A_2505 : memref<8x128xf32, #tpu.memory_space<hbm>>) target(%dma_start3A_2503 : memref<8x128xf32, #tpu.memory_space<vmem>>) target_semaphore(%arg11 : memref<!tpu.dma_semaphore, #tpu.memory_space<semaphore_mem>>)
        %slice3A_2506 = vector.extract_strided_slice %get3A_2419 {offsets = [2], sizes = [1], strides = [1]} : vector<16xi32> to vector<1xi32>
        %squeeze3A_2507 = vector.extract %slice3A_2506[0] : i32 from vector<1xi32>
        %shift_right_logical3A_2508 = arith.constant 7 : i32
        %shift_right_logical3A_2509 = arith.shrui %squeeze3A_2507, %shift_right_logical3A_2508 : i32
        %shift_left3A_2510 = arith.constant 7 : i32
        %shift_left3A_2511 = arith.shli %shift_right_logical3A_2509, %shift_left3A_2510 : i32
        %multiple_of3A_2512 = tpu.assume_multiple %shift_left3A_2511, 128 : i32
        %slice3A_2513 = vector.extract_strided_slice %get3A_2425 {offsets = [2], sizes = [1], strides = [1]} : vector<16xi32> to vector<1xi32>
        %squeeze3A_2514 = vector.extract %slice3A_2513[0] : i32 from vector<1xi32>
        %shift_right_logical3A_2515 = arith.constant 7 : i32
        %shift_right_logical3A_2516 = arith.shrui %squeeze3A_2514, %shift_right_logical3A_2515 : i32
        %shift_left3A_2517 = arith.constant 7 : i32
        %shift_left3A_2518 = arith.shli %shift_right_logical3A_2516, %shift_left3A_2517 : i32
        %multiple_of3A_2519 = tpu.assume_multiple %shift_left3A_2518, 128 : i32
        %dma_start3A_2520 = arith.constant 2 : i32
        %dma_start3A_2521 = arith.constant 0 : i32
        %dma_start3A_2522 = arith.constant 0 : i32
        %dma_start3A_2523 = tpu.memref_slice %arg7[%dma_start3A_2520, %dma_start3A_2521, %dma_start3A_2522] : memref<32x8x128xf32, #tpu.memory_space<vmem>> -> memref<1x8x128xf32, #tpu.memory_space<vmem>>
        %dma_start3A_2524 = tpu.memref_squeeze %dma_start3A_2523 : memref<1x8x128xf32, #tpu.memory_space<vmem>> -> memref<8x128xf32, #tpu.memory_space<vmem>>
        %dma_start3A_2525 = arith.constant 0 : i32
        %dma_start3A_2526 = tpu.memref_slice %arg3[%dma_start3A_2525, %multiple_of3A_2512] : memref<8x1000000xf32, #tpu.memory_space<hbm>> -> memref<8x128xf32, #tpu.memory_space<hbm>>
        %dma_start3A_2527 = arith.constant 0 : i32
        %dma_start3A_2528 = arith.constant 0 : i32
        %dma_start3A_2529 = tpu.memref_slice %arg7[%dma_start3A_2520, %dma_start3A_2527, %dma_start3A_2528] : memref<32x8x128xf32, #tpu.memory_space<vmem>> -> memref<1x8x128xf32, #tpu.memory_space<vmem>>
        %dma_start3A_2530 = tpu.memref_squeeze %dma_start3A_2529 : memref<1x8x128xf32, #tpu.memory_space<vmem>> -> memref<8x128xf32, #tpu.memory_space<vmem>>
        %dma_start3A_2531 = arith.constant 0 : i32
        %dma_start3A_2532 = tpu.memref_slice %arg3[%dma_start3A_2531, %multiple_of3A_2512] : memref<8x1000000xf32, #tpu.memory_space<hbm>> -> memref<8x128xf32, #tpu.memory_space<hbm>>
        tpu.enqueue_dma source(%dma_start3A_2532 : memref<8x128xf32, #tpu.memory_space<hbm>>) target(%dma_start3A_2530 : memref<8x128xf32, #tpu.memory_space<vmem>>) target_semaphore(%arg10 : memref<!tpu.dma_semaphore, #tpu.memory_space<semaphore_mem>>)
        %dma_start3A_2533 = arith.constant 2 : i32
        %dma_start3A_2534 = arith.constant 0 : i32
        %dma_start3A_2535 = arith.constant 0 : i32
        %dma_start3A_2536 = tpu.memref_slice %arg8[%dma_start3A_2533, %dma_start3A_2534, %dma_start3A_2535] : memref<32x8x128xf32, #tpu.memory_space<vmem>> -> memref<1x8x128xf32, #tpu.memory_space<vmem>>
        %dma_start3A_2537 = tpu.memref_squeeze %dma_start3A_2536 : memref<1x8x128xf32, #tpu.memory_space<vmem>> -> memref<8x128xf32, #tpu.memory_space<vmem>>
        %dma_start3A_2538 = arith.constant 0 : i32
        %dma_start3A_2539 = tpu.memref_slice %arg4[%dma_start3A_2538, %multiple_of3A_2519] : memref<8x1000000xf32, #tpu.memory_space<hbm>> -> memref<8x128xf32, #tpu.memory_space<hbm>>
        %dma_start3A_2540 = arith.constant 0 : i32
        %dma_start3A_2541 = arith.constant 0 : i32
        %dma_start3A_2542 = tpu.memref_slice %arg8[%dma_start3A_2533, %dma_start3A_2540, %dma_start3A_2541] : memref<32x8x128xf32, #tpu.memory_space<vmem>> -> memref<1x8x128xf32, #tpu.memory_space<vmem>>
        %dma_start3A_2543 = tpu.memref_squeeze %dma_start3A_2542 : memref<1x8x128xf32, #tpu.memory_space<vmem>> -> memref<8x128xf32, #tpu.memory_space<vmem>>
        %dma_start3A_2544 = arith.constant 0 : i32
        %dma_start3A_2545 = tpu.memref_slice %arg4[%dma_start3A_2544, %multiple_of3A_2519] : memref<8x1000000xf32, #tpu.memory_space<hbm>> -> memref<8x128xf32, #tpu.memory_space<hbm>>
        tpu.enqueue_dma source(%dma_start3A_2545 : memref<8x128xf32, #tpu.memory_space<hbm>>) target(%dma_start3A_2543 : memref<8x128xf32, #tpu.memory_space<vmem>>) target_semaphore(%arg11 : memref<!tpu.dma_semaphore, #tpu.memory_space<semaphore_mem>>)
        %slice3A_2546 = vector.extract_strided_slice %get3A_2419 {offsets = [3], sizes = [1], strides = [1]} : vector<16xi32> to vector<1xi32>
        %squeeze3A_2547 = vector.extract %slice3A_2546[0] : i32 from vector<1xi32>
        %shift_right_logical3A_2548 = arith.constant 7 : i32
        %shift_right_logical3A_2549 = arith.shrui %squeeze3A_2547, %shift_right_logical3A_2548 : i32
        %shift_left3A_2550 = arith.constant 7 : i32
        %shift_left3A_2551 = arith.shli %shift_right_logical3A_2549, %shift_left3A_2550 : i32
        %multiple_of3A_2552 = tpu.assume_multiple %shift_left3A_2551, 128 : i32
        %slice3A_2553 = vector.extract_strided_slice %get3A_2425 {offsets = [3], sizes = [1], strides = [1]} : vector<16xi32> to vector<1xi32>
        %squeeze3A_2554 = vector.extract %slice3A_2553[0] : i32 from vector<1xi32>
        %shift_right_logical3A_2555 = arith.constant 7 : i32
        %shift_right_logical3A_2556 = arith.shrui %squeeze3A_2554, %shift_right_logical3A_2555 : i32
        %shift_left3A_2557 = arith.constant 7 : i32
        %shift_left3A_2558 = arith.shli %shift_right_logical3A_2556, %shift_left3A_2557 : i32
        %multiple_of3A_2559 = tpu.assume_multiple %shift_left3A_2558, 128 : i32
        %dma_start3A_2560 = arith.constant 3 : i32
        %dma_start3A_2561 = arith.constant 0 : i32
        %dma_start3A_2562 = arith.constant 0 : i32
        %dma_start3A_2563 = tpu.memref_slice %arg7[%dma_start3A_2560, %dma_start3A_2561, %dma_start3A_2562] : memref<32x8x128xf32, #tpu.memory_space<vmem>> -> memref<1x8x128xf32, #tpu.memory_space<vmem>>
        %dma_start3A_2564 = tpu.memref_squeeze %dma_start3A_2563 : memref<1x8x128xf32, #tpu.memory_space<vmem>> -> memref<8x128xf32, #tpu.memory_space<vmem>>
        %dma_start3A_2565 = arith.constant 0 : i32
        %dma_start3A_2566 = tpu.memref_slice %arg3[%dma_start3A_2565, %multiple_of3A_2552] : memref<8x1000000xf32, #tpu.memory_space<hbm>> -> memref<8x128xf32, #tpu.memory_space<hbm>>
        %dma_start3A_2567 = arith.constant 0 : i32
        %dma_start3A_2568 = arith.constant 0 : i32
        %dma_start3A_2569 = tpu.memref_slice %arg7[%dma_start3A_2560, %dma_start3A_2567, %dma_start3A_2568] : memref<32x8x128xf32, #tpu.memory_space<vmem>> -> memref<1x8x128xf32, #tpu.memory_space<vmem>>
        %dma_start3A_2570 = tpu.memref_squeeze %dma_start3A_2569 : memref<1x8x128xf32, #tpu.memory_space<vmem>> -> memref<8x128xf32, #tpu.memory_space<vmem>>
        %dma_start3A_2571 = arith.constant 0 : i32
        %dma_start3A_2572 = tpu.memref_slice %arg3[%dma_start3A_2571, %multiple_of3A_2552] : memref<8x1000000xf32, #tpu.memory_space<hbm>> -> memref<8x128xf32, #tpu.memory_space<hbm>>
        tpu.enqueue_dma source(%dma_start3A_2572 : memref<8x128xf32, #tpu.memory_space<hbm>>) target(%dma_start3A_2570 : memref<8x128xf32, #tpu.memory_space<vmem>>) target_semaphore(%arg10 : memref<!tpu.dma_semaphore, #tpu.memory_space<semaphore_mem>>)
        %dma_start3A_2573 = arith.constant 3 : i32
        %dma_start3A_2574 = arith.constant 0 : i32
        %dma_start3A_2575 = arith.constant 0 : i32
        %dma_start3A_2576 = tpu.memref_slice %arg8[%dma_start3A_2573, %dma_start3A_2574, %dma_start3A_2575] : memref<32x8x128xf32, #tpu.memory_space<vmem>> -> memref<1x8x128xf32, #tpu.memory_space<vmem>>
        %dma_start3A_2577 = tpu.memref_squeeze %dma_start3A_2576 : memref<1x8x128xf32, #tpu.memory_space<vmem>> -> memref<8x128xf32, #tpu.memory_space<vmem>>
        %dma_start3A_2578 = arith.constant 0 : i32
        %dma_start3A_2579 = tpu.memref_slice %arg4[%dma_start3A_2578, %multiple_of3A_2559] : memref<8x1000000xf32, #tpu.memory_space<hbm>> -> memref<8x128xf32, #tpu.memory_space<hbm>>
        %dma_start3A_2580 = arith.constant 0 : i32
        %dma_start3A_2581 = arith.constant 0 : i32
        %dma_start3A_2582 = tpu.memref_slice %arg8[%dma_start3A_2573, %dma_start3A_2580, %dma_start3A_2581] : memref<32x8x128xf32, #tpu.memory_space<vmem>> -> memref<1x8x128xf32, #tpu.memory_space<vmem>>
        %dma_start3A_2583 = tpu.memref_squeeze %dma_start3A_2582 : memref<1x8x128xf32, #tpu.memory_space<vmem>> -> memref<8x128xf32, #tpu.memory_space<vmem>>
        %dma_start3A_2584 = arith.constant 0 : i32
        %dma_start3A_2585 = tpu.memref_slice %arg4[%dma_start3A_2584, %multiple_of3A_2559] : memref<8x1000000xf32, #tpu.memory_space<hbm>> -> memref<8x128xf32, #tpu.memory_space<hbm>>
        tpu.enqueue_dma source(%dma_start3A_2585 : memref<8x128xf32, #tpu.memory_space<hbm>>) target(%dma_start3A_2583 : memref<8x128xf32, #tpu.memory_space<vmem>>) target_semaphore(%arg11 : memref<!tpu.dma_semaphore, #tpu.memory_space<semaphore_mem>>)
        %slice3A_2586 = vector.extract_strided_slice %get3A_2419 {offsets = [4], sizes = [1], strides = [1]} : vector<16xi32> to vector<1xi32>
        %squeeze3A_2587 = vector.extract %slice3A_2586[0] : i32 from vector<1xi32>
        %shift_right_logical3A_2588 = arith.constant 7 : i32
        %shift_right_logical3A_2589 = arith.shrui %squeeze3A_2587, %shift_right_logical3A_2588 : i32
        %shift_left3A_2590 = arith.constant 7 : i32
        %shift_left3A_2591 = arith.shli %shift_right_logical3A_2589, %shift_left3A_2590 : i32
        %multiple_of3A_2592 = tpu.assume_multiple %shift_left3A_2591, 128 : i32
        %slice3A_2593 = vector.extract_strided_slice %get3A_2425 {offsets = [4], sizes = [1], strides = [1]} : vector<16xi32> to vector<1xi32>
        %squeeze3A_2594 = vector.extract %slice3A_2593[0] : i32 from vector<1xi32>
        %shift_right_logical3A_2595 = arith.constant 7 : i32
        %shift_right_logical3A_2596 = arith.shrui %squeeze3A_2594, %shift_right_logical3A_2595 : i32
        %shift_left3A_2597 = arith.constant 7 : i32
        %shift_left3A_2598 = arith.shli %shift_right_logical3A_2596, %shift_left3A_2597 : i32
        %multiple_of3A_2599 = tpu.assume_multiple %shift_left3A_2598, 128 : i32
        %dma_start3A_2600 = arith.constant 4 : i32
        %dma_start3A_2601 = arith.constant 0 : i32
        %dma_start3A_2602 = arith.constant 0 : i32
        %dma_start3A_2603 = tpu.memref_slice %arg7[%dma_start3A_2600, %dma_start3A_2601, %dma_start3A_2602] : memref<32x8x128xf32, #tpu.memory_space<vmem>> -> memref<1x8x128xf32, #tpu.memory_space<vmem>>
        %dma_start3A_2604 = tpu.memref_squeeze %dma_start3A_2603 : memref<1x8x128xf32, #tpu.memory_space<vmem>> -> memref<8x128xf32, #tpu.memory_space<vmem>>
        %dma_start3A_2605 = arith.constant 0 : i32
        %dma_start3A_2606 = tpu.memref_slice %arg3[%dma_start3A_2605, %multiple_of3A_2592] : memref<8x1000000xf32, #tpu.memory_space<hbm>> -> memref<8x128xf32, #tpu.memory_space<hbm>>
        %dma_start3A_2607 = arith.constant 0 : i32
        %dma_start3A_2608 = arith.constant 0 : i32
        %dma_start3A_2609 = tpu.memref_slice %arg7[%dma_start3A_2600, %dma_start3A_2607, %dma_start3A_2608] : memref<32x8x128xf32, #tpu.memory_space<vmem>> -> memref<1x8x128xf32, #tpu.memory_space<vmem>>
        %dma_start3A_2610 = tpu.memref_squeeze %dma_start3A_2609 : memref<1x8x128xf32, #tpu.memory_space<vmem>> -> memref<8x128xf32, #tpu.memory_space<vmem>>
        %dma_start3A_2611 = arith.constant 0 : i32
        %dma_start3A_2612 = tpu.memref_slice %arg3[%dma_start3A_2611, %multiple_of3A_2592] : memref<8x1000000xf32, #tpu.memory_space<hbm>> -> memref<8x128xf32, #tpu.memory_space<hbm>>
        tpu.enqueue_dma source(%dma_start3A_2612 : memref<8x128xf32, #tpu.memory_space<hbm>>) target(%dma_start3A_2610 : memref<8x128xf32, #tpu.memory_space<vmem>>) target_semaphore(%arg10 : memref<!tpu.dma_semaphore, #tpu.memory_space<semaphore_mem>>)
        %dma_start3A_2613 = arith.constant 4 : i32
        %dma_start3A_2614 = arith.constant 0 : i32
        %dma_start3A_2615 = arith.constant 0 : i32
        %dma_start3A_2616 = tpu.memref_slice %arg8[%dma_start3A_2613, %dma_start3A_2614, %dma_start3A_2615] : memref<32x8x128xf32, #tpu.memory_space<vmem>> -> memref<1x8x128xf32, #tpu.memory_space<vmem>>
        %dma_start3A_2617 = tpu.memref_squeeze %dma_start3A_2616 : memref<1x8x128xf32, #tpu.memory_space<vmem>> -> memref<8x128xf32, #tpu.memory_space<vmem>>
        %dma_start3A_2618 = arith.constant 0 : i32
        %dma_start3A_2619 = tpu.memref_slice %arg4[%dma_start3A_2618, %multiple_of3A_2599] : memref<8x1000000xf32, #tpu.memory_space<hbm>> -> memref<8x128xf32, #tpu.memory_space<hbm>>
        %dma_start3A_2620 = arith.constant 0 : i32
        %dma_start3A_2621 = arith.constant 0 : i32
        %dma_start3A_2622 = tpu.memref_slice %arg8[%dma_start3A_2613, %dma_start3A_2620, %dma_start3A_2621] : memref<32x8x128xf32, #tpu.memory_space<vmem>> -> memref<1x8x128xf32, #tpu.memory_space<vmem>>
        %dma_start3A_2623 = tpu.memref_squeeze %dma_start3A_2622 : memref<1x8x128xf32, #tpu.memory_space<vmem>> -> memref<8x128xf32, #tpu.memory_space<vmem>>
        %dma_start3A_2624 = arith.constant 0 : i32
        %dma_start3A_2625 = tpu.memref_slice %arg4[%dma_start3A_2624, %multiple_of3A_2599] : memref<8x1000000xf32, #tpu.memory_space<hbm>> -> memref<8x128xf32, #tpu.memory_space<hbm>>
        tpu.enqueue_dma source(%dma_start3A_2625 : memref<8x128xf32, #tpu.memory_space<hbm>>) target(%dma_start3A_2623 : memref<8x128xf32, #tpu.memory_space<vmem>>) target_semaphore(%arg11 : memref<!tpu.dma_semaphore, #tpu.memory_space<semaphore_mem>>)
        %slice3A_2626 = vector.extract_strided_slice %get3A_2419 {offsets = [5], sizes = [1], strides = [1]} : vector<16xi32> to vector<1xi32>
        %squeeze3A_2627 = vector.extract %slice3A_2626[0] : i32 from vector<1xi32>
        %shift_right_logical3A_2628 = arith.constant 7 : i32
        %shift_right_logical3A_2629 = arith.shrui %squeeze3A_2627, %shift_right_logical3A_2628 : i32
        %shift_left3A_2630 = arith.constant 7 : i32
        %shift_left3A_2631 = arith.shli %shift_right_logical3A_2629, %shift_left3A_2630 : i32
        %multiple_of3A_2632 = tpu.assume_multiple %shift_left3A_2631, 128 : i32
        %slice3A_2633 = vector.extract_strided_slice %get3A_2425 {offsets = [5], sizes = [1], strides = [1]} : vector<16xi32> to vector<1xi32>
        %squeeze3A_2634 = vector.extract %slice3A_2633[0] : i32 from vector<1xi32>
        %shift_right_logical3A_2635 = arith.constant 7 : i32
        %shift_right_logical3A_2636 = arith.shrui %squeeze3A_2634, %shift_right_logical3A_2635 : i32
        %shift_left3A_2637 = arith.constant 7 : i32
        %shift_left3A_2638 = arith.shli %shift_right_logical3A_2636, %shift_left3A_2637 : i32
        %multiple_of3A_2639 = tpu.assume_multiple %shift_left3A_2638, 128 : i32
        %dma_start3A_2640 = arith.constant 5 : i32
        %dma_start3A_2641 = arith.constant 0 : i32
        %dma_start3A_2642 = arith.constant 0 : i32
        %dma_start3A_2643 = tpu.memref_slice %arg7[%dma_start3A_2640, %dma_start3A_2641, %dma_start3A_2642] : memref<32x8x128xf32, #tpu.memory_space<vmem>> -> memref<1x8x128xf32, #tpu.memory_space<vmem>>
        %dma_start3A_2644 = tpu.memref_squeeze %dma_start3A_2643 : memref<1x8x128xf32, #tpu.memory_space<vmem>> -> memref<8x128xf32, #tpu.memory_space<vmem>>
        %dma_start3A_2645 = arith.constant 0 : i32
        %dma_start3A_2646 = tpu.memref_slice %arg3[%dma_start3A_2645, %multiple_of3A_2632] : memref<8x1000000xf32, #tpu.memory_space<hbm>> -> memref<8x128xf32, #tpu.memory_space<hbm>>
        %dma_start3A_2647 = arith.constant 0 : i32
        %dma_start3A_2648 = arith.constant 0 : i32
        %dma_start3A_2649 = tpu.memref_slice %arg7[%dma_start3A_2640, %dma_start3A_2647, %dma_start3A_2648] : memref<32x8x128xf32, #tpu.memory_space<vmem>> -> memref<1x8x128xf32, #tpu.memory_space<vmem>>
        %dma_start3A_2650 = tpu.memref_squeeze %dma_start3A_2649 : memref<1x8x128xf32, #tpu.memory_space<vmem>> -> memref<8x128xf32, #tpu.memory_space<vmem>>
        %dma_start3A_2651 = arith.constant 0 : i32
        %dma_start3A_2652 = tpu.memref_slice %arg3[%dma_start3A_2651, %multiple_of3A_2632] : memref<8x1000000xf32, #tpu.memory_space<hbm>> -> memref<8x128xf32, #tpu.memory_space<hbm>>
        tpu.enqueue_dma source(%dma_start3A_2652 : memref<8x128xf32, #tpu.memory_space<hbm>>) target(%dma_start3A_2650 : memref<8x128xf32, #tpu.memory_space<vmem>>) target_semaphore(%arg10 : memref<!tpu.dma_semaphore, #tpu.memory_space<semaphore_mem>>)
        %dma_start3A_2653 = arith.constant 5 : i32
        %dma_start3A_2654 = arith.constant 0 : i32
        %dma_start3A_2655 = arith.constant 0 : i32
        %dma_start3A_2656 = tpu.memref_slice %arg8[%dma_start3A_2653, %dma_start3A_2654, %dma_start3A_2655] : memref<32x8x128xf32, #tpu.memory_space<vmem>> -> memref<1x8x128xf32, #tpu.memory_space<vmem>>
        %dma_start3A_2657 = tpu.memref_squeeze %dma_start3A_2656 : memref<1x8x128xf32, #tpu.memory_space<vmem>> -> memref<8x128xf32, #tpu.memory_space<vmem>>
        %dma_start3A_2658 = arith.constant 0 : i32
        %dma_start3A_2659 = tpu.memref_slice %arg4[%dma_start3A_2658, %multiple_of3A_2639] : memref<8x1000000xf32, #tpu.memory_space<hbm>> -> memref<8x128xf32, #tpu.memory_space<hbm>>
        %dma_start3A_2660 = arith.constant 0 : i32
        %dma_start3A_2661 = arith.constant 0 : i32
        %dma_start3A_2662 = tpu.memref_slice %arg8[%dma_start3A_2653, %dma_start3A_2660, %dma_start3A_2661] : memref<32x8x128xf32, #tpu.memory_space<vmem>> -> memref<1x8x128xf32, #tpu.memory_space<vmem>>
        %dma_start3A_2663 = tpu.memref_squeeze %dma_start3A_2662 : memref<1x8x128xf32, #tpu.memory_space<vmem>> -> memref<8x128xf32, #tpu.memory_space<vmem>>
        %dma_start3A_2664 = arith.constant 0 : i32
        %dma_start3A_2665 = tpu.memref_slice %arg4[%dma_start3A_2664, %multiple_of3A_2639] : memref<8x1000000xf32, #tpu.memory_space<hbm>> -> memref<8x128xf32, #tpu.memory_space<hbm>>
        tpu.enqueue_dma source(%dma_start3A_2665 : memref<8x128xf32, #tpu.memory_space<hbm>>) target(%dma_start3A_2663 : memref<8x128xf32, #tpu.memory_space<vmem>>) target_semaphore(%arg11 : memref<!tpu.dma_semaphore, #tpu.memory_space<semaphore_mem>>)
        %slice3A_2666 = vector.extract_strided_slice %get3A_2419 {offsets = [6], sizes = [1], strides = [1]} : vector<16xi32> to vector<1xi32>
        %squeeze3A_2667 = vector.extract %slice3A_2666[0] : i32 from vector<1xi32>
        %shift_right_logical3A_2668 = arith.constant 7 : i32
        %shift_right_logical3A_2669 = arith.shrui %squeeze3A_2667, %shift_right_logical3A_2668 : i32
        %shift_left3A_2670 = arith.constant 7 : i32
        %shift_left3A_2671 = arith.shli %shift_right_logical3A_2669, %shift_left3A_2670 : i32
        %multiple_of3A_2672 = tpu.assume_multiple %shift_left3A_2671, 128 : i32
        %slice3A_2673 = vector.extract_strided_slice %get3A_2425 {offsets = [6], sizes = [1], strides = [1]} : vector<16xi32> to vector<1xi32>
        %squeeze3A_2674 = vector.extract %slice3A_2673[0] : i32 from vector<1xi32>
        %shift_right_logical3A_2675 = arith.constant 7 : i32
        %shift_right_logical3A_2676 = arith.shrui %squeeze3A_2674, %shift_right_logical3A_2675 : i32
        %shift_left3A_2677 = arith.constant 7 : i32
        %shift_left3A_2678 = arith.shli %shift_right_logical3A_2676, %shift_left3A_2677 : i32
        %multiple_of3A_2679 = tpu.assume_multiple %shift_left3A_2678, 128 : i32
        %dma_start3A_2680 = arith.constant 6 : i32
        %dma_start3A_2681 = arith.constant 0 : i32
        %dma_start3A_2682 = arith.constant 0 : i32
        %dma_start3A_2683 = tpu.memref_slice %arg7[%dma_start3A_2680, %dma_start3A_2681, %dma_start3A_2682] : memref<32x8x128xf32, #tpu.memory_space<vmem>> -> memref<1x8x128xf32, #tpu.memory_space<vmem>>
        %dma_start3A_2684 = tpu.memref_squeeze %dma_start3A_2683 : memref<1x8x128xf32, #tpu.memory_space<vmem>> -> memref<8x128xf32, #tpu.memory_space<vmem>>
        %dma_start3A_2685 = arith.constant 0 : i32
        %dma_start3A_2686 = tpu.memref_slice %arg3[%dma_start3A_2685, %multiple_of3A_2672] : memref<8x1000000xf32, #tpu.memory_space<hbm>> -> memref<8x128xf32, #tpu.memory_space<hbm>>
        %dma_start3A_2687 = arith.constant 0 : i32
        %dma_start3A_2688 = arith.constant 0 : i32
        %dma_start3A_2689 = tpu.memref_slice %arg7[%dma_start3A_2680, %dma_start3A_2687, %dma_start3A_2688] : memref<32x8x128xf32, #tpu.memory_space<vmem>> -> memref<1x8x128xf32, #tpu.memory_space<vmem>>
        %dma_start3A_2690 = tpu.memref_squeeze %dma_start3A_2689 : memref<1x8x128xf32, #tpu.memory_space<vmem>> -> memref<8x128xf32, #tpu.memory_space<vmem>>
        %dma_start3A_2691 = arith.constant 0 : i32
        %dma_start3A_2692 = tpu.memref_slice %arg3[%dma_start3A_2691, %multiple_of3A_2672] : memref<8x1000000xf32, #tpu.memory_space<hbm>> -> memref<8x128xf32, #tpu.memory_space<hbm>>
        tpu.enqueue_dma source(%dma_start3A_2692 : memref<8x128xf32, #tpu.memory_space<hbm>>) target(%dma_start3A_2690 : memref<8x128xf32, #tpu.memory_space<vmem>>) target_semaphore(%arg10 : memref<!tpu.dma_semaphore, #tpu.memory_space<semaphore_mem>>)
        %dma_start3A_2693 = arith.constant 6 : i32
        %dma_start3A_2694 = arith.constant 0 : i32
        %dma_start3A_2695 = arith.constant 0 : i32
        %dma_start3A_2696 = tpu.memref_slice %arg8[%dma_start3A_2693, %dma_start3A_2694, %dma_start3A_2695] : memref<32x8x128xf32, #tpu.memory_space<vmem>> -> memref<1x8x128xf32, #tpu.memory_space<vmem>>
        %dma_start3A_2697 = tpu.memref_squeeze %dma_start3A_2696 : memref<1x8x128xf32, #tpu.memory_space<vmem>> -> memref<8x128xf32, #tpu.memory_space<vmem>>
        %dma_start3A_2698 = arith.constant 0 : i32
        %dma_start3A_2699 = tpu.memref_slice %arg4[%dma_start3A_2698, %multiple_of3A_2679] : memref<8x1000000xf32, #tpu.memory_space<hbm>> -> memref<8x128xf32, #tpu.memory_space<hbm>>
        %dma_start3A_2700 = arith.constant 0 : i32
        %dma_start3A_2701 = arith.constant 0 : i32
        %dma_start3A_2702 = tpu.memref_slice %arg8[%dma_start3A_2693, %dma_start3A_2700, %dma_start3A_2701] : memref<32x8x128xf32, #tpu.memory_space<vmem>> -> memref<1x8x128xf32, #tpu.memory_space<vmem>>
        %dma_start3A_2703 = tpu.memref_squeeze %dma_start3A_2702 : memref<1x8x128xf32, #tpu.memory_space<vmem>> -> memref<8x128xf32, #tpu.memory_space<vmem>>
        %dma_start3A_2704 = arith.constant 0 : i32
        %dma_start3A_2705 = tpu.memref_slice %arg4[%dma_start3A_2704, %multiple_of3A_2679] : memref<8x1000000xf32, #tpu.memory_space<hbm>> -> memref<8x128xf32, #tpu.memory_space<hbm>>
        tpu.enqueue_dma source(%dma_start3A_2705 : memref<8x128xf32, #tpu.memory_space<hbm>>) target(%dma_start3A_2703 : memref<8x128xf32, #tpu.memory_space<vmem>>) target_semaphore(%arg11 : memref<!tpu.dma_semaphore, #tpu.memory_space<semaphore_mem>>)
        %slice3A_2706 = vector.extract_strided_slice %get3A_2419 {offsets = [7], sizes = [1], strides = [1]} : vector<16xi32> to vector<1xi32>
        %squeeze3A_2707 = vector.extract %slice3A_2706[0] : i32 from vector<1xi32>
        %shift_right_logical3A_2708 = arith.constant 7 : i32
        %shift_right_logical3A_2709 = arith.shrui %squeeze3A_2707, %shift_right_logical3A_2708 : i32
        %shift_left3A_2710 = arith.constant 7 : i32
        %shift_left3A_2711 = arith.shli %shift_right_logical3A_2709, %shift_left3A_2710 : i32
        %multiple_of3A_2712 = tpu.assume_multiple %shift_left3A_2711, 128 : i32
        %slice3A_2713 = vector.extract_strided_slice %get3A_2425 {offsets = [7], sizes = [1], strides = [1]} : vector<16xi32> to vector<1xi32>
        %squeeze3A_2714 = vector.extract %slice3A_2713[0] : i32 from vector<1xi32>
        %shift_right_logical3A_2715 = arith.constant 7 : i32
        %shift_right_logical3A_2716 = arith.shrui %squeeze3A_2714, %shift_right_logical3A_2715 : i32
        %shift_left3A_2717 = arith.constant 7 : i32
        %shift_left3A_2718 = arith.shli %shift_right_logical3A_2716, %shift_left3A_2717 : i32
        %multiple_of3A_2719 = tpu.assume_multiple %shift_left3A_2718, 128 : i32
        %dma_start3A_2720 = arith.constant 7 : i32
        %dma_start3A_2721 = arith.constant 0 : i32
        %dma_start3A_2722 = arith.constant 0 : i32
        %dma_start3A_2723 = tpu.memref_slice %arg7[%dma_start3A_2720, %dma_start3A_2721, %dma_start3A_2722] : memref<32x8x128xf32, #tpu.memory_space<vmem>> -> memref<1x8x128xf32, #tpu.memory_space<vmem>>
        %dma_start3A_2724 = tpu.memref_squeeze %dma_start3A_2723 : memref<1x8x128xf32, #tpu.memory_space<vmem>> -> memref<8x128xf32, #tpu.memory_space<vmem>>
        %dma_start3A_2725 = arith.constant 0 : i32
        %dma_start3A_2726 = tpu.memref_slice %arg3[%dma_start3A_2725, %multiple_of3A_2712] : memref<8x1000000xf32, #tpu.memory_space<hbm>> -> memref<8x128xf32, #tpu.memory_space<hbm>>
        %dma_start3A_2727 = arith.constant 0 : i32
        %dma_start3A_2728 = arith.constant 0 : i32
        %dma_start3A_2729 = tpu.memref_slice %arg7[%dma_start3A_2720, %dma_start3A_2727, %dma_start3A_2728] : memref<32x8x128xf32, #tpu.memory_space<vmem>> -> memref<1x8x128xf32, #tpu.memory_space<vmem>>
        %dma_start3A_2730 = tpu.memref_squeeze %dma_start3A_2729 : memref<1x8x128xf32, #tpu.memory_space<vmem>> -> memref<8x128xf32, #tpu.memory_space<vmem>>
        %dma_start3A_2731 = arith.constant 0 : i32
        %dma_start3A_2732 = tpu.memref_slice %arg3[%dma_start3A_2731, %multiple_of3A_2712] : memref<8x1000000xf32, #tpu.memory_space<hbm>> -> memref<8x128xf32, #tpu.memory_space<hbm>>
        tpu.enqueue_dma source(%dma_start3A_2732 : memref<8x128xf32, #tpu.memory_space<hbm>>) target(%dma_start3A_2730 : memref<8x128xf32, #tpu.memory_space<vmem>>) target_semaphore(%arg10 : memref<!tpu.dma_semaphore, #tpu.memory_space<semaphore_mem>>)
        %dma_start3A_2733 = arith.constant 7 : i32
        %dma_start3A_2734 = arith.constant 0 : i32
        %dma_start3A_2735 = arith.constant 0 : i32
        %dma_start3A_2736 = tpu.memref_slice %arg8[%dma_start3A_2733, %dma_start3A_2734, %dma_start3A_2735] : memref<32x8x128xf32, #tpu.memory_space<vmem>> -> memref<1x8x128xf32, #tpu.memory_space<vmem>>
        %dma_start3A_2737 = tpu.memref_squeeze %dma_start3A_2736 : memref<1x8x128xf32, #tpu.memory_space<vmem>> -> memref<8x128xf32, #tpu.memory_space<vmem>>
        %dma_start3A_2738 = arith.constant 0 : i32
        %dma_start3A_2739 = tpu.memref_slice %arg4[%dma_start3A_2738, %multiple_of3A_2719] : memref<8x1000000xf32, #tpu.memory_space<hbm>> -> memref<8x128xf32, #tpu.memory_space<hbm>>
        %dma_start3A_2740 = arith.constant 0 : i32
        %dma_start3A_2741 = arith.constant 0 : i32
        %dma_start3A_2742 = tpu.memref_slice %arg8[%dma_start3A_2733, %dma_start3A_2740, %dma_start3A_2741] : memref<32x8x128xf32, #tpu.memory_space<vmem>> -> memref<1x8x128xf32, #tpu.memory_space<vmem>>
        %dma_start3A_2743 = tpu.memref_squeeze %dma_start3A_2742 : memref<1x8x128xf32, #tpu.memory_space<vmem>> -> memref<8x128xf32, #tpu.memory_space<vmem>>
        %dma_start3A_2744 = arith.constant 0 : i32
        %dma_start3A_2745 = tpu.memref_slice %arg4[%dma_start3A_2744, %multiple_of3A_2719] : memref<8x1000000xf32, #tpu.memory_space<hbm>> -> memref<8x128xf32, #tpu.memory_space<hbm>>
        tpu.enqueue_dma source(%dma_start3A_2745 : memref<8x128xf32, #tpu.memory_space<hbm>>) target(%dma_start3A_2743 : memref<8x128xf32, #tpu.memory_space<vmem>>) target_semaphore(%arg11 : memref<!tpu.dma_semaphore, #tpu.memory_space<semaphore_mem>>)
        %slice3A_2746 = vector.extract_strided_slice %get3A_2419 {offsets = [8], sizes = [1], strides = [1]} : vector<16xi32> to vector<1xi32>
        %squeeze3A_2747 = vector.extract %slice3A_2746[0] : i32 from vector<1xi32>
        %shift_right_logical3A_2748 = arith.constant 7 : i32
        %shift_right_logical3A_2749 = arith.shrui %squeeze3A_2747, %shift_right_logical3A_2748 : i32
        %shift_left3A_2750 = arith.constant 7 : i32
        %shift_left3A_2751 = arith.shli %shift_right_logical3A_2749, %shift_left3A_2750 : i32
        %multiple_of3A_2752 = tpu.assume_multiple %shift_left3A_2751, 128 : i32
        %slice3A_2753 = vector.extract_strided_slice %get3A_2425 {offsets = [8], sizes = [1], strides = [1]} : vector<16xi32> to vector<1xi32>
        %squeeze3A_2754 = vector.extract %slice3A_2753[0] : i32 from vector<1xi32>
        %shift_right_logical3A_2755 = arith.constant 7 : i32
        %shift_right_logical3A_2756 = arith.shrui %squeeze3A_2754, %shift_right_logical3A_2755 : i32
        %shift_left3A_2757 = arith.constant 7 : i32
        %shift_left3A_2758 = arith.shli %shift_right_logical3A_2756, %shift_left3A_2757 : i32
        %multiple_of3A_2759 = tpu.assume_multiple %shift_left3A_2758, 128 : i32
        %dma_start3A_2760 = arith.constant 8 : i32
        %dma_start3A_2761 = arith.constant 0 : i32
        %dma_start3A_2762 = arith.constant 0 : i32
        %dma_start3A_2763 = tpu.memref_slice %arg7[%dma_start3A_2760, %dma_start3A_2761, %dma_start3A_2762] : memref<32x8x128xf32, #tpu.memory_space<vmem>> -> memref<1x8x128xf32, #tpu.memory_space<vmem>>
        %dma_start3A_2764 = tpu.memref_squeeze %dma_start3A_2763 : memref<1x8x128xf32, #tpu.memory_space<vmem>> -> memref<8x128xf32, #tpu.memory_space<vmem>>
        %dma_start3A_2765 = arith.constant 0 : i32
        %dma_start3A_2766 = tpu.memref_slice %arg3[%dma_start3A_2765, %multiple_of3A_2752] : memref<8x1000000xf32, #tpu.memory_space<hbm>> -> memref<8x128xf32, #tpu.memory_space<hbm>>
        %dma_start3A_2767 = arith.constant 0 : i32
        %dma_start3A_2768 = arith.constant 0 : i32
        %dma_start3A_2769 = tpu.memref_slice %arg7[%dma_start3A_2760, %dma_start3A_2767, %dma_start3A_2768] : memref<32x8x128xf32, #tpu.memory_space<vmem>> -> memref<1x8x128xf32, #tpu.memory_space<vmem>>
        %dma_start3A_2770 = tpu.memref_squeeze %dma_start3A_2769 : memref<1x8x128xf32, #tpu.memory_space<vmem>> -> memref<8x128xf32, #tpu.memory_space<vmem>>
        %dma_start3A_2771 = arith.constant 0 : i32
        %dma_start3A_2772 = tpu.memref_slice %arg3[%dma_start3A_2771, %multiple_of3A_2752] : memref<8x1000000xf32, #tpu.memory_space<hbm>> -> memref<8x128xf32, #tpu.memory_space<hbm>>
        tpu.enqueue_dma source(%dma_start3A_2772 : memref<8x128xf32, #tpu.memory_space<hbm>>) target(%dma_start3A_2770 : memref<8x128xf32, #tpu.memory_space<vmem>>) target_semaphore(%arg10 : memref<!tpu.dma_semaphore, #tpu.memory_space<semaphore_mem>>)
        %dma_start3A_2773 = arith.constant 8 : i32
        %dma_start3A_2774 = arith.constant 0 : i32
        %dma_start3A_2775 = arith.constant 0 : i32
        %dma_start3A_2776 = tpu.memref_slice %arg8[%dma_start3A_2773, %dma_start3A_2774, %dma_start3A_2775] : memref<32x8x128xf32, #tpu.memory_space<vmem>> -> memref<1x8x128xf32, #tpu.memory_space<vmem>>
        %dma_start3A_2777 = tpu.memref_squeeze %dma_start3A_2776 : memref<1x8x128xf32, #tpu.memory_space<vmem>> -> memref<8x128xf32, #tpu.memory_space<vmem>>
        %dma_start3A_2778 = arith.constant 0 : i32
        %dma_start3A_2779 = tpu.memref_slice %arg4[%dma_start3A_2778, %multiple_of3A_2759] : memref<8x1000000xf32, #tpu.memory_space<hbm>> -> memref<8x128xf32, #tpu.memory_space<hbm>>
        %dma_start3A_2780 = arith.constant 0 : i32
        %dma_start3A_2781 = arith.constant 0 : i32
        %dma_start3A_2782 = tpu.memref_slice %arg8[%dma_start3A_2773, %dma_start3A_2780, %dma_start3A_2781] : memref<32x8x128xf32, #tpu.memory_space<vmem>> -> memref<1x8x128xf32, #tpu.memory_space<vmem>>
        %dma_start3A_2783 = tpu.memref_squeeze %dma_start3A_2782 : memref<1x8x128xf32, #tpu.memory_space<vmem>> -> memref<8x128xf32, #tpu.memory_space<vmem>>
        %dma_start3A_2784 = arith.constant 0 : i32
        %dma_start3A_2785 = tpu.memref_slice %arg4[%dma_start3A_2784, %multiple_of3A_2759] : memref<8x1000000xf32, #tpu.memory_space<hbm>> -> memref<8x128xf32, #tpu.memory_space<hbm>>
        tpu.enqueue_dma source(%dma_start3A_2785 : memref<8x128xf32, #tpu.memory_space<hbm>>) target(%dma_start3A_2783 : memref<8x128xf32, #tpu.memory_space<vmem>>) target_semaphore(%arg11 : memref<!tpu.dma_semaphore, #tpu.memory_space<semaphore_mem>>)
        %slice3A_2786 = vector.extract_strided_slice %get3A_2419 {offsets = [9], sizes = [1], strides = [1]} : vector<16xi32> to vector<1xi32>
        %squeeze3A_2787 = vector.extract %slice3A_2786[0] : i32 from vector<1xi32>
        %shift_right_logical3A_2788 = arith.constant 7 : i32
        %shift_right_logical3A_2789 = arith.shrui %squeeze3A_2787, %shift_right_logical3A_2788 : i32
        %shift_left3A_2790 = arith.constant 7 : i32
        %shift_left3A_2791 = arith.shli %shift_right_logical3A_2789, %shift_left3A_2790 : i32
        %multiple_of3A_2792 = tpu.assume_multiple %shift_left3A_2791, 128 : i32
        %slice3A_2793 = vector.extract_strided_slice %get3A_2425 {offsets = [9], sizes = [1], strides = [1]} : vector<16xi32> to vector<1xi32>
        %squeeze3A_2794 = vector.extract %slice3A_2793[0] : i32 from vector<1xi32>
        %shift_right_logical3A_2795 = arith.constant 7 : i32
        %shift_right_logical3A_2796 = arith.shrui %squeeze3A_2794, %shift_right_logical3A_2795 : i32
        %shift_left3A_2797 = arith.constant 7 : i32
        %shift_left3A_2798 = arith.shli %shift_right_logical3A_2796, %shift_left3A_2797 : i32
        %multiple_of3A_2799 = tpu.assume_multiple %shift_left3A_2798, 128 : i32
        %dma_start3A_2800 = arith.constant 9 : i32
        %dma_start3A_2801 = arith.constant 0 : i32
        %dma_start3A_2802 = arith.constant 0 : i32
        %dma_start3A_2803 = tpu.memref_slice %arg7[%dma_start3A_2800, %dma_start3A_2801, %dma_start3A_2802] : memref<32x8x128xf32, #tpu.memory_space<vmem>> -> memref<1x8x128xf32, #tpu.memory_space<vmem>>
        %dma_start3A_2804 = tpu.memref_squeeze %dma_start3A_2803 : memref<1x8x128xf32, #tpu.memory_space<vmem>> -> memref<8x128xf32, #tpu.memory_space<vmem>>
        %dma_start3A_2805 = arith.constant 0 : i32
        %dma_start3A_2806 = tpu.memref_slice %arg3[%dma_start3A_2805, %multiple_of3A_2792] : memref<8x1000000xf32, #tpu.memory_space<hbm>> -> memref<8x128xf32, #tpu.memory_space<hbm>>
        %dma_start3A_2807 = arith.constant 0 : i32
        %dma_start3A_2808 = arith.constant 0 : i32
        %dma_start3A_2809 = tpu.memref_slice %arg7[%dma_start3A_2800, %dma_start3A_2807, %dma_start3A_2808] : memref<32x8x128xf32, #tpu.memory_space<vmem>> -> memref<1x8x128xf32, #tpu.memory_space<vmem>>
        %dma_start3A_2810 = tpu.memref_squeeze %dma_start3A_2809 : memref<1x8x128xf32, #tpu.memory_space<vmem>> -> memref<8x128xf32, #tpu.memory_space<vmem>>
        %dma_start3A_2811 = arith.constant 0 : i32
        %dma_start3A_2812 = tpu.memref_slice %arg3[%dma_start3A_2811, %multiple_of3A_2792] : memref<8x1000000xf32, #tpu.memory_space<hbm>> -> memref<8x128xf32, #tpu.memory_space<hbm>>
        tpu.enqueue_dma source(%dma_start3A_2812 : memref<8x128xf32, #tpu.memory_space<hbm>>) target(%dma_start3A_2810 : memref<8x128xf32, #tpu.memory_space<vmem>>) target_semaphore(%arg10 : memref<!tpu.dma_semaphore, #tpu.memory_space<semaphore_mem>>)
        %dma_start3A_2813 = arith.constant 9 : i32
        %dma_start3A_2814 = arith.constant 0 : i32
        %dma_start3A_2815 = arith.constant 0 : i32
        %dma_start3A_2816 = tpu.memref_slice %arg8[%dma_start3A_2813, %dma_start3A_2814, %dma_start3A_2815] : memref<32x8x128xf32, #tpu.memory_space<vmem>> -> memref<1x8x128xf32, #tpu.memory_space<vmem>>
        %dma_start3A_2817 = tpu.memref_squeeze %dma_start3A_2816 : memref<1x8x128xf32, #tpu.memory_space<vmem>> -> memref<8x128xf32, #tpu.memory_space<vmem>>
        %dma_start3A_2818 = arith.constant 0 : i32
        %dma_start3A_2819 = tpu.memref_slice %arg4[%dma_start3A_2818, %multiple_of3A_2799] : memref<8x1000000xf32, #tpu.memory_space<hbm>> -> memref<8x128xf32, #tpu.memory_space<hbm>>
        %dma_start3A_2820 = arith.constant 0 : i32
        %dma_start3A_2821 = arith.constant 0 : i32
        %dma_start3A_2822 = tpu.memref_slice %arg8[%dma_start3A_2813, %dma_start3A_2820, %dma_start3A_2821] : memref<32x8x128xf32, #tpu.memory_space<vmem>> -> memref<1x8x128xf32, #tpu.memory_space<vmem>>
        %dma_start3A_2823 = tpu.memref_squeeze %dma_start3A_2822 : memref<1x8x128xf32, #tpu.memory_space<vmem>> -> memref<8x128xf32, #tpu.memory_space<vmem>>
        %dma_start3A_2824 = arith.constant 0 : i32
        %dma_start3A_2825 = tpu.memref_slice %arg4[%dma_start3A_2824, %multiple_of3A_2799] : memref<8x1000000xf32, #tpu.memory_space<hbm>> -> memref<8x128xf32, #tpu.memory_space<hbm>>
        tpu.enqueue_dma source(%dma_start3A_2825 : memref<8x128xf32, #tpu.memory_space<hbm>>) target(%dma_start3A_2823 : memref<8x128xf32, #tpu.memory_space<vmem>>) target_semaphore(%arg11 : memref<!tpu.dma_semaphore, #tpu.memory_space<semaphore_mem>>)
        %slice3A_2826 = vector.extract_strided_slice %get3A_2419 {offsets = [10], sizes = [1], strides = [1]} : vector<16xi32> to vector<1xi32>
        %squeeze3A_2827 = vector.extract %slice3A_2826[0] : i32 from vector<1xi32>
        %shift_right_logical3A_2828 = arith.constant 7 : i32
        %shift_right_logical3A_2829 = arith.shrui %squeeze3A_2827, %shift_right_logical3A_2828 : i32
        %shift_left3A_2830 = arith.constant 7 : i32
        %shift_left3A_2831 = arith.shli %shift_right_logical3A_2829, %shift_left3A_2830 : i32
        %multiple_of3A_2832 = tpu.assume_multiple %shift_left3A_2831, 128 : i32
        %slice3A_2833 = vector.extract_strided_slice %get3A_2425 {offsets = [10], sizes = [1], strides = [1]} : vector<16xi32> to vector<1xi32>
        %squeeze3A_2834 = vector.extract %slice3A_2833[0] : i32 from vector<1xi32>
        %shift_right_logical3A_2835 = arith.constant 7 : i32
        %shift_right_logical3A_2836 = arith.shrui %squeeze3A_2834, %shift_right_logical3A_2835 : i32
        %shift_left3A_2837 = arith.constant 7 : i32
        %shift_left3A_2838 = arith.shli %shift_right_logical3A_2836, %shift_left3A_2837 : i32
        %multiple_of3A_2839 = tpu.assume_multiple %shift_left3A_2838, 128 : i32
        %dma_start3A_2840 = arith.constant 10 : i32
        %dma_start3A_2841 = arith.constant 0 : i32
        %dma_start3A_2842 = arith.constant 0 : i32
        %dma_start3A_2843 = tpu.memref_slice %arg7[%dma_start3A_2840, %dma_start3A_2841, %dma_start3A_2842] : memref<32x8x128xf32, #tpu.memory_space<vmem>> -> memref<1x8x128xf32, #tpu.memory_space<vmem>>
        %dma_start3A_2844 = tpu.memref_squeeze %dma_start3A_2843 : memref<1x8x128xf32, #tpu.memory_space<vmem>> -> memref<8x128xf32, #tpu.memory_space<vmem>>
        %dma_start3A_2845 = arith.constant 0 : i32
        %dma_start3A_2846 = tpu.memref_slice %arg3[%dma_start3A_2845, %multiple_of3A_2832] : memref<8x1000000xf32, #tpu.memory_space<hbm>> -> memref<8x128xf32, #tpu.memory_space<hbm>>
        %dma_start3A_2847 = arith.constant 0 : i32
        %dma_start3A_2848 = arith.constant 0 : i32
        %dma_start3A_2849 = tpu.memref_slice %arg7[%dma_start3A_2840, %dma_start3A_2847, %dma_start3A_2848] : memref<32x8x128xf32, #tpu.memory_space<vmem>> -> memref<1x8x128xf32, #tpu.memory_space<vmem>>
        %dma_start3A_2850 = tpu.memref_squeeze %dma_start3A_2849 : memref<1x8x128xf32, #tpu.memory_space<vmem>> -> memref<8x128xf32, #tpu.memory_space<vmem>>
        %dma_start3A_2851 = arith.constant 0 : i32
        %dma_start3A_2852 = tpu.memref_slice %arg3[%dma_start3A_2851, %multiple_of3A_2832] : memref<8x1000000xf32, #tpu.memory_space<hbm>> -> memref<8x128xf32, #tpu.memory_space<hbm>>
        tpu.enqueue_dma source(%dma_start3A_2852 : memref<8x128xf32, #tpu.memory_space<hbm>>) target(%dma_start3A_2850 : memref<8x128xf32, #tpu.memory_space<vmem>>) target_semaphore(%arg10 : memref<!tpu.dma_semaphore, #tpu.memory_space<semaphore_mem>>)
        %dma_start3A_2853 = arith.constant 10 : i32
        %dma_start3A_2854 = arith.constant 0 : i32
        %dma_start3A_2855 = arith.constant 0 : i32
        %dma_start3A_2856 = tpu.memref_slice %arg8[%dma_start3A_2853, %dma_start3A_2854, %dma_start3A_2855] : memref<32x8x128xf32, #tpu.memory_space<vmem>> -> memref<1x8x128xf32, #tpu.memory_space<vmem>>
        %dma_start3A_2857 = tpu.memref_squeeze %dma_start3A_2856 : memref<1x8x128xf32, #tpu.memory_space<vmem>> -> memref<8x128xf32, #tpu.memory_space<vmem>>
        %dma_start3A_2858 = arith.constant 0 : i32
        %dma_start3A_2859 = tpu.memref_slice %arg4[%dma_start3A_2858, %multiple_of3A_2839] : memref<8x1000000xf32, #tpu.memory_space<hbm>> -> memref<8x128xf32, #tpu.memory_space<hbm>>
        %dma_start3A_2860 = arith.constant 0 : i32
        %dma_start3A_2861 = arith.constant 0 : i32
        %dma_start3A_2862 = tpu.memref_slice %arg8[%dma_start3A_2853, %dma_start3A_2860, %dma_start3A_2861] : memref<32x8x128xf32, #tpu.memory_space<vmem>> -> memref<1x8x128xf32, #tpu.memory_space<vmem>>
        %dma_start3A_2863 = tpu.memref_squeeze %dma_start3A_2862 : memref<1x8x128xf32, #tpu.memory_space<vmem>> -> memref<8x128xf32, #tpu.memory_space<vmem>>
        %dma_start3A_2864 = arith.constant 0 : i32
        %dma_start3A_2865 = tpu.memref_slice %arg4[%dma_start3A_2864, %multiple_of3A_2839] : memref<8x1000000xf32, #tpu.memory_space<hbm>> -> memref<8x128xf32, #tpu.memory_space<hbm>>
        tpu.enqueue_dma source(%dma_start3A_2865 : memref<8x128xf32, #tpu.memory_space<hbm>>) target(%dma_start3A_2863 : memref<8x128xf32, #tpu.memory_space<vmem>>) target_semaphore(%arg11 : memref<!tpu.dma_semaphore, #tpu.memory_space<semaphore_mem>>)
        %slice3A_2866 = vector.extract_strided_slice %get3A_2419 {offsets = [11], sizes = [1], strides = [1]} : vector<16xi32> to vector<1xi32>
        %squeeze3A_2867 = vector.extract %slice3A_2866[0] : i32 from vector<1xi32>
        %shift_right_logical3A_2868 = arith.constant 7 : i32
        %shift_right_logical3A_2869 = arith.shrui %squeeze3A_2867, %shift_right_logical3A_2868 : i32
        %shift_left3A_2870 = arith.constant 7 : i32
        %shift_left3A_2871 = arith.shli %shift_right_logical3A_2869, %shift_left3A_2870 : i32
        %multiple_of3A_2872 = tpu.assume_multiple %shift_left3A_2871, 128 : i32
        %slice3A_2873 = vector.extract_strided_slice %get3A_2425 {offsets = [11], sizes = [1], strides = [1]} : vector<16xi32> to vector<1xi32>
        %squeeze3A_2874 = vector.extract %slice3A_2873[0] : i32 from vector<1xi32>
        %shift_right_logical3A_2875 = arith.constant 7 : i32
        %shift_right_logical3A_2876 = arith.shrui %squeeze3A_2874, %shift_right_logical3A_2875 : i32
        %shift_left3A_2877 = arith.constant 7 : i32
        %shift_left3A_2878 = arith.shli %shift_right_logical3A_2876, %shift_left3A_2877 : i32
        %multiple_of3A_2879 = tpu.assume_multiple %shift_left3A_2878, 128 : i32
        %dma_start3A_2880 = arith.constant 11 : i32
        %dma_start3A_2881 = arith.constant 0 : i32
        %dma_start3A_2882 = arith.constant 0 : i32
        %dma_start3A_2883 = tpu.memref_slice %arg7[%dma_start3A_2880, %dma_start3A_2881, %dma_start3A_2882] : memref<32x8x128xf32, #tpu.memory_space<vmem>> -> memref<1x8x128xf32, #tpu.memory_space<vmem>>
        %dma_start3A_2884 = tpu.memref_squeeze %dma_start3A_2883 : memref<1x8x128xf32, #tpu.memory_space<vmem>> -> memref<8x128xf32, #tpu.memory_space<vmem>>
        %dma_start3A_2885 = arith.constant 0 : i32
        %dma_start3A_2886 = tpu.memref_slice %arg3[%dma_start3A_2885, %multiple_of3A_2872] : memref<8x1000000xf32, #tpu.memory_space<hbm>> -> memref<8x128xf32, #tpu.memory_space<hbm>>
        %dma_start3A_2887 = arith.constant 0 : i32
        %dma_start3A_2888 = arith.constant 0 : i32
        %dma_start3A_2889 = tpu.memref_slice %arg7[%dma_start3A_2880, %dma_start3A_2887, %dma_start3A_2888] : memref<32x8x128xf32, #tpu.memory_space<vmem>> -> memref<1x8x128xf32, #tpu.memory_space<vmem>>
        %dma_start3A_2890 = tpu.memref_squeeze %dma_start3A_2889 : memref<1x8x128xf32, #tpu.memory_space<vmem>> -> memref<8x128xf32, #tpu.memory_space<vmem>>
        %dma_start3A_2891 = arith.constant 0 : i32
        %dma_start3A_2892 = tpu.memref_slice %arg3[%dma_start3A_2891, %multiple_of3A_2872] : memref<8x1000000xf32, #tpu.memory_space<hbm>> -> memref<8x128xf32, #tpu.memory_space<hbm>>
        tpu.enqueue_dma source(%dma_start3A_2892 : memref<8x128xf32, #tpu.memory_space<hbm>>) target(%dma_start3A_2890 : memref<8x128xf32, #tpu.memory_space<vmem>>) target_semaphore(%arg10 : memref<!tpu.dma_semaphore, #tpu.memory_space<semaphore_mem>>)
        %dma_start3A_2893 = arith.constant 11 : i32
        %dma_start3A_2894 = arith.constant 0 : i32
        %dma_start3A_2895 = arith.constant 0 : i32
        %dma_start3A_2896 = tpu.memref_slice %arg8[%dma_start3A_2893, %dma_start3A_2894, %dma_start3A_2895] : memref<32x8x128xf32, #tpu.memory_space<vmem>> -> memref<1x8x128xf32, #tpu.memory_space<vmem>>
        %dma_start3A_2897 = tpu.memref_squeeze %dma_start3A_2896 : memref<1x8x128xf32, #tpu.memory_space<vmem>> -> memref<8x128xf32, #tpu.memory_space<vmem>>
        %dma_start3A_2898 = arith.constant 0 : i32
        %dma_start3A_2899 = tpu.memref_slice %arg4[%dma_start3A_2898, %multiple_of3A_2879] : memref<8x1000000xf32, #tpu.memory_space<hbm>> -> memref<8x128xf32, #tpu.memory_space<hbm>>
        %dma_start3A_2900 = arith.constant 0 : i32
        %dma_start3A_2901 = arith.constant 0 : i32
        %dma_start3A_2902 = tpu.memref_slice %arg8[%dma_start3A_2893, %dma_start3A_2900, %dma_start3A_2901] : memref<32x8x128xf32, #tpu.memory_space<vmem>> -> memref<1x8x128xf32, #tpu.memory_space<vmem>>
        %dma_start3A_2903 = tpu.memref_squeeze %dma_start3A_2902 : memref<1x8x128xf32, #tpu.memory_space<vmem>> -> memref<8x128xf32, #tpu.memory_space<vmem>>
        %dma_start3A_2904 = arith.constant 0 : i32
        %dma_start3A_2905 = tpu.memref_slice %arg4[%dma_start3A_2904, %multiple_of3A_2879] : memref<8x1000000xf32, #tpu.memory_space<hbm>> -> memref<8x128xf32, #tpu.memory_space<hbm>>
        tpu.enqueue_dma source(%dma_start3A_2905 : memref<8x128xf32, #tpu.memory_space<hbm>>) target(%dma_start3A_2903 : memref<8x128xf32, #tpu.memory_space<vmem>>) target_semaphore(%arg11 : memref<!tpu.dma_semaphore, #tpu.memory_space<semaphore_mem>>)
        %slice3A_2906 = vector.extract_strided_slice %get3A_2419 {offsets = [12], sizes = [1], strides = [1]} : vector<16xi32> to vector<1xi32>
        %squeeze3A_2907 = vector.extract %slice3A_2906[0] : i32 from vector<1xi32>
        %shift_right_logical3A_2908 = arith.constant 7 : i32
        %shift_right_logical3A_2909 = arith.shrui %squeeze3A_2907, %shift_right_logical3A_2908 : i32
        %shift_left3A_2910 = arith.constant 7 : i32
        %shift_left3A_2911 = arith.shli %shift_right_logical3A_2909, %shift_left3A_2910 : i32
        %multiple_of3A_2912 = tpu.assume_multiple %shift_left3A_2911, 128 : i32
        %slice3A_2913 = vector.extract_strided_slice %get3A_2425 {offsets = [12], sizes = [1], strides = [1]} : vector<16xi32> to vector<1xi32>
        %squeeze3A_2914 = vector.extract %slice3A_2913[0] : i32 from vector<1xi32>
        %shift_right_logical3A_2915 = arith.constant 7 : i32
        %shift_right_logical3A_2916 = arith.shrui %squeeze3A_2914, %shift_right_logical3A_2915 : i32
        %shift_left3A_2917 = arith.constant 7 : i32
        %shift_left3A_2918 = arith.shli %shift_right_logical3A_2916, %shift_left3A_2917 : i32
        %multiple_of3A_2919 = tpu.assume_multiple %shift_left3A_2918, 128 : i32
        %dma_start3A_2920 = arith.constant 12 : i32
        %dma_start3A_2921 = arith.constant 0 : i32
        %dma_start3A_2922 = arith.constant 0 : i32
        %dma_start3A_2923 = tpu.memref_slice %arg7[%dma_start3A_2920, %dma_start3A_2921, %dma_start3A_2922] : memref<32x8x128xf32, #tpu.memory_space<vmem>> -> memref<1x8x128xf32, #tpu.memory_space<vmem>>
        %dma_start3A_2924 = tpu.memref_squeeze %dma_start3A_2923 : memref<1x8x128xf32, #tpu.memory_space<vmem>> -> memref<8x128xf32, #tpu.memory_space<vmem>>
        %dma_start3A_2925 = arith.constant 0 : i32
        %dma_start3A_2926 = tpu.memref_slice %arg3[%dma_start3A_2925, %multiple_of3A_2912] : memref<8x1000000xf32, #tpu.memory_space<hbm>> -> memref<8x128xf32, #tpu.memory_space<hbm>>
        %dma_start3A_2927 = arith.constant 0 : i32
        %dma_start3A_2928 = arith.constant 0 : i32
        %dma_start3A_2929 = tpu.memref_slice %arg7[%dma_start3A_2920, %dma_start3A_2927, %dma_start3A_2928] : memref<32x8x128xf32, #tpu.memory_space<vmem>> -> memref<1x8x128xf32, #tpu.memory_space<vmem>>
        %dma_start3A_2930 = tpu.memref_squeeze %dma_start3A_2929 : memref<1x8x128xf32, #tpu.memory_space<vmem>> -> memref<8x128xf32, #tpu.memory_space<vmem>>
        %dma_start3A_2931 = arith.constant 0 : i32
        %dma_start3A_2932 = tpu.memref_slice %arg3[%dma_start3A_2931, %multiple_of3A_2912] : memref<8x1000000xf32, #tpu.memory_space<hbm>> -> memref<8x128xf32, #tpu.memory_space<hbm>>
        tpu.enqueue_dma source(%dma_start3A_2932 : memref<8x128xf32, #tpu.memory_space<hbm>>) target(%dma_start3A_2930 : memref<8x128xf32, #tpu.memory_space<vmem>>) target_semaphore(%arg10 : memref<!tpu.dma_semaphore, #tpu.memory_space<semaphore_mem>>)
        %dma_start3A_2933 = arith.constant 12 : i32
        %dma_start3A_2934 = arith.constant 0 : i32
        %dma_start3A_2935 = arith.constant 0 : i32
        %dma_start3A_2936 = tpu.memref_slice %arg8[%dma_start3A_2933, %dma_start3A_2934, %dma_start3A_2935] : memref<32x8x128xf32, #tpu.memory_space<vmem>> -> memref<1x8x128xf32, #tpu.memory_space<vmem>>
        %dma_start3A_2937 = tpu.memref_squeeze %dma_start3A_2936 : memref<1x8x128xf32, #tpu.memory_space<vmem>> -> memref<8x128xf32, #tpu.memory_space<vmem>>
        %dma_start3A_2938 = arith.constant 0 : i32
        %dma_start3A_2939 = tpu.memref_slice %arg4[%dma_start3A_2938, %multiple_of3A_2919] : memref<8x1000000xf32, #tpu.memory_space<hbm>> -> memref<8x128xf32, #tpu.memory_space<hbm>>
        %dma_start3A_2940 = arith.constant 0 : i32
        %dma_start3A_2941 = arith.constant 0 : i32
        %dma_start3A_2942 = tpu.memref_slice %arg8[%dma_start3A_2933, %dma_start3A_2940, %dma_start3A_2941] : memref<32x8x128xf32, #tpu.memory_space<vmem>> -> memref<1x8x128xf32, #tpu.memory_space<vmem>>
        %dma_start3A_2943 = tpu.memref_squeeze %dma_start3A_2942 : memref<1x8x128xf32, #tpu.memory_space<vmem>> -> memref<8x128xf32, #tpu.memory_space<vmem>>
        %dma_start3A_2944 = arith.constant 0 : i32
        %dma_start3A_2945 = tpu.memref_slice %arg4[%dma_start3A_2944, %multiple_of3A_2919] : memref<8x1000000xf32, #tpu.memory_space<hbm>> -> memref<8x128xf32, #tpu.memory_space<hbm>>
        tpu.enqueue_dma source(%dma_start3A_2945 : memref<8x128xf32, #tpu.memory_space<hbm>>) target(%dma_start3A_2943 : memref<8x128xf32, #tpu.memory_space<vmem>>) target_semaphore(%arg11 : memref<!tpu.dma_semaphore, #tpu.memory_space<semaphore_mem>>)
        %slice3A_2946 = vector.extract_strided_slice %get3A_2419 {offsets = [13], sizes = [1], strides = [1]} : vector<16xi32> to vector<1xi32>
        %squeeze3A_2947 = vector.extract %slice3A_2946[0] : i32 from vector<1xi32>
        %shift_right_logical3A_2948 = arith.constant 7 : i32
        %shift_right_logical3A_2949 = arith.shrui %squeeze3A_2947, %shift_right_logical3A_2948 : i32
        %shift_left3A_2950 = arith.constant 7 : i32
        %shift_left3A_2951 = arith.shli %shift_right_logical3A_2949, %shift_left3A_2950 : i32
        %multiple_of3A_2952 = tpu.assume_multiple %shift_left3A_2951, 128 : i32
        %slice3A_2953 = vector.extract_strided_slice %get3A_2425 {offsets = [13], sizes = [1], strides = [1]} : vector<16xi32> to vector<1xi32>
        %squeeze3A_2954 = vector.extract %slice3A_2953[0] : i32 from vector<1xi32>
        %shift_right_logical3A_2955 = arith.constant 7 : i32
        %shift_right_logical3A_2956 = arith.shrui %squeeze3A_2954, %shift_right_logical3A_2955 : i32
        %shift_left3A_2957 = arith.constant 7 : i32
        %shift_left3A_2958 = arith.shli %shift_right_logical3A_2956, %shift_left3A_2957 : i32
        %multiple_of3A_2959 = tpu.assume_multiple %shift_left3A_2958, 128 : i32
        %dma_start3A_2960 = arith.constant 13 : i32
        %dma_start3A_2961 = arith.constant 0 : i32
        %dma_start3A_2962 = arith.constant 0 : i32
        %dma_start3A_2963 = tpu.memref_slice %arg7[%dma_start3A_2960, %dma_start3A_2961, %dma_start3A_2962] : memref<32x8x128xf32, #tpu.memory_space<vmem>> -> memref<1x8x128xf32, #tpu.memory_space<vmem>>
        %dma_start3A_2964 = tpu.memref_squeeze %dma_start3A_2963 : memref<1x8x128xf32, #tpu.memory_space<vmem>> -> memref<8x128xf32, #tpu.memory_space<vmem>>
        %dma_start3A_2965 = arith.constant 0 : i32
        %dma_start3A_2966 = tpu.memref_slice %arg3[%dma_start3A_2965, %multiple_of3A_2952] : memref<8x1000000xf32, #tpu.memory_space<hbm>> -> memref<8x128xf32, #tpu.memory_space<hbm>>
        %dma_start3A_2967 = arith.constant 0 : i32
        %dma_start3A_2968 = arith.constant 0 : i32
        %dma_start3A_2969 = tpu.memref_slice %arg7[%dma_start3A_2960, %dma_start3A_2967, %dma_start3A_2968] : memref<32x8x128xf32, #tpu.memory_space<vmem>> -> memref<1x8x128xf32, #tpu.memory_space<vmem>>
        %dma_start3A_2970 = tpu.memref_squeeze %dma_start3A_2969 : memref<1x8x128xf32, #tpu.memory_space<vmem>> -> memref<8x128xf32, #tpu.memory_space<vmem>>
        %dma_start3A_2971 = arith.constant 0 : i32
        %dma_start3A_2972 = tpu.memref_slice %arg3[%dma_start3A_2971, %multiple_of3A_2952] : memref<8x1000000xf32, #tpu.memory_space<hbm>> -> memref<8x128xf32, #tpu.memory_space<hbm>>
        tpu.enqueue_dma source(%dma_start3A_2972 : memref<8x128xf32, #tpu.memory_space<hbm>>) target(%dma_start3A_2970 : memref<8x128xf32, #tpu.memory_space<vmem>>) target_semaphore(%arg10 : memref<!tpu.dma_semaphore, #tpu.memory_space<semaphore_mem>>)
        %dma_start3A_2973 = arith.constant 13 : i32
        %dma_start3A_2974 = arith.constant 0 : i32
        %dma_start3A_2975 = arith.constant 0 : i32
        %dma_start3A_2976 = tpu.memref_slice %arg8[%dma_start3A_2973, %dma_start3A_2974, %dma_start3A_2975] : memref<32x8x128xf32, #tpu.memory_space<vmem>> -> memref<1x8x128xf32, #tpu.memory_space<vmem>>
        %dma_start3A_2977 = tpu.memref_squeeze %dma_start3A_2976 : memref<1x8x128xf32, #tpu.memory_space<vmem>> -> memref<8x128xf32, #tpu.memory_space<vmem>>
        %dma_start3A_2978 = arith.constant 0 : i32
        %dma_start3A_2979 = tpu.memref_slice %arg4[%dma_start3A_2978, %multiple_of3A_2959] : memref<8x1000000xf32, #tpu.memory_space<hbm>> -> memref<8x128xf32, #tpu.memory_space<hbm>>
        %dma_start3A_2980 = arith.constant 0 : i32
        %dma_start3A_2981 = arith.constant 0 : i32
        %dma_start3A_2982 = tpu.memref_slice %arg8[%dma_start3A_2973, %dma_start3A_2980, %dma_start3A_2981] : memref<32x8x128xf32, #tpu.memory_space<vmem>> -> memref<1x8x128xf32, #tpu.memory_space<vmem>>
        %dma_start3A_2983 = tpu.memref_squeeze %dma_start3A_2982 : memref<1x8x128xf32, #tpu.memory_space<vmem>> -> memref<8x128xf32, #tpu.memory_space<vmem>>
        %dma_start3A_2984 = arith.constant 0 : i32
        %dma_start3A_2985 = tpu.memref_slice %arg4[%dma_start3A_2984, %multiple_of3A_2959] : memref<8x1000000xf32, #tpu.memory_space<hbm>> -> memref<8x128xf32, #tpu.memory_space<hbm>>
        tpu.enqueue_dma source(%dma_start3A_2985 : memref<8x128xf32, #tpu.memory_space<hbm>>) target(%dma_start3A_2983 : memref<8x128xf32, #tpu.memory_space<vmem>>) target_semaphore(%arg11 : memref<!tpu.dma_semaphore, #tpu.memory_space<semaphore_mem>>)
        %slice3A_2986 = vector.extract_strided_slice %get3A_2419 {offsets = [14], sizes = [1], strides = [1]} : vector<16xi32> to vector<1xi32>
        %squeeze3A_2987 = vector.extract %slice3A_2986[0] : i32 from vector<1xi32>
        %shift_right_logical3A_2988 = arith.constant 7 : i32
        %shift_right_logical3A_2989 = arith.shrui %squeeze3A_2987, %shift_right_logical3A_2988 : i32
        %shift_left3A_2990 = arith.constant 7 : i32
        %shift_left3A_2991 = arith.shli %shift_right_logical3A_2989, %shift_left3A_2990 : i32
        %multiple_of3A_2992 = tpu.assume_multiple %shift_left3A_2991, 128 : i32
        %slice3A_2993 = vector.extract_strided_slice %get3A_2425 {offsets = [14], sizes = [1], strides = [1]} : vector<16xi32> to vector<1xi32>
        %squeeze3A_2994 = vector.extract %slice3A_2993[0] : i32 from vector<1xi32>
        %shift_right_logical3A_2995 = arith.constant 7 : i32
        %shift_right_logical3A_2996 = arith.shrui %squeeze3A_2994, %shift_right_logical3A_2995 : i32
        %shift_left3A_2997 = arith.constant 7 : i32
        %shift_left3A_2998 = arith.shli %shift_right_logical3A_2996, %shift_left3A_2997 : i32
        %multiple_of3A_2999 = tpu.assume_multiple %shift_left3A_2998, 128 : i32
        %dma_start3A_3000 = arith.constant 14 : i32
        %dma_start3A_3001 = arith.constant 0 : i32
        %dma_start3A_3002 = arith.constant 0 : i32
        %dma_start3A_3003 = tpu.memref_slice %arg7[%dma_start3A_3000, %dma_start3A_3001, %dma_start3A_3002] : memref<32x8x128xf32, #tpu.memory_space<vmem>> -> memref<1x8x128xf32, #tpu.memory_space<vmem>>
        %dma_start3A_3004 = tpu.memref_squeeze %dma_start3A_3003 : memref<1x8x128xf32, #tpu.memory_space<vmem>> -> memref<8x128xf32, #tpu.memory_space<vmem>>
        %dma_start3A_3005 = arith.constant 0 : i32
        %dma_start3A_3006 = tpu.memref_slice %arg3[%dma_start3A_3005, %multiple_of3A_2992] : memref<8x1000000xf32, #tpu.memory_space<hbm>> -> memref<8x128xf32, #tpu.memory_space<hbm>>
        %dma_start3A_3007 = arith.constant 0 : i32
        %dma_start3A_3008 = arith.constant 0 : i32
        %dma_start3A_3009 = tpu.memref_slice %arg7[%dma_start3A_3000, %dma_start3A_3007, %dma_start3A_3008] : memref<32x8x128xf32, #tpu.memory_space<vmem>> -> memref<1x8x128xf32, #tpu.memory_space<vmem>>
        %dma_start3A_3010 = tpu.memref_squeeze %dma_start3A_3009 : memref<1x8x128xf32, #tpu.memory_space<vmem>> -> memref<8x128xf32, #tpu.memory_space<vmem>>
        %dma_start3A_3011 = arith.constant 0 : i32
        %dma_start3A_3012 = tpu.memref_slice %arg3[%dma_start3A_3011, %multiple_of3A_2992] : memref<8x1000000xf32, #tpu.memory_space<hbm>> -> memref<8x128xf32, #tpu.memory_space<hbm>>
        tpu.enqueue_dma source(%dma_start3A_3012 : memref<8x128xf32, #tpu.memory_space<hbm>>) target(%dma_start3A_3010 : memref<8x128xf32, #tpu.memory_space<vmem>>) target_semaphore(%arg10 : memref<!tpu.dma_semaphore, #tpu.memory_space<semaphore_mem>>)
        %dma_start3A_3013 = arith.constant 14 : i32
        %dma_start3A_3014 = arith.constant 0 : i32
        %dma_start3A_3015 = arith.constant 0 : i32
        %dma_start3A_3016 = tpu.memref_slice %arg8[%dma_start3A_3013, %dma_start3A_3014, %dma_start3A_3015] : memref<32x8x128xf32, #tpu.memory_space<vmem>> -> memref<1x8x128xf32, #tpu.memory_space<vmem>>
        %dma_start3A_3017 = tpu.memref_squeeze %dma_start3A_3016 : memref<1x8x128xf32, #tpu.memory_space<vmem>> -> memref<8x128xf32, #tpu.memory_space<vmem>>
        %dma_start3A_3018 = arith.constant 0 : i32
        %dma_start3A_3019 = tpu.memref_slice %arg4[%dma_start3A_3018, %multiple_of3A_2999] : memref<8x1000000xf32, #tpu.memory_space<hbm>> -> memref<8x128xf32, #tpu.memory_space<hbm>>
        %dma_start3A_3020 = arith.constant 0 : i32
        %dma_start3A_3021 = arith.constant 0 : i32
        %dma_start3A_3022 = tpu.memref_slice %arg8[%dma_start3A_3013, %dma_start3A_3020, %dma_start3A_3021] : memref<32x8x128xf32, #tpu.memory_space<vmem>> -> memref<1x8x128xf32, #tpu.memory_space<vmem>>
        %dma_start3A_3023 = tpu.memref_squeeze %dma_start3A_3022 : memref<1x8x128xf32, #tpu.memory_space<vmem>> -> memref<8x128xf32, #tpu.memory_space<vmem>>
        %dma_start3A_3024 = arith.constant 0 : i32
        %dma_start3A_3025 = tpu.memref_slice %arg4[%dma_start3A_3024, %multiple_of3A_2999] : memref<8x1000000xf32, #tpu.memory_space<hbm>> -> memref<8x128xf32, #tpu.memory_space<hbm>>
        tpu.enqueue_dma source(%dma_start3A_3025 : memref<8x128xf32, #tpu.memory_space<hbm>>) target(%dma_start3A_3023 : memref<8x128xf32, #tpu.memory_space<vmem>>) target_semaphore(%arg11 : memref<!tpu.dma_semaphore, #tpu.memory_space<semaphore_mem>>)
        %slice3A_3026 = vector.extract_strided_slice %get3A_2419 {offsets = [15], sizes = [1], strides = [1]} : vector<16xi32> to vector<1xi32>
        %squeeze3A_3027 = vector.extract %slice3A_3026[0] : i32 from vector<1xi32>
        %shift_right_logical3A_3028 = arith.constant 7 : i32
        %shift_right_logical3A_3029 = arith.shrui %squeeze3A_3027, %shift_right_logical3A_3028 : i32
        %shift_left3A_3030 = arith.constant 7 : i32
        %shift_left3A_3031 = arith.shli %shift_right_logical3A_3029, %shift_left3A_3030 : i32
        %multiple_of3A_3032 = tpu.assume_multiple %shift_left3A_3031, 128 : i32
        %slice3A_3033 = vector.extract_strided_slice %get3A_2425 {offsets = [15], sizes = [1], strides = [1]} : vector<16xi32> to vector<1xi32>
        %squeeze3A_3034 = vector.extract %slice3A_3033[0] : i32 from vector<1xi32>
        %shift_right_logical3A_3035 = arith.constant 7 : i32
        %shift_right_logical3A_3036 = arith.shrui %squeeze3A_3034, %shift_right_logical3A_3035 : i32
        %shift_left3A_3037 = arith.constant 7 : i32
        %shift_left3A_3038 = arith.shli %shift_right_logical3A_3036, %shift_left3A_3037 : i32
        %multiple_of3A_3039 = tpu.assume_multiple %shift_left3A_3038, 128 : i32
        %dma_start3A_3040 = arith.constant 15 : i32
        %dma_start3A_3041 = arith.constant 0 : i32
        %dma_start3A_3042 = arith.constant 0 : i32
        %dma_start3A_3043 = tpu.memref_slice %arg7[%dma_start3A_3040, %dma_start3A_3041, %dma_start3A_3042] : memref<32x8x128xf32, #tpu.memory_space<vmem>> -> memref<1x8x128xf32, #tpu.memory_space<vmem>>
        %dma_start3A_3044 = tpu.memref_squeeze %dma_start3A_3043 : memref<1x8x128xf32, #tpu.memory_space<vmem>> -> memref<8x128xf32, #tpu.memory_space<vmem>>
        %dma_start3A_3045 = arith.constant 0 : i32
        %dma_start3A_3046 = tpu.memref_slice %arg3[%dma_start3A_3045, %multiple_of3A_3032] : memref<8x1000000xf32, #tpu.memory_space<hbm>> -> memref<8x128xf32, #tpu.memory_space<hbm>>
        %dma_start3A_3047 = arith.constant 0 : i32
        %dma_start3A_3048 = arith.constant 0 : i32
        %dma_start3A_3049 = tpu.memref_slice %arg7[%dma_start3A_3040, %dma_start3A_3047, %dma_start3A_3048] : memref<32x8x128xf32, #tpu.memory_space<vmem>> -> memref<1x8x128xf32, #tpu.memory_space<vmem>>
        %dma_start3A_3050 = tpu.memref_squeeze %dma_start3A_3049 : memref<1x8x128xf32, #tpu.memory_space<vmem>> -> memref<8x128xf32, #tpu.memory_space<vmem>>
        %dma_start3A_3051 = arith.constant 0 : i32
        %dma_start3A_3052 = tpu.memref_slice %arg3[%dma_start3A_3051, %multiple_of3A_3032] : memref<8x1000000xf32, #tpu.memory_space<hbm>> -> memref<8x128xf32, #tpu.memory_space<hbm>>
        tpu.enqueue_dma source(%dma_start3A_3052 : memref<8x128xf32, #tpu.memory_space<hbm>>) target(%dma_start3A_3050 : memref<8x128xf32, #tpu.memory_space<vmem>>) target_semaphore(%arg10 : memref<!tpu.dma_semaphore, #tpu.memory_space<semaphore_mem>>)
        %dma_start3A_3053 = arith.constant 15 : i32
        %dma_start3A_3054 = arith.constant 0 : i32
        %dma_start3A_3055 = arith.constant 0 : i32
        %dma_start3A_3056 = tpu.memref_slice %arg8[%dma_start3A_3053, %dma_start3A_3054, %dma_start3A_3055] : memref<32x8x128xf32, #tpu.memory_space<vmem>> -> memref<1x8x128xf32, #tpu.memory_space<vmem>>
        %dma_start3A_3057 = tpu.memref_squeeze %dma_start3A_3056 : memref<1x8x128xf32, #tpu.memory_space<vmem>> -> memref<8x128xf32, #tpu.memory_space<vmem>>
        %dma_start3A_3058 = arith.constant 0 : i32
        %dma_start3A_3059 = tpu.memref_slice %arg4[%dma_start3A_3058, %multiple_of3A_3039] : memref<8x1000000xf32, #tpu.memory_space<hbm>> -> memref<8x128xf32, #tpu.memory_space<hbm>>
        %dma_start3A_3060 = arith.constant 0 : i32
        %dma_start3A_3061 = arith.constant 0 : i32
        %dma_start3A_3062 = tpu.memref_slice %arg8[%dma_start3A_3053, %dma_start3A_3060, %dma_start3A_3061] : memref<32x8x128xf32, #tpu.memory_space<vmem>> -> memref<1x8x128xf32, #tpu.memory_space<vmem>>
        %dma_start3A_3063 = tpu.memref_squeeze %dma_start3A_3062 : memref<1x8x128xf32, #tpu.memory_space<vmem>> -> memref<8x128xf32, #tpu.memory_space<vmem>>
        %dma_start3A_3064 = arith.constant 0 : i32
        %dma_start3A_3065 = tpu.memref_slice %arg4[%dma_start3A_3064, %multiple_of3A_3039] : memref<8x1000000xf32, #tpu.memory_space<hbm>> -> memref<8x128xf32, #tpu.memory_space<hbm>>
        tpu.enqueue_dma source(%dma_start3A_3065 : memref<8x128xf32, #tpu.memory_space<hbm>>) target(%dma_start3A_3063 : memref<8x128xf32, #tpu.memory_space<vmem>>) target_semaphore(%arg11 : memref<!tpu.dma_semaphore, #tpu.memory_space<semaphore_mem>>)
      } else {
      }
      %dma_wait3A_1859 = arith.constant 0 : i32
      %dma_wait3A_1860 = arith.constant 0 : i32
      %dma_wait3A_1861 = arith.constant 0 : i32
      %dma_wait3A_1862 = tpu.memref_slice %arg7[%dma_wait3A_1859, %dma_wait3A_1860, %dma_wait3A_1861] : memref<32x8x128xf32, #tpu.memory_space<vmem>> -> memref<1x8x128xf32, #tpu.memory_space<vmem>>
      %dma_wait3A_1863 = tpu.memref_squeeze %dma_wait3A_1862 : memref<1x8x128xf32, #tpu.memory_space<vmem>> -> memref<8x128xf32, #tpu.memory_space<vmem>>
      %dma_wait3A_1864 = arith.constant 0 : i32
      %dma_wait3A_1865 = arith.constant 0 : i32
      %dma_wait3A_1866 = tpu.memref_slice %arg3[%dma_wait3A_1864, %dma_wait3A_1865] : memref<8x1000000xf32, #tpu.memory_space<hbm>> -> memref<8x128xf32, #tpu.memory_space<hbm>>
      %dma_wait3A_1867 = arith.constant 0 : i32
      %dma_wait3A_1868 = arith.constant 0 : i32
      %dma_wait3A_1869 = tpu.memref_slice %arg7[%dma_wait3A_1859, %dma_wait3A_1867, %dma_wait3A_1868] : memref<32x8x128xf32, #tpu.memory_space<vmem>> -> memref<1x8x128xf32, #tpu.memory_space<vmem>>
      %dma_wait3A_1870 = tpu.memref_squeeze %dma_wait3A_1869 : memref<1x8x128xf32, #tpu.memory_space<vmem>> -> memref<8x128xf32, #tpu.memory_space<vmem>>
      %dma_wait3A_1871 = arith.constant 0 : i32
      %dma_wait3A_1872 = arith.constant 0 : i32
      %dma_wait3A_1873 = tpu.memref_slice %arg3[%dma_wait3A_1871, %dma_wait3A_1872] : memref<8x1000000xf32, #tpu.memory_space<hbm>> -> memref<8x128xf32, #tpu.memory_space<hbm>>
      tpu.wait_dma2 semaphore(%arg12 : memref<!tpu.dma_semaphore, #tpu.memory_space<semaphore_mem>>) src(%dma_wait3A_1873 : memref<8x128xf32, #tpu.memory_space<hbm>>) dst(%dma_wait3A_1870 : memref<8x128xf32, #tpu.memory_space<vmem>>)
      %dma_wait3A_1874 = arith.constant 0 : i32
      %dma_wait3A_1875 = arith.constant 0 : i32
      %dma_wait3A_1876 = arith.constant 0 : i32
      %dma_wait3A_1877 = tpu.memref_slice %arg8[%dma_wait3A_1874, %dma_wait3A_1875, %dma_wait3A_1876] : memref<32x8x128xf32, #tpu.memory_space<vmem>> -> memref<1x8x128xf32, #tpu.memory_space<vmem>>
      %dma_wait3A_1878 = tpu.memref_squeeze %dma_wait3A_1877 : memref<1x8x128xf32, #tpu.memory_space<vmem>> -> memref<8x128xf32, #tpu.memory_space<vmem>>
      %dma_wait3A_1879 = arith.constant 0 : i32
      %dma_wait3A_1880 = arith.constant 0 : i32
      %dma_wait3A_1881 = tpu.memref_slice %arg4[%dma_wait3A_1879, %dma_wait3A_1880] : memref<8x1000000xf32, #tpu.memory_space<hbm>> -> memref<8x128xf32, #tpu.memory_space<hbm>>
      %dma_wait3A_1882 = arith.constant 0 : i32
      %dma_wait3A_1883 = arith.constant 0 : i32
      %dma_wait3A_1884 = tpu.memref_slice %arg8[%dma_wait3A_1874, %dma_wait3A_1882, %dma_wait3A_1883] : memref<32x8x128xf32, #tpu.memory_space<vmem>> -> memref<1x8x128xf32, #tpu.memory_space<vmem>>
      %dma_wait3A_1885 = tpu.memref_squeeze %dma_wait3A_1884 : memref<1x8x128xf32, #tpu.memory_space<vmem>> -> memref<8x128xf32, #tpu.memory_space<vmem>>
      %dma_wait3A_1886 = arith.constant 0 : i32
      %dma_wait3A_1887 = arith.constant 0 : i32
      %dma_wait3A_1888 = tpu.memref_slice %arg4[%dma_wait3A_1886, %dma_wait3A_1887] : memref<8x1000000xf32, #tpu.memory_space<hbm>> -> memref<8x128xf32, #tpu.memory_space<hbm>>
      tpu.wait_dma2 semaphore(%arg13 : memref<!tpu.dma_semaphore, #tpu.memory_space<semaphore_mem>>) src(%dma_wait3A_1888 : memref<8x128xf32, #tpu.memory_space<hbm>>) dst(%dma_wait3A_1885 : memref<8x128xf32, #tpu.memory_space<vmem>>)
      %dma_wait3A_1889 = arith.constant 1 : i32
      %dma_wait3A_1890 = arith.constant 0 : i32
      %dma_wait3A_1891 = arith.constant 0 : i32
      %dma_wait3A_1892 = tpu.memref_slice %arg7[%dma_wait3A_1889, %dma_wait3A_1890, %dma_wait3A_1891] : memref<32x8x128xf32, #tpu.memory_space<vmem>> -> memref<1x8x128xf32, #tpu.memory_space<vmem>>
      %dma_wait3A_1893 = tpu.memref_squeeze %dma_wait3A_1892 : memref<1x8x128xf32, #tpu.memory_space<vmem>> -> memref<8x128xf32, #tpu.memory_space<vmem>>
      %dma_wait3A_1894 = arith.constant 0 : i32
      %dma_wait3A_1895 = arith.constant 0 : i32
      %dma_wait3A_1896 = tpu.memref_slice %arg3[%dma_wait3A_1894, %dma_wait3A_1895] : memref<8x1000000xf32, #tpu.memory_space<hbm>> -> memref<8x128xf32, #tpu.memory_space<hbm>>
      %dma_wait3A_1897 = arith.constant 0 : i32
      %dma_wait3A_1898 = arith.constant 0 : i32
      %dma_wait3A_1899 = tpu.memref_slice %arg7[%dma_wait3A_1889, %dma_wait3A_1897, %dma_wait3A_1898] : memref<32x8x128xf32, #tpu.memory_space<vmem>> -> memref<1x8x128xf32, #tpu.memory_space<vmem>>
      %dma_wait3A_1900 = tpu.memref_squeeze %dma_wait3A_1899 : memref<1x8x128xf32, #tpu.memory_space<vmem>> -> memref<8x128xf32, #tpu.memory_space<vmem>>
      %dma_wait3A_1901 = arith.constant 0 : i32
      %dma_wait3A_1902 = arith.constant 0 : i32
      %dma_wait3A_1903 = tpu.memref_slice %arg3[%dma_wait3A_1901, %dma_wait3A_1902] : memref<8x1000000xf32, #tpu.memory_space<hbm>> -> memref<8x128xf32, #tpu.memory_space<hbm>>
      tpu.wait_dma2 semaphore(%arg12 : memref<!tpu.dma_semaphore, #tpu.memory_space<semaphore_mem>>) src(%dma_wait3A_1903 : memref<8x128xf32, #tpu.memory_space<hbm>>) dst(%dma_wait3A_1900 : memref<8x128xf32, #tpu.memory_space<vmem>>)
      %dma_wait3A_1904 = arith.constant 1 : i32
      %dma_wait3A_1905 = arith.constant 0 : i32
      %dma_wait3A_1906 = arith.constant 0 : i32
      %dma_wait3A_1907 = tpu.memref_slice %arg8[%dma_wait3A_1904, %dma_wait3A_1905, %dma_wait3A_1906] : memref<32x8x128xf32, #tpu.memory_space<vmem>> -> memref<1x8x128xf32, #tpu.memory_space<vmem>>
      %dma_wait3A_1908 = tpu.memref_squeeze %dma_wait3A_1907 : memref<1x8x128xf32, #tpu.memory_space<vmem>> -> memref<8x128xf32, #tpu.memory_space<vmem>>
      %dma_wait3A_1909 = arith.constant 0 : i32
      %dma_wait3A_1910 = arith.constant 0 : i32
      %dma_wait3A_1911 = tpu.memref_slice %arg4[%dma_wait3A_1909, %dma_wait3A_1910] : memref<8x1000000xf32, #tpu.memory_space<hbm>> -> memref<8x128xf32, #tpu.memory_space<hbm>>
      %dma_wait3A_1912 = arith.constant 0 : i32
      %dma_wait3A_1913 = arith.constant 0 : i32
      %dma_wait3A_1914 = tpu.memref_slice %arg8[%dma_wait3A_1904, %dma_wait3A_1912, %dma_wait3A_1913] : memref<32x8x128xf32, #tpu.memory_space<vmem>> -> memref<1x8x128xf32, #tpu.memory_space<vmem>>
      %dma_wait3A_1915 = tpu.memref_squeeze %dma_wait3A_1914 : memref<1x8x128xf32, #tpu.memory_space<vmem>> -> memref<8x128xf32, #tpu.memory_space<vmem>>
      %dma_wait3A_1916 = arith.constant 0 : i32
      %dma_wait3A_1917 = arith.constant 0 : i32
      %dma_wait3A_1918 = tpu.memref_slice %arg4[%dma_wait3A_1916, %dma_wait3A_1917] : memref<8x1000000xf32, #tpu.memory_space<hbm>> -> memref<8x128xf32, #tpu.memory_space<hbm>>
      tpu.wait_dma2 semaphore(%arg13 : memref<!tpu.dma_semaphore, #tpu.memory_space<semaphore_mem>>) src(%dma_wait3A_1918 : memref<8x128xf32, #tpu.memory_space<hbm>>) dst(%dma_wait3A_1915 : memref<8x128xf32, #tpu.memory_space<vmem>>)
      %dma_wait3A_1919 = arith.constant 2 : i32
      %dma_wait3A_1920 = arith.constant 0 : i32
      %dma_wait3A_1921 = arith.constant 0 : i32
      %dma_wait3A_1922 = tpu.memref_slice %arg7[%dma_wait3A_1919, %dma_wait3A_1920, %dma_wait3A_1921] : memref<32x8x128xf32, #tpu.memory_space<vmem>> -> memref<1x8x128xf32, #tpu.memory_space<vmem>>
      %dma_wait3A_1923 = tpu.memref_squeeze %dma_wait3A_1922 : memref<1x8x128xf32, #tpu.memory_space<vmem>> -> memref<8x128xf32, #tpu.memory_space<vmem>>
      %dma_wait3A_1924 = arith.constant 0 : i32
      %dma_wait3A_1925 = arith.constant 0 : i32
      %dma_wait3A_1926 = tpu.memref_slice %arg3[%dma_wait3A_1924, %dma_wait3A_1925] : memref<8x1000000xf32, #tpu.memory_space<hbm>> -> memref<8x128xf32, #tpu.memory_space<hbm>>
      %dma_wait3A_1927 = arith.constant 0 : i32
      %dma_wait3A_1928 = arith.constant 0 : i32
      %dma_wait3A_1929 = tpu.memref_slice %arg7[%dma_wait3A_1919, %dma_wait3A_1927, %dma_wait3A_1928] : memref<32x8x128xf32, #tpu.memory_space<vmem>> -> memref<1x8x128xf32, #tpu.memory_space<vmem>>
      %dma_wait3A_1930 = tpu.memref_squeeze %dma_wait3A_1929 : memref<1x8x128xf32, #tpu.memory_space<vmem>> -> memref<8x128xf32, #tpu.memory_space<vmem>>
      %dma_wait3A_1931 = arith.constant 0 : i32
      %dma_wait3A_1932 = arith.constant 0 : i32
      %dma_wait3A_1933 = tpu.memref_slice %arg3[%dma_wait3A_1931, %dma_wait3A_1932] : memref<8x1000000xf32, #tpu.memory_space<hbm>> -> memref<8x128xf32, #tpu.memory_space<hbm>>
      tpu.wait_dma2 semaphore(%arg12 : memref<!tpu.dma_semaphore, #tpu.memory_space<semaphore_mem>>) src(%dma_wait3A_1933 : memref<8x128xf32, #tpu.memory_space<hbm>>) dst(%dma_wait3A_1930 : memref<8x128xf32, #tpu.memory_space<vmem>>)
      %dma_wait3A_1934 = arith.constant 2 : i32
      %dma_wait3A_1935 = arith.constant 0 : i32
      %dma_wait3A_1936 = arith.constant 0 : i32
      %dma_wait3A_1937 = tpu.memref_slice %arg8[%dma_wait3A_1934, %dma_wait3A_1935, %dma_wait3A_1936] : memref<32x8x128xf32, #tpu.memory_space<vmem>> -> memref<1x8x128xf32, #tpu.memory_space<vmem>>
      %dma_wait3A_1938 = tpu.memref_squeeze %dma_wait3A_1937 : memref<1x8x128xf32, #tpu.memory_space<vmem>> -> memref<8x128xf32, #tpu.memory_space<vmem>>
      %dma_wait3A_1939 = arith.constant 0 : i32
      %dma_wait3A_1940 = arith.constant 0 : i32
      %dma_wait3A_1941 = tpu.memref_slice %arg4[%dma_wait3A_1939, %dma_wait3A_1940] : memref<8x1000000xf32, #tpu.memory_space<hbm>> -> memref<8x128xf32, #tpu.memory_space<hbm>>
      %dma_wait3A_1942 = arith.constant 0 : i32
      %dma_wait3A_1943 = arith.constant 0 : i32
      %dma_wait3A_1944 = tpu.memref_slice %arg8[%dma_wait3A_1934, %dma_wait3A_1942, %dma_wait3A_1943] : memref<32x8x128xf32, #tpu.memory_space<vmem>> -> memref<1x8x128xf32, #tpu.memory_space<vmem>>
      %dma_wait3A_1945 = tpu.memref_squeeze %dma_wait3A_1944 : memref<1x8x128xf32, #tpu.memory_space<vmem>> -> memref<8x128xf32, #tpu.memory_space<vmem>>
      %dma_wait3A_1946 = arith.constant 0 : i32
      %dma_wait3A_1947 = arith.constant 0 : i32
      %dma_wait3A_1948 = tpu.memref_slice %arg4[%dma_wait3A_1946, %dma_wait3A_1947] : memref<8x1000000xf32, #tpu.memory_space<hbm>> -> memref<8x128xf32, #tpu.memory_space<hbm>>
      tpu.wait_dma2 semaphore(%arg13 : memref<!tpu.dma_semaphore, #tpu.memory_space<semaphore_mem>>) src(%dma_wait3A_1948 : memref<8x128xf32, #tpu.memory_space<hbm>>) dst(%dma_wait3A_1945 : memref<8x128xf32, #tpu.memory_space<vmem>>)
      %dma_wait3A_1949 = arith.constant 3 : i32
      %dma_wait3A_1950 = arith.constant 0 : i32
      %dma_wait3A_1951 = arith.constant 0 : i32
      %dma_wait3A_1952 = tpu.memref_slice %arg7[%dma_wait3A_1949, %dma_wait3A_1950, %dma_wait3A_1951] : memref<32x8x128xf32, #tpu.memory_space<vmem>> -> memref<1x8x128xf32, #tpu.memory_space<vmem>>
      %dma_wait3A_1953 = tpu.memref_squeeze %dma_wait3A_1952 : memref<1x8x128xf32, #tpu.memory_space<vmem>> -> memref<8x128xf32, #tpu.memory_space<vmem>>
      %dma_wait3A_1954 = arith.constant 0 : i32
      %dma_wait3A_1955 = arith.constant 0 : i32
      %dma_wait3A_1956 = tpu.memref_slice %arg3[%dma_wait3A_1954, %dma_wait3A_1955] : memref<8x1000000xf32, #tpu.memory_space<hbm>> -> memref<8x128xf32, #tpu.memory_space<hbm>>
      %dma_wait3A_1957 = arith.constant 0 : i32
      %dma_wait3A_1958 = arith.constant 0 : i32
      %dma_wait3A_1959 = tpu.memref_slice %arg7[%dma_wait3A_1949, %dma_wait3A_1957, %dma_wait3A_1958] : memref<32x8x128xf32, #tpu.memory_space<vmem>> -> memref<1x8x128xf32, #tpu.memory_space<vmem>>
      %dma_wait3A_1960 = tpu.memref_squeeze %dma_wait3A_1959 : memref<1x8x128xf32, #tpu.memory_space<vmem>> -> memref<8x128xf32, #tpu.memory_space<vmem>>
      %dma_wait3A_1961 = arith.constant 0 : i32
      %dma_wait3A_1962 = arith.constant 0 : i32
      %dma_wait3A_1963 = tpu.memref_slice %arg3[%dma_wait3A_1961, %dma_wait3A_1962] : memref<8x1000000xf32, #tpu.memory_space<hbm>> -> memref<8x128xf32, #tpu.memory_space<hbm>>
      tpu.wait_dma2 semaphore(%arg12 : memref<!tpu.dma_semaphore, #tpu.memory_space<semaphore_mem>>) src(%dma_wait3A_1963 : memref<8x128xf32, #tpu.memory_space<hbm>>) dst(%dma_wait3A_1960 : memref<8x128xf32, #tpu.memory_space<vmem>>)
      %dma_wait3A_1964 = arith.constant 3 : i32
      %dma_wait3A_1965 = arith.constant 0 : i32
      %dma_wait3A_1966 = arith.constant 0 : i32
      %dma_wait3A_1967 = tpu.memref_slice %arg8[%dma_wait3A_1964, %dma_wait3A_1965, %dma_wait3A_1966] : memref<32x8x128xf32, #tpu.memory_space<vmem>> -> memref<1x8x128xf32, #tpu.memory_space<vmem>>
      %dma_wait3A_1968 = tpu.memref_squeeze %dma_wait3A_1967 : memref<1x8x128xf32, #tpu.memory_space<vmem>> -> memref<8x128xf32, #tpu.memory_space<vmem>>
      %dma_wait3A_1969 = arith.constant 0 : i32
      %dma_wait3A_1970 = arith.constant 0 : i32
      %dma_wait3A_1971 = tpu.memref_slice %arg4[%dma_wait3A_1969, %dma_wait3A_1970] : memref<8x1000000xf32, #tpu.memory_space<hbm>> -> memref<8x128xf32, #tpu.memory_space<hbm>>
      %dma_wait3A_1972 = arith.constant 0 : i32
      %dma_wait3A_1973 = arith.constant 0 : i32
      %dma_wait3A_1974 = tpu.memref_slice %arg8[%dma_wait3A_1964, %dma_wait3A_1972, %dma_wait3A_1973] : memref<32x8x128xf32, #tpu.memory_space<vmem>> -> memref<1x8x128xf32, #tpu.memory_space<vmem>>
      %dma_wait3A_1975 = tpu.memref_squeeze %dma_wait3A_1974 : memref<1x8x128xf32, #tpu.memory_space<vmem>> -> memref<8x128xf32, #tpu.memory_space<vmem>>
      %dma_wait3A_1976 = arith.constant 0 : i32
      %dma_wait3A_1977 = arith.constant 0 : i32
      %dma_wait3A_1978 = tpu.memref_slice %arg4[%dma_wait3A_1976, %dma_wait3A_1977] : memref<8x1000000xf32, #tpu.memory_space<hbm>> -> memref<8x128xf32, #tpu.memory_space<hbm>>
      tpu.wait_dma2 semaphore(%arg13 : memref<!tpu.dma_semaphore, #tpu.memory_space<semaphore_mem>>) src(%dma_wait3A_1978 : memref<8x128xf32, #tpu.memory_space<hbm>>) dst(%dma_wait3A_1975 : memref<8x128xf32, #tpu.memory_space<vmem>>)
      %dma_wait3A_1979 = arith.constant 4 : i32
      %dma_wait3A_1980 = arith.constant 0 : i32
      %dma_wait3A_1981 = arith.constant 0 : i32
      %dma_wait3A_1982 = tpu.memref_slice %arg7[%dma_wait3A_1979, %dma_wait3A_1980, %dma_wait3A_1981] : memref<32x8x128xf32, #tpu.memory_space<vmem>> -> memref<1x8x128xf32, #tpu.memory_space<vmem>>
      %dma_wait3A_1983 = tpu.memref_squeeze %dma_wait3A_1982 : memref<1x8x128xf32, #tpu.memory_space<vmem>> -> memref<8x128xf32, #tpu.memory_space<vmem>>
      %dma_wait3A_1984 = arith.constant 0 : i32
      %dma_wait3A_1985 = arith.constant 0 : i32
      %dma_wait3A_1986 = tpu.memref_slice %arg3[%dma_wait3A_1984, %dma_wait3A_1985] : memref<8x1000000xf32, #tpu.memory_space<hbm>> -> memref<8x128xf32, #tpu.memory_space<hbm>>
      %dma_wait3A_1987 = arith.constant 0 : i32
      %dma_wait3A_1988 = arith.constant 0 : i32
      %dma_wait3A_1989 = tpu.memref_slice %arg7[%dma_wait3A_1979, %dma_wait3A_1987, %dma_wait3A_1988] : memref<32x8x128xf32, #tpu.memory_space<vmem>> -> memref<1x8x128xf32, #tpu.memory_space<vmem>>
      %dma_wait3A_1990 = tpu.memref_squeeze %dma_wait3A_1989 : memref<1x8x128xf32, #tpu.memory_space<vmem>> -> memref<8x128xf32, #tpu.memory_space<vmem>>
      %dma_wait3A_1991 = arith.constant 0 : i32
      %dma_wait3A_1992 = arith.constant 0 : i32
      %dma_wait3A_1993 = tpu.memref_slice %arg3[%dma_wait3A_1991, %dma_wait3A_1992] : memref<8x1000000xf32, #tpu.memory_space<hbm>> -> memref<8x128xf32, #tpu.memory_space<hbm>>
      tpu.wait_dma2 semaphore(%arg12 : memref<!tpu.dma_semaphore, #tpu.memory_space<semaphore_mem>>) src(%dma_wait3A_1993 : memref<8x128xf32, #tpu.memory_space<hbm>>) dst(%dma_wait3A_1990 : memref<8x128xf32, #tpu.memory_space<vmem>>)
      %dma_wait3A_1994 = arith.constant 4 : i32
      %dma_wait3A_1995 = arith.constant 0 : i32
      %dma_wait3A_1996 = arith.constant 0 : i32
      %dma_wait3A_1997 = tpu.memref_slice %arg8[%dma_wait3A_1994, %dma_wait3A_1995, %dma_wait3A_1996] : memref<32x8x128xf32, #tpu.memory_space<vmem>> -> memref<1x8x128xf32, #tpu.memory_space<vmem>>
      %dma_wait3A_1998 = tpu.memref_squeeze %dma_wait3A_1997 : memref<1x8x128xf32, #tpu.memory_space<vmem>> -> memref<8x128xf32, #tpu.memory_space<vmem>>
      %dma_wait3A_1999 = arith.constant 0 : i32
      %dma_wait3A_2000 = arith.constant 0 : i32
      %dma_wait3A_2001 = tpu.memref_slice %arg4[%dma_wait3A_1999, %dma_wait3A_2000] : memref<8x1000000xf32, #tpu.memory_space<hbm>> -> memref<8x128xf32, #tpu.memory_space<hbm>>
      %dma_wait3A_2002 = arith.constant 0 : i32
      %dma_wait3A_2003 = arith.constant 0 : i32
      %dma_wait3A_2004 = tpu.memref_slice %arg8[%dma_wait3A_1994, %dma_wait3A_2002, %dma_wait3A_2003] : memref<32x8x128xf32, #tpu.memory_space<vmem>> -> memref<1x8x128xf32, #tpu.memory_space<vmem>>
      %dma_wait3A_2005 = tpu.memref_squeeze %dma_wait3A_2004 : memref<1x8x128xf32, #tpu.memory_space<vmem>> -> memref<8x128xf32, #tpu.memory_space<vmem>>
      %dma_wait3A_2006 = arith.constant 0 : i32
      %dma_wait3A_2007 = arith.constant 0 : i32
      %dma_wait3A_2008 = tpu.memref_slice %arg4[%dma_wait3A_2006, %dma_wait3A_2007] : memref<8x1000000xf32, #tpu.memory_space<hbm>> -> memref<8x128xf32, #tpu.memory_space<hbm>>
      tpu.wait_dma2 semaphore(%arg13 : memref<!tpu.dma_semaphore, #tpu.memory_space<semaphore_mem>>) src(%dma_wait3A_2008 : memref<8x128xf32, #tpu.memory_space<hbm>>) dst(%dma_wait3A_2005 : memref<8x128xf32, #tpu.memory_space<vmem>>)
      %dma_wait3A_2009 = arith.constant 5 : i32
      %dma_wait3A_2010 = arith.constant 0 : i32
      %dma_wait3A_2011 = arith.constant 0 : i32
      %dma_wait3A_2012 = tpu.memref_slice %arg7[%dma_wait3A_2009, %dma_wait3A_2010, %dma_wait3A_2011] : memref<32x8x128xf32, #tpu.memory_space<vmem>> -> memref<1x8x128xf32, #tpu.memory_space<vmem>>
      %dma_wait3A_2013 = tpu.memref_squeeze %dma_wait3A_2012 : memref<1x8x128xf32, #tpu.memory_space<vmem>> -> memref<8x128xf32, #tpu.memory_space<vmem>>
      %dma_wait3A_2014 = arith.constant 0 : i32
      %dma_wait3A_2015 = arith.constant 0 : i32
      %dma_wait3A_2016 = tpu.memref_slice %arg3[%dma_wait3A_2014, %dma_wait3A_2015] : memref<8x1000000xf32, #tpu.memory_space<hbm>> -> memref<8x128xf32, #tpu.memory_space<hbm>>
      %dma_wait3A_2017 = arith.constant 0 : i32
      %dma_wait3A_2018 = arith.constant 0 : i32
      %dma_wait3A_2019 = tpu.memref_slice %arg7[%dma_wait3A_2009, %dma_wait3A_2017, %dma_wait3A_2018] : memref<32x8x128xf32, #tpu.memory_space<vmem>> -> memref<1x8x128xf32, #tpu.memory_space<vmem>>
      %dma_wait3A_2020 = tpu.memref_squeeze %dma_wait3A_2019 : memref<1x8x128xf32, #tpu.memory_space<vmem>> -> memref<8x128xf32, #tpu.memory_space<vmem>>
      %dma_wait3A_2021 = arith.constant 0 : i32
      %dma_wait3A_2022 = arith.constant 0 : i32
      %dma_wait3A_2023 = tpu.memref_slice %arg3[%dma_wait3A_2021, %dma_wait3A_2022] : memref<8x1000000xf32, #tpu.memory_space<hbm>> -> memref<8x128xf32, #tpu.memory_space<hbm>>
      tpu.wait_dma2 semaphore(%arg12 : memref<!tpu.dma_semaphore, #tpu.memory_space<semaphore_mem>>) src(%dma_wait3A_2023 : memref<8x128xf32, #tpu.memory_space<hbm>>) dst(%dma_wait3A_2020 : memref<8x128xf32, #tpu.memory_space<vmem>>)
      %dma_wait3A_2024 = arith.constant 5 : i32
      %dma_wait3A_2025 = arith.constant 0 : i32
      %dma_wait3A_2026 = arith.constant 0 : i32
      %dma_wait3A_2027 = tpu.memref_slice %arg8[%dma_wait3A_2024, %dma_wait3A_2025, %dma_wait3A_2026] : memref<32x8x128xf32, #tpu.memory_space<vmem>> -> memref<1x8x128xf32, #tpu.memory_space<vmem>>
      %dma_wait3A_2028 = tpu.memref_squeeze %dma_wait3A_2027 : memref<1x8x128xf32, #tpu.memory_space<vmem>> -> memref<8x128xf32, #tpu.memory_space<vmem>>
      %dma_wait3A_2029 = arith.constant 0 : i32
      %dma_wait3A_2030 = arith.constant 0 : i32
      %dma_wait3A_2031 = tpu.memref_slice %arg4[%dma_wait3A_2029, %dma_wait3A_2030] : memref<8x1000000xf32, #tpu.memory_space<hbm>> -> memref<8x128xf32, #tpu.memory_space<hbm>>
      %dma_wait3A_2032 = arith.constant 0 : i32
      %dma_wait3A_2033 = arith.constant 0 : i32
      %dma_wait3A_2034 = tpu.memref_slice %arg8[%dma_wait3A_2024, %dma_wait3A_2032, %dma_wait3A_2033] : memref<32x8x128xf32, #tpu.memory_space<vmem>> -> memref<1x8x128xf32, #tpu.memory_space<vmem>>
      %dma_wait3A_2035 = tpu.memref_squeeze %dma_wait3A_2034 : memref<1x8x128xf32, #tpu.memory_space<vmem>> -> memref<8x128xf32, #tpu.memory_space<vmem>>
      %dma_wait3A_2036 = arith.constant 0 : i32
      %dma_wait3A_2037 = arith.constant 0 : i32
      %dma_wait3A_2038 = tpu.memref_slice %arg4[%dma_wait3A_2036, %dma_wait3A_2037] : memref<8x1000000xf32, #tpu.memory_space<hbm>> -> memref<8x128xf32, #tpu.memory_space<hbm>>
      tpu.wait_dma2 semaphore(%arg13 : memref<!tpu.dma_semaphore, #tpu.memory_space<semaphore_mem>>) src(%dma_wait3A_2038 : memref<8x128xf32, #tpu.memory_space<hbm>>) dst(%dma_wait3A_2035 : memref<8x128xf32, #tpu.memory_space<vmem>>)
      %dma_wait3A_2039 = arith.constant 6 : i32
      %dma_wait3A_2040 = arith.constant 0 : i32
      %dma_wait3A_2041 = arith.constant 0 : i32
      %dma_wait3A_2042 = tpu.memref_slice %arg7[%dma_wait3A_2039, %dma_wait3A_2040, %dma_wait3A_2041] : memref<32x8x128xf32, #tpu.memory_space<vmem>> -> memref<1x8x128xf32, #tpu.memory_space<vmem>>
      %dma_wait3A_2043 = tpu.memref_squeeze %dma_wait3A_2042 : memref<1x8x128xf32, #tpu.memory_space<vmem>> -> memref<8x128xf32, #tpu.memory_space<vmem>>
      %dma_wait3A_2044 = arith.constant 0 : i32
      %dma_wait3A_2045 = arith.constant 0 : i32
      %dma_wait3A_2046 = tpu.memref_slice %arg3[%dma_wait3A_2044, %dma_wait3A_2045] : memref<8x1000000xf32, #tpu.memory_space<hbm>> -> memref<8x128xf32, #tpu.memory_space<hbm>>
      %dma_wait3A_2047 = arith.constant 0 : i32
      %dma_wait3A_2048 = arith.constant 0 : i32
      %dma_wait3A_2049 = tpu.memref_slice %arg7[%dma_wait3A_2039, %dma_wait3A_2047, %dma_wait3A_2048] : memref<32x8x128xf32, #tpu.memory_space<vmem>> -> memref<1x8x128xf32, #tpu.memory_space<vmem>>
      %dma_wait3A_2050 = tpu.memref_squeeze %dma_wait3A_2049 : memref<1x8x128xf32, #tpu.memory_space<vmem>> -> memref<8x128xf32, #tpu.memory_space<vmem>>
      %dma_wait3A_2051 = arith.constant 0 : i32
      %dma_wait3A_2052 = arith.constant 0 : i32
      %dma_wait3A_2053 = tpu.memref_slice %arg3[%dma_wait3A_2051, %dma_wait3A_2052] : memref<8x1000000xf32, #tpu.memory_space<hbm>> -> memref<8x128xf32, #tpu.memory_space<hbm>>
      tpu.wait_dma2 semaphore(%arg12 : memref<!tpu.dma_semaphore, #tpu.memory_space<semaphore_mem>>) src(%dma_wait3A_2053 : memref<8x128xf32, #tpu.memory_space<hbm>>) dst(%dma_wait3A_2050 : memref<8x128xf32, #tpu.memory_space<vmem>>)
      %dma_wait3A_2054 = arith.constant 6 : i32
      %dma_wait3A_2055 = arith.constant 0 : i32
      %dma_wait3A_2056 = arith.constant 0 : i32
      %dma_wait3A_2057 = tpu.memref_slice %arg8[%dma_wait3A_2054, %dma_wait3A_2055, %dma_wait3A_2056] : memref<32x8x128xf32, #tpu.memory_space<vmem>> -> memref<1x8x128xf32, #tpu.memory_space<vmem>>
      %dma_wait3A_2058 = tpu.memref_squeeze %dma_wait3A_2057 : memref<1x8x128xf32, #tpu.memory_space<vmem>> -> memref<8x128xf32, #tpu.memory_space<vmem>>
      %dma_wait3A_2059 = arith.constant 0 : i32
      %dma_wait3A_2060 = arith.constant 0 : i32
      %dma_wait3A_2061 = tpu.memref_slice %arg4[%dma_wait3A_2059, %dma_wait3A_2060] : memref<8x1000000xf32, #tpu.memory_space<hbm>> -> memref<8x128xf32, #tpu.memory_space<hbm>>
      %dma_wait3A_2062 = arith.constant 0 : i32
      %dma_wait3A_2063 = arith.constant 0 : i32
      %dma_wait3A_2064 = tpu.memref_slice %arg8[%dma_wait3A_2054, %dma_wait3A_2062, %dma_wait3A_2063] : memref<32x8x128xf32, #tpu.memory_space<vmem>> -> memref<1x8x128xf32, #tpu.memory_space<vmem>>
      %dma_wait3A_2065 = tpu.memref_squeeze %dma_wait3A_2064 : memref<1x8x128xf32, #tpu.memory_space<vmem>> -> memref<8x128xf32, #tpu.memory_space<vmem>>
      %dma_wait3A_2066 = arith.constant 0 : i32
      %dma_wait3A_2067 = arith.constant 0 : i32
      %dma_wait3A_2068 = tpu.memref_slice %arg4[%dma_wait3A_2066, %dma_wait3A_2067] : memref<8x1000000xf32, #tpu.memory_space<hbm>> -> memref<8x128xf32, #tpu.memory_space<hbm>>
      tpu.wait_dma2 semaphore(%arg13 : memref<!tpu.dma_semaphore, #tpu.memory_space<semaphore_mem>>) src(%dma_wait3A_2068 : memref<8x128xf32, #tpu.memory_space<hbm>>) dst(%dma_wait3A_2065 : memref<8x128xf32, #tpu.memory_space<vmem>>)
      %dma_wait3A_2069 = arith.constant 7 : i32
      %dma_wait3A_2070 = arith.constant 0 : i32
      %dma_wait3A_2071 = arith.constant 0 : i32
      %dma_wait3A_2072 = tpu.memref_slice %arg7[%dma_wait3A_2069, %dma_wait3A_2070, %dma_wait3A_2071] : memref<32x8x128xf32, #tpu.memory_space<vmem>> -> memref<1x8x128xf32, #tpu.memory_space<vmem>>
      %dma_wait3A_2073 = tpu.memref_squeeze %dma_wait3A_2072 : memref<1x8x128xf32, #tpu.memory_space<vmem>> -> memref<8x128xf32, #tpu.memory_space<vmem>>
      %dma_wait3A_2074 = arith.constant 0 : i32
      %dma_wait3A_2075 = arith.constant 0 : i32
      %dma_wait3A_2076 = tpu.memref_slice %arg3[%dma_wait3A_2074, %dma_wait3A_2075] : memref<8x1000000xf32, #tpu.memory_space<hbm>> -> memref<8x128xf32, #tpu.memory_space<hbm>>
      %dma_wait3A_2077 = arith.constant 0 : i32
      %dma_wait3A_2078 = arith.constant 0 : i32
      %dma_wait3A_2079 = tpu.memref_slice %arg7[%dma_wait3A_2069, %dma_wait3A_2077, %dma_wait3A_2078] : memref<32x8x128xf32, #tpu.memory_space<vmem>> -> memref<1x8x128xf32, #tpu.memory_space<vmem>>
      %dma_wait3A_2080 = tpu.memref_squeeze %dma_wait3A_2079 : memref<1x8x128xf32, #tpu.memory_space<vmem>> -> memref<8x128xf32, #tpu.memory_space<vmem>>
      %dma_wait3A_2081 = arith.constant 0 : i32
      %dma_wait3A_2082 = arith.constant 0 : i32
      %dma_wait3A_2083 = tpu.memref_slice %arg3[%dma_wait3A_2081, %dma_wait3A_2082] : memref<8x1000000xf32, #tpu.memory_space<hbm>> -> memref<8x128xf32, #tpu.memory_space<hbm>>
      tpu.wait_dma2 semaphore(%arg12 : memref<!tpu.dma_semaphore, #tpu.memory_space<semaphore_mem>>) src(%dma_wait3A_2083 : memref<8x128xf32, #tpu.memory_space<hbm>>) dst(%dma_wait3A_2080 : memref<8x128xf32, #tpu.memory_space<vmem>>)
      %dma_wait3A_2084 = arith.constant 7 : i32
      %dma_wait3A_2085 = arith.constant 0 : i32
      %dma_wait3A_2086 = arith.constant 0 : i32
      %dma_wait3A_2087 = tpu.memref_slice %arg8[%dma_wait3A_2084, %dma_wait3A_2085, %dma_wait3A_2086] : memref<32x8x128xf32, #tpu.memory_space<vmem>> -> memref<1x8x128xf32, #tpu.memory_space<vmem>>
      %dma_wait3A_2088 = tpu.memref_squeeze %dma_wait3A_2087 : memref<1x8x128xf32, #tpu.memory_space<vmem>> -> memref<8x128xf32, #tpu.memory_space<vmem>>
      %dma_wait3A_2089 = arith.constant 0 : i32
      %dma_wait3A_2090 = arith.constant 0 : i32
      %dma_wait3A_2091 = tpu.memref_slice %arg4[%dma_wait3A_2089, %dma_wait3A_2090] : memref<8x1000000xf32, #tpu.memory_space<hbm>> -> memref<8x128xf32, #tpu.memory_space<hbm>>
      %dma_wait3A_2092 = arith.constant 0 : i32
      %dma_wait3A_2093 = arith.constant 0 : i32
      %dma_wait3A_2094 = tpu.memref_slice %arg8[%dma_wait3A_2084, %dma_wait3A_2092, %dma_wait3A_2093] : memref<32x8x128xf32, #tpu.memory_space<vmem>> -> memref<1x8x128xf32, #tpu.memory_space<vmem>>
      %dma_wait3A_2095 = tpu.memref_squeeze %dma_wait3A_2094 : memref<1x8x128xf32, #tpu.memory_space<vmem>> -> memref<8x128xf32, #tpu.memory_space<vmem>>
      %dma_wait3A_2096 = arith.constant 0 : i32
      %dma_wait3A_2097 = arith.constant 0 : i32
      %dma_wait3A_2098 = tpu.memref_slice %arg4[%dma_wait3A_2096, %dma_wait3A_2097] : memref<8x1000000xf32, #tpu.memory_space<hbm>> -> memref<8x128xf32, #tpu.memory_space<hbm>>
      tpu.wait_dma2 semaphore(%arg13 : memref<!tpu.dma_semaphore, #tpu.memory_space<semaphore_mem>>) src(%dma_wait3A_2098 : memref<8x128xf32, #tpu.memory_space<hbm>>) dst(%dma_wait3A_2095 : memref<8x128xf32, #tpu.memory_space<vmem>>)
      %dma_wait3A_2099 = arith.constant 8 : i32
      %dma_wait3A_2100 = arith.constant 0 : i32
      %dma_wait3A_2101 = arith.constant 0 : i32
      %dma_wait3A_2102 = tpu.memref_slice %arg7[%dma_wait3A_2099, %dma_wait3A_2100, %dma_wait3A_2101] : memref<32x8x128xf32, #tpu.memory_space<vmem>> -> memref<1x8x128xf32, #tpu.memory_space<vmem>>
      %dma_wait3A_2103 = tpu.memref_squeeze %dma_wait3A_2102 : memref<1x8x128xf32, #tpu.memory_space<vmem>> -> memref<8x128xf32, #tpu.memory_space<vmem>>
      %dma_wait3A_2104 = arith.constant 0 : i32
      %dma_wait3A_2105 = arith.constant 0 : i32
      %dma_wait3A_2106 = tpu.memref_slice %arg3[%dma_wait3A_2104, %dma_wait3A_2105] : memref<8x1000000xf32, #tpu.memory_space<hbm>> -> memref<8x128xf32, #tpu.memory_space<hbm>>
      %dma_wait3A_2107 = arith.constant 0 : i32
      %dma_wait3A_2108 = arith.constant 0 : i32
      %dma_wait3A_2109 = tpu.memref_slice %arg7[%dma_wait3A_2099, %dma_wait3A_2107, %dma_wait3A_2108] : memref<32x8x128xf32, #tpu.memory_space<vmem>> -> memref<1x8x128xf32, #tpu.memory_space<vmem>>
      %dma_wait3A_2110 = tpu.memref_squeeze %dma_wait3A_2109 : memref<1x8x128xf32, #tpu.memory_space<vmem>> -> memref<8x128xf32, #tpu.memory_space<vmem>>
      %dma_wait3A_2111 = arith.constant 0 : i32
      %dma_wait3A_2112 = arith.constant 0 : i32
      %dma_wait3A_2113 = tpu.memref_slice %arg3[%dma_wait3A_2111, %dma_wait3A_2112] : memref<8x1000000xf32, #tpu.memory_space<hbm>> -> memref<8x128xf32, #tpu.memory_space<hbm>>
      tpu.wait_dma2 semaphore(%arg12 : memref<!tpu.dma_semaphore, #tpu.memory_space<semaphore_mem>>) src(%dma_wait3A_2113 : memref<8x128xf32, #tpu.memory_space<hbm>>) dst(%dma_wait3A_2110 : memref<8x128xf32, #tpu.memory_space<vmem>>)
      %dma_wait3A_2114 = arith.constant 8 : i32
      %dma_wait3A_2115 = arith.constant 0 : i32
      %dma_wait3A_2116 = arith.constant 0 : i32
      %dma_wait3A_2117 = tpu.memref_slice %arg8[%dma_wait3A_2114, %dma_wait3A_2115, %dma_wait3A_2116] : memref<32x8x128xf32, #tpu.memory_space<vmem>> -> memref<1x8x128xf32, #tpu.memory_space<vmem>>
      %dma_wait3A_2118 = tpu.memref_squeeze %dma_wait3A_2117 : memref<1x8x128xf32, #tpu.memory_space<vmem>> -> memref<8x128xf32, #tpu.memory_space<vmem>>
      %dma_wait3A_2119 = arith.constant 0 : i32
      %dma_wait3A_2120 = arith.constant 0 : i32
      %dma_wait3A_2121 = tpu.memref_slice %arg4[%dma_wait3A_2119, %dma_wait3A_2120] : memref<8x1000000xf32, #tpu.memory_space<hbm>> -> memref<8x128xf32, #tpu.memory_space<hbm>>
      %dma_wait3A_2122 = arith.constant 0 : i32
      %dma_wait3A_2123 = arith.constant 0 : i32
      %dma_wait3A_2124 = tpu.memref_slice %arg8[%dma_wait3A_2114, %dma_wait3A_2122, %dma_wait3A_2123] : memref<32x8x128xf32, #tpu.memory_space<vmem>> -> memref<1x8x128xf32, #tpu.memory_space<vmem>>
      %dma_wait3A_2125 = tpu.memref_squeeze %dma_wait3A_2124 : memref<1x8x128xf32, #tpu.memory_space<vmem>> -> memref<8x128xf32, #tpu.memory_space<vmem>>
      %dma_wait3A_2126 = arith.constant 0 : i32
      %dma_wait3A_2127 = arith.constant 0 : i32
      %dma_wait3A_2128 = tpu.memref_slice %arg4[%dma_wait3A_2126, %dma_wait3A_2127] : memref<8x1000000xf32, #tpu.memory_space<hbm>> -> memref<8x128xf32, #tpu.memory_space<hbm>>
      tpu.wait_dma2 semaphore(%arg13 : memref<!tpu.dma_semaphore, #tpu.memory_space<semaphore_mem>>) src(%dma_wait3A_2128 : memref<8x128xf32, #tpu.memory_space<hbm>>) dst(%dma_wait3A_2125 : memref<8x128xf32, #tpu.memory_space<vmem>>)
      %dma_wait3A_2129 = arith.constant 9 : i32
      %dma_wait3A_2130 = arith.constant 0 : i32
      %dma_wait3A_2131 = arith.constant 0 : i32
      %dma_wait3A_2132 = tpu.memref_slice %arg7[%dma_wait3A_2129, %dma_wait3A_2130, %dma_wait3A_2131] : memref<32x8x128xf32, #tpu.memory_space<vmem>> -> memref<1x8x128xf32, #tpu.memory_space<vmem>>
      %dma_wait3A_2133 = tpu.memref_squeeze %dma_wait3A_2132 : memref<1x8x128xf32, #tpu.memory_space<vmem>> -> memref<8x128xf32, #tpu.memory_space<vmem>>
      %dma_wait3A_2134 = arith.constant 0 : i32
      %dma_wait3A_2135 = arith.constant 0 : i32
      %dma_wait3A_2136 = tpu.memref_slice %arg3[%dma_wait3A_2134, %dma_wait3A_2135] : memref<8x1000000xf32, #tpu.memory_space<hbm>> -> memref<8x128xf32, #tpu.memory_space<hbm>>
      %dma_wait3A_2137 = arith.constant 0 : i32
      %dma_wait3A_2138 = arith.constant 0 : i32
      %dma_wait3A_2139 = tpu.memref_slice %arg7[%dma_wait3A_2129, %dma_wait3A_2137, %dma_wait3A_2138] : memref<32x8x128xf32, #tpu.memory_space<vmem>> -> memref<1x8x128xf32, #tpu.memory_space<vmem>>
      %dma_wait3A_2140 = tpu.memref_squeeze %dma_wait3A_2139 : memref<1x8x128xf32, #tpu.memory_space<vmem>> -> memref<8x128xf32, #tpu.memory_space<vmem>>
      %dma_wait3A_2141 = arith.constant 0 : i32
      %dma_wait3A_2142 = arith.constant 0 : i32
      %dma_wait3A_2143 = tpu.memref_slice %arg3[%dma_wait3A_2141, %dma_wait3A_2142] : memref<8x1000000xf32, #tpu.memory_space<hbm>> -> memref<8x128xf32, #tpu.memory_space<hbm>>
      tpu.wait_dma2 semaphore(%arg12 : memref<!tpu.dma_semaphore, #tpu.memory_space<semaphore_mem>>) src(%dma_wait3A_2143 : memref<8x128xf32, #tpu.memory_space<hbm>>) dst(%dma_wait3A_2140 : memref<8x128xf32, #tpu.memory_space<vmem>>)
      %dma_wait3A_2144 = arith.constant 9 : i32
      %dma_wait3A_2145 = arith.constant 0 : i32
      %dma_wait3A_2146 = arith.constant 0 : i32
      %dma_wait3A_2147 = tpu.memref_slice %arg8[%dma_wait3A_2144, %dma_wait3A_2145, %dma_wait3A_2146] : memref<32x8x128xf32, #tpu.memory_space<vmem>> -> memref<1x8x128xf32, #tpu.memory_space<vmem>>
      %dma_wait3A_2148 = tpu.memref_squeeze %dma_wait3A_2147 : memref<1x8x128xf32, #tpu.memory_space<vmem>> -> memref<8x128xf32, #tpu.memory_space<vmem>>
      %dma_wait3A_2149 = arith.constant 0 : i32
      %dma_wait3A_2150 = arith.constant 0 : i32
      %dma_wait3A_2151 = tpu.memref_slice %arg4[%dma_wait3A_2149, %dma_wait3A_2150] : memref<8x1000000xf32, #tpu.memory_space<hbm>> -> memref<8x128xf32, #tpu.memory_space<hbm>>
      %dma_wait3A_2152 = arith.constant 0 : i32
      %dma_wait3A_2153 = arith.constant 0 : i32
      %dma_wait3A_2154 = tpu.memref_slice %arg8[%dma_wait3A_2144, %dma_wait3A_2152, %dma_wait3A_2153] : memref<32x8x128xf32, #tpu.memory_space<vmem>> -> memref<1x8x128xf32, #tpu.memory_space<vmem>>
      %dma_wait3A_2155 = tpu.memref_squeeze %dma_wait3A_2154 : memref<1x8x128xf32, #tpu.memory_space<vmem>> -> memref<8x128xf32, #tpu.memory_space<vmem>>
      %dma_wait3A_2156 = arith.constant 0 : i32
      %dma_wait3A_2157 = arith.constant 0 : i32
      %dma_wait3A_2158 = tpu.memref_slice %arg4[%dma_wait3A_2156, %dma_wait3A_2157] : memref<8x1000000xf32, #tpu.memory_space<hbm>> -> memref<8x128xf32, #tpu.memory_space<hbm>>
      tpu.wait_dma2 semaphore(%arg13 : memref<!tpu.dma_semaphore, #tpu.memory_space<semaphore_mem>>) src(%dma_wait3A_2158 : memref<8x128xf32, #tpu.memory_space<hbm>>) dst(%dma_wait3A_2155 : memref<8x128xf32, #tpu.memory_space<vmem>>)
      %dma_wait3A_2159 = arith.constant 10 : i32
      %dma_wait3A_2160 = arith.constant 0 : i32
      %dma_wait3A_2161 = arith.constant 0 : i32
      %dma_wait3A_2162 = tpu.memref_slice %arg7[%dma_wait3A_2159, %dma_wait3A_2160, %dma_wait3A_2161] : memref<32x8x128xf32, #tpu.memory_space<vmem>> -> memref<1x8x128xf32, #tpu.memory_space<vmem>>
      %dma_wait3A_2163 = tpu.memref_squeeze %dma_wait3A_2162 : memref<1x8x128xf32, #tpu.memory_space<vmem>> -> memref<8x128xf32, #tpu.memory_space<vmem>>
      %dma_wait3A_2164 = arith.constant 0 : i32
      %dma_wait3A_2165 = arith.constant 0 : i32
      %dma_wait3A_2166 = tpu.memref_slice %arg3[%dma_wait3A_2164, %dma_wait3A_2165] : memref<8x1000000xf32, #tpu.memory_space<hbm>> -> memref<8x128xf32, #tpu.memory_space<hbm>>
      %dma_wait3A_2167 = arith.constant 0 : i32
      %dma_wait3A_2168 = arith.constant 0 : i32
      %dma_wait3A_2169 = tpu.memref_slice %arg7[%dma_wait3A_2159, %dma_wait3A_2167, %dma_wait3A_2168] : memref<32x8x128xf32, #tpu.memory_space<vmem>> -> memref<1x8x128xf32, #tpu.memory_space<vmem>>
      %dma_wait3A_2170 = tpu.memref_squeeze %dma_wait3A_2169 : memref<1x8x128xf32, #tpu.memory_space<vmem>> -> memref<8x128xf32, #tpu.memory_space<vmem>>
      %dma_wait3A_2171 = arith.constant 0 : i32
      %dma_wait3A_2172 = arith.constant 0 : i32
      %dma_wait3A_2173 = tpu.memref_slice %arg3[%dma_wait3A_2171, %dma_wait3A_2172] : memref<8x1000000xf32, #tpu.memory_space<hbm>> -> memref<8x128xf32, #tpu.memory_space<hbm>>
      tpu.wait_dma2 semaphore(%arg12 : memref<!tpu.dma_semaphore, #tpu.memory_space<semaphore_mem>>) src(%dma_wait3A_2173 : memref<8x128xf32, #tpu.memory_space<hbm>>) dst(%dma_wait3A_2170 : memref<8x128xf32, #tpu.memory_space<vmem>>)
      %dma_wait3A_2174 = arith.constant 10 : i32
      %dma_wait3A_2175 = arith.constant 0 : i32
      %dma_wait3A_2176 = arith.constant 0 : i32
      %dma_wait3A_2177 = tpu.memref_slice %arg8[%dma_wait3A_2174, %dma_wait3A_2175, %dma_wait3A_2176] : memref<32x8x128xf32, #tpu.memory_space<vmem>> -> memref<1x8x128xf32, #tpu.memory_space<vmem>>
      %dma_wait3A_2178 = tpu.memref_squeeze %dma_wait3A_2177 : memref<1x8x128xf32, #tpu.memory_space<vmem>> -> memref<8x128xf32, #tpu.memory_space<vmem>>
      %dma_wait3A_2179 = arith.constant 0 : i32
      %dma_wait3A_2180 = arith.constant 0 : i32
      %dma_wait3A_2181 = tpu.memref_slice %arg4[%dma_wait3A_2179, %dma_wait3A_2180] : memref<8x1000000xf32, #tpu.memory_space<hbm>> -> memref<8x128xf32, #tpu.memory_space<hbm>>
      %dma_wait3A_2182 = arith.constant 0 : i32
      %dma_wait3A_2183 = arith.constant 0 : i32
      %dma_wait3A_2184 = tpu.memref_slice %arg8[%dma_wait3A_2174, %dma_wait3A_2182, %dma_wait3A_2183] : memref<32x8x128xf32, #tpu.memory_space<vmem>> -> memref<1x8x128xf32, #tpu.memory_space<vmem>>
      %dma_wait3A_2185 = tpu.memref_squeeze %dma_wait3A_2184 : memref<1x8x128xf32, #tpu.memory_space<vmem>> -> memref<8x128xf32, #tpu.memory_space<vmem>>
      %dma_wait3A_2186 = arith.constant 0 : i32
      %dma_wait3A_2187 = arith.constant 0 : i32
      %dma_wait3A_2188 = tpu.memref_slice %arg4[%dma_wait3A_2186, %dma_wait3A_2187] : memref<8x1000000xf32, #tpu.memory_space<hbm>> -> memref<8x128xf32, #tpu.memory_space<hbm>>
      tpu.wait_dma2 semaphore(%arg13 : memref<!tpu.dma_semaphore, #tpu.memory_space<semaphore_mem>>) src(%dma_wait3A_2188 : memref<8x128xf32, #tpu.memory_space<hbm>>) dst(%dma_wait3A_2185 : memref<8x128xf32, #tpu.memory_space<vmem>>)
      %dma_wait3A_2189 = arith.constant 11 : i32
      %dma_wait3A_2190 = arith.constant 0 : i32
      %dma_wait3A_2191 = arith.constant 0 : i32
      %dma_wait3A_2192 = tpu.memref_slice %arg7[%dma_wait3A_2189, %dma_wait3A_2190, %dma_wait3A_2191] : memref<32x8x128xf32, #tpu.memory_space<vmem>> -> memref<1x8x128xf32, #tpu.memory_space<vmem>>
      %dma_wait3A_2193 = tpu.memref_squeeze %dma_wait3A_2192 : memref<1x8x128xf32, #tpu.memory_space<vmem>> -> memref<8x128xf32, #tpu.memory_space<vmem>>
      %dma_wait3A_2194 = arith.constant 0 : i32
      %dma_wait3A_2195 = arith.constant 0 : i32
      %dma_wait3A_2196 = tpu.memref_slice %arg3[%dma_wait3A_2194, %dma_wait3A_2195] : memref<8x1000000xf32, #tpu.memory_space<hbm>> -> memref<8x128xf32, #tpu.memory_space<hbm>>
      %dma_wait3A_2197 = arith.constant 0 : i32
      %dma_wait3A_2198 = arith.constant 0 : i32
      %dma_wait3A_2199 = tpu.memref_slice %arg7[%dma_wait3A_2189, %dma_wait3A_2197, %dma_wait3A_2198] : memref<32x8x128xf32, #tpu.memory_space<vmem>> -> memref<1x8x128xf32, #tpu.memory_space<vmem>>
      %dma_wait3A_2200 = tpu.memref_squeeze %dma_wait3A_2199 : memref<1x8x128xf32, #tpu.memory_space<vmem>> -> memref<8x128xf32, #tpu.memory_space<vmem>>
      %dma_wait3A_2201 = arith.constant 0 : i32
      %dma_wait3A_2202 = arith.constant 0 : i32
      %dma_wait3A_2203 = tpu.memref_slice %arg3[%dma_wait3A_2201, %dma_wait3A_2202] : memref<8x1000000xf32, #tpu.memory_space<hbm>> -> memref<8x128xf32, #tpu.memory_space<hbm>>
      tpu.wait_dma2 semaphore(%arg12 : memref<!tpu.dma_semaphore, #tpu.memory_space<semaphore_mem>>) src(%dma_wait3A_2203 : memref<8x128xf32, #tpu.memory_space<hbm>>) dst(%dma_wait3A_2200 : memref<8x128xf32, #tpu.memory_space<vmem>>)
      %dma_wait3A_2204 = arith.constant 11 : i32
      %dma_wait3A_2205 = arith.constant 0 : i32
      %dma_wait3A_2206 = arith.constant 0 : i32
      %dma_wait3A_2207 = tpu.memref_slice %arg8[%dma_wait3A_2204, %dma_wait3A_2205, %dma_wait3A_2206] : memref<32x8x128xf32, #tpu.memory_space<vmem>> -> memref<1x8x128xf32, #tpu.memory_space<vmem>>
      %dma_wait3A_2208 = tpu.memref_squeeze %dma_wait3A_2207 : memref<1x8x128xf32, #tpu.memory_space<vmem>> -> memref<8x128xf32, #tpu.memory_space<vmem>>
      %dma_wait3A_2209 = arith.constant 0 : i32
      %dma_wait3A_2210 = arith.constant 0 : i32
      %dma_wait3A_2211 = tpu.memref_slice %arg4[%dma_wait3A_2209, %dma_wait3A_2210] : memref<8x1000000xf32, #tpu.memory_space<hbm>> -> memref<8x128xf32, #tpu.memory_space<hbm>>
      %dma_wait3A_2212 = arith.constant 0 : i32
      %dma_wait3A_2213 = arith.constant 0 : i32
      %dma_wait3A_2214 = tpu.memref_slice %arg8[%dma_wait3A_2204, %dma_wait3A_2212, %dma_wait3A_2213] : memref<32x8x128xf32, #tpu.memory_space<vmem>> -> memref<1x8x128xf32, #tpu.memory_space<vmem>>
      %dma_wait3A_2215 = tpu.memref_squeeze %dma_wait3A_2214 : memref<1x8x128xf32, #tpu.memory_space<vmem>> -> memref<8x128xf32, #tpu.memory_space<vmem>>
      %dma_wait3A_2216 = arith.constant 0 : i32
      %dma_wait3A_2217 = arith.constant 0 : i32
      %dma_wait3A_2218 = tpu.memref_slice %arg4[%dma_wait3A_2216, %dma_wait3A_2217] : memref<8x1000000xf32, #tpu.memory_space<hbm>> -> memref<8x128xf32, #tpu.memory_space<hbm>>
      tpu.wait_dma2 semaphore(%arg13 : memref<!tpu.dma_semaphore, #tpu.memory_space<semaphore_mem>>) src(%dma_wait3A_2218 : memref<8x128xf32, #tpu.memory_space<hbm>>) dst(%dma_wait3A_2215 : memref<8x128xf32, #tpu.memory_space<vmem>>)
      %dma_wait3A_2219 = arith.constant 12 : i32
      %dma_wait3A_2220 = arith.constant 0 : i32
      %dma_wait3A_2221 = arith.constant 0 : i32
      %dma_wait3A_2222 = tpu.memref_slice %arg7[%dma_wait3A_2219, %dma_wait3A_2220, %dma_wait3A_2221] : memref<32x8x128xf32, #tpu.memory_space<vmem>> -> memref<1x8x128xf32, #tpu.memory_space<vmem>>
      %dma_wait3A_2223 = tpu.memref_squeeze %dma_wait3A_2222 : memref<1x8x128xf32, #tpu.memory_space<vmem>> -> memref<8x128xf32, #tpu.memory_space<vmem>>
      %dma_wait3A_2224 = arith.constant 0 : i32
      %dma_wait3A_2225 = arith.constant 0 : i32
      %dma_wait3A_2226 = tpu.memref_slice %arg3[%dma_wait3A_2224, %dma_wait3A_2225] : memref<8x1000000xf32, #tpu.memory_space<hbm>> -> memref<8x128xf32, #tpu.memory_space<hbm>>
      %dma_wait3A_2227 = arith.constant 0 : i32
      %dma_wait3A_2228 = arith.constant 0 : i32
      %dma_wait3A_2229 = tpu.memref_slice %arg7[%dma_wait3A_2219, %dma_wait3A_2227, %dma_wait3A_2228] : memref<32x8x128xf32, #tpu.memory_space<vmem>> -> memref<1x8x128xf32, #tpu.memory_space<vmem>>
      %dma_wait3A_2230 = tpu.memref_squeeze %dma_wait3A_2229 : memref<1x8x128xf32, #tpu.memory_space<vmem>> -> memref<8x128xf32, #tpu.memory_space<vmem>>
      %dma_wait3A_2231 = arith.constant 0 : i32
      %dma_wait3A_2232 = arith.constant 0 : i32
      %dma_wait3A_2233 = tpu.memref_slice %arg3[%dma_wait3A_2231, %dma_wait3A_2232] : memref<8x1000000xf32, #tpu.memory_space<hbm>> -> memref<8x128xf32, #tpu.memory_space<hbm>>
      tpu.wait_dma2 semaphore(%arg12 : memref<!tpu.dma_semaphore, #tpu.memory_space<semaphore_mem>>) src(%dma_wait3A_2233 : memref<8x128xf32, #tpu.memory_space<hbm>>) dst(%dma_wait3A_2230 : memref<8x128xf32, #tpu.memory_space<vmem>>)
      %dma_wait3A_2234 = arith.constant 12 : i32
      %dma_wait3A_2235 = arith.constant 0 : i32
      %dma_wait3A_2236 = arith.constant 0 : i32
      %dma_wait3A_2237 = tpu.memref_slice %arg8[%dma_wait3A_2234, %dma_wait3A_2235, %dma_wait3A_2236] : memref<32x8x128xf32, #tpu.memory_space<vmem>> -> memref<1x8x128xf32, #tpu.memory_space<vmem>>
      %dma_wait3A_2238 = tpu.memref_squeeze %dma_wait3A_2237 : memref<1x8x128xf32, #tpu.memory_space<vmem>> -> memref<8x128xf32, #tpu.memory_space<vmem>>
      %dma_wait3A_2239 = arith.constant 0 : i32
      %dma_wait3A_2240 = arith.constant 0 : i32
      %dma_wait3A_2241 = tpu.memref_slice %arg4[%dma_wait3A_2239, %dma_wait3A_2240] : memref<8x1000000xf32, #tpu.memory_space<hbm>> -> memref<8x128xf32, #tpu.memory_space<hbm>>
      %dma_wait3A_2242 = arith.constant 0 : i32
      %dma_wait3A_2243 = arith.constant 0 : i32
      %dma_wait3A_2244 = tpu.memref_slice %arg8[%dma_wait3A_2234, %dma_wait3A_2242, %dma_wait3A_2243] : memref<32x8x128xf32, #tpu.memory_space<vmem>> -> memref<1x8x128xf32, #tpu.memory_space<vmem>>
      %dma_wait3A_2245 = tpu.memref_squeeze %dma_wait3A_2244 : memref<1x8x128xf32, #tpu.memory_space<vmem>> -> memref<8x128xf32, #tpu.memory_space<vmem>>
      %dma_wait3A_2246 = arith.constant 0 : i32
      %dma_wait3A_2247 = arith.constant 0 : i32
      %dma_wait3A_2248 = tpu.memref_slice %arg4[%dma_wait3A_2246, %dma_wait3A_2247] : memref<8x1000000xf32, #tpu.memory_space<hbm>> -> memref<8x128xf32, #tpu.memory_space<hbm>>
      tpu.wait_dma2 semaphore(%arg13 : memref<!tpu.dma_semaphore, #tpu.memory_space<semaphore_mem>>) src(%dma_wait3A_2248 : memref<8x128xf32, #tpu.memory_space<hbm>>) dst(%dma_wait3A_2245 : memref<8x128xf32, #tpu.memory_space<vmem>>)
      %dma_wait3A_2249 = arith.constant 13 : i32
      %dma_wait3A_2250 = arith.constant 0 : i32
      %dma_wait3A_2251 = arith.constant 0 : i32
      %dma_wait3A_2252 = tpu.memref_slice %arg7[%dma_wait3A_2249, %dma_wait3A_2250, %dma_wait3A_2251] : memref<32x8x128xf32, #tpu.memory_space<vmem>> -> memref<1x8x128xf32, #tpu.memory_space<vmem>>
      %dma_wait3A_2253 = tpu.memref_squeeze %dma_wait3A_2252 : memref<1x8x128xf32, #tpu.memory_space<vmem>> -> memref<8x128xf32, #tpu.memory_space<vmem>>
      %dma_wait3A_2254 = arith.constant 0 : i32
      %dma_wait3A_2255 = arith.constant 0 : i32
      %dma_wait3A_2256 = tpu.memref_slice %arg3[%dma_wait3A_2254, %dma_wait3A_2255] : memref<8x1000000xf32, #tpu.memory_space<hbm>> -> memref<8x128xf32, #tpu.memory_space<hbm>>
      %dma_wait3A_2257 = arith.constant 0 : i32
      %dma_wait3A_2258 = arith.constant 0 : i32
      %dma_wait3A_2259 = tpu.memref_slice %arg7[%dma_wait3A_2249, %dma_wait3A_2257, %dma_wait3A_2258] : memref<32x8x128xf32, #tpu.memory_space<vmem>> -> memref<1x8x128xf32, #tpu.memory_space<vmem>>
      %dma_wait3A_2260 = tpu.memref_squeeze %dma_wait3A_2259 : memref<1x8x128xf32, #tpu.memory_space<vmem>> -> memref<8x128xf32, #tpu.memory_space<vmem>>
      %dma_wait3A_2261 = arith.constant 0 : i32
      %dma_wait3A_2262 = arith.constant 0 : i32
      %dma_wait3A_2263 = tpu.memref_slice %arg3[%dma_wait3A_2261, %dma_wait3A_2262] : memref<8x1000000xf32, #tpu.memory_space<hbm>> -> memref<8x128xf32, #tpu.memory_space<hbm>>
      tpu.wait_dma2 semaphore(%arg12 : memref<!tpu.dma_semaphore, #tpu.memory_space<semaphore_mem>>) src(%dma_wait3A_2263 : memref<8x128xf32, #tpu.memory_space<hbm>>) dst(%dma_wait3A_2260 : memref<8x128xf32, #tpu.memory_space<vmem>>)
      %dma_wait3A_2264 = arith.constant 13 : i32
      %dma_wait3A_2265 = arith.constant 0 : i32
      %dma_wait3A_2266 = arith.constant 0 : i32
      %dma_wait3A_2267 = tpu.memref_slice %arg8[%dma_wait3A_2264, %dma_wait3A_2265, %dma_wait3A_2266] : memref<32x8x128xf32, #tpu.memory_space<vmem>> -> memref<1x8x128xf32, #tpu.memory_space<vmem>>
      %dma_wait3A_2268 = tpu.memref_squeeze %dma_wait3A_2267 : memref<1x8x128xf32, #tpu.memory_space<vmem>> -> memref<8x128xf32, #tpu.memory_space<vmem>>
      %dma_wait3A_2269 = arith.constant 0 : i32
      %dma_wait3A_2270 = arith.constant 0 : i32
      %dma_wait3A_2271 = tpu.memref_slice %arg4[%dma_wait3A_2269, %dma_wait3A_2270] : memref<8x1000000xf32, #tpu.memory_space<hbm>> -> memref<8x128xf32, #tpu.memory_space<hbm>>
      %dma_wait3A_2272 = arith.constant 0 : i32
      %dma_wait3A_2273 = arith.constant 0 : i32
      %dma_wait3A_2274 = tpu.memref_slice %arg8[%dma_wait3A_2264, %dma_wait3A_2272, %dma_wait3A_2273] : memref<32x8x128xf32, #tpu.memory_space<vmem>> -> memref<1x8x128xf32, #tpu.memory_space<vmem>>
      %dma_wait3A_2275 = tpu.memref_squeeze %dma_wait3A_2274 : memref<1x8x128xf32, #tpu.memory_space<vmem>> -> memref<8x128xf32, #tpu.memory_space<vmem>>
      %dma_wait3A_2276 = arith.constant 0 : i32
      %dma_wait3A_2277 = arith.constant 0 : i32
      %dma_wait3A_2278 = tpu.memref_slice %arg4[%dma_wait3A_2276, %dma_wait3A_2277] : memref<8x1000000xf32, #tpu.memory_space<hbm>> -> memref<8x128xf32, #tpu.memory_space<hbm>>
      tpu.wait_dma2 semaphore(%arg13 : memref<!tpu.dma_semaphore, #tpu.memory_space<semaphore_mem>>) src(%dma_wait3A_2278 : memref<8x128xf32, #tpu.memory_space<hbm>>) dst(%dma_wait3A_2275 : memref<8x128xf32, #tpu.memory_space<vmem>>)
      %dma_wait3A_2279 = arith.constant 14 : i32
      %dma_wait3A_2280 = arith.constant 0 : i32
      %dma_wait3A_2281 = arith.constant 0 : i32
      %dma_wait3A_2282 = tpu.memref_slice %arg7[%dma_wait3A_2279, %dma_wait3A_2280, %dma_wait3A_2281] : memref<32x8x128xf32, #tpu.memory_space<vmem>> -> memref<1x8x128xf32, #tpu.memory_space<vmem>>
      %dma_wait3A_2283 = tpu.memref_squeeze %dma_wait3A_2282 : memref<1x8x128xf32, #tpu.memory_space<vmem>> -> memref<8x128xf32, #tpu.memory_space<vmem>>
      %dma_wait3A_2284 = arith.constant 0 : i32
      %dma_wait3A_2285 = arith.constant 0 : i32
      %dma_wait3A_2286 = tpu.memref_slice %arg3[%dma_wait3A_2284, %dma_wait3A_2285] : memref<8x1000000xf32, #tpu.memory_space<hbm>> -> memref<8x128xf32, #tpu.memory_space<hbm>>
      %dma_wait3A_2287 = arith.constant 0 : i32
      %dma_wait3A_2288 = arith.constant 0 : i32
      %dma_wait3A_2289 = tpu.memref_slice %arg7[%dma_wait3A_2279, %dma_wait3A_2287, %dma_wait3A_2288] : memref<32x8x128xf32, #tpu.memory_space<vmem>> -> memref<1x8x128xf32, #tpu.memory_space<vmem>>
      %dma_wait3A_2290 = tpu.memref_squeeze %dma_wait3A_2289 : memref<1x8x128xf32, #tpu.memory_space<vmem>> -> memref<8x128xf32, #tpu.memory_space<vmem>>
      %dma_wait3A_2291 = arith.constant 0 : i32
      %dma_wait3A_2292 = arith.constant 0 : i32
      %dma_wait3A_2293 = tpu.memref_slice %arg3[%dma_wait3A_2291, %dma_wait3A_2292] : memref<8x1000000xf32, #tpu.memory_space<hbm>> -> memref<8x128xf32, #tpu.memory_space<hbm>>
      tpu.wait_dma2 semaphore(%arg12 : memref<!tpu.dma_semaphore, #tpu.memory_space<semaphore_mem>>) src(%dma_wait3A_2293 : memref<8x128xf32, #tpu.memory_space<hbm>>) dst(%dma_wait3A_2290 : memref<8x128xf32, #tpu.memory_space<vmem>>)
      %dma_wait3A_2294 = arith.constant 14 : i32
      %dma_wait3A_2295 = arith.constant 0 : i32
      %dma_wait3A_2296 = arith.constant 0 : i32
      %dma_wait3A_2297 = tpu.memref_slice %arg8[%dma_wait3A_2294, %dma_wait3A_2295, %dma_wait3A_2296] : memref<32x8x128xf32, #tpu.memory_space<vmem>> -> memref<1x8x128xf32, #tpu.memory_space<vmem>>
      %dma_wait3A_2298 = tpu.memref_squeeze %dma_wait3A_2297 : memref<1x8x128xf32, #tpu.memory_space<vmem>> -> memref<8x128xf32, #tpu.memory_space<vmem>>
      %dma_wait3A_2299 = arith.constant 0 : i32
      %dma_wait3A_2300 = arith.constant 0 : i32
      %dma_wait3A_2301 = tpu.memref_slice %arg4[%dma_wait3A_2299, %dma_wait3A_2300] : memref<8x1000000xf32, #tpu.memory_space<hbm>> -> memref<8x128xf32, #tpu.memory_space<hbm>>
      %dma_wait3A_2302 = arith.constant 0 : i32
      %dma_wait3A_2303 = arith.constant 0 : i32
      %dma_wait3A_2304 = tpu.memref_slice %arg8[%dma_wait3A_2294, %dma_wait3A_2302, %dma_wait3A_2303] : memref<32x8x128xf32, #tpu.memory_space<vmem>> -> memref<1x8x128xf32, #tpu.memory_space<vmem>>
      %dma_wait3A_2305 = tpu.memref_squeeze %dma_wait3A_2304 : memref<1x8x128xf32, #tpu.memory_space<vmem>> -> memref<8x128xf32, #tpu.memory_space<vmem>>
      %dma_wait3A_2306 = arith.constant 0 : i32
      %dma_wait3A_2307 = arith.constant 0 : i32
      %dma_wait3A_2308 = tpu.memref_slice %arg4[%dma_wait3A_2306, %dma_wait3A_2307] : memref<8x1000000xf32, #tpu.memory_space<hbm>> -> memref<8x128xf32, #tpu.memory_space<hbm>>
      tpu.wait_dma2 semaphore(%arg13 : memref<!tpu.dma_semaphore, #tpu.memory_space<semaphore_mem>>) src(%dma_wait3A_2308 : memref<8x128xf32, #tpu.memory_space<hbm>>) dst(%dma_wait3A_2305 : memref<8x128xf32, #tpu.memory_space<vmem>>)
      %dma_wait3A_2309 = arith.constant 15 : i32
      %dma_wait3A_2310 = arith.constant 0 : i32
      %dma_wait3A_2311 = arith.constant 0 : i32
      %dma_wait3A_2312 = tpu.memref_slice %arg7[%dma_wait3A_2309, %dma_wait3A_2310, %dma_wait3A_2311] : memref<32x8x128xf32, #tpu.memory_space<vmem>> -> memref<1x8x128xf32, #tpu.memory_space<vmem>>
      %dma_wait3A_2313 = tpu.memref_squeeze %dma_wait3A_2312 : memref<1x8x128xf32, #tpu.memory_space<vmem>> -> memref<8x128xf32, #tpu.memory_space<vmem>>
      %dma_wait3A_2314 = arith.constant 0 : i32
      %dma_wait3A_2315 = arith.constant 0 : i32
      %dma_wait3A_2316 = tpu.memref_slice %arg3[%dma_wait3A_2314, %dma_wait3A_2315] : memref<8x1000000xf32, #tpu.memory_space<hbm>> -> memref<8x128xf32, #tpu.memory_space<hbm>>
      %dma_wait3A_2317 = arith.constant 0 : i32
      %dma_wait3A_2318 = arith.constant 0 : i32
      %dma_wait3A_2319 = tpu.memref_slice %arg7[%dma_wait3A_2309, %dma_wait3A_2317, %dma_wait3A_2318] : memref<32x8x128xf32, #tpu.memory_space<vmem>> -> memref<1x8x128xf32, #tpu.memory_space<vmem>>
      %dma_wait3A_2320 = tpu.memref_squeeze %dma_wait3A_2319 : memref<1x8x128xf32, #tpu.memory_space<vmem>> -> memref<8x128xf32, #tpu.memory_space<vmem>>
      %dma_wait3A_2321 = arith.constant 0 : i32
      %dma_wait3A_2322 = arith.constant 0 : i32
      %dma_wait3A_2323 = tpu.memref_slice %arg3[%dma_wait3A_2321, %dma_wait3A_2322] : memref<8x1000000xf32, #tpu.memory_space<hbm>> -> memref<8x128xf32, #tpu.memory_space<hbm>>
      tpu.wait_dma2 semaphore(%arg12 : memref<!tpu.dma_semaphore, #tpu.memory_space<semaphore_mem>>) src(%dma_wait3A_2323 : memref<8x128xf32, #tpu.memory_space<hbm>>) dst(%dma_wait3A_2320 : memref<8x128xf32, #tpu.memory_space<vmem>>)
      %dma_wait3A_2324 = arith.constant 15 : i32
      %dma_wait3A_2325 = arith.constant 0 : i32
      %dma_wait3A_2326 = arith.constant 0 : i32
      %dma_wait3A_2327 = tpu.memref_slice %arg8[%dma_wait3A_2324, %dma_wait3A_2325, %dma_wait3A_2326] : memref<32x8x128xf32, #tpu.memory_space<vmem>> -> memref<1x8x128xf32, #tpu.memory_space<vmem>>
      %dma_wait3A_2328 = tpu.memref_squeeze %dma_wait3A_2327 : memref<1x8x128xf32, #tpu.memory_space<vmem>> -> memref<8x128xf32, #tpu.memory_space<vmem>>
      %dma_wait3A_2329 = arith.constant 0 : i32
      %dma_wait3A_2330 = arith.constant 0 : i32
      %dma_wait3A_2331 = tpu.memref_slice %arg4[%dma_wait3A_2329, %dma_wait3A_2330] : memref<8x1000000xf32, #tpu.memory_space<hbm>> -> memref<8x128xf32, #tpu.memory_space<hbm>>
      %dma_wait3A_2332 = arith.constant 0 : i32
      %dma_wait3A_2333 = arith.constant 0 : i32
      %dma_wait3A_2334 = tpu.memref_slice %arg8[%dma_wait3A_2324, %dma_wait3A_2332, %dma_wait3A_2333] : memref<32x8x128xf32, #tpu.memory_space<vmem>> -> memref<1x8x128xf32, #tpu.memory_space<vmem>>
      %dma_wait3A_2335 = tpu.memref_squeeze %dma_wait3A_2334 : memref<1x8x128xf32, #tpu.memory_space<vmem>> -> memref<8x128xf32, #tpu.memory_space<vmem>>
      %dma_wait3A_2336 = arith.constant 0 : i32
      %dma_wait3A_2337 = arith.constant 0 : i32
      %dma_wait3A_2338 = tpu.memref_slice %arg4[%dma_wait3A_2336, %dma_wait3A_2337] : memref<8x1000000xf32, #tpu.memory_space<hbm>> -> memref<8x128xf32, #tpu.memory_space<hbm>>
      tpu.wait_dma2 semaphore(%arg13 : memref<!tpu.dma_semaphore, #tpu.memory_space<semaphore_mem>>) src(%dma_wait3A_2338 : memref<8x128xf32, #tpu.memory_space<hbm>>) dst(%dma_wait3A_2335 : memref<8x128xf32, #tpu.memory_space<vmem>>)
      %add3A_2339 = arith.constant 1 : i32
      %add3A_2340 = arith.addi %mul3A_653, %add3A_2339 : i32
      %mul3A_2341 = arith.constant 16 : i32
      %mul3A_2342 = arith.muli %add3A_2340, %mul3A_2341 : i32
      %get3A_2343 = arith.constant 0 : i32
      %get3A_2344 = arith.index_cast %get3A_2343 : i32 to index
      %get3A_2345 = arith.index_cast %mul3A_2342 : i32 to index
      %get3A_2346 = tpu.vector_load %arg6[%get3A_2344, %get3A_2345] {strides = array<i32>} : memref<2x512xi32, #tpu.memory_space<vmem>>, vector<16xi32>,
      %mul3A_2347 = arith.constant 16 : i32
      %mul3A_2348 = arith.muli %add3A_2340, %mul3A_2347 : i32
      %get3A_2349 = arith.constant 1 : i32
      %get3A_2350 = arith.index_cast %get3A_2349 : i32 to index
      %get3A_2351 = arith.index_cast %mul3A_2348 : i32 to index
      %get3A_2352 = tpu.vector_load %arg6[%get3A_2350, %get3A_2351] {strides = array<i32>} : memref<2x512xi32, #tpu.memory_space<vmem>>, vector<16xi32>,
      %and3A_2353 = arith.andi %get3A_2346, %broadcast_in_dim3A_3 : vector<16xi32>
      %and3A_2354 = arith.andi %get3A_2352, %broadcast_in_dim3A_3 : vector<16xi32>
      %add3A_2355 = arith.constant 16 : i32
      %add3A_2356 = vector.broadcast %add3A_2355 : i32 to vector<16xi32>
      %add3A_2357 = arith.addi %add3A_2356, %iota3A : vector<16xi32>
      %broadcast_in_dim3A_2358 = arith.constant 0.000000e+00 : f32
      %broadcast_in_dim3A_2359 = vector.broadcast %broadcast_in_dim3A_2358 : f32 to vector<16xf32>
      %broadcast_in_dim3A_2360 = arith.constant 0 : i32
      %broadcast_in_dim3A_2361 = vector.broadcast %broadcast_in_dim3A_2360 : i32 to vector<16xi32>
      %gather3A_2362 = tpu.vector_load_idx %arg7[%add3A_2357, %broadcast_in_dim3A_2361, %and3A_2353] : memref<32x8x128xf32, #tpu.memory_space<vmem>>[vector<16xi32>, vector<16xi32>, vector<16xi32>], vector<16xf32>,
      %gather3A_2363 = tpu.vector_load_idx %arg8[%add3A_2357, %broadcast_in_dim3A_2361, %and3A_2354] : memref<32x8x128xf32, #tpu.memory_space<vmem>>[vector<16xi32>, vector<16xi32>, vector<16xi32>], vector<16xf32>,
      %mul3A_2364 = arith.mulf %gather3A_2362, %gather3A_2363 : vector<16xf32>
      %add3A_2365 = arith.addf %broadcast_in_dim3A_2359, %mul3A_2364 : vector<16xf32>
      %broadcast_in_dim3A_2366 = arith.constant 1 : i32
      %broadcast_in_dim3A_2367 = vector.broadcast %broadcast_in_dim3A_2366 : i32 to vector<16xi32>
      %gather3A_2368 = tpu.vector_load_idx %arg7[%add3A_2357, %broadcast_in_dim3A_2367, %and3A_2353] : memref<32x8x128xf32, #tpu.memory_space<vmem>>[vector<16xi32>, vector<16xi32>, vector<16xi32>], vector<16xf32>,
      %gather3A_2369 = tpu.vector_load_idx %arg8[%add3A_2357, %broadcast_in_dim3A_2367, %and3A_2354] : memref<32x8x128xf32, #tpu.memory_space<vmem>>[vector<16xi32>, vector<16xi32>, vector<16xi32>], vector<16xf32>,
      %mul3A_2370 = arith.mulf %gather3A_2368, %gather3A_2369 : vector<16xf32>
      %add3A_2371 = arith.addf %add3A_2365, %mul3A_2370 : vector<16xf32>
      %broadcast_in_dim3A_2372 = arith.constant 2 : i32
      %broadcast_in_dim3A_2373 = vector.broadcast %broadcast_in_dim3A_2372 : i32 to vector<16xi32>
      %gather3A_2374 = tpu.vector_load_idx %arg7[%add3A_2357, %broadcast_in_dim3A_2373, %and3A_2353] : memref<32x8x128xf32, #tpu.memory_space<vmem>>[vector<16xi32>, vector<16xi32>, vector<16xi32>], vector<16xf32>,
      %gather3A_2375 = tpu.vector_load_idx %arg8[%add3A_2357, %broadcast_in_dim3A_2373, %and3A_2354] : memref<32x8x128xf32, #tpu.memory_space<vmem>>[vector<16xi32>, vector<16xi32>, vector<16xi32>], vector<16xf32>,
      %mul3A_2376 = arith.mulf %gather3A_2374, %gather3A_2375 : vector<16xf32>
      %add3A_2377 = arith.addf %add3A_2371, %mul3A_2376 : vector<16xf32>
      %broadcast_in_dim3A_2378 = arith.constant 3 : i32
      %broadcast_in_dim3A_2379 = vector.broadcast %broadcast_in_dim3A_2378 : i32 to vector<16xi32>
      %gather3A_2380 = tpu.vector_load_idx %arg7[%add3A_2357, %broadcast_in_dim3A_2379, %and3A_2353] : memref<32x8x128xf32, #tpu.memory_space<vmem>>[vector<16xi32>, vector<16xi32>, vector<16xi32>], vector<16xf32>,
      %gather3A_2381 = tpu.vector_load_idx %arg8[%add3A_2357, %broadcast_in_dim3A_2379, %and3A_2354] : memref<32x8x128xf32, #tpu.memory_space<vmem>>[vector<16xi32>, vector<16xi32>, vector<16xi32>], vector<16xf32>,
      %mul3A_2382 = arith.mulf %gather3A_2380, %gather3A_2381 : vector<16xf32>
      %add3A_2383 = arith.addf %add3A_2377, %mul3A_2382 : vector<16xf32>
      %broadcast_in_dim3A_2384 = arith.constant 4 : i32
      %broadcast_in_dim3A_2385 = vector.broadcast %broadcast_in_dim3A_2384 : i32 to vector<16xi32>
      %gather3A_2386 = tpu.vector_load_idx %arg7[%add3A_2357, %broadcast_in_dim3A_2385, %and3A_2353] : memref<32x8x128xf32, #tpu.memory_space<vmem>>[vector<16xi32>, vector<16xi32>, vector<16xi32>], vector<16xf32>,
      %gather3A_2387 = tpu.vector_load_idx %arg8[%add3A_2357, %broadcast_in_dim3A_2385, %and3A_2354] : memref<32x8x128xf32, #tpu.memory_space<vmem>>[vector<16xi32>, vector<16xi32>, vector<16xi32>], vector<16xf32>,
      %mul3A_2388 = arith.mulf %gather3A_2386, %gather3A_2387 : vector<16xf32>
      %add3A_2389 = arith.addf %add3A_2383, %mul3A_2388 : vector<16xf32>
      %broadcast_in_dim3A_2390 = arith.constant 5 : i32
      %broadcast_in_dim3A_2391 = vector.broadcast %broadcast_in_dim3A_2390 : i32 to vector<16xi32>
      %gather3A_2392 = tpu.vector_load_idx %arg7[%add3A_2357, %broadcast_in_dim3A_2391, %and3A_2353] : memref<32x8x128xf32, #tpu.memory_space<vmem>>[vector<16xi32>, vector<16xi32>, vector<16xi32>], vector<16xf32>,
      %gather3A_2393 = tpu.vector_load_idx %arg8[%add3A_2357, %broadcast_in_dim3A_2391, %and3A_2354] : memref<32x8x128xf32, #tpu.memory_space<vmem>>[vector<16xi32>, vector<16xi32>, vector<16xi32>], vector<16xf32>,
      %mul3A_2394 = arith.mulf %gather3A_2392, %gather3A_2393 : vector<16xf32>
      %add3A_2395 = arith.addf %add3A_2389, %mul3A_2394 : vector<16xf32>
      %broadcast_in_dim3A_2396 = arith.constant 6 : i32
      %broadcast_in_dim3A_2397 = vector.broadcast %broadcast_in_dim3A_2396 : i32 to vector<16xi32>
      %gather3A_2398 = tpu.vector_load_idx %arg7[%add3A_2357, %broadcast_in_dim3A_2397, %and3A_2353] : memref<32x8x128xf32, #tpu.memory_space<vmem>>[vector<16xi32>, vector<16xi32>, vector<16xi32>], vector<16xf32>,
      %gather3A_2399 = tpu.vector_load_idx %arg8[%add3A_2357, %broadcast_in_dim3A_2397, %and3A_2354] : memref<32x8x128xf32, #tpu.memory_space<vmem>>[vector<16xi32>, vector<16xi32>, vector<16xi32>], vector<16xf32>,
      %mul3A_2400 = arith.mulf %gather3A_2398, %gather3A_2399 : vector<16xf32>
      %add3A_2401 = arith.addf %add3A_2395, %mul3A_2400 : vector<16xf32>
      %broadcast_in_dim3A_2402 = arith.constant 7 : i32
      %broadcast_in_dim3A_2403 = vector.broadcast %broadcast_in_dim3A_2402 : i32 to vector<16xi32>
      %gather3A_2404 = tpu.vector_load_idx %arg7[%add3A_2357, %broadcast_in_dim3A_2403, %and3A_2353] : memref<32x8x128xf32, #tpu.memory_space<vmem>>[vector<16xi32>, vector<16xi32>, vector<16xi32>], vector<16xf32>,
      %gather3A_2405 = tpu.vector_load_idx %arg8[%add3A_2357, %broadcast_in_dim3A_2403, %and3A_2354] : memref<32x8x128xf32, #tpu.memory_space<vmem>>[vector<16xi32>, vector<16xi32>, vector<16xi32>], vector<16xf32>,
      %mul3A_2406 = arith.mulf %gather3A_2404, %gather3A_2405 : vector<16xf32>
      %add3A_2407 = arith.addf %add3A_2401, %mul3A_2406 : vector<16xf32>
      %mul3A_2408 = arith.constant 16 : i32
      %mul3A_2409 = arith.muli %add3A_2340, %mul3A_2408 : i32
      %swap3A_2410 = arith.index_cast %mul3A_2409 : i32 to index
      %swap3A_2411 = tpu.vector_load %arg9[%swap3A_2410] {strides = array<i32>} : memref<512xf32, #tpu.memory_space<vmem>>, vector<16xf32>,
      tpu.vector_store %arg9[%swap3A_2410], %add3A_2407 {strides = array<i32>} : memref<512xf32, #tpu.memory_space<vmem>>, vector<16xf32>,
    }
    %scan3A_650 = arith.constant 16 : i32
    "tpu.region"() ({
      %run_scoped3A = tpu.sem_alloc : memref<!tpu.dma_semaphore, #tpu.memory_space<semaphore_mem>>
      %dma_start3A_651 = tpu.memref_slice %arg5[%multiple_of3A] : memref<16384xf32, #tpu.memory_space<hbm>> -> memref<512xf32, #tpu.memory_space<hbm>>
      %dma_start3A_652 = tpu.memref_slice %arg5[%multiple_of3A] : memref<16384xf32, #tpu.memory_space<hbm>> -> memref<512xf32, #tpu.memory_space<hbm>>
      tpu.enqueue_dma source(%arg9 : memref<512xf32, #tpu.memory_space<vmem>>) target(%dma_start3A_652 : memref<512xf32, #tpu.memory_space<hbm>>) target_semaphore(%run_scoped3A : memref<!tpu.dma_semaphore, #tpu.memory_space<semaphore_mem>>)
      %dma_wait3A = tpu.memref_slice %arg5[%multiple_of3A] : memref<16384xf32, #tpu.memory_space<hbm>> -> memref<512xf32, #tpu.memory_space<hbm>>
      %dma_wait3A_653 = tpu.memref_slice %arg5[%multiple_of3A] : memref<16384xf32, #tpu.memory_space<hbm>> -> memref<512xf32, #tpu.memory_space<hbm>>
      tpu.wait_dma2 semaphore(%run_scoped3A : memref<!tpu.dma_semaphore, #tpu.memory_space<semaphore_mem>>) src(%arg9 : memref<512xf32, #tpu.memory_space<vmem>>) dst(%dma_wait3A_653 : memref<512xf32, #tpu.memory_space<hbm>>)
      tpu.yield
    }) : () -> ()
    return
  }
}

</mosaic_0001>

<sc_bundles>
// kernel: kernel.3.cloned.1.call-start
scs
__scs_entry_jumppad:
0x0: {  	(pc) =	sbr.rel $0x88, $3  }
0x1: {  	(tag) =	ssettag $0x0;
	lr =	simm.s32 $0x1  }
0x2: {  	[smem:$0x3F9E] =	sst lr;
	_ =	strace $0xD0000000  }
0x3: {  	_ = 	snop  }
0x4: {  	_ = 	snop  }
0x5: {  	_ = 	snop  }
0x6: {  	_ = 	snop  }
0x7: {  	_ = 	snop  }
__scs_overlays_trampoline_lowered:
0x8: {  	[smem:$0x3FAD] =	sst s0  }
0x9: {  	[smem:$0x3FAE] =	sst s1  }
0xa: {  	[smem:$0x3FAF] =	sst s2  }
0xb: {  	[smem:$0x3FB0] =	sst s3  }
0xc: {  	[smem:$0x3FB1] =	sst s4  }
0xd: {  	[smem:$0x3FB2] =	sst s5  }
0xe: {  	[smem:$0x3FB3] =	sst s6  }
0xf: {  	[smem:$0x3FB4] =	sst s7  }
0x10: {  	[smem:$0x3FB5] =	sst s8  }
0x11: {  	[smem:$0x3FB6] =	sst s9;
	s0 =	simm.s32 @!p0 $0x0  }
0x12: {  	s1 =	sld [smem:$0x3F9C];
	s0 =	simm.s32 @p0 $0x1  }
0x13: {  	[smem:$0x3FB7] =	sst s0;
	s0 =	simm.s32 @!p1 $0x0  }
0x14: {  	s2 =	sld [smem:$0x3F9B];
	s0 =	simm.s32 @p1 $0x1  }
0x15: {  	[smem:$0x3FB8] =	sst s0;
	s0 =	simm.s32 @!p2 $0x0  }
0x16: {  	s3 =	sld [smem:$0x3FDB];
	s0 =	simm.s32 @p2 $0x1  }
0x17: {  	s4 =	simm.s32 $0x1BF5;
	[smem:$0x3FBA] =	sst s0  }
0x18: {  	s0 =	sld [smem:$0x3F9D];
	_ =	swait.ge [sflag:s4], $0x0  }
0x19: {  	s7 =	sld [smem:$0x3F9E]  }
0x1a: {  	s8 =	sadd.s32 $0xFFFFE003, lr  }
0x1b: {  	s9 =	sadd.s32 $0xFFFFFEF7, lr;
	s5 =	simm.s32 $0xFFFFFFFF;
	p2 =	slt.u32 s8, $0xFFFFF086  }
0x1c: {  	p1 =	slt.u32 s9, $0xF7A;
	s5 =	simm.s32 @!p2 $0x0  }
0x1d: {  	s5 =	simm.s32 @p1 $0x1;
	p0 =	seq.s32 s7, s2  }
0x1e: {  	s7 =	smul.u32 @!p0 $0xF7A, s2;
	p2 =	seq.s32 @!p0 s5, $0x0  }
0x1f: {  	s9 =	smul.u32 $0xF7A, s1;
	s8 =	simm.s32 @!p0 $0x1BF5;
	p2 =	por !p2, p0  }
0x20: {  	[sflag:s8] =	ssyncset.s32 @!p0 $0xFFFFF086;
	s6 =	sadd.s32 @!p0 s3, s7;
	s7 =	simm.s32 @!p0 $0x108  }
0x21: {  	s3 =	sadd.s32 s3, s9;
	s6 =	sadd.s32 @!p0 $0x88, s6;
	s7 =	simm.s32 @p2 $0x1082  }
0x22: {  	[simem:s7], [sflag:s8] =	dma.local @!p0 [hbm:s6], $0xF7A  }
0x23: {  	s9 =	sor.u32 $0xD0000000, s2;
	s6 =	simm.s32 $0x108;
	_ =	swait.ge @!p0 [sflag:s8], $0x0  }
0x24: {  	s3 =	sadd.s32 $0x88, s3;
	s6 =	simm.s32 @!p1 $0x1082;
	[sflag:s4] =	ssyncset.s32 $0xFFFFF086  }
0x25: {  	[simem:s6], [sflag:s4] =	dma.local [hbm:s3], $0xF7A  }
0x26: {  	[smem:$0x3F9E] =	sst s1;
	(tag) =	ssettag s2;
	_ =	strace s9  }
0x27: {  	s1 =	sld [smem:$0x3FAE]  }
0x28: {  	s2 =	sld [smem:$0x3FAF]  }
0x29: {  	s4 =	sld [smem:$0x3FB1]  }
0x2a: {  	p0 =	seq.s32 s5, $0x0;
	s5 =	sld [smem:$0x3FB2]  }
0x2b: {  	s6 =	sld [smem:$0x3FB3]  }
0x2c: {  	s7 =	sld [smem:$0x3FB4]  }
0x2d: {  	s3 =	simm.s32 $0x108;
	s8 =	sld [smem:$0x3FB5]  }
0x2e: {  	s3 =	simm.s32 @!p0 $0x1082;
	s9 =	sld [smem:$0x3FB6]  }
0x2f: {  	lr =	sadd.s32 s0, s3;
	s0 =	sld [smem:$0x3FAD]  }
0x30: {  	s3 =	sld [smem:$0x3FB0]  }
0x31: {  	[smem:$0x3FB9] =	sst s10  }
0x32: {  	s10 =	sld [smem:$0x3FB7];
	_ =	sdelay $0x3  }
0x33: {  	p0 =	seq.s32 s10, $0x1;
	s10 =	sld [smem:$0x3FB9];
	_ =	sdelay $0x3  }
0x34: {  	[smem:$0x3FB9] =	sst s10  }
0x35: {  	s10 =	sld [smem:$0x3FB8];
	_ =	sdelay $0x3  }
0x36: {  	p1 =	seq.s32 s10, $0x1;
	s10 =	sld [smem:$0x3FB9];
	_ =	sdelay $0x3  }
0x37: {  	[smem:$0x3FB9] =	sst s10  }
0x38: {  	s10 =	sld [smem:$0x3FBA]  }
0x39: {  	_ = 	snop;
	(pc) =	sbr.ind lr, $3  }
0x3a: {  	_ = 	snop  }
0x3b: {  	_ = 	snop  }
0x3c: {  	p2 =	seq.s32 s10, $0x1;
	s10 =	sld [smem:$0x3FB9]  }
0x3d: {  	_ =	shalt  }
0x3e: {  	_ =	shalt  }
0x3f: {  	_ =	shalt  }
0x40: {  	_ =	shalt  }
0x41: {  	_ =	shalt  }
0x42: {  	_ =	shalt  }
0x43: {  	_ =	shalt  }
0x44: {  	_ =	shalt  }
0x45: {  	_ =	shalt  }
0x46: {  	_ =	shalt  }
0x47: {  	_ =	shalt  }
0x48: {  	_ =	shalt  }
0x49: {  	_ =	shalt  }
0x4a: {  	_ =	shalt  }
0x4b: {  	_ =	shalt  }
0x4c: {  	_ =	shalt  }
0x4d: {  	_ =	shalt  }
0x4e: {  	_ =	shalt  }
0x4f: {  	_ =	shalt  }
0x50: {  	_ =	shalt  }
0x51: {  	_ =	shalt  }
0x52: {  	_ =	shalt  }
0x53: {  	_ =	shalt  }
0x54: {  	_ =	shalt  }
0x55: {  	_ =	shalt  }
0x56: {  	_ =	shalt  }
0x57: {  	_ =	shalt  }
0x58: {  	_ =	shalt  }
0x59: {  	_ =	shalt  }
0x5a: {  	_ =	shalt  }
0x5b: {  	_ =	shalt  }
0x5c: {  	_ =	shalt  }
0x5d: {  	_ =	shalt  }
0x5e: {  	_ =	shalt  }
0x5f: {  	_ =	shalt  }
0x60: {  	_ =	shalt  }
0x61: {  	_ =	shalt  }
0x62: {  	_ =	shalt  }
0x63: {  	_ =	shalt  }
0x64: {  	_ =	shalt  }
0x65: {  	_ =	shalt  }
0x66: {  	_ =	shalt  }
0x67: {  	_ =	shalt  }
0x68: {  	_ =	shalt  }
0x69: {  	_ =	shalt  }
0x6a: {  	_ =	shalt  }
0x6b: {  	_ =	shalt  }
0x6c: {  	_ =	shalt  }
0x6d: {  	_ =	shalt  }
0x6e: {  	_ =	shalt  }
0x6f: {  	_ =	shalt  }
0x70: {  	_ =	shalt  }
0x71: {  	_ =	shalt  }
0x72: {  	_ =	shalt  }
0x73: {  	_ =	shalt  }
0x74: {  	_ =	shalt  }
0x75: {  	_ =	shalt  }
0x76: {  	_ =	shalt  }
0x77: {  	_ =	shalt  }
0x78: {  	_ =	shalt  }
0x79: {  	_ =	shalt  }
0x7a: {  	_ =	shalt  }
0x7b: {  	_ =	shalt  }
0x7c: {  	_ =	shalt  }
0x7d: {  	_ =	shalt  }
0x7e: {  	_ =	shalt  }
0x7f: {  	_ =	shalt  }
0x80: {  	_ =	shalt  }
0x81: {  	_ =	shalt  }
0x82: {  	_ =	shalt  }
0x83: {  	_ =	shalt  }
0x84: {  	_ =	shalt  }
0x85: {  	_ =	shalt  }
0x86: {  	_ =	shalt  }
0x87: {  	_ =	shalt  }
.Lfunc_end0:
.L_simem_size_0:
called_computation_lowered:
.L_overlay_start_0:
0x88: {  	s2 =	sld [smem:$0x3FD9]  }
0x89: {  	s3 =	sld [smem:$0x3FFE];
	_ =	sdelay $0x1  }
0x8a: {  	s1 =	srdreg.scid  }
0x8b: {  	s0 =	sand.u32 $0x1, s1  }
0x8c: {  	s18 =	sshll.u32 s0, $0xA;
	s2 =	sadd.s32 s3, s2  }
0x8d: {  	s2 =	sadd.s32 s2, s18  }
0x8e: {  	[smem:$0x3FC5] =	sst s2  }
0x8f: {  	_ = 	snop  }
0x90: {  	s2 =	sld [smem:$0x3FC9]  }
0x91: {  	s19 =	sld [smem:$0x3FC8]  }
0x92: {  	s4 =	sld [smem:$0x3FC7]  }
0x93: {  	s5 =	sld [smem:$0x3FD0];
	(tm) =	ssettm $0x1  }
0x94: {  	s6 =	sld [smem:$0x3FFB];
	_ =	sdelay $0x3  }
0x95: {  	_ =	strace s6  }
0x96: {  	s6 =	sld [smem:$0x3FFC];
	_ =	sdelay $0x3  }
0x97: {  	_ =	strace s6  }
0x98: {  	s6 =	sld [smem:$0x3FFD];
	_ =	sdelay $0x3  }
0x99: {  	_ =	strace s6  }
0x9a: {  	_ =	strace $0x8FFFFFFF  }
0x9b: {  	s20 =	sld [smem:$0x3FDB];
	_ =	sdelay $0x1  }
0x9c: {  	s7 =	simm.s32 $_scs_section_size  }
0x9d: {  	s8 =	simm.s32 $_size__tile_overlayer_lowered;
	s9 =	simm.s32 $_tile_overlayer_lowered  }
0x9e: {  	s23 =	simm.s32 $0x1BFF;
	s22 =	sshll.u32 s9, $0x1;
	s6 =	sadd.s32 s7, s20  }
0x9f: {  	s10 =	simm.s32 $0x0;
	s21 =	sshll.u32 s8, $0x1;
	s8 =	sadd.s32 s22, s6  }
0xa0: {  	[timem:s10], [sflag:s23] =	dma.local [hbm:s8], s21  }
0xa1: {  	_ =	swait.ge [sflag:s23], s21  }
0xa2: {  	s7 =	ssub.s32 $0x0, s21;
	[sflag:s23] =	ssyncset.done $0x0  }
0xa3: {  	[sflag:s23] =	ssyncadd.s32 s7;
	_ =	sdelay $0x1  }
0xa4: {  	s24 =	simm.s32 $0x1B8B  }
0xa5: {  	_ =	swait.ge [sflag:s24], $0x1  }
0xa6: {  	[sflag:s24] =	ssyncset.done $0x0  }
0xa7: {  	s25 =	simm.s32 $0x1B8E;
	[sflag:s24] =	ssyncadd.s32 $0xFFFFFFFF  }
0xa8: {  	s26 =	simm.s32 $execute0_lowered;
	[smem:$0x3FD2] =	sst s25  }
0xa9: {  	s7 =	sshll.u32 s26, $0x1;
	_ =	strace $0x80000046;
	[dreg:$0x1] =	wrdreg $0xFFFFFFFF  }
0xaa: {  	s28 =	simm.s32 $_size_execute0_lowered;
	s6 =	sadd.s32 s6, s7;
	[dreg:$0x0] =	wrdreg $0x0  }
0xab: {  	s7 =	sshll.u32 s28, $0x1;
	[dreg:$0x2] =	wrdreg s6  }
0xac: {  	[dreg:$0x3] =	wrdreg s7  }
0xad: {  	[dreg:$0x4] =	wrdreg $0xC0  }
0xae: {  	_ =	task [dreg:s10], $0x5FFFF  }
0xaf: {  	[dreg:$0x1] =	wrdreg $0xFFFFFFFF  }
0xb0: {  	[dreg:$0x0] =	wrdreg $0x60  }
0xb1: {  	[dreg:$0x2] =	wrdreg s2  }
0xb2: {  	[dreg:$0x3] =	wrdreg s19  }
0xb3: {  	[dreg:$0x4] =	wrdreg s4  }
0xb4: {  	[dreg:$0x5] =	wrdreg s5  }
0xb5: {  	[dreg:$0x6] =	wrdreg $0x9  }
0xb6: {  	_ =	task.clear_ibuf [dreg:s10], $0x7FFFF;
	_ =	strace $0x90000046  }
0xb7: {  	s29 =	simm.s32 $0x9;
	_ =	strace $0x80000048  }
0xb8: {  	_ =	swait.ge [sflag:s29], $0x1  }
0xb9: {  	[sflag:s29] =	ssyncadd.s32 $0xFFFFFFFF  }
0xba: {  	_ =	strace $0x90000048  }
0xbb: {  	_ =	sfence  }
0xbc: {  	s30 =	sld [smem:$0x0];
	_ =	sdelay $0x2  }
0xbd: {  	s31 =	sshll.u32 s1, $0xD;
	s1 =	sshrl.u32 s1, $0x2  }
0xbe: {  	s3 =	sand.u32 $0x4000, s31;
	s1 =	sadd.s32 s1, s30  }
0xbf: {  	s0 =	sor.u32 s3, s0;
	s1 =	sshll.u32 s1, $0x11  }
0xc0: {  	s0 =	sor.u32 s1, s0  }
0xc1: {  	s0 =	sadd.s32 $0x8F2B, s0  }
0xc2: {  	[sflag:s0] =	ssyncadd.remote.s32 $0x1  }
0xc3: {  	_ =	sfence.sel $0xFFFF  }
0xc4: {  	[dreg:$0x0] =	wrdreg $0xFFFFFFFF;
	(pc) =	sbr.abs _section_cstart, $3  }
0xc5: {  	[dreg:$0x1] =	wrdreg $0xFFFFFFFF  }
0xc6: {  	_ =	task.clear_ibuf [dreg:s10], $0x2FFFF;
	_ =	strace $0x9FFFFFFF  }
0xc7: {  	(tm) =	ssettm $0x7FFFFFFF  }
tec
execute0_lowered:
.L_overlay_start_1:
0x0: {  	(tag) =	ssettag $0x1  }
0x1: {  	s0 =	rddreg [dreg:$0x0]  }
0x2: {  	s1 =	rddreg [dreg:$0x1]  }
0x3: {  	s2 =	rddreg [dreg:$0x2]  }
0x4: {  	s3 =	rddreg [dreg:$0x3];
	s5 =	srdreg.scid;
	s4 =	simm.s32 $0x0  }
0x5: {  	s6 =	stileid.u32;
	s9 =	simm.s32 $0x400;
	s10 =	simm.s32 $0x8400  }
0x6: {  	s11 =	simm.s32 $0x7000;
	s12 =	simm.s32 $0xF000;
	s13 =	simm.s32 $0x7400  }
0x7: {  	s14 =	simm.s32 $0xF400;
	s15 =	simm.s32 $0x7800;
	s16 =	simm.s32 $0xF800  }
0x8: {  	s17 =	simm.s32 $0x7C00;
	s18 =	simm.s32 $0xFC00;
	s19 =	simm.s32 $0x8000  }
0x9: {  	s20 =	simm.s32 $0x10000;
	s21 =	simm.s32 $0x1;
	s22 =	simm.s32 $0x2  }
0xa: {  	v0 =	vlaneseq.u32;
	s23 =	simm.s32 $0x3;
	s24 =	simm.s32 $0x4;
	s5 =	sand.u32 $0x1, s5  }
0xb: {  	[smem:$0x7FF] =	sst s4;
	s6 =	sshll.u32 s6, $0xA;
	v0 =	vmul.u32 $0x400, v0;
	s7 =	sshll.u32 s5, $0x9  }
0xc: {  	_ =	strace $0x80000047;
	s5 =	ssub.s32 $0x2, s5;
	s6 =	sor.u32 s7, s6  }
.Ltmp0:
0xd: {  	s29 =	sshrl.u32 s5, $0x1;
	v1 =	vor.u32 $0x80, v0;
	v2 =	vor.u32 $0x100, v0;
	v3 =	vor.u32 $0x180, v0;
	s8 =	sshrl.u32 s6, $0x2;
	(pc) =	sbr.rel .LBB2_1-.Ltmp0, $4  }
0xe: {  	s7 =	simm.s32 $0x6C00;
	v4 =	vor.u32 $0x200, v0;
	v5 =	vor.u32 $0x280, v0;
	v6 =	vor.u32 $0x300, v0;
	s6 =	sshrl.u32 s6, $0x3;
	s0 =	sadd.s32 s0, s8  }
0xf: {  	v7 =	vor.u32 $0x380, v0;
	v8 =	vor.u32 $0x4000, v0;
	v9 =	vor.u32 $0x4080, v0;
	s5 =	ssub.s32 s5, s29;
	s30 =	sadd.s32 s3, s6;
	[dreg:$0x5] =	wrdreg s0  }
0x10: {  	v10 =	vor.u32 $0x4100, v0;
	v11 =	vor.u32 $0x4180, v0;
	v12 =	vor.u32 $0x4200, v0;
	s31 =	smax.u32 s5, $0x1;
	s3 =	simm.s32 $0x5;
	[dreg:$0x6] =	wrdreg s30  }
0x11: {  	v13 =	vor.u32 $0x4280, v0;
	v14 =	vor.u32 $0x4300, v0;
	v15 =	vor.u32 $0x4380, v0;
	s8 =	simm.s32 $0xEC00;
	s5 =	simm.s32 $0x0;
	[dreg:$0x7] =	wrdreg s31  }
.LBB2_5:
0x12: {  	s0 =	rddreg [dreg:$0x6];
	s3 =	simm.s32 $0x10400  }
0x13: {  	[hbm4b:s0+s4] =	stream.linear.scatter [tilespmem:s3], [sflag:$0x5], $0x200, $0x38;
	[tilespmem:$0x10600] =	vst v63  }
0x14: {  	s3 =	simm.s32 $0x5  }
0x15: {  	_ =	swait.ge [sflag:s3], $0x200  }
0x16: {  	s5 =	rddreg [dreg:$0x8]  }
0x17: {  	s31 =	rddreg [dreg:$0x7];
	s5 =	sadd.s32 $0x1, s5  }
0x18: {  	p0 =	sne.s32 s5, s31  }
.Ltmp1:
0x19: {  	_ = 	snop;
	(pc) =	sbr.rel @!p0 .LBB2_6-.Ltmp1, $3  }
0x1a: {  	_ =	sdelay $0x1  }
0x1b: {  	[sflag:s3] =	ssyncset.done $0x0  }
0x1c: {  	[sflag:s3] =	ssyncadd.s32 $0xFFFFFE00  }
.LBB2_1:
0x1d: {  	[dreg:$0x8] =	wrdreg s5  }
0x1e: {  	s0 =	rddreg [dreg:$0x5]  }
0x1f: {  	[tilespmem:s4], [sflag:$0x5] =	stream.linear.gather [hbm4b:s0+s4], $0x400, $0x38;
	[tilespmem:$0x10600] =	vst v63  }
0x20: {  	_ =	swait.ge [sflag:s3], $0x400  }
0x21: {  	[sflag:s3] =	ssyncset.done $0x0  }
0x22: {  	[sflag:s3] =	ssyncadd.s32 $0xFFFFFC00  }
0x23: {  	v17 =	vld [tilespmem:$0x0]  }
0x24: {  	v16 =	vld [tilespmem:$0x80];
	_ =	sdelay $0x3  }
0x25: {  	(v2sf) =	vpush v17, $0x0  }
0x26: {  	(v2sf) =	vpush v16, $0x0;
	_ =	sdelay $0x6  }
0x27: {  	(v2sf) =	vpush v17, $0x1  }
0x28: {  	(v2sf) =	vpush v16, $0x1;
	_ =	sdelay $0x5  }
0x29: {  	s6 =	spop (v2sf);
	(v2sf) =	vpush v17, $0x2  }
0x2a: {  	s25 =	spop (v2sf);
	(v2sf) =	vpush v16, $0x2;
	_ =	sdelay $0x5  }
0x2b: {  	(v2sf) =	vpush v17, $0x3  }
0x2c: {  	s26 =	spop (v2sf)  }
0x2d: {  	s30 =	spop (v2sf);
	(v2sf) =	vpush v16, $0x3;
	_ =	sdelay $0x5  }
0x2e: {  	s0 =	sand.u32 $0xFFFFF80, s6;
	s3 =	spop (v2sf);
	(v2sf) =	vpush v17, $0x4  }
0x2f: {  	s0 =	sadd.s32 s1, s0;
	s6 =	spop (v2sf);
	(v2sf) =	vpush v16, $0x4  }
0x30: {  	[tilespmem:s9], [sflag:$0x1] =	stream.linear.gather [hbm4b:s0+s4], $0x400, $0x38;
	[tilespmem:$0x10600] =	vst v63  }
0x31: {  	s0 =	sand.u32 $0xFFFFF80, s25  }
0x32: {  	s0 =	sadd.s32 s2, s0  }
0x33: {  	[tilespmem:s10], [sflag:$0x2] =	stream.linear.gather [hbm4b:s0+s4], $0x400, $0x38;
	[tilespmem:$0x10600] =	vst v63  }
0x34: {  	s0 =	sand.u32 $0xFFFFF80, s26  }
0x35: {  	s29 =	simm.s32 $0x800;
	s0 =	sadd.s32 s1, s0;
	s26 =	spop (v2sf);
	(v2sf) =	vpush v17, $0x5  }
0x36: {  	[tilespmem:s29], [sflag:$0x1] =	stream.linear.gather [hbm4b:s0+s4], $0x400, $0x38;
	[tilespmem:$0x10600] =	vst v63  }
0x37: {  	s0 =	sand.u32 $0xFFFFF80, s30;
	s30 =	spop (v2sf);
	(v2sf) =	vpush v16, $0x5  }
0x38: {  	s31 =	simm.s32 $0x8800;
	s0 =	sadd.s32 s2, s0  }
0x39: {  	[tilespmem:s31], [sflag:$0x2] =	stream.linear.gather [hbm4b:s0+s4], $0x400, $0x38;
	[tilespmem:$0x10600] =	vst v63  }
0x3a: {  	s0 =	sand.u32 $0xFFFFF80, s3  }
0x3b: {  	s5 =	simm.s32 $0xC00;
	s0 =	sadd.s32 s1, s0  }
0x3c: {  	[tilespmem:s5], [sflag:$0x1] =	stream.linear.gather [hbm4b:s0+s4], $0x400, $0x38;
	[tilespmem:$0x10600] =	vst v63  }
0x3d: {  	s3 =	spop (v2sf);
	(v2sf) =	vpush v17, $0x6  }
0x3e: {  	s0 =	sand.u32 $0xFFFFF80, s6;
	s6 =	spop (v2sf);
	(v2sf) =	vpush v16, $0x6;
	_ =	sdelay $0x2  }
0x3f: {  	s25 =	simm.s32 $0x8C00;
	s0 =	sadd.s32 s2, s0  }
0x40: {  	[tilespmem:s25], [sflag:$0x2] =	stream.linear.gather [hbm4b:s0+s4], $0x400, $0x38;
	[tilespmem:$0x10600] =	vst v63  }
0x41: {  	s0 =	sand.u32 $0xFFFFF80, s26  }
0x42: {  	s29 =	simm.s32 $0x1000;
	s0 =	sadd.s32 s1, s0;
	s26 =	spop (v2sf);
	(v2sf) =	vpush v17, $0x7  }
0x43: {  	[tilespmem:s29], [sflag:$0x1] =	stream.linear.gather [hbm4b:s0+s4], $0x400, $0x38;
	[tilespmem:$0x10600] =	vst v63  }
0x44: {  	s0 =	sand.u32 $0xFFFFF80, s30;
	s30 =	spop (v2sf);
	(v2sf) =	vpush v16, $0x7  }
0x45: {  	s31 =	simm.s32 $0x9000;
	s0 =	sadd.s32 s2, s0  }
0x46: {  	[tilespmem:s31], [sflag:$0x2] =	stream.linear.gather [hbm4b:s0+s4], $0x400, $0x38;
	[tilespmem:$0x10600] =	vst v63  }
0x47: {  	s0 =	sand.u32 $0xFFFFF80, s3  }
0x48: {  	s5 =	simm.s32 $0x1400;
	s0 =	sadd.s32 s1, s0  }
0x49: {  	[tilespmem:s5], [sflag:$0x1] =	stream.linear.gather [hbm4b:s0+s4], $0x400, $0x38;
	[tilespmem:$0x10600] =	vst v63  }
0x4a: {  	s0 =	sand.u32 $0xFFFFF80, s6;
	s3 =	spop (v2sf);
	(v2sf) =	vpush v17, $0x8  }
0x4b: {  	s25 =	simm.s32 $0x9400;
	s0 =	sadd.s32 s2, s0;
	s6 =	spop (v2sf);
	(v2sf) =	vpush v16, $0x8  }
0x4c: {  	[tilespmem:s25], [sflag:$0x2] =	stream.linear.gather [hbm4b:s0+s4], $0x400, $0x38;
	[tilespmem:$0x10600] =	vst v63  }
0x4d: {  	s0 =	sand.u32 $0xFFFFF80, s26  }
0x4e: {  	s29 =	simm.s32 $0x1800;
	s0 =	sadd.s32 s1, s0  }
0x4f: {  	[tilespmem:s29], [sflag:$0x1] =	stream.linear.gather [hbm4b:s0+s4], $0x400, $0x38;
	[tilespmem:$0x10600] =	vst v63  }
0x50: {  	s0 =	sand.u32 $0xFFFFF80, s30  }
0x51: {  	s31 =	simm.s32 $0x9800;
	s0 =	sadd.s32 s2, s0;
	s26 =	spop (v2sf);
	(v2sf) =	vpush v17, $0x9  }
0x52: {  	[tilespmem:s31], [sflag:$0x2] =	stream.linear.gather [hbm4b:s0+s4], $0x400, $0x38;
	[tilespmem:$0x10600] =	vst v63  }
0x53: {  	s0 =	sand.u32 $0xFFFFF80, s3;
	s30 =	spop (v2sf);
	(v2sf) =	vpush v16, $0x9  }
0x54: {  	s5 =	simm.s32 $0x1C00;
	s0 =	sadd.s32 s1, s0  }
0x55: {  	[tilespmem:s5], [sflag:$0x1] =	stream.linear.gather [hbm4b:s0+s4], $0x400, $0x38;
	[tilespmem:$0x10600] =	vst v63  }
0x56: {  	s0 =	sand.u32 $0xFFFFF80, s6  }
0x57: {  	s25 =	simm.s32 $0x9C00;
	s0 =	sadd.s32 s2, s0  }
0x58: {  	[tilespmem:s25], [sflag:$0x2] =	stream.linear.gather [hbm4b:s0+s4], $0x400, $0x38;
	[tilespmem:$0x10600] =	vst v63  }
0x59: {  	s0 =	sand.u32 $0xFFFFF80, s26;
	s3 =	spop (v2sf);
	(v2sf) =	vpush v17, $0xA  }
0x5a: {  	s29 =	simm.s32 $0x2000;
	s0 =	sadd.s32 s1, s0;
	s6 =	spop (v2sf);
	(v2sf) =	vpush v16, $0xA  }
0x5b: {  	[tilespmem:s29], [sflag:$0x1] =	stream.linear.gather [hbm4b:s0+s4], $0x400, $0x38;
	[tilespmem:$0x10600] =	vst v63  }
0x5c: {  	s0 =	sand.u32 $0xFFFFF80, s30  }
0x5d: {  	s31 =	simm.s32 $0xA000;
	s0 =	sadd.s32 s2, s0  }
0x5e: {  	[tilespmem:s31], [sflag:$0x2] =	stream.linear.gather [hbm4b:s0+s4], $0x400, $0x38;
	[tilespmem:$0x10600] =	vst v63  }
0x5f: {  	s0 =	sand.u32 $0xFFFFF80, s3  }
0x60: {  	s5 =	simm.s32 $0x2400;
	s0 =	sadd.s32 s1, s0;
	s26 =	spop (v2sf);
	(v2sf) =	vpush v17, $0xB  }
0x61: {  	[tilespmem:s5], [sflag:$0x1] =	stream.linear.gather [hbm4b:s0+s4], $0x400, $0x38;
	[tilespmem:$0x10600] =	vst v63  }
0x62: {  	s0 =	sand.u32 $0xFFFFF80, s6;
	s30 =	spop (v2sf);
	(v2sf) =	vpush v16, $0xB  }
0x63: {  	s25 =	simm.s32 $0xA400;
	s0 =	sadd.s32 s2, s0  }
0x64: {  	[tilespmem:s25], [sflag:$0x2] =	stream.linear.gather [hbm4b:s0+s4], $0x400, $0x38;
	[tilespmem:$0x10600] =	vst v63  }
0x65: {  	s0 =	sand.u32 $0xFFFFF80, s26  }
0x66: {  	s29 =	simm.s32 $0x2800;
	s0 =	sadd.s32 s1, s0  }
0x67: {  	[tilespmem:s29], [sflag:$0x1] =	stream.linear.gather [hbm4b:s0+s4], $0x400, $0x38;
	[tilespmem:$0x10600] =	vst v63  }
0x68: {  	s0 =	sand.u32 $0xFFFFF80, s30;
	s3 =	spop (v2sf);
	(v2sf) =	vpush v17, $0xC  }
0x69: {  	s31 =	simm.s32 $0xA800;
	s0 =	sadd.s32 s2, s0;
	s6 =	spop (v2sf);
	(v2sf) =	vpush v16, $0xC  }
0x6a: {  	[tilespmem:s31], [sflag:$0x2] =	stream.linear.gather [hbm4b:s0+s4], $0x400, $0x38;
	[tilespmem:$0x10600] =	vst v63  }
0x6b: {  	s0 =	sand.u32 $0xFFFFF80, s3;
	(v2sf) =	vpush v17, $0xD  }
0x6c: {  	s5 =	simm.s32 $0x2C00;
	s0 =	sadd.s32 s1, s0  }
0x6d: {  	[tilespmem:s5], [sflag:$0x1] =	stream.linear.gather [hbm4b:s0+s4], $0x400, $0x38;
	[tilespmem:$0x10600] =	vst v63  }
0x6e: {  	s0 =	sand.u32 $0xFFFFF80, s6  }
0x6f: {  	s25 =	simm.s32 $0xAC00;
	s26 =	spop (v2sf);
	s0 =	sadd.s32 s2, s0  }
0x70: {  	(v2sf) =	vpush v16, $0xD;
	[tilespmem:s25], [sflag:$0x2] =	stream.linear.gather [hbm4b:s0+s4], $0x400, $0x38;
	[tilespmem:$0x10600] =	vst v63  }
0x71: {  	s30 =	spop (v2sf);
	(v2sf) =	vpush v17, $0xE;
	s0 =	sand.u32 $0xFFFFF80, s26  }
0x72: {  	s29 =	simm.s32 $0x3000;
	s0 =	sadd.s32 s1, s0  }
0x73: {  	[tilespmem:s29], [sflag:$0x1] =	stream.linear.gather [hbm4b:s0+s4], $0x400, $0x38;
	[tilespmem:$0x10600] =	vst v63  }
0x74: {  	s0 =	sand.u32 $0xFFFFF80, s30  }
0x75: {  	s31 =	simm.s32 $0xB000;
	s0 =	sadd.s32 s2, s0  }
0x76: {  	[tilespmem:s31], [sflag:$0x2] =	stream.linear.gather [hbm4b:s0+s4], $0x400, $0x38;
	[tilespmem:$0x10600] =	vst v63  }
0x77: {  	s5 =	spop (v2sf);
	(v2sf) =	vpush v16, $0xE  }
0x78: {  	s25 =	spop (v2sf);
	(v2sf) =	vpush v17, $0xF  }
0x79: {  	s0 =	sand.u32 $0xFFFFF80, s5  }
0x7a: {  	s6 =	simm.s32 $0x3400;
	s0 =	sadd.s32 s1, s0;
	s29 =	spop (v2sf)  }
0x7b: {  	(v2sf) =	vpush v16, $0xF;
	[tilespmem:s6], [sflag:$0x1] =	stream.linear.gather [hbm4b:s0+s4], $0x400, $0x38;
	[tilespmem:$0x10600] =	vst v63  }
0x7c: {  	s0 =	sand.u32 $0xFFFFF80, s25  }
0x7d: {  	s26 =	simm.s32 $0xB400;
	s0 =	sadd.s32 s2, s0  }
0x7e: {  	[tilespmem:s26], [sflag:$0x2] =	stream.linear.gather [hbm4b:s0+s4], $0x400, $0x38;
	[tilespmem:$0x10600] =	vst v63  }
0x7f: {  	s31 =	simm.s32 $0x3800;
	s30 =	spop (v2sf);
	s0 =	sand.u32 $0xFFFFF80, s29  }
0x80: {  	s6 =	sand.u32 $0xFFFFF80, s30;
	s25 =	spop (v2sf);
	s0 =	sadd.s32 s1, s0  }
0x81: {  	[tilespmem:s31], [sflag:$0x1] =	stream.linear.gather [hbm4b:s0+s4], $0x400, $0x38;
	[tilespmem:$0x10600] =	vst v63  }
0x82: {  	s26 =	simm.s32 $0xB800;
	s29 =	sand.u32 $0xFFFFF80, s25;
	s0 =	sadd.s32 s2, s6  }
0x83: {  	[tilespmem:s26], [sflag:$0x2] =	stream.linear.gather [hbm4b:s0+s4], $0x400, $0x38;
	[tilespmem:$0x10600] =	vst v63  }
0x84: {  	s31 =	simm.s32 $0x3C00;
	s0 =	sadd.s32 s1, s29  }
0x85: {  	[tilespmem:s31], [sflag:$0x1] =	stream.linear.gather [hbm4b:s0+s4], $0x400, $0x38;
	[tilespmem:$0x10600] =	vst v63  }
0x86: {  	s30 =	spop (v2sf)  }
0x87: {  	s25 =	simm.s32 $0xBC00;
	s5 =	sand.u32 $0xFFFFF80, s30;
	s6 =	spop (v2sf)  }
0x88: {  	s29 =	simm.s32 $0x4000;
	s0 =	sadd.s32 s2, s5;
	s26 =	sand.u32 $0xFFFFF80, s6  }
0x89: {  	[tilespmem:s25], [sflag:$0x2] =	stream.linear.gather [hbm4b:s0+s4], $0x400, $0x38;
	[tilespmem:$0x10600] =	vst v63  }
.Ltmp2:
0x8a: {  	s30 =	spop (v2sf);
	s0 =	sadd.s32 s1, s26;
	(pc) =	sbr.rel .LBB2_2-.Ltmp2, $4  }
0x8b: {  	[tilespmem:s29], [sflag:$0x1] =	stream.linear.gather [hbm4b:s0+s4], $0x400, $0x38;
	[tilespmem:$0x10600] =	vst v63  }
0x8c: {  	s28 =	simm.s32 $0x10400;
	s31 =	simm.s32 $0xC000;
	s0 =	sand.u32 $0xFFFFF80, s30  }
0x8d: {  	s25 =	simm.s32 $0x20;
	s26 =	simm.s32 $0x40;
	s0 =	sadd.s32 s2, s0  }
0x8e: {  	[tilespmem:s31], [sflag:$0x2] =	stream.linear.gather [hbm4b:s0+s4], $0x400, $0x38;
	[tilespmem:$0x10600] =	vst v63  }
.LBB2_4:
0x8f: {  	_ =	swait.ge [sflag:s23], $0x400  }
0x90: {  	[sflag:s23] =	ssyncset.done $0x0  }
0x91: {  	[sflag:s23] =	ssyncadd.s32 $0xFFFFFC00  }
0x92: {  	_ =	swait.ge [sflag:s24], $0x400  }
0x93: {  	[sflag:s24] =	ssyncset.done $0x0  }
0x94: {  	[sflag:s24] =	ssyncadd.s32 $0xFFFFFC00  }
0x95: {  	_ =	swait.ge [sflag:s23], $0x400  }
0x96: {  	[sflag:s23] =	ssyncset.done $0x0  }
0x97: {  	[sflag:s23] =	ssyncadd.s32 $0xFFFFFC00  }
0x98: {  	_ =	swait.ge [sflag:s24], $0x400  }
0x99: {  	[sflag:s24] =	ssyncset.done $0x0  }
0x9a: {  	[sflag:s24] =	ssyncadd.s32 $0xFFFFFC00  }
0x9b: {  	_ =	swait.ge [sflag:s23], $0x400  }
0x9c: {  	[sflag:s23] =	ssyncset.done $0x0  }
0x9d: {  	[sflag:s23] =	ssyncadd.s32 $0xFFFFFC00  }
0x9e: {  	_ =	swait.ge [sflag:s24], $0x400  }
0x9f: {  	[sflag:s24] =	ssyncset.done $0x0  }
0xa0: {  	[sflag:s24] =	ssyncadd.s32 $0xFFFFFC00  }
0xa1: {  	_ =	swait.ge [sflag:s23], $0x400  }
0xa2: {  	[sflag:s23] =	ssyncset.done $0x0  }
0xa3: {  	[sflag:s23] =	ssyncadd.s32 $0xFFFFFC00  }
0xa4: {  	_ =	swait.ge [sflag:s24], $0x400  }
0xa5: {  	[sflag:s24] =	ssyncset.done $0x0  }
0xa6: {  	[sflag:s24] =	ssyncadd.s32 $0xFFFFFC00  }
0xa7: {  	_ =	swait.ge [sflag:s23], $0x400  }
0xa8: {  	[sflag:s23] =	ssyncset.done $0x0  }
0xa9: {  	[sflag:s23] =	ssyncadd.s32 $0xFFFFFC00  }
0xaa: {  	_ =	swait.ge [sflag:s24], $0x400  }
0xab: {  	[sflag:s24] =	ssyncset.done $0x0  }
0xac: {  	[sflag:s24] =	ssyncadd.s32 $0xFFFFFC00  }
0xad: {  	_ =	swait.ge [sflag:s23], $0x400  }
0xae: {  	[sflag:s23] =	ssyncset.done $0x0  }
0xaf: {  	[sflag:s23] =	ssyncadd.s32 $0xFFFFFC00  }
0xb0: {  	_ =	swait.ge [sflag:s24], $0x400  }
0xb1: {  	[sflag:s24] =	ssyncset.done $0x0  }
0xb2: {  	[sflag:s24] =	ssyncadd.s32 $0xFFFFFC00  }
0xb3: {  	_ =	swait.ge [sflag:s23], $0x400  }
0xb4: {  	[sflag:s23] =	ssyncset.done $0x0  }
0xb5: {  	[sflag:s23] =	ssyncadd.s32 $0xFFFFFC00  }
0xb6: {  	_ =	swait.ge [sflag:s24], $0x400  }
0xb7: {  	[sflag:s24] =	ssyncset.done $0x0  }
0xb8: {  	[sflag:s24] =	ssyncadd.s32 $0xFFFFFC00  }
0xb9: {  	_ =	swait.ge [sflag:s23], $0x400  }
0xba: {  	[sflag:s23] =	ssyncset.done $0x0  }
0xbb: {  	[sflag:s23] =	ssyncadd.s32 $0xFFFFFC00  }
0xbc: {  	_ =	swait.ge [sflag:s24], $0x400  }
0xbd: {  	[sflag:s24] =	ssyncset.done $0x0  }
0xbe: {  	[sflag:s24] =	ssyncadd.s32 $0xFFFFFC00  }
0xbf: {  	_ =	swait.ge [sflag:s23], $0x400  }
0xc0: {  	[sflag:s23] =	ssyncset.done $0x0  }
0xc1: {  	[sflag:s23] =	ssyncadd.s32 $0xFFFFFC00  }
0xc2: {  	_ =	swait.ge [sflag:s24], $0x400  }
0xc3: {  	[sflag:s24] =	ssyncset.done $0x0  }
0xc4: {  	[sflag:s24] =	ssyncadd.s32 $0xFFFFFC00  }
0xc5: {  	_ =	swait.ge [sflag:s23], $0x400  }
0xc6: {  	[sflag:s23] =	ssyncset.done $0x0  }
0xc7: {  	[sflag:s23] =	ssyncadd.s32 $0xFFFFFC00  }
0xc8: {  	_ =	swait.ge [sflag:s24], $0x400  }
0xc9: {  	[sflag:s24] =	ssyncset.done $0x0  }
0xca: {  	[sflag:s24] =	ssyncadd.s32 $0xFFFFFC00  }
0xcb: {  	_ =	swait.ge [sflag:s23], $0x400  }
0xcc: {  	[sflag:s23] =	ssyncset.done $0x0  }
0xcd: {  	[sflag:s23] =	ssyncadd.s32 $0xFFFFFC00  }
0xce: {  	_ =	swait.ge [sflag:s24], $0x400  }
0xcf: {  	[sflag:s24] =	ssyncset.done $0x0  }
0xd0: {  	[sflag:s24] =	ssyncadd.s32 $0xFFFFFC00  }
0xd1: {  	_ =	swait.ge [sflag:s23], $0x400  }
0xd2: {  	[sflag:s23] =	ssyncset.done $0x0  }
0xd3: {  	[sflag:s23] =	ssyncadd.s32 $0xFFFFFC00  }
0xd4: {  	_ =	swait.ge [sflag:s24], $0x400  }
0xd5: {  	[sflag:s24] =	ssyncset.done $0x0  }
0xd6: {  	[sflag:s24] =	ssyncadd.s32 $0xFFFFFC00  }
0xd7: {  	_ =	swait.ge [sflag:s23], $0x400  }
0xd8: {  	[sflag:s23] =	ssyncset.done $0x0  }
0xd9: {  	[sflag:s23] =	ssyncadd.s32 $0xFFFFFC00  }
0xda: {  	_ =	swait.ge [sflag:s24], $0x400  }
0xdb: {  	[sflag:s24] =	ssyncset.done $0x0  }
0xdc: {  	[sflag:s24] =	ssyncadd.s32 $0xFFFFFC00  }
0xdd: {  	_ =	swait.ge [sflag:s23], $0x400  }
0xde: {  	[sflag:s23] =	ssyncset.done $0x0  }
0xdf: {  	[sflag:s23] =	ssyncadd.s32 $0xFFFFFC00  }
0xe0: {  	_ =	swait.ge [sflag:s24], $0x400  }
0xe1: {  	[sflag:s24] =	ssyncset.done $0x0  }
0xe2: {  	[sflag:s24] =	ssyncadd.s32 $0xFFFFFC00  }
0xe3: {  	_ =	swait.ge [sflag:s23], $0x400  }
0xe4: {  	[sflag:s23] =	ssyncset.done $0x0  }
0xe5: {  	[sflag:s23] =	ssyncadd.s32 $0xFFFFFC00  }
0xe6: {  	_ =	swait.ge [sflag:s24], $0x400  }
0xe7: {  	[sflag:s24] =	ssyncset.done $0x0  }
0xe8: {  	[sflag:s24] =	ssyncadd.s32 $0xFFFFFC00  }
0xe9: {  	_ =	swait.ge [sflag:s23], $0x400  }
0xea: {  	[sflag:s23] =	ssyncset.done $0x0  }
0xeb: {  	[sflag:s23] =	ssyncadd.s32 $0xFFFFFC00  }
0xec: {  	_ =	swait.ge [sflag:s24], $0x400  }
0xed: {  	[sflag:s24] =	ssyncset.done $0x0  }
0xee: {  	[sflag:s24] =	ssyncadd.s32 $0xFFFFFC00  }
0xef: {  	v16 =	vld [tilespmem:s31+$0x0]  }
0xf0: {  	v17 =	vld [tilespmem:s31+$0x80];
	_ =	sdelay $0x3  }
0xf1: {  	v16 =	vand.u32 $0x7F, v16  }
0xf2: {  	v17 =	vand.u32 $0x7F, v17;
	v18 =	vor.u32 v8, v16  }
0xf3: {  	v19 =	vor.u32 v8, v17  }
0xf4: {  	v20 =	vor.u32 v9, v16  }
0xf5: {  	v21 =	vor.u32 v9, v17  }
0xf6: {  	v22 =	vor.u32 v10, v16  }
0xf7: {  	v23 =	vor.u32 v10, v17;
	v18 =	vld.idx.msk [tilespmem:v18+s9+$0x0], $0xffff  }
0xf8: {  	v24 =	vor.u32 v11, v16;
	v19 =	vld.idx.msk [tilespmem:v19+s10+$0x0], $0xffff  }
0xf9: {  	v25 =	vor.u32 v11, v17;
	v20 =	vld.idx.msk [tilespmem:v20+s9+$0x0], $0xffff  }
0xfa: {  	v26 =	vor.u32 v12, v16;
	v21 =	vld.idx.msk [tilespmem:v21+s10+$0x0], $0xffff  }
0xfb: {  	v27 =	vor.u32 v12, v17;
	v22 =	vld.idx.msk [tilespmem:v22+s9+$0x0], $0xffff  }
0xfc: {  	v28 =	vor.u32 v13, v16;
	v23 =	vld.idx.msk [tilespmem:v23+s10+$0x0], $0xffff  }
0xfd: {  	v53 =	vor.u32 v13, v17;
	v52 =	vld.idx.msk [tilespmem:v24+s9+$0x0], $0xffff;
	v18 =	vmul.f32 v19, v18  }
0xfe: {  	v29 =	vor.u32 v14, v16;
	v25 =	vld.idx.msk [tilespmem:v25+s10+$0x0], $0xffff  }
0xff: {  	v55 =	vor.u32 v14, v17;
	v54 =	vld.idx.msk [tilespmem:v26+s9+$0x0], $0xffff;
	v20 =	vmul.f32 v21, v20;
	v18 =	vadd.f32 $0.0e+00, v18  }
0x100: {  	v16 =	vor.u32 v15, v16;
	v27 =	vld.idx.msk [tilespmem:v27+s10+$0x0], $0xffff  }
0x101: {  	v17 =	vor.u32 v15, v17;
	v57 =	vld.idx.msk [tilespmem:v28+s9+$0x0], $0xffff;
	v56 =	vmul.f32 v23, v22;
	v18 =	vadd.f32 v20, v18  }
0x102: {  	v58 =	vld.idx.msk [tilespmem:v53+s10+$0x0], $0xffff  }
0x103: {  	v59 =	vld.idx.msk [tilespmem:v29+s9+$0x0], $0xffff;
	v19 =	vmul.f32 v25, v52;
	v18 =	vadd.f32 v56, v18  }
0x104: {  	v60 =	vld.idx.msk [tilespmem:v55+s10+$0x0], $0xffff  }
0x105: {  	v16 =	vld.idx.msk [tilespmem:v16+s9+$0x0], $0xffff;
	v61 =	vmul.f32 v27, v54;
	v18 =	vadd.f32 v19, v18  }
0x106: {  	v17 =	vld.idx.msk [tilespmem:v17+s10+$0x0], $0xffff  }
0x107: {  	v62 =	vmul.f32 v58, v57;
	v18 =	vadd.f32 v61, v18;
	_ =	sdelay $0x1  }
0x108: {  	s25 =	sadd.s32 $0x20, s25;
	v63 =	vmul.f32 v60, v59;
	v18 =	vadd.f32 v62, v18  }
0x109: {  	p0 =	sne.s32 s25, $0x220  }
.Ltmp3:
0x10a: {  	v16 =	vmul.f32 v17, v16;
	v18 =	vadd.f32 v63, v18;
	(pc) =	sbr.rel @!p0 .LBB2_5-.Ltmp3, $4  }
0x10b: {  	_ = 	snop  }
0x10c: {  	s0 =	sand.u32 $0x180, s29;
	v16 =	vadd.f32 v16, v18  }
0x10d: {  	s0 =	sor.u32 s30, s0  }
0x10e: {  	s26 =	sadd.s32 $0x40, s26;
	s28 =	sadd.s32 $0x20, s28;
	[tilespmem:s0+$0x10400] =	vst v16  }
.LBB2_2:
0x10f: {  	s29 =	sadd.s32 $0xFFFFFFE0, s25  }
0x110: {  	s3 =	sadd.s32 $0xFFFFFFC0, s26;
	s0 =	sand.u32 $0x60, s29  }
0x111: {  	s3 =	sand.u32 $0x300, s3;
	s30 =	sor.u32 $0x10, s0  }
0x112: {  	s31 =	sor.u32 s30, s3  }
0x113: {  	v17 =	vld [tilespmem:s31+$0x0];
	_ =	sdelay $0x3  }
0x114: {  	v16 =	vld [tilespmem:s31+$0x80]  }
0x115: {  	(v2sf) =	vpush v17, $0x0;
	_ =	sdelay $0x3  }
0x116: {  	(v2sf) =	vpush v16, $0x0;
	_ =	sdelay $0x3  }
0x117: {  	(v2sf) =	vpush v17, $0x1;
	_ =	sdelay $0x3  }
0x118: {  	(v2sf) =	vpush v16, $0x1;
	_ =	sdelay $0x2  }
0x119: {  	s5 =	spop (v2sf)  }
0x11a: {  	(v2sf) =	vpush v17, $0x2;
	s5 =	sand.u32 $0xFFFFF80, s5  }
0x11b: {  	s6 =	simm.s32 $0x4400;
	s5 =	sadd.s32 s1, s5  }
0x11c: {  	[tilespmem:s6], [sflag:$0x3] =	stream.linear.gather [hbm4b:s5+s4], $0x400, $0x38;
	[tilespmem:$0x10600] =	vst v63  }
0x11d: {  	s6 =	spop (v2sf)  }
0x11e: {  	(v2sf) =	vpush v16, $0x2;
	s5 =	sand.u32 $0xFFFFF80, s6  }
0x11f: {  	s6 =	simm.s32 $0xC400;
	s5 =	sadd.s32 s2, s5  }
0x120: {  	[tilespmem:s6], [sflag:$0x4] =	stream.linear.gather [hbm4b:s5+s4], $0x400, $0x38;
	[tilespmem:$0x10600] =	vst v63  }
0x121: {  	s6 =	spop (v2sf)  }
0x122: {  	(v2sf) =	vpush v17, $0x3;
	s5 =	sand.u32 $0xFFFFF80, s6  }
0x123: {  	s6 =	simm.s32 $0x4800;
	s5 =	sadd.s32 s1, s5  }
0x124: {  	[tilespmem:s6], [sflag:$0x3] =	stream.linear.gather [hbm4b:s5+s4], $0x400, $0x38;
	[tilespmem:$0x10600] =	vst v63  }
0x125: {  	s6 =	spop (v2sf)  }
0x126: {  	(v2sf) =	vpush v16, $0x3;
	s5 =	sand.u32 $0xFFFFF80, s6  }
0x127: {  	s6 =	simm.s32 $0xC800;
	s5 =	sadd.s32 s2, s5  }
0x128: {  	[tilespmem:s6], [sflag:$0x4] =	stream.linear.gather [hbm4b:s5+s4], $0x400, $0x38;
	[tilespmem:$0x10600] =	vst v63  }
0x129: {  	s6 =	spop (v2sf)  }
0x12a: {  	(v2sf) =	vpush v17, $0x4;
	s5 =	sand.u32 $0xFFFFF80, s6  }
0x12b: {  	s6 =	simm.s32 $0x4C00;
	s5 =	sadd.s32 s1, s5  }
0x12c: {  	[tilespmem:s6], [sflag:$0x3] =	stream.linear.gather [hbm4b:s5+s4], $0x400, $0x38;
	[tilespmem:$0x10600] =	vst v63  }
0x12d: {  	s6 =	spop (v2sf)  }
0x12e: {  	(v2sf) =	vpush v16, $0x4;
	s5 =	sand.u32 $0xFFFFF80, s6  }
0x12f: {  	s6 =	simm.s32 $0xCC00;
	s5 =	sadd.s32 s2, s5  }
0x130: {  	[tilespmem:s6], [sflag:$0x4] =	stream.linear.gather [hbm4b:s5+s4], $0x400, $0x38;
	[tilespmem:$0x10600] =	vst v63  }
0x131: {  	s6 =	spop (v2sf)  }
0x132: {  	(v2sf) =	vpush v17, $0x5;
	s5 =	sand.u32 $0xFFFFF80, s6  }
0x133: {  	s6 =	simm.s32 $0x5000;
	s5 =	sadd.s32 s1, s5  }
0x134: {  	[tilespmem:s6], [sflag:$0x3] =	stream.linear.gather [hbm4b:s5+s4], $0x400, $0x38;
	[tilespmem:$0x10600] =	vst v63  }
0x135: {  	s6 =	spop (v2sf)  }
0x136: {  	(v2sf) =	vpush v16, $0x5;
	s5 =	sand.u32 $0xFFFFF80, s6  }
0x137: {  	s6 =	simm.s32 $0xD000;
	s5 =	sadd.s32 s2, s5  }
0x138: {  	[tilespmem:s6], [sflag:$0x4] =	stream.linear.gather [hbm4b:s5+s4], $0x400, $0x38;
	[tilespmem:$0x10600] =	vst v63  }
0x139: {  	s6 =	spop (v2sf)  }
0x13a: {  	(v2sf) =	vpush v17, $0x6;
	s5 =	sand.u32 $0xFFFFF80, s6  }
0x13b: {  	s6 =	simm.s32 $0x5400;
	s5 =	sadd.s32 s1, s5  }
0x13c: {  	[tilespmem:s6], [sflag:$0x3] =	stream.linear.gather [hbm4b:s5+s4], $0x400, $0x38;
	[tilespmem:$0x10600] =	vst v63  }
0x13d: {  	s6 =	spop (v2sf)  }
0x13e: {  	(v2sf) =	vpush v16, $0x6;
	s5 =	sand.u32 $0xFFFFF80, s6  }
0x13f: {  	s6 =	simm.s32 $0xD400;
	s5 =	sadd.s32 s2, s5  }
0x140: {  	[tilespmem:s6], [sflag:$0x4] =	stream.linear.gather [hbm4b:s5+s4], $0x400, $0x38;
	[tilespmem:$0x10600] =	vst v63  }
0x141: {  	s6 =	spop (v2sf)  }
0x142: {  	(v2sf) =	vpush v17, $0x7;
	s5 =	sand.u32 $0xFFFFF80, s6  }
0x143: {  	s6 =	simm.s32 $0x5800;
	s5 =	sadd.s32 s1, s5  }
0x144: {  	[tilespmem:s6], [sflag:$0x3] =	stream.linear.gather [hbm4b:s5+s4], $0x400, $0x38;
	[tilespmem:$0x10600] =	vst v63  }
0x145: {  	s6 =	spop (v2sf)  }
0x146: {  	(v2sf) =	vpush v16, $0x7;
	s5 =	sand.u32 $0xFFFFF80, s6  }
0x147: {  	s6 =	simm.s32 $0xD800;
	s5 =	sadd.s32 s2, s5  }
0x148: {  	[tilespmem:s6], [sflag:$0x4] =	stream.linear.gather [hbm4b:s5+s4], $0x400, $0x38;
	[tilespmem:$0x10600] =	vst v63  }
0x149: {  	s6 =	spop (v2sf)  }
0x14a: {  	(v2sf) =	vpush v17, $0x8;
	s5 =	sand.u32 $0xFFFFF80, s6  }
0x14b: {  	s6 =	simm.s32 $0x5C00;
	s5 =	sadd.s32 s1, s5  }
0x14c: {  	[tilespmem:s6], [sflag:$0x3] =	stream.linear.gather [hbm4b:s5+s4], $0x400, $0x38;
	[tilespmem:$0x10600] =	vst v63  }
0x14d: {  	s6 =	spop (v2sf)  }
0x14e: {  	(v2sf) =	vpush v16, $0x8;
	s5 =	sand.u32 $0xFFFFF80, s6  }
0x14f: {  	s6 =	simm.s32 $0xDC00;
	s5 =	sadd.s32 s2, s5  }
0x150: {  	[tilespmem:s6], [sflag:$0x4] =	stream.linear.gather [hbm4b:s5+s4], $0x400, $0x38;
	[tilespmem:$0x10600] =	vst v63  }
0x151: {  	s6 =	spop (v2sf)  }
0x152: {  	(v2sf) =	vpush v17, $0x9;
	s5 =	sand.u32 $0xFFFFF80, s6  }
0x153: {  	s6 =	simm.s32 $0x6000;
	s5 =	sadd.s32 s1, s5  }
0x154: {  	[tilespmem:s6], [sflag:$0x3] =	stream.linear.gather [hbm4b:s5+s4], $0x400, $0x38;
	[tilespmem:$0x10600] =	vst v63  }
0x155: {  	s6 =	spop (v2sf)  }
0x156: {  	(v2sf) =	vpush v16, $0x9;
	s5 =	sand.u32 $0xFFFFF80, s6  }
0x157: {  	s6 =	simm.s32 $0xE000;
	s5 =	sadd.s32 s2, s5  }
0x158: {  	[tilespmem:s6], [sflag:$0x4] =	stream.linear.gather [hbm4b:s5+s4], $0x400, $0x38;
	[tilespmem:$0x10600] =	vst v63  }
0x159: {  	s6 =	spop (v2sf)  }
0x15a: {  	(v2sf) =	vpush v17, $0xA;
	s5 =	sand.u32 $0xFFFFF80, s6  }
0x15b: {  	s6 =	simm.s32 $0x6400;
	s5 =	sadd.s32 s1, s5  }
0x15c: {  	[tilespmem:s6], [sflag:$0x3] =	stream.linear.gather [hbm4b:s5+s4], $0x400, $0x38;
	[tilespmem:$0x10600] =	vst v63  }
0x15d: {  	s6 =	spop (v2sf)  }
0x15e: {  	(v2sf) =	vpush v16, $0xA;
	s5 =	sand.u32 $0xFFFFF80, s6  }
0x15f: {  	s6 =	simm.s32 $0xE400;
	s5 =	sadd.s32 s2, s5  }
0x160: {  	[tilespmem:s6], [sflag:$0x4] =	stream.linear.gather [hbm4b:s5+s4], $0x400, $0x38;
	[tilespmem:$0x10600] =	vst v63  }
0x161: {  	s6 =	spop (v2sf)  }
0x162: {  	(v2sf) =	vpush v17, $0xB;
	s5 =	sand.u32 $0xFFFFF80, s6  }
0x163: {  	s6 =	simm.s32 $0x6800;
	s5 =	sadd.s32 s1, s5  }
0x164: {  	[tilespmem:s6], [sflag:$0x3] =	stream.linear.gather [hbm4b:s5+s4], $0x400, $0x38;
	[tilespmem:$0x10600] =	vst v63  }
0x165: {  	s6 =	spop (v2sf)  }
0x166: {  	(v2sf) =	vpush v16, $0xB;
	s5 =	sand.u32 $0xFFFFF80, s6  }
0x167: {  	s6 =	simm.s32 $0xE800;
	s5 =	sadd.s32 s2, s5  }
0x168: {  	[tilespmem:s6], [sflag:$0x4] =	stream.linear.gather [hbm4b:s5+s4], $0x400, $0x38;
	[tilespmem:$0x10600] =	vst v63  }
0x169: {  	s6 =	spop (v2sf)  }
0x16a: {  	(v2sf) =	vpush v17, $0xC;
	s5 =	sand.u32 $0xFFFFF80, s6  }
0x16b: {  	s5 =	sadd.s32 s1, s5  }
0x16c: {  	[tilespmem:s7], [sflag:$0x3] =	stream.linear.gather [hbm4b:s5+s4], $0x400, $0x38;
	[tilespmem:$0x10600] =	vst v63  }
0x16d: {  	s6 =	spop (v2sf)  }
0x16e: {  	(v2sf) =	vpush v16, $0xC;
	s5 =	sand.u32 $0xFFFFF80, s6  }
0x16f: {  	s5 =	sadd.s32 s2, s5  }
0x170: {  	[tilespmem:s8], [sflag:$0x4] =	stream.linear.gather [hbm4b:s5+s4], $0x400, $0x38;
	[tilespmem:$0x10600] =	vst v63  }
0x171: {  	s6 =	spop (v2sf)  }
0x172: {  	(v2sf) =	vpush v17, $0xD;
	s5 =	sand.u32 $0xFFFFF80, s6  }
0x173: {  	s5 =	sadd.s32 s1, s5  }
0x174: {  	[tilespmem:s11], [sflag:$0x3] =	stream.linear.gather [hbm4b:s5+s4], $0x400, $0x38;
	[tilespmem:$0x10600] =	vst v63  }
0x175: {  	s6 =	spop (v2sf)  }
0x176: {  	(v2sf) =	vpush v16, $0xD;
	s5 =	sand.u32 $0xFFFFF80, s6  }
0x177: {  	s5 =	sadd.s32 s2, s5  }
0x178: {  	[tilespmem:s12], [sflag:$0x4] =	stream.linear.gather [hbm4b:s5+s4], $0x400, $0x38;
	[tilespmem:$0x10600] =	vst v63  }
0x179: {  	s6 =	spop (v2sf)  }
0x17a: {  	(v2sf) =	vpush v17, $0xE;
	s5 =	sand.u32 $0xFFFFF80, s6  }
0x17b: {  	s5 =	sadd.s32 s1, s5  }
0x17c: {  	[tilespmem:s13], [sflag:$0x3] =	stream.linear.gather [hbm4b:s5+s4], $0x400, $0x38;
	[tilespmem:$0x10600] =	vst v63  }
0x17d: {  	s6 =	spop (v2sf)  }
0x17e: {  	(v2sf) =	vpush v16, $0xE;
	s5 =	sand.u32 $0xFFFFF80, s6  }
0x17f: {  	s5 =	sadd.s32 s2, s5  }
0x180: {  	[tilespmem:s14], [sflag:$0x4] =	stream.linear.gather [hbm4b:s5+s4], $0x400, $0x38;
	[tilespmem:$0x10600] =	vst v63  }
0x181: {  	s6 =	spop (v2sf)  }
0x182: {  	(v2sf) =	vpush v17, $0xF;
	s5 =	sand.u32 $0xFFFFF80, s6  }
0x183: {  	s5 =	sadd.s32 s1, s5  }
0x184: {  	[tilespmem:s15], [sflag:$0x3] =	stream.linear.gather [hbm4b:s5+s4], $0x400, $0x38;
	[tilespmem:$0x10600] =	vst v63  }
0x185: {  	s6 =	spop (v2sf)  }
0x186: {  	(v2sf) =	vpush v16, $0xF;
	s5 =	sand.u32 $0xFFFFF80, s6  }
0x187: {  	s5 =	sadd.s32 s2, s5  }
0x188: {  	[tilespmem:s16], [sflag:$0x4] =	stream.linear.gather [hbm4b:s5+s4], $0x400, $0x38;
	[tilespmem:$0x10600] =	vst v63  }
0x189: {  	s6 =	spop (v2sf)  }
0x18a: {  	s5 =	sand.u32 $0xFFFFF80, s6  }
0x18b: {  	s5 =	sadd.s32 s1, s5  }
0x18c: {  	[tilespmem:s17], [sflag:$0x3] =	stream.linear.gather [hbm4b:s5+s4], $0x400, $0x38;
	[tilespmem:$0x10600] =	vst v63  }
0x18d: {  	s6 =	spop (v2sf)  }
0x18e: {  	s5 =	sand.u32 $0xFFFFF80, s6  }
0x18f: {  	s5 =	sadd.s32 s2, s5  }
0x190: {  	[tilespmem:s18], [sflag:$0x4] =	stream.linear.gather [hbm4b:s5+s4], $0x400, $0x38;
	[tilespmem:$0x10600] =	vst v63  }
0x191: {  	s6 =	spop (v2sf)  }
0x192: {  	s5 =	sand.u32 $0xFFFFF80, s6  }
0x193: {  	s5 =	sadd.s32 s1, s5  }
0x194: {  	[tilespmem:s19], [sflag:$0x3] =	stream.linear.gather [hbm4b:s5+s4], $0x400, $0x38;
	[tilespmem:$0x10600] =	vst v63  }
0x195: {  	s6 =	spop (v2sf)  }
0x196: {  	s5 =	sand.u32 $0xFFFFF80, s6  }
0x197: {  	s5 =	sadd.s32 s2, s5  }
0x198: {  	[tilespmem:s20], [sflag:$0x4] =	stream.linear.gather [hbm4b:s5+s4], $0x400, $0x38;
	[tilespmem:$0x10600] =	vst v63  }
0x199: {  	_ =	swait.ge [sflag:s21], $0x400  }
0x19a: {  	[sflag:s21] =	ssyncset.done $0x0  }
0x19b: {  	[sflag:s21] =	ssyncadd.s32 $0xFFFFFC00  }
0x19c: {  	_ =	swait.ge [sflag:s22], $0x400  }
0x19d: {  	[sflag:s22] =	ssyncset.done $0x0  }
0x19e: {  	[sflag:s22] =	ssyncadd.s32 $0xFFFFFC00  }
0x19f: {  	_ =	swait.ge [sflag:s21], $0x400  }
0x1a0: {  	[sflag:s21] =	ssyncset.done $0x0  }
0x1a1: {  	[sflag:s21] =	ssyncadd.s32 $0xFFFFFC00  }
0x1a2: {  	_ =	swait.ge [sflag:s22], $0x400  }
0x1a3: {  	[sflag:s22] =	ssyncset.done $0x0  }
0x1a4: {  	[sflag:s22] =	ssyncadd.s32 $0xFFFFFC00  }
0x1a5: {  	_ =	swait.ge [sflag:s21], $0x400  }
0x1a6: {  	[sflag:s21] =	ssyncset.done $0x0  }
0x1a7: {  	[sflag:s21] =	ssyncadd.s32 $0xFFFFFC00  }
0x1a8: {  	_ =	swait.ge [sflag:s22], $0x400  }
0x1a9: {  	[sflag:s22] =	ssyncset.done $0x0  }
0x1aa: {  	[sflag:s22] =	ssyncadd.s32 $0xFFFFFC00  }
0x1ab: {  	_ =	swait.ge [sflag:s21], $0x400  }
0x1ac: {  	[sflag:s21] =	ssyncset.done $0x0  }
0x1ad: {  	[sflag:s21] =	ssyncadd.s32 $0xFFFFFC00  }
0x1ae: {  	_ =	swait.ge [sflag:s22], $0x400  }
0x1af: {  	[sflag:s22] =	ssyncset.done $0x0  }
0x1b0: {  	[sflag:s22] =	ssyncadd.s32 $0xFFFFFC00  }
0x1b1: {  	_ =	swait.ge [sflag:s21], $0x400  }
0x1b2: {  	[sflag:s21] =	ssyncset.done $0x0  }
0x1b3: {  	[sflag:s21] =	ssyncadd.s32 $0xFFFFFC00  }
0x1b4: {  	_ =	swait.ge [sflag:s22], $0x400  }
0x1b5: {  	[sflag:s22] =	ssyncset.done $0x0  }
0x1b6: {  	[sflag:s22] =	ssyncadd.s32 $0xFFFFFC00  }
0x1b7: {  	_ =	swait.ge [sflag:s21], $0x400  }
0x1b8: {  	[sflag:s21] =	ssyncset.done $0x0  }
0x1b9: {  	[sflag:s21] =	ssyncadd.s32 $0xFFFFFC00  }
0x1ba: {  	_ =	swait.ge [sflag:s22], $0x400  }
0x1bb: {  	[sflag:s22] =	ssyncset.done $0x0  }
0x1bc: {  	[sflag:s22] =	ssyncadd.s32 $0xFFFFFC00  }
0x1bd: {  	_ =	swait.ge [sflag:s21], $0x400  }
0x1be: {  	[sflag:s21] =	ssyncset.done $0x0  }
0x1bf: {  	[sflag:s21] =	ssyncadd.s32 $0xFFFFFC00  }
0x1c0: {  	_ =	swait.ge [sflag:s22], $0x400  }
0x1c1: {  	[sflag:s22] =	ssyncset.done $0x0  }
0x1c2: {  	[sflag:s22] =	ssyncadd.s32 $0xFFFFFC00  }
0x1c3: {  	_ =	swait.ge [sflag:s21], $0x400  }
0x1c4: {  	[sflag:s21] =	ssyncset.done $0x0  }
0x1c5: {  	[sflag:s21] =	ssyncadd.s32 $0xFFFFFC00  }
0x1c6: {  	_ =	swait.ge [sflag:s22], $0x400  }
0x1c7: {  	[sflag:s22] =	ssyncset.done $0x0  }
0x1c8: {  	[sflag:s22] =	ssyncadd.s32 $0xFFFFFC00  }
0x1c9: {  	_ =	swait.ge [sflag:s21], $0x400  }
0x1ca: {  	[sflag:s21] =	ssyncset.done $0x0  }
0x1cb: {  	[sflag:s21] =	ssyncadd.s32 $0xFFFFFC00  }
0x1cc: {  	_ =	swait.ge [sflag:s22], $0x400  }
0x1cd: {  	[sflag:s22] =	ssyncset.done $0x0  }
0x1ce: {  	[sflag:s22] =	ssyncadd.s32 $0xFFFFFC00  }
0x1cf: {  	_ =	swait.ge [sflag:s21], $0x400  }
0x1d0: {  	[sflag:s21] =	ssyncset.done $0x0  }
0x1d1: {  	[sflag:s21] =	ssyncadd.s32 $0xFFFFFC00  }
0x1d2: {  	_ =	swait.ge [sflag:s22], $0x400  }
0x1d3: {  	[sflag:s22] =	ssyncset.done $0x0  }
0x1d4: {  	[sflag:s22] =	ssyncadd.s32 $0xFFFFFC00  }
0x1d5: {  	_ =	swait.ge [sflag:s21], $0x400  }
0x1d6: {  	[sflag:s21] =	ssyncset.done $0x0  }
0x1d7: {  	[sflag:s21] =	ssyncadd.s32 $0xFFFFFC00  }
0x1d8: {  	_ =	swait.ge [sflag:s22], $0x400  }
0x1d9: {  	[sflag:s22] =	ssyncset.done $0x0  }
0x1da: {  	[sflag:s22] =	ssyncadd.s32 $0xFFFFFC00  }
0x1db: {  	_ =	swait.ge [sflag:s21], $0x400  }
0x1dc: {  	[sflag:s21] =	ssyncset.done $0x0  }
0x1dd: {  	[sflag:s21] =	ssyncadd.s32 $0xFFFFFC00  }
0x1de: {  	_ =	swait.ge [sflag:s22], $0x400  }
0x1df: {  	[sflag:s22] =	ssyncset.done $0x0  }
0x1e0: {  	[sflag:s22] =	ssyncadd.s32 $0xFFFFFC00  }
0x1e1: {  	_ =	swait.ge [sflag:s21], $0x400  }
0x1e2: {  	[sflag:s21] =	ssyncset.done $0x0  }
0x1e3: {  	[sflag:s21] =	ssyncadd.s32 $0xFFFFFC00  }
0x1e4: {  	_ =	swait.ge [sflag:s22], $0x400  }
0x1e5: {  	[sflag:s22] =	ssyncset.done $0x0  }
0x1e6: {  	[sflag:s22] =	ssyncadd.s32 $0xFFFFFC00  }
0x1e7: {  	_ =	swait.ge [sflag:s21], $0x400  }
0x1e8: {  	[sflag:s21] =	ssyncset.done $0x0  }
0x1e9: {  	[sflag:s21] =	ssyncadd.s32 $0xFFFFFC00  }
0x1ea: {  	_ =	swait.ge [sflag:s22], $0x400  }
0x1eb: {  	[sflag:s22] =	ssyncset.done $0x0  }
0x1ec: {  	[sflag:s22] =	ssyncadd.s32 $0xFFFFFC00  }
0x1ed: {  	_ =	swait.ge [sflag:s21], $0x400  }
0x1ee: {  	[sflag:s21] =	ssyncset.done $0x0  }
0x1ef: {  	[sflag:s21] =	ssyncadd.s32 $0xFFFFFC00  }
0x1f0: {  	_ =	swait.ge [sflag:s22], $0x400  }
0x1f1: {  	[sflag:s22] =	ssyncset.done $0x0  }
0x1f2: {  	[sflag:s22] =	ssyncadd.s32 $0xFFFFFC00  }
0x1f3: {  	_ =	swait.ge [sflag:s21], $0x400  }
0x1f4: {  	[sflag:s21] =	ssyncset.done $0x0  }
0x1f5: {  	[sflag:s21] =	ssyncadd.s32 $0xFFFFFC00  }
0x1f6: {  	_ =	swait.ge [sflag:s22], $0x400  }
0x1f7: {  	[sflag:s22] =	ssyncset.done $0x0  }
0x1f8: {  	s0 =	sor.u32 s0, s3;
	[sflag:s22] =	ssyncadd.s32 $0xFFFFFC00  }
0x1f9: {  	v16 =	vld [tilespmem:s0+$0x0]  }
0x1fa: {  	v17 =	vld [tilespmem:s0+$0x80];
	_ =	sdelay $0x3  }
0x1fb: {  	v16 =	vand.u32 $0x7F, v16  }
0x1fc: {  	v17 =	vand.u32 $0x7F, v17;
	v18 =	vor.u32 v0, v16  }
0x1fd: {  	v19 =	vor.u32 v0, v17  }
0x1fe: {  	v20 =	vor.u32 v1, v16  }
0x1ff: {  	v21 =	vor.u32 v1, v17  }
0x200: {  	v22 =	vor.u32 v2, v16  }
0x201: {  	v23 =	vor.u32 v2, v17;
	v18 =	vld.idx.msk [tilespmem:v18+s9+$0x0], $0xffff  }
0x202: {  	v24 =	vor.u32 v3, v16;
	v19 =	vld.idx.msk [tilespmem:v19+s10+$0x0], $0xffff  }
0x203: {  	v25 =	vor.u32 v3, v17;
	v20 =	vld.idx.msk [tilespmem:v20+s9+$0x0], $0xffff  }
0x204: {  	v26 =	vor.u32 v4, v16;
	v21 =	vld.idx.msk [tilespmem:v21+s10+$0x0], $0xffff  }
0x205: {  	v27 =	vor.u32 v4, v17;
	v22 =	vld.idx.msk [tilespmem:v22+s9+$0x0], $0xffff  }
0x206: {  	v28 =	vor.u32 v5, v16;
	v23 =	vld.idx.msk [tilespmem:v23+s10+$0x0], $0xffff  }
0x207: {  	v53 =	vor.u32 v5, v17;
	v52 =	vld.idx.msk [tilespmem:v24+s9+$0x0], $0xffff;
	v18 =	vmul.f32 v19, v18  }
0x208: {  	v29 =	vor.u32 v6, v16;
	v25 =	vld.idx.msk [tilespmem:v25+s10+$0x0], $0xffff  }
0x209: {  	v55 =	vor.u32 v6, v17;
	v54 =	vld.idx.msk [tilespmem:v26+s9+$0x0], $0xffff;
	v20 =	vmul.f32 v21, v20;
	v18 =	vadd.f32 $0.0e+00, v18  }
0x20a: {  	v16 =	vor.u32 v7, v16;
	v27 =	vld.idx.msk [tilespmem:v27+s10+$0x0], $0xffff  }
0x20b: {  	v17 =	vor.u32 v7, v17;
	v57 =	vld.idx.msk [tilespmem:v28+s9+$0x0], $0xffff;
	v56 =	vmul.f32 v23, v22;
	v18 =	vadd.f32 v20, v18  }
0x20c: {  	v58 =	vld.idx.msk [tilespmem:v53+s10+$0x0], $0xffff  }
0x20d: {  	v59 =	vld.idx.msk [tilespmem:v29+s9+$0x0], $0xffff;
	v19 =	vmul.f32 v25, v52;
	v18 =	vadd.f32 v56, v18  }
0x20e: {  	v60 =	vld.idx.msk [tilespmem:v55+s10+$0x0], $0xffff  }
0x20f: {  	v16 =	vld.idx.msk [tilespmem:v16+s9+$0x0], $0xffff;
	v61 =	vmul.f32 v27, v54;
	v18 =	vadd.f32 v19, v18  }
0x210: {  	v17 =	vld.idx.msk [tilespmem:v17+s10+$0x0], $0xffff  }
0x211: {  	v62 =	vmul.f32 v58, v57;
	v18 =	vadd.f32 v61, v18;
	_ =	sdelay $0x1  }
0x212: {  	v63 =	vmul.f32 v60, v59;
	v18 =	vadd.f32 v62, v18  }
0x213: {  	p0 =	seq.s32 s25, $0x200  }
.Ltmp4:
0x214: {  	v16 =	vmul.f32 v17, v16;
	v18 =	vadd.f32 v63, v18;
	(pc) =	sbr.rel @p0 .LBB2_4-.Ltmp4, $3  }
0x215: {  	_ = 	snop  }
0x216: {  	v16 =	vadd.f32 v16, v18;
	_ =	sdelay $0x1  }
0x217: {  	[tilespmem:s28+$0x0] =	vst v16  }
0x218: {  	s0 =	sand.u32 $0x60, s25;
	s3 =	sand.u32 $0x700, s26  }
0x219: {  	s0 =	sor.u32 s0, s3  }
0x21a: {  	v17 =	vld [tilespmem:s0+$0x0];
	_ =	sdelay $0x1  }
0x21b: {  	v16 =	vld [tilespmem:s0+$0x80];
	_ =	sdelay $0x2  }
0x21c: {  	(v2sf) =	vpush v17, $0x0;
	_ =	sdelay $0x1  }
0x21d: {  	(v2sf) =	vpush v16, $0x0;
	_ =	sdelay $0x2  }
0x21e: {  	(v2sf) =	vpush v17, $0x1;
	_ =	sdelay $0x2  }
0x21f: {  	(v2sf) =	vpush v16, $0x1;
	_ =	sdelay $0x6  }
0x220: {  	s6 =	spop (v2sf);
	(v2sf) =	vpush v17, $0x2;
	_ =	sdelay $0x1  }
0x221: {  	s0 =	sand.u32 $0xFFFFF80, s6;
	s3 =	spop (v2sf);
	(v2sf) =	vpush v16, $0x2  }
0x222: {  	s0 =	sadd.s32 s1, s0  }
0x223: {  	[tilespmem:s9], [sflag:$0x1] =	stream.linear.gather [hbm4b:s0+s4], $0x400, $0x38;
	[tilespmem:$0x10600] =	vst v63  }
0x224: {  	s5 =	spop (v2sf);
	(v2sf) =	vpush v17, $0x3;
	s0 =	sand.u32 $0xFFFFF80, s3  }
0x225: {  	s0 =	sadd.s32 s2, s0  }
0x226: {  	[tilespmem:s10], [sflag:$0x2] =	stream.linear.gather [hbm4b:s0+s4], $0x400, $0x38;
	[tilespmem:$0x10600] =	vst v63  }
0x227: {  	s0 =	sand.u32 $0xFFFFF80, s5;
	s5 =	spop (v2sf);
	(v2sf) =	vpush v16, $0x3;
	_ =	sdelay $0x3  }
0x228: {  	s6 =	simm.s32 $0x800;
	s0 =	sadd.s32 s1, s0  }
0x229: {  	[tilespmem:s6], [sflag:$0x1] =	stream.linear.gather [hbm4b:s0+s4], $0x400, $0x38;
	[tilespmem:$0x10600] =	vst v63  }
0x22a: {  	s0 =	sand.u32 $0xFFFFF80, s5  }
0x22b: {  	s6 =	simm.s32 $0x8800;
	s0 =	sadd.s32 s2, s0;
	s5 =	spop (v2sf);
	(v2sf) =	vpush v17, $0x4  }
0x22c: {  	[tilespmem:s6], [sflag:$0x2] =	stream.linear.gather [hbm4b:s0+s4], $0x400, $0x38;
	[tilespmem:$0x10600] =	vst v63  }
0x22d: {  	s0 =	sand.u32 $0xFFFFF80, s5;
	s5 =	spop (v2sf);
	(v2sf) =	vpush v16, $0x4  }
0x22e: {  	s6 =	simm.s32 $0xC00;
	s0 =	sadd.s32 s1, s0  }
0x22f: {  	[tilespmem:s6], [sflag:$0x1] =	stream.linear.gather [hbm4b:s0+s4], $0x400, $0x38;
	[tilespmem:$0x10600] =	vst v63  }
0x230: {  	s0 =	sand.u32 $0xFFFFF80, s5;
	s5 =	spop (v2sf);
	(v2sf) =	vpush v17, $0x5  }
0x231: {  	s6 =	simm.s32 $0x8C00;
	s0 =	sadd.s32 s2, s0  }
0x232: {  	[tilespmem:s6], [sflag:$0x2] =	stream.linear.gather [hbm4b:s0+s4], $0x400, $0x38;
	[tilespmem:$0x10600] =	vst v63  }
0x233: {  	s0 =	sand.u32 $0xFFFFF80, s5;
	s5 =	spop (v2sf);
	(v2sf) =	vpush v16, $0x5;
	_ =	sdelay $0x3  }
0x234: {  	s6 =	simm.s32 $0x1000;
	s0 =	sadd.s32 s1, s0  }
0x235: {  	[tilespmem:s6], [sflag:$0x1] =	stream.linear.gather [hbm4b:s0+s4], $0x400, $0x38;
	[tilespmem:$0x10600] =	vst v63  }
0x236: {  	s0 =	sand.u32 $0xFFFFF80, s5  }
0x237: {  	s6 =	simm.s32 $0x9000;
	s0 =	sadd.s32 s2, s0;
	s5 =	spop (v2sf);
	(v2sf) =	vpush v17, $0x6  }
0x238: {  	[tilespmem:s6], [sflag:$0x2] =	stream.linear.gather [hbm4b:s0+s4], $0x400, $0x38;
	[tilespmem:$0x10600] =	vst v63  }
0x239: {  	s0 =	sand.u32 $0xFFFFF80, s5;
	s5 =	spop (v2sf);
	(v2sf) =	vpush v16, $0x6  }
0x23a: {  	s6 =	simm.s32 $0x1400;
	s0 =	sadd.s32 s1, s0  }
0x23b: {  	[tilespmem:s6], [sflag:$0x1] =	stream.linear.gather [hbm4b:s0+s4], $0x400, $0x38;
	[tilespmem:$0x10600] =	vst v63  }
0x23c: {  	s0 =	sand.u32 $0xFFFFF80, s5;
	s5 =	spop (v2sf);
	(v2sf) =	vpush v17, $0x7  }
0x23d: {  	s6 =	simm.s32 $0x9400;
	s0 =	sadd.s32 s2, s0  }
0x23e: {  	[tilespmem:s6], [sflag:$0x2] =	stream.linear.gather [hbm4b:s0+s4], $0x400, $0x38;
	[tilespmem:$0x10600] =	vst v63  }
0x23f: {  	s0 =	sand.u32 $0xFFFFF80, s5;
	s5 =	spop (v2sf);
	(v2sf) =	vpush v16, $0x7;
	_ =	sdelay $0x3  }
0x240: {  	s6 =	simm.s32 $0x1800;
	s0 =	sadd.s32 s1, s0  }
0x241: {  	[tilespmem:s6], [sflag:$0x1] =	stream.linear.gather [hbm4b:s0+s4], $0x400, $0x38;
	[tilespmem:$0x10600] =	vst v63  }
0x242: {  	s0 =	sand.u32 $0xFFFFF80, s5  }
0x243: {  	s6 =	simm.s32 $0x9800;
	s0 =	sadd.s32 s2, s0;
	s5 =	spop (v2sf);
	(v2sf) =	vpush v17, $0x8  }
0x244: {  	[tilespmem:s6], [sflag:$0x2] =	stream.linear.gather [hbm4b:s0+s4], $0x400, $0x38;
	[tilespmem:$0x10600] =	vst v63  }
0x245: {  	s0 =	sand.u32 $0xFFFFF80, s5;
	s5 =	spop (v2sf);
	(v2sf) =	vpush v16, $0x8  }
0x246: {  	s6 =	simm.s32 $0x1C00;
	s0 =	sadd.s32 s1, s0  }
0x247: {  	[tilespmem:s6], [sflag:$0x1] =	stream.linear.gather [hbm4b:s0+s4], $0x400, $0x38;
	[tilespmem:$0x10600] =	vst v63  }
0x248: {  	s0 =	sand.u32 $0xFFFFF80, s5;
	s5 =	spop (v2sf);
	(v2sf) =	vpush v17, $0x9  }
0x249: {  	s6 =	simm.s32 $0x9C00;
	s0 =	sadd.s32 s2, s0  }
0x24a: {  	[tilespmem:s6], [sflag:$0x2] =	stream.linear.gather [hbm4b:s0+s4], $0x400, $0x38;
	[tilespmem:$0x10600] =	vst v63  }
0x24b: {  	s0 =	sand.u32 $0xFFFFF80, s5;
	s5 =	spop (v2sf);
	(v2sf) =	vpush v16, $0x9;
	_ =	sdelay $0x3  }
0x24c: {  	s6 =	simm.s32 $0x2000;
	s0 =	sadd.s32 s1, s0  }
0x24d: {  	[tilespmem:s6], [sflag:$0x1] =	stream.linear.gather [hbm4b:s0+s4], $0x400, $0x38;
	[tilespmem:$0x10600] =	vst v63  }
0x24e: {  	s0 =	sand.u32 $0xFFFFF80, s5  }
0x24f: {  	s6 =	simm.s32 $0xA000;
	s0 =	sadd.s32 s2, s0;
	s5 =	spop (v2sf);
	(v2sf) =	vpush v17, $0xA  }
0x250: {  	[tilespmem:s6], [sflag:$0x2] =	stream.linear.gather [hbm4b:s0+s4], $0x400, $0x38;
	[tilespmem:$0x10600] =	vst v63  }
0x251: {  	s0 =	sand.u32 $0xFFFFF80, s5;
	s5 =	spop (v2sf);
	(v2sf) =	vpush v16, $0xA  }
0x252: {  	s6 =	simm.s32 $0x2400;
	s0 =	sadd.s32 s1, s0  }
0x253: {  	[tilespmem:s6], [sflag:$0x1] =	stream.linear.gather [hbm4b:s0+s4], $0x400, $0x38;
	[tilespmem:$0x10600] =	vst v63  }
0x254: {  	s0 =	sand.u32 $0xFFFFF80, s5;
	s5 =	spop (v2sf);
	(v2sf) =	vpush v17, $0xB  }
0x255: {  	s6 =	simm.s32 $0xA400;
	s0 =	sadd.s32 s2, s0  }
0x256: {  	[tilespmem:s6], [sflag:$0x2] =	stream.linear.gather [hbm4b:s0+s4], $0x400, $0x38;
	[tilespmem:$0x10600] =	vst v63  }
0x257: {  	s0 =	sand.u32 $0xFFFFF80, s5;
	s5 =	spop (v2sf);
	(v2sf) =	vpush v16, $0xB;
	_ =	sdelay $0x3  }
0x258: {  	s6 =	simm.s32 $0x2800;
	s0 =	sadd.s32 s1, s0  }
0x259: {  	[tilespmem:s6], [sflag:$0x1] =	stream.linear.gather [hbm4b:s0+s4], $0x400, $0x38;
	[tilespmem:$0x10600] =	vst v63  }
0x25a: {  	s0 =	sand.u32 $0xFFFFF80, s5  }
0x25b: {  	s6 =	simm.s32 $0xA800;
	s0 =	sadd.s32 s2, s0;
	s5 =	spop (v2sf);
	(v2sf) =	vpush v17, $0xC  }
0x25c: {  	[tilespmem:s6], [sflag:$0x2] =	stream.linear.gather [hbm4b:s0+s4], $0x400, $0x38;
	[tilespmem:$0x10600] =	vst v63  }
0x25d: {  	s0 =	sand.u32 $0xFFFFF80, s5;
	s5 =	spop (v2sf);
	(v2sf) =	vpush v16, $0xC  }
0x25e: {  	s6 =	simm.s32 $0x2C00;
	s0 =	sadd.s32 s1, s0  }
0x25f: {  	[tilespmem:s6], [sflag:$0x1] =	stream.linear.gather [hbm4b:s0+s4], $0x400, $0x38;
	[tilespmem:$0x10600] =	vst v63  }
0x260: {  	s0 =	sand.u32 $0xFFFFF80, s5;
	s5 =	spop (v2sf);
	(v2sf) =	vpush v17, $0xD  }
0x261: {  	s6 =	simm.s32 $0xAC00;
	s0 =	sadd.s32 s2, s0  }
0x262: {  	[tilespmem:s6], [sflag:$0x2] =	stream.linear.gather [hbm4b:s0+s4], $0x400, $0x38;
	[tilespmem:$0x10600] =	vst v63  }
0x263: {  	s0 =	sand.u32 $0xFFFFF80, s5;
	s5 =	spop (v2sf);
	(v2sf) =	vpush v16, $0xD;
	_ =	sdelay $0x3  }
0x264: {  	s6 =	simm.s32 $0x3000;
	s0 =	sadd.s32 s1, s0  }
0x265: {  	[tilespmem:s6], [sflag:$0x1] =	stream.linear.gather [hbm4b:s0+s4], $0x400, $0x38;
	[tilespmem:$0x10600] =	vst v63  }
0x266: {  	s0 =	sand.u32 $0xFFFFF80, s5  }
0x267: {  	s6 =	simm.s32 $0xB000;
	s0 =	sadd.s32 s2, s0;
	s5 =	spop (v2sf);
	(v2sf) =	vpush v17, $0xE  }
0x268: {  	[tilespmem:s6], [sflag:$0x2] =	stream.linear.gather [hbm4b:s0+s4], $0x400, $0x38;
	[tilespmem:$0x10600] =	vst v63  }
0x269: {  	s0 =	sand.u32 $0xFFFFF80, s5;
	s5 =	spop (v2sf);
	(v2sf) =	vpush v16, $0xE  }
0x26a: {  	s6 =	simm.s32 $0x3400;
	s0 =	sadd.s32 s1, s0  }
0x26b: {  	[tilespmem:s6], [sflag:$0x1] =	stream.linear.gather [hbm4b:s0+s4], $0x400, $0x38;
	[tilespmem:$0x10600] =	vst v63  }
0x26c: {  	s0 =	sand.u32 $0xFFFFF80, s5;
	s5 =	spop (v2sf);
	(v2sf) =	vpush v17, $0xF  }
0x26d: {  	s6 =	simm.s32 $0xB400;
	s0 =	sadd.s32 s2, s0  }
0x26e: {  	[tilespmem:s6], [sflag:$0x2] =	stream.linear.gather [hbm4b:s0+s4], $0x400, $0x38;
	[tilespmem:$0x10600] =	vst v63  }
0x26f: {  	s0 =	sand.u32 $0xFFFFF80, s5;
	s5 =	spop (v2sf);
	(v2sf) =	vpush v16, $0xF;
	_ =	sdelay $0x1  }
0x270: {  	s6 =	simm.s32 $0x3800;
	s0 =	sadd.s32 s1, s0  }
0x271: {  	[tilespmem:s6], [sflag:$0x1] =	stream.linear.gather [hbm4b:s0+s4], $0x400, $0x38;
	[tilespmem:$0x10600] =	vst v63  }
0x272: {  	s0 =	sand.u32 $0xFFFFF80, s5  }
0x273: {  	s6 =	simm.s32 $0xB800;
	s0 =	sadd.s32 s2, s0  }
0x274: {  	[tilespmem:s6], [sflag:$0x2] =	stream.linear.gather [hbm4b:s0+s4], $0x400, $0x38;
	[tilespmem:$0x10600] =	vst v63  }
0x275: {  	s5 =	spop (v2sf)  }
0x276: {  	s0 =	sand.u32 $0xFFFFF80, s5  }
0x277: {  	s6 =	simm.s32 $0x3C00;
	s5 =	spop (v2sf);
	s0 =	sadd.s32 s1, s0  }
0x278: {  	[tilespmem:s6], [sflag:$0x1] =	stream.linear.gather [hbm4b:s0+s4], $0x400, $0x38;
	[tilespmem:$0x10600] =	vst v63  }
0x279: {  	s0 =	sand.u32 $0xFFFFF80, s5  }
0x27a: {  	s6 =	simm.s32 $0xBC00;
	s5 =	spop (v2sf);
	s0 =	sadd.s32 s2, s0  }
0x27b: {  	[tilespmem:s6], [sflag:$0x2] =	stream.linear.gather [hbm4b:s0+s4], $0x400, $0x38;
	[tilespmem:$0x10600] =	vst v63  }
0x27c: {  	s0 =	sand.u32 $0xFFFFF80, s5;
	s6 =	simm.s32 $0x4000  }
.Ltmp5:
0x27d: {  	s5 =	spop (v2sf);
	s0 =	sadd.s32 s1, s0;
	(pc) =	sbr.rel .LBB2_4-.Ltmp5, $4  }
0x27e: {  	[tilespmem:s6], [sflag:$0x1] =	stream.linear.gather [hbm4b:s0+s4], $0x400, $0x38;
	[tilespmem:$0x10600] =	vst v63  }
0x27f: {  	s0 =	sand.u32 $0xFFFFF80, s5  }
0x280: {  	s6 =	simm.s32 $0xC000;
	s0 =	sadd.s32 s2, s0  }
0x281: {  	[tilespmem:s6], [sflag:$0x2] =	stream.linear.gather [hbm4b:s0+s4], $0x400, $0x38;
	[tilespmem:$0x10600] =	vst v63  }
.LBB2_6:
0x282: {  	_ =	sfence.sel $0x180000  }
0x283: {  	[bflag:$0x0] =	sbarrier.arrive $0xFFFF  }
0x284: {  	_ =	strace $0x90000047  }
0x285: {  	s0 =	stileid.u32;
	[bflag:$0x2] =	sbarrier.arrive $0xFFFF  }
0x286: {  	p0 =	sne.s32 s0, $0x0;
	s0 =	rddreg [dreg:$0x4]  }
0x287: {  	s0 =	sadd.s32 @!p0 $0x100000, s0  }
0x288: {  	[sflag:s0] =	ssyncadd.tile.s32 @!p0 $0x1;
	_ =	shalt  }
.Lfunc_end2:
_tile_overlayer_lowered:
.L_overlay_start_2:
0x289: {  	(tag) =	ssettag $0x2  }
0x28a: {  	s0 =	rddreg [dreg:$0x0];
	s2 =	stileid.u32  }
0x28b: {  	s1 =	rddreg [dreg:$0x1];
	p0 =	sne.s32 s2, $0x0  }
0x28c: {  	s3 =	rddreg [dreg:$0x2];
	[bflag:$0x3] =	sbarrier.arrive $0xFFFF;
	s2 =	simm.s32 @!p0 $0x1C05  }
0x28d: {  	[timem:s3], [sflag:s2] =	dma.local @!p0 [hbm:s0], s1  }
0x28e: {  	s0 =	simm.s32 @!p0 $0x5  }
0x28f: {  	_ =	swait.ge @!p0 [sflag:s0], s1  }
0x290: {  	s1 =	ssub.s32 @!p0 $0x0, s1;
	[sflag:s0] =	ssyncset.done @!p0 $0x0  }
0x291: {  	[sflag:s0] =	ssyncadd.s32 @!p0 s1  }
0x292: {  	[bflag:$0x3] =	sbarrier.arrive $0xFFFF  }
0x293: {  	_ =	shalt  }

</sc_bundles>
